<compile_context>
chip_gen: v7x
topology: tpu7x:2x2x1
jax: 0.10.2.dev20260603
libtpu: 0.0.44.dev20260713+nightly
codegen_flags: <defaults>
</compile_context>

<pallas_src>
import functools

import jax
import jax.numpy as jnp
from jax import lax
from jax.experimental import pallas as pl
from jax.experimental.pallas import tpu as pltpu
from jax.experimental.pallas import tpu_sc as plsc

N = 10000
E = 320000
D = 128
H = 32
C = 2

NC = 2
NS = 16
NW = NC * NS
EW = E // NW
CH = 80
NCH = EW // CH
NBUF = 10
LEAD = 5
NGRP = (NCH - LEAD) // NBUF
EV = 624
TAIL = N - EV * NS

_mesh = plsc.VectorSubcoreMesh(core_axis_name="c", subcore_axis_name="s")


@functools.partial(
    pl.kernel,
    out_type=(
        jax.ShapeDtypeStruct((NC, N, 16), jnp.float32),
        jax.ShapeDtypeStruct((NC, N, 16), jnp.float32),
    ),
    mesh=_mesh,
    compiler_params=pltpu.CompilerParams(use_tc_tiling_on_sc=False),
    scratch_types=[
        pltpu.VMEM((NCH, CH), jnp.int32),
        pltpu.VMEM((NCH, CH), jnp.int32),
        pltpu.VMEM((CH, 16), jnp.float32),
        pltpu.VMEM_SHARED((N, 16), jnp.float32),
        pltpu.VMEM_SHARED((N, 16), jnp.float32),
        pltpu.SemaphoreType.DMA,
    ],
)
def _deg_kernel(ei_hbm, ones_hbm, z16_hbm,
                dout_hbm, din_hbm, sidx, didx, ones, acc_o, acc_i, sem0):
    c = lax.axis_index("c")
    s = lax.axis_index("s")
    wid = c * NS + s
    pltpu.sync_copy(ei_hbm.at[0, wid], sidx)
    pltpu.sync_copy(ei_hbm.at[1, wid], didx)
    pltpu.sync_copy(ones_hbm, ones)
    r0 = s * EV
    pltpu.sync_copy(z16_hbm, acc_o.at[pl.ds(r0, EV)])
    pltpu.sync_copy(z16_hbm, acc_i.at[pl.ds(r0, EV)])

    @pl.when(s == NS - 1)
    def _zero_tail():
        pltpu.sync_copy(z16_hbm.at[pl.ds(0, TAIL)], acc_o.at[pl.ds(N - TAIL, TAIL)])
        pltpu.sync_copy(z16_hbm.at[pl.ds(0, TAIL)], acc_i.at[pl.ds(N - TAIL, TAIL)])

    plsc.subcore_barrier()

    LAG = 30

    def chunk(j, carry):
        pltpu.async_copy(ones, acc_o.at[sidx.at[j]], sem0, add=True)
        pltpu.async_copy(ones, acc_i.at[didx.at[j]], sem0, add=True)

        @pl.when(j >= LAG)
        def _drain_lagged():
            pltpu.make_async_copy(ones, acc_o.at[sidx.at[j - LAG]], sem0).wait()
            pltpu.make_async_copy(ones, acc_i.at[didx.at[j - LAG]], sem0).wait()

        return carry

    lax.fori_loop(0, NCH, chunk, 0)

    def drain(j, carry):
        pltpu.make_async_copy(ones, acc_o.at[sidx.at[j]], sem0).wait()
        pltpu.make_async_copy(ones, acc_i.at[didx.at[j]], sem0).wait()
        return carry

    lax.fori_loop(NCH - LAG, NCH, drain, 0)
    plsc.subcore_barrier()
    pltpu.sync_copy(acc_o.at[pl.ds(r0, EV)], dout_hbm.at[c, pl.ds(r0, EV)])
    pltpu.sync_copy(acc_i.at[pl.ds(r0, EV)], din_hbm.at[c, pl.ds(r0, EV)])

    @pl.when(s == NS - 1)
    def _evac_tail():
        pltpu.sync_copy(acc_o.at[pl.ds(N - TAIL, TAIL)], dout_hbm.at[c, pl.ds(N - TAIL, TAIL)])
        pltpu.sync_copy(acc_i.at[pl.ds(N - TAIL, TAIL)], din_hbm.at[c, pl.ds(N - TAIL, TAIL)])


@functools.partial(
    pl.kernel,
    out_type=jax.ShapeDtypeStruct((NC, N, H), jnp.float32),
    mesh=_mesh,
    compiler_params=pltpu.CompilerParams(use_tc_tiling_on_sc=False),
    scratch_types=[
        pltpu.VMEM((NCH, CH), jnp.int32),
        pltpu.VMEM((NCH, CH), jnp.int32),
        pltpu.VMEM((NBUF, CH, H), jnp.float32),
        pltpu.VMEM_SHARED((N, H), jnp.float32),
        pltpu.SemaphoreType.DMA((NBUF,)),
        pltpu.SemaphoreType.DMA((NBUF,)),
    ],
)
def _agg_kernel(h_hbm, ei_hbm, z32_hbm, out_hbm,
                sidx, didx, rows, acc, gsem, ssem):
    c = lax.axis_index("c")
    s = lax.axis_index("s")
    wid = c * NS + s
    pltpu.sync_copy(ei_hbm.at[0, wid], sidx)
    pltpu.sync_copy(ei_hbm.at[1, wid], didx)
    for b in range(LEAD):
        pltpu.async_copy(h_hbm.at[sidx.at[b]], rows.at[b], gsem.at[b])
    r0 = s * EV
    pltpu.sync_copy(z32_hbm, acc.at[pl.ds(r0, EV)])

    @pl.when(s == NS - 1)
    def _zero_tail():
        pltpu.sync_copy(z32_hbm.at[pl.ds(0, TAIL)], acc.at[pl.ds(N - TAIL, TAIL)])

    plsc.subcore_barrier()

    def group(g, carry):
        base = g * NBUF
        for b in range(NBUF):
            j = base + b
            bw = (b - LEAD) % NBUF
            if b < LEAD:
                @pl.when(g >= 1)
                def _retire():
                    pltpu.make_async_copy(rows.at[bw], acc.at[didx.at[j - LEAD]],
                                          ssem.at[bw]).wait()
            else:
                pltpu.make_async_copy(rows.at[bw], acc.at[didx.at[j - LEAD]],
                                      ssem.at[bw]).wait()
            bg = (b + LEAD) % NBUF
            pltpu.async_copy(h_hbm.at[sidx.at[j + LEAD]], rows.at[bg], gsem.at[bg])
            pltpu.make_async_copy(h_hbm.at[sidx.at[j]], rows.at[b], gsem.at[b]).wait()
            pltpu.async_copy(rows.at[b], acc.at[didx.at[j]], ssem.at[b], add=True)
        return carry

    lax.fori_loop(0, NGRP, group, 0)

    for b in range(NCH - NGRP * NBUF):
        j = NGRP * NBUF + b
        bw = (b + NBUF - LEAD) % NBUF
        pltpu.make_async_copy(rows.at[bw], acc.at[didx.at[j - LEAD]], ssem.at[bw]).wait()
        pltpu.make_async_copy(h_hbm.at[sidx.at[j]], rows.at[b], gsem.at[b]).wait()
        pltpu.async_copy(rows.at[b], acc.at[didx.at[j]], ssem.at[b], add=True)
    for b in range(NCH - NGRP * NBUF):
        j = NGRP * NBUF + b
        pltpu.make_async_copy(rows.at[b], acc.at[didx.at[j]], ssem.at[b]).wait()

    plsc.subcore_barrier()
    pltpu.sync_copy(acc.at[pl.ds(r0, EV)], out_hbm.at[c, pl.ds(r0, EV)])

    @pl.when(s == NS - 1)
    def _evac_tail():
        pltpu.sync_copy(acc.at[pl.ds(N - TAIL, TAIL)], out_hbm.at[c, pl.ds(N - TAIL, TAIL)])


RB = 5000
_GRID = N // RB


def _mm1_body(x_ref, w_ref, o_ref):
    o_ref[...] = jnp.dot(x_ref[...], w_ref[...], preferred_element_type=jnp.float32)


NR = N * 16 // 128
NH = N * H // 128
PK = 128 // H


def _blockdiag(w, k):
    r, c = w.shape
    out = jnp.zeros((k * r, k * c), jnp.float32)
    for i in range(k):
        out = out.at[i * r:(i + 1) * r, i * c:(i + 1) * c].set(w)
    return out


def _expand_scale(v128):
    d2 = jnp.broadcast_to(v128[:, None, :], (NR, 2, 128)).reshape(NH, 128)
    li = lax.broadcasted_iota(jnp.int32, (128, 128), 0)
    ci = lax.broadcasted_iota(jnp.int32, (128, 128), 1)
    p0 = (li == 16 * (ci // H)).astype(jnp.float32)
    p1 = (li == 16 * (PK + ci // H)).astype(jnp.float32)
    u_e = jnp.dot(d2, p0, preferred_element_type=jnp.float32)
    u_o = jnp.dot(d2, p1, preferred_element_type=jnp.float32)
    parity = lax.broadcasted_iota(jnp.int32, (NH, 1), 0) % 2 == 0
    return jnp.where(parity, u_e, u_o)


def _mm1_body(x_ref, w_ref, o_ref):
    o_ref[...] = jnp.dot(x_ref[...], w_ref[...], preferred_element_type=jnp.float32)


def _norm1_body(do_ref, di_ref, p_ref, h_ref, doi_ref, dii_ref):
    doi = lax.rsqrt(jnp.maximum(do_ref[0] + do_ref[1], 1.0))
    dii = lax.rsqrt(jnp.maximum(di_ref[0] + di_ref[1], 1.0))
    doi32 = _expand_scale(doi)
    dii32 = _expand_scale(dii)
    doi_ref[...] = doi32
    dii_ref[...] = dii32
    h_ref[...] = p_ref[...] * doi32


def _layer2_body(a_ref, dii_ref, doi_ref, b1_ref, w2_ref, o_ref):
    agg = a_ref[0] + a_ref[1]
    h1 = jnp.maximum(agg * dii_ref[...] + b1_ref[...], 0.0)
    o_ref[...] = jnp.dot(h1, w2_ref[...],
                         preferred_element_type=jnp.float32) * doi_ref[...]


def _head_body(a_ref, dii_ref, b2_ref, mw1_ref, mb1_ref, mw2_ref, mb2_ref, o_ref):
    agg = a_ref[0] + a_ref[1]
    h2 = jnp.maximum(agg * dii_ref[...] + b2_ref[...], 0.0)
    m = jnp.maximum(
        jnp.dot(h2, mw1_ref[...], preferred_element_type=jnp.float32) + mb1_ref[...],
        0.0)
    o_ref[...] = jnp.dot(m, mw2_ref[...],
                         preferred_element_type=jnp.float32) + mb2_ref[...]


def _full(shape):
    nd = len(shape)
    return pl.BlockSpec(shape, lambda: (0,) * nd)


@jax.jit
def kernel(edge_index, x, W1, b1, W2, b2, mW1, mb1, mW2, mb2):
    ei = edge_index.reshape(2, NW, NCH, CH)
    ones16 = jnp.ones((CH, 16), jnp.float32)
    z16 = jnp.zeros((EV, 16), jnp.float32)
    z32 = jnp.zeros((EV, H), jnp.float32)
    x4 = x.reshape(NH, PK * D)
    w1bd = _blockdiag(W1, PK)
    w2bd = _blockdiag(W2, PK)
    mw1bd = _blockdiag(mW1, PK)
    mw2s = _blockdiag(mW2, PK)
    b1t = jnp.tile(b1, PK).reshape(1, 128)
    b2t = jnp.tile(b2, PK).reshape(1, 128)
    mb1t = jnp.tile(mb1, PK).reshape(1, 128)
    mb2t = jnp.tile(mb2, PK).reshape(1, PK * C)

    dout_p, din_p = _deg_kernel(ei, ones16, z16)
    dout128 = dout_p.reshape(NC, NR, 128)
    din128 = din_p.reshape(NC, NR, 128)

    p1 = pl.pallas_call(
        _mm1_body,
        in_specs=[_full((NH, PK * D)), _full((PK * D, 128))],
        out_specs=_full((NH, 128)),
        out_shape=jax.ShapeDtypeStruct((NH, 128), jnp.float32),
    )(x4, w1bd)

    h1s, doi32, dii32 = pl.pallas_call(
        _norm1_body,
        in_specs=[_full((NC, NR, 128)), _full((NC, NR, 128)), _full((NH, 128))],
        out_specs=[_full((NH, 128)), _full((NH, 128)), _full((NH, 128))],
        out_shape=[
            jax.ShapeDtypeStruct((NH, 128), jnp.float32),
            jax.ShapeDtypeStruct((NH, 128), jnp.float32),
            jax.ShapeDtypeStruct((NH, 128), jnp.float32),
        ],
    )(dout128, din128, p1)

    a1 = _agg_kernel(h1s.reshape(N, H), ei, z32)

    h2s = pl.pallas_call(
        _layer2_body,
        in_specs=[_full((NC, NH, 128)), _full((NH, 128)), _full((NH, 128)),
                  _full((1, 128)), _full((128, 128))],
        out_specs=_full((NH, 128)),
        out_shape=jax.ShapeDtypeStruct((NH, 128), jnp.float32),
    )(a1.reshape(NC, NH, 128), dii32, doi32, b1t, w2bd)

    a2 = _agg_kernel(h2s.reshape(N, H), ei, z32)

    out8 = pl.pallas_call(
        _head_body,
        in_specs=[_full((NC, NH, 128)), _full((NH, 128)), _full((1, 128)),
                  _full((128, 128)), _full((1, 128)), _full((128, PK * C)),
                  _full((1, PK * C))],
        out_specs=_full((NH, PK * C)),
        out_shape=jax.ShapeDtypeStruct((NH, PK * C), jnp.float32),
    )(a2.reshape(NC, NH, 128), dii32, b2t, mw1bd, mb1t, mw2s, mb2t)

    return out8.reshape(N, C)

# --- scband reference (transcript-rebuilt; emitter-appended) ---
"""Pipeline reference for scband-gcn-25159918420461 (READ-ONLY COPY).

The authoritative reference and input builder live on the scoring server;
editing this copy changes nothing except your own understanding.
"""

import jax, jax.numpy as jnp
import numpy as np

N = 10000
E = 320000
D = 128
H = 32
C = 2


def setup_inputs(seed: int = 0) -> dict:
    key = jax.random.key(seed)
    ks = jax.random.split(key, 12)
    x = jax.random.normal(ks[0], (N, D), dtype=jnp.float32)
    edge_index = jax.random.randint(ks[1], (2, E), 0, N)
    # GraphConv layer 1: in=128 -> h=32
    W1 = jax.random.normal(ks[2], (D, H), dtype=jnp.float32) * (1.0 / np.sqrt(D))
    b1 = jnp.zeros((H,), dtype=jnp.float32)
    # GraphConv layer 2: h=32 -> h=32
    W2 = jax.random.normal(ks[3], (H, H), dtype=jnp.float32) * (1.0 / np.sqrt(H))
    b2 = jnp.zeros((H,), dtype=jnp.float32)
    # MLP: 32 -> 32 -> 2
    mW1 = jax.random.normal(ks[4], (H, H), dtype=jnp.float32) * (1.0 / np.sqrt(H))
    mb1 = jnp.zeros((H,), dtype=jnp.float32)
    mW2 = jax.random.normal(ks[5], (H, C), dtype=jnp.float32) * (1.0 / np.sqrt(H))
    mb2 = jnp.zeros((C,), dtype=jnp.float32)
    return {"edge_index": edge_index, "x": x, "W1": W1, "b1": b1, "W2": W2, "b2": b2,
            "mW1": mW1, "mb1": mb1, "mW2": mW2, "mb2": mb2}


def _graph_conv(h, W, b, src, dst, dout_isqrt, din_isqrt):
    # DGL GraphConv with norm='both': D_out^{-1/2} applied to src feats,
    # linear transform, sum-aggregate over edges, D_in^{-1/2} on dst, bias, ReLU.
    h = h * dout_isqrt
    h = h @ W
    msg = jnp.take(h, src, axis=0)
    agg = jax.ops.segment_sum(msg, dst, num_segments=N)
    agg = agg * din_isqrt
    return jax.nn.relu(agg + b)


def reference(edge_index, x, W1, b1, W2, b2, mW1, mb1, mW2, mb2):
    src = edge_index[0]
    dst = edge_index[1]
    deg_out = jnp.bincount(src, length=N).astype(jnp.float32)
    deg_in = jnp.bincount(dst, length=N).astype(jnp.float32)
    dout_isqrt = (jnp.clip(deg_out, 1.0, None) ** -0.5)[:, None]
    din_isqrt = (jnp.clip(deg_in, 1.0, None) ** -0.5)[:, None]
    h = _graph_conv(x, W1, b1, src, dst, dout_isqrt, din_isqrt)
    h = _graph_conv(h, W2, b2, src, dst, dout_isqrt, din_isqrt)
    # MLP head: Linear -> ReLU -> Linear
    h = jax.nn.relu(h @ mW1 + mb1)
    out = h @ mW2 + mb2
    return out

if __name__ == "__main__":
    import jax
    _d = setup_inputs()
    print(jax.jit(kernel)(*tuple(_d.values())))

</pallas_src>

<mosaic_0001>
#map = affine_map<(d0, d1) -> (0, 0, 0, 0)>
#map1 = affine_map<(d0, d1) -> (0, 0)>
#map2 = affine_map<(d0, d1) -> (0, 0, 0)>
module attributes {stable_mosaic.version = 14 : i64} {
  func.func @_deg_kernel(%arg0: i32, %arg1: i32, %arg2: memref<2x32x125x80xi32, #tpu.memory_space<hbm>>, %arg3: memref<80x16xf32, #tpu.memory_space<hbm>>, %arg4: memref<624x16xf32, #tpu.memory_space<hbm>>, %arg5: memref<2x10000x16xf32, #tpu.memory_space<hbm>>, %arg6: memref<2x10000x16xf32, #tpu.memory_space<hbm>>, %arg7: memref<125x80xi32, #tpu.memory_space<vmem>>, %arg8: memref<125x80xi32, #tpu.memory_space<vmem>>, %arg9: memref<80x16xf32, #tpu.memory_space<vmem>>, %arg10: memref<10000x16xf32, #tpu.memory_space<vmem_shared>>, %arg11: memref<10000x16xf32, #tpu.memory_space<vmem_shared>>, %arg12: memref<!tpu.dma_semaphore, #tpu.memory_space<semaphore_mem>>) attributes {dimension_semantics = [#tpu.dimension_semantics<core_parallel>, #tpu.dimension_semantics<subcore_parallel>], iteration_bounds = array<i64: 2, 16>, scalar_prefetch = 0 : i64, scratch_operands = 6 : i64, tpu.core_type = #tpu.core_type<sc_vector_subcore>, window_params = [{transform_indices = #map}, {transform_indices = #map1}, {transform_indices = #map1}, {transform_indices = #map2}, {transform_indices = #map2}]} {
    %mul3A = arith.constant 16 : i32
    %mul3A_0 = arith.muli %arg0, %mul3A : i32
    %add3A = arith.addi %mul3A_0, %arg1 : i32
    %run_scoped3A = arith.constant 0 : i32
    "tpu.region"() ({
      %run_scoped3A_23 = tpu.sem_alloc : memref<!tpu.dma_semaphore, #tpu.memory_space<semaphore_mem>>
      %dma_start3A = arith.constant 0 : i32
      %dma_start3A_24 = arith.constant 0 : i32
      %dma_start3A_25 = tpu.memref_slice %arg2[%run_scoped3A, %add3A, %dma_start3A, %dma_start3A_24] : memref<2x32x125x80xi32, #tpu.memory_space<hbm>> -> memref<1x1x125x80xi32, #tpu.memory_space<hbm>>
      %dma_start3A_26 = tpu.memref_squeeze %dma_start3A_25 : memref<1x1x125x80xi32, #tpu.memory_space<hbm>> -> memref<125x80xi32, #tpu.memory_space<hbm>>
      %dma_start3A_27 = arith.constant 0 : i32
      %dma_start3A_28 = arith.constant 0 : i32
      %dma_start3A_29 = tpu.memref_slice %arg2[%run_scoped3A, %add3A, %dma_start3A_27, %dma_start3A_28] : memref<2x32x125x80xi32, #tpu.memory_space<hbm>> -> memref<1x1x125x80xi32, #tpu.memory_space<hbm>>
      %dma_start3A_30 = tpu.memref_squeeze %dma_start3A_29 : memref<1x1x125x80xi32, #tpu.memory_space<hbm>> -> memref<125x80xi32, #tpu.memory_space<hbm>>
      tpu.enqueue_dma source(%dma_start3A_30 : memref<125x80xi32, #tpu.memory_space<hbm>>) target(%arg7 : memref<125x80xi32, #tpu.memory_space<vmem>>) target_semaphore(%run_scoped3A_23 : memref<!tpu.dma_semaphore, #tpu.memory_space<semaphore_mem>>)
      %dma_wait3A = arith.constant 0 : i32
      %dma_wait3A_31 = arith.constant 0 : i32
      %dma_wait3A_32 = tpu.memref_slice %arg2[%run_scoped3A, %add3A, %dma_wait3A, %dma_wait3A_31] : memref<2x32x125x80xi32, #tpu.memory_space<hbm>> -> memref<1x1x125x80xi32, #tpu.memory_space<hbm>>
      %dma_wait3A_33 = tpu.memref_squeeze %dma_wait3A_32 : memref<1x1x125x80xi32, #tpu.memory_space<hbm>> -> memref<125x80xi32, #tpu.memory_space<hbm>>
      %dma_wait3A_34 = arith.constant 0 : i32
      %dma_wait3A_35 = arith.constant 0 : i32
      %dma_wait3A_36 = tpu.memref_slice %arg2[%run_scoped3A, %add3A, %dma_wait3A_34, %dma_wait3A_35] : memref<2x32x125x80xi32, #tpu.memory_space<hbm>> -> memref<1x1x125x80xi32, #tpu.memory_space<hbm>>
      %dma_wait3A_37 = tpu.memref_squeeze %dma_wait3A_36 : memref<1x1x125x80xi32, #tpu.memory_space<hbm>> -> memref<125x80xi32, #tpu.memory_space<hbm>>
      tpu.wait_dma2 semaphore(%run_scoped3A_23 : memref<!tpu.dma_semaphore, #tpu.memory_space<semaphore_mem>>) src(%dma_wait3A_37 : memref<125x80xi32, #tpu.memory_space<hbm>>) dst(%arg7 : memref<125x80xi32, #tpu.memory_space<vmem>>)
      tpu.yield
    }) : () -> ()
    %run_scoped3A_1 = arith.constant 1 : i32
    "tpu.region"() ({
      %run_scoped3A_23 = tpu.sem_alloc : memref<!tpu.dma_semaphore, #tpu.memory_space<semaphore_mem>>
      %dma_start3A = arith.constant 0 : i32
      %dma_start3A_24 = arith.constant 0 : i32
      %dma_start3A_25 = tpu.memref_slice %arg2[%run_scoped3A_1, %add3A, %dma_start3A, %dma_start3A_24] : memref<2x32x125x80xi32, #tpu.memory_space<hbm>> -> memref<1x1x125x80xi32, #tpu.memory_space<hbm>>
      %dma_start3A_26 = tpu.memref_squeeze %dma_start3A_25 : memref<1x1x125x80xi32, #tpu.memory_space<hbm>> -> memref<125x80xi32, #tpu.memory_space<hbm>>
      %dma_start3A_27 = arith.constant 0 : i32
      %dma_start3A_28 = arith.constant 0 : i32
      %dma_start3A_29 = tpu.memref_slice %arg2[%run_scoped3A_1, %add3A, %dma_start3A_27, %dma_start3A_28] : memref<2x32x125x80xi32, #tpu.memory_space<hbm>> -> memref<1x1x125x80xi32, #tpu.memory_space<hbm>>
      %dma_start3A_30 = tpu.memref_squeeze %dma_start3A_29 : memref<1x1x125x80xi32, #tpu.memory_space<hbm>> -> memref<125x80xi32, #tpu.memory_space<hbm>>
      tpu.enqueue_dma source(%dma_start3A_30 : memref<125x80xi32, #tpu.memory_space<hbm>>) target(%arg8 : memref<125x80xi32, #tpu.memory_space<vmem>>) target_semaphore(%run_scoped3A_23 : memref<!tpu.dma_semaphore, #tpu.memory_space<semaphore_mem>>)
      %dma_wait3A = arith.constant 0 : i32
      %dma_wait3A_31 = arith.constant 0 : i32
      %dma_wait3A_32 = tpu.memref_slice %arg2[%run_scoped3A_1, %add3A, %dma_wait3A, %dma_wait3A_31] : memref<2x32x125x80xi32, #tpu.memory_space<hbm>> -> memref<1x1x125x80xi32, #tpu.memory_space<hbm>>
      %dma_wait3A_33 = tpu.memref_squeeze %dma_wait3A_32 : memref<1x1x125x80xi32, #tpu.memory_space<hbm>> -> memref<125x80xi32, #tpu.memory_space<hbm>>
      %dma_wait3A_34 = arith.constant 0 : i32
      %dma_wait3A_35 = arith.constant 0 : i32
      %dma_wait3A_36 = tpu.memref_slice %arg2[%run_scoped3A_1, %add3A, %dma_wait3A_34, %dma_wait3A_35] : memref<2x32x125x80xi32, #tpu.memory_space<hbm>> -> memref<1x1x125x80xi32, #tpu.memory_space<hbm>>
      %dma_wait3A_37 = tpu.memref_squeeze %dma_wait3A_36 : memref<1x1x125x80xi32, #tpu.memory_space<hbm>> -> memref<125x80xi32, #tpu.memory_space<hbm>>
      tpu.wait_dma2 semaphore(%run_scoped3A_23 : memref<!tpu.dma_semaphore, #tpu.memory_space<semaphore_mem>>) src(%dma_wait3A_37 : memref<125x80xi32, #tpu.memory_space<hbm>>) dst(%arg8 : memref<125x80xi32, #tpu.memory_space<vmem>>)
      tpu.yield
    }) : () -> ()
    "tpu.region"() ({
      %run_scoped3A_23 = tpu.sem_alloc : memref<!tpu.dma_semaphore, #tpu.memory_space<semaphore_mem>>
      tpu.enqueue_dma source(%arg3 : memref<80x16xf32, #tpu.memory_space<hbm>>) target(%arg9 : memref<80x16xf32, #tpu.memory_space<vmem>>) target_semaphore(%run_scoped3A_23 : memref<!tpu.dma_semaphore, #tpu.memory_space<semaphore_mem>>)
      tpu.wait_dma2 semaphore(%run_scoped3A_23 : memref<!tpu.dma_semaphore, #tpu.memory_space<semaphore_mem>>) src(%arg3 : memref<80x16xf32, #tpu.memory_space<hbm>>) dst(%arg9 : memref<80x16xf32, #tpu.memory_space<vmem>>)
      tpu.yield
    }) : () -> ()
    %mul3A_2 = arith.constant 624 : i32
    %mul3A_3 = arith.muli %arg1, %mul3A_2 : i32
    "tpu.region"() ({
      %run_scoped3A_23 = tpu.sem_alloc : memref<!tpu.dma_semaphore, #tpu.memory_space<semaphore_mem>>
      %dma_start3A = arith.constant 0 : i32
      %dma_start3A_24 = tpu.memref_slice %arg10[%mul3A_3, %dma_start3A] : memref<10000x16xf32, #tpu.memory_space<vmem_shared>> -> memref<624x16xf32, #tpu.memory_space<vmem_shared>>
      tpu.enqueue_dma source(%arg4 : memref<624x16xf32, #tpu.memory_space<hbm>>) target(%dma_start3A_24 : memref<624x16xf32, #tpu.memory_space<vmem_shared>>) target_semaphore(%run_scoped3A_23 : memref<!tpu.dma_semaphore, #tpu.memory_space<semaphore_mem>>)
      %dma_wait3A = arith.constant 0 : i32
      %dma_wait3A_25 = tpu.memref_slice %arg10[%mul3A_3, %dma_wait3A] : memref<10000x16xf32, #tpu.memory_space<vmem_shared>> -> memref<624x16xf32, #tpu.memory_space<vmem_shared>>
      tpu.wait_dma2 semaphore(%run_scoped3A_23 : memref<!tpu.dma_semaphore, #tpu.memory_space<semaphore_mem>>) src(%arg4 : memref<624x16xf32, #tpu.memory_space<hbm>>) dst(%dma_wait3A_25 : memref<624x16xf32, #tpu.memory_space<vmem_shared>>)
      tpu.yield
    }) : () -> ()
    "tpu.region"() ({
      %run_scoped3A_23 = tpu.sem_alloc : memref<!tpu.dma_semaphore, #tpu.memory_space<semaphore_mem>>
      %dma_start3A = arith.constant 0 : i32
      %dma_start3A_24 = tpu.memref_slice %arg11[%mul3A_3, %dma_start3A] : memref<10000x16xf32, #tpu.memory_space<vmem_shared>> -> memref<624x16xf32, #tpu.memory_space<vmem_shared>>
      tpu.enqueue_dma source(%arg4 : memref<624x16xf32, #tpu.memory_space<hbm>>) target(%dma_start3A_24 : memref<624x16xf32, #tpu.memory_space<vmem_shared>>) target_semaphore(%run_scoped3A_23 : memref<!tpu.dma_semaphore, #tpu.memory_space<semaphore_mem>>)
      %dma_wait3A = arith.constant 0 : i32
      %dma_wait3A_25 = tpu.memref_slice %arg11[%mul3A_3, %dma_wait3A] : memref<10000x16xf32, #tpu.memory_space<vmem_shared>> -> memref<624x16xf32, #tpu.memory_space<vmem_shared>>
      tpu.wait_dma2 semaphore(%run_scoped3A_23 : memref<!tpu.dma_semaphore, #tpu.memory_space<semaphore_mem>>) src(%arg4 : memref<624x16xf32, #tpu.memory_space<hbm>>) dst(%dma_wait3A_25 : memref<624x16xf32, #tpu.memory_space<vmem_shared>>)
      tpu.yield
    }) : () -> ()
    %eq3A = arith.constant 15 : i32
    %eq3A_4 = arith.cmpi eq, %arg1, %eq3A : i32
    %convert_element_type3A = arith.extui %eq3A_4 : i1 to i32
    %cond3A = arith.constant 0 : i32
    %cond3A_5 = arith.cmpi ne, %convert_element_type3A, %cond3A : i32
    scf.if %cond3A_5 {
      "tpu.region"() ({
        %run_scoped3A_23 = tpu.sem_alloc : memref<!tpu.dma_semaphore, #tpu.memory_space<semaphore_mem>>
        %dma_start3A = arith.constant 9984 : i32
        %dma_start3A_24 = arith.constant 0 : i32
        %dma_start3A_25 = tpu.memref_slice %arg10[%dma_start3A, %dma_start3A_24] : memref<10000x16xf32, #tpu.memory_space<vmem_shared>> -> memref<16x16xf32, #tpu.memory_space<vmem_shared>>
        %dma_start3A_26 = arith.constant 0 : i32
        %dma_start3A_27 = arith.constant 0 : i32
        %dma_start3A_28 = tpu.memref_slice %arg4[%dma_start3A_26, %dma_start3A_27] : memref<624x16xf32, #tpu.memory_space<hbm>> -> memref<16x16xf32, #tpu.memory_space<hbm>>
        tpu.enqueue_dma source(%dma_start3A_28 : memref<16x16xf32, #tpu.memory_space<hbm>>) target(%dma_start3A_25 : memref<16x16xf32, #tpu.memory_space<vmem_shared>>) target_semaphore(%run_scoped3A_23 : memref<!tpu.dma_semaphore, #tpu.memory_space<semaphore_mem>>)
        %dma_wait3A = arith.constant 9984 : i32
        %dma_wait3A_29 = arith.constant 0 : i32
        %dma_wait3A_30 = tpu.memref_slice %arg10[%dma_wait3A, %dma_wait3A_29] : memref<10000x16xf32, #tpu.memory_space<vmem_shared>> -> memref<16x16xf32, #tpu.memory_space<vmem_shared>>
        %dma_wait3A_31 = arith.constant 0 : i32
        %dma_wait3A_32 = arith.constant 0 : i32
        %dma_wait3A_33 = tpu.memref_slice %arg4[%dma_wait3A_31, %dma_wait3A_32] : memref<624x16xf32, #tpu.memory_space<hbm>> -> memref<16x16xf32, #tpu.memory_space<hbm>>
        tpu.wait_dma2 semaphore(%run_scoped3A_23 : memref<!tpu.dma_semaphore, #tpu.memory_space<semaphore_mem>>) src(%dma_wait3A_33 : memref<16x16xf32, #tpu.memory_space<hbm>>) dst(%dma_wait3A_30 : memref<16x16xf32, #tpu.memory_space<vmem_shared>>)
        tpu.yield
      }) : () -> ()
      "tpu.region"() ({
        %run_scoped3A_23 = tpu.sem_alloc : memref<!tpu.dma_semaphore, #tpu.memory_space<semaphore_mem>>
        %dma_start3A = arith.constant 9984 : i32
        %dma_start3A_24 = arith.constant 0 : i32
        %dma_start3A_25 = tpu.memref_slice %arg11[%dma_start3A, %dma_start3A_24] : memref<10000x16xf32, #tpu.memory_space<vmem_shared>> -> memref<16x16xf32, #tpu.memory_space<vmem_shared>>
        %dma_start3A_26 = arith.constant 0 : i32
        %dma_start3A_27 = arith.constant 0 : i32
        %dma_start3A_28 = tpu.memref_slice %arg4[%dma_start3A_26, %dma_start3A_27] : memref<624x16xf32, #tpu.memory_space<hbm>> -> memref<16x16xf32, #tpu.memory_space<hbm>>
        tpu.enqueue_dma source(%dma_start3A_28 : memref<16x16xf32, #tpu.memory_space<hbm>>) target(%dma_start3A_25 : memref<16x16xf32, #tpu.memory_space<vmem_shared>>) target_semaphore(%run_scoped3A_23 : memref<!tpu.dma_semaphore, #tpu.memory_space<semaphore_mem>>)
        %dma_wait3A = arith.constant 9984 : i32
        %dma_wait3A_29 = arith.constant 0 : i32
        %dma_wait3A_30 = tpu.memref_slice %arg11[%dma_wait3A, %dma_wait3A_29] : memref<10000x16xf32, #tpu.memory_space<vmem_shared>> -> memref<16x16xf32, #tpu.memory_space<vmem_shared>>
        %dma_wait3A_31 = arith.constant 0 : i32
        %dma_wait3A_32 = arith.constant 0 : i32
        %dma_wait3A_33 = tpu.memref_slice %arg4[%dma_wait3A_31, %dma_wait3A_32] : memref<624x16xf32, #tpu.memory_space<hbm>> -> memref<16x16xf32, #tpu.memory_space<hbm>>
        tpu.wait_dma2 semaphore(%run_scoped3A_23 : memref<!tpu.dma_semaphore, #tpu.memory_space<semaphore_mem>>) src(%dma_wait3A_33 : memref<16x16xf32, #tpu.memory_space<hbm>>) dst(%dma_wait3A_30 : memref<16x16xf32, #tpu.memory_space<vmem_shared>>)
        tpu.yield
      }) : () -> ()
    } else {
    }
    %barrier3A = arith.constant 0 : index
    tpu.barrier barrier_id(%barrier3A)
    %scan3A = arith.constant 0 : i32
    %scan3A_6 = arith.constant 0 : i32
    %scan3A_7 = arith.constant 125 : i32
    %scan3A_8 = arith.addi %scan3A_6, %scan3A_7 : i32
    %scan3A_9 = arith.constant 1 : i32
    scf.for %scan3A_23 = %scan3A_6 to %scan3A_8 step %scan3A_9  : i32 {
      %dma_start3A = arith.constant 0 : i32
      %dma_start3A_24 = tpu.memref_slice %arg7[%scan3A_23, %dma_start3A] : memref<125x80xi32, #tpu.memory_space<vmem>> -> memref<1x80xi32, #tpu.memory_space<vmem>>
      %dma_start3A_25 = tpu.memref_squeeze %dma_start3A_24 : memref<1x80xi32, #tpu.memory_space<vmem>> -> memref<80xi32, #tpu.memory_space<vmem>>
      %dma_start3A_26 = arith.constant 0 : i32
      %dma_start3A_27 = arith.constant 0 : i32
      %dma_start3A_28 = tpu.memref_slice %arg10[%dma_start3A_26, %dma_start3A_27] : memref<10000x16xf32, #tpu.memory_space<vmem_shared>> -> memref<10000x16xf32, #tpu.memory_space<vmem_shared>>
      tpu.enqueue_indirect_dma source(%arg9 : memref<80x16xf32, #tpu.memory_space<vmem>>) target(%dma_start3A_28 : memref<10000x16xf32, #tpu.memory_space<vmem_shared>>) offsets(%dma_start3A_25 : memref<80xi32, #tpu.memory_space<vmem>>) semaphore(%arg12 : memref<!tpu.dma_semaphore, #tpu.memory_space<semaphore_mem>>) {add = true}
      %dma_start3A_29 = arith.constant 0 : i32
      %dma_start3A_30 = tpu.memref_slice %arg8[%scan3A_23, %dma_start3A_29] : memref<125x80xi32, #tpu.memory_space<vmem>> -> memref<1x80xi32, #tpu.memory_space<vmem>>
      %dma_start3A_31 = tpu.memref_squeeze %dma_start3A_30 : memref<1x80xi32, #tpu.memory_space<vmem>> -> memref<80xi32, #tpu.memory_space<vmem>>
      %dma_start3A_32 = arith.constant 0 : i32
      %dma_start3A_33 = arith.constant 0 : i32
      %dma_start3A_34 = tpu.memref_slice %arg11[%dma_start3A_32, %dma_start3A_33] : memref<10000x16xf32, #tpu.memory_space<vmem_shared>> -> memref<10000x16xf32, #tpu.memory_space<vmem_shared>>
      tpu.enqueue_indirect_dma source(%arg9 : memref<80x16xf32, #tpu.memory_space<vmem>>) target(%dma_start3A_34 : memref<10000x16xf32, #tpu.memory_space<vmem_shared>>) offsets(%dma_start3A_31 : memref<80xi32, #tpu.memory_space<vmem>>) semaphore(%arg12 : memref<!tpu.dma_semaphore, #tpu.memory_space<semaphore_mem>>) {add = true}
      %ge3A = arith.constant 30 : i32
      %ge3A_35 = arith.cmpi sge, %scan3A_23, %ge3A : i32
      %convert_element_type3A_36 = arith.extui %ge3A_35 : i1 to i32
      %cond3A_37 = arith.constant 0 : i32
      %cond3A_38 = arith.cmpi ne, %convert_element_type3A_36, %cond3A_37 : i32
      scf.if %cond3A_38 {
        %sub3A = arith.constant 30 : i32
        %sub3A_39 = arith.subi %scan3A_23, %sub3A : i32
        %dma_wait3A = arith.constant 0 : i32
        %dma_wait3A_40 = tpu.memref_slice %arg7[%sub3A_39, %dma_wait3A] : memref<125x80xi32, #tpu.memory_space<vmem>> -> memref<1x80xi32, #tpu.memory_space<vmem>>
        %dma_wait3A_41 = tpu.memref_squeeze %dma_wait3A_40 : memref<1x80xi32, #tpu.memory_space<vmem>> -> memref<80xi32, #tpu.memory_space<vmem>>
        %dma_wait3A_42 = arith.constant 0 : i32
        %dma_wait3A_43 = arith.constant 0 : i32
        %dma_wait3A_44 = tpu.memref_slice %arg10[%dma_wait3A_42, %dma_wait3A_43] : memref<10000x16xf32, #tpu.memory_space<vmem_shared>> -> memref<10000x16xf32, #tpu.memory_space<vmem_shared>>
        tpu.wait_indirect_dma semaphore(%arg12 : memref<!tpu.dma_semaphore, #tpu.memory_space<semaphore_mem>>) src(%arg9 : memref<80x16xf32, #tpu.memory_space<vmem>>) dst(%dma_wait3A_44 : memref<10000x16xf32, #tpu.memory_space<vmem_shared>>)
        %sub3A_45 = arith.constant 30 : i32
        %sub3A_46 = arith.subi %scan3A_23, %sub3A_45 : i32
        %dma_wait3A_47 = arith.constant 0 : i32
        %dma_wait3A_48 = tpu.memref_slice %arg8[%sub3A_46, %dma_wait3A_47] : memref<125x80xi32, #tpu.memory_space<vmem>> -> memref<1x80xi32, #tpu.memory_space<vmem>>
        %dma_wait3A_49 = tpu.memref_squeeze %dma_wait3A_48 : memref<1x80xi32, #tpu.memory_space<vmem>> -> memref<80xi32, #tpu.memory_space<vmem>>
        %dma_wait3A_50 = arith.constant 0 : i32
        %dma_wait3A_51 = arith.constant 0 : i32
        %dma_wait3A_52 = tpu.memref_slice %arg11[%dma_wait3A_50, %dma_wait3A_51] : memref<10000x16xf32, #tpu.memory_space<vmem_shared>> -> memref<10000x16xf32, #tpu.memory_space<vmem_shared>>
        tpu.wait_indirect_dma semaphore(%arg12 : memref<!tpu.dma_semaphore, #tpu.memory_space<semaphore_mem>>) src(%arg9 : memref<80x16xf32, #tpu.memory_space<vmem>>) dst(%dma_wait3A_52 : memref<10000x16xf32, #tpu.memory_space<vmem_shared>>)
      } else {
      }
    }
    %scan3A_10 = arith.constant 125 : i32
    %scan3A_11 = arith.constant 0 : i32
    %scan3A_12 = arith.constant 95 : i32
    %scan3A_13 = arith.constant 30 : i32
    %scan3A_14 = arith.addi %scan3A_12, %scan3A_13 : i32
    %scan3A_15 = arith.constant 1 : i32
    scf.for %scan3A_23 = %scan3A_12 to %scan3A_14 step %scan3A_15  : i32 {
      %dma_wait3A = arith.constant 0 : i32
      %dma_wait3A_24 = tpu.memref_slice %arg7[%scan3A_23, %dma_wait3A] : memref<125x80xi32, #tpu.memory_space<vmem>> -> memref<1x80xi32, #tpu.memory_space<vmem>>
      %dma_wait3A_25 = tpu.memref_squeeze %dma_wait3A_24 : memref<1x80xi32, #tpu.memory_space<vmem>> -> memref<80xi32, #tpu.memory_space<vmem>>
      %dma_wait3A_26 = arith.constant 0 : i32
      %dma_wait3A_27 = arith.constant 0 : i32
      %dma_wait3A_28 = tpu.memref_slice %arg10[%dma_wait3A_26, %dma_wait3A_27] : memref<10000x16xf32, #tpu.memory_space<vmem_shared>> -> memref<10000x16xf32, #tpu.memory_space<vmem_shared>>
      tpu.wait_indirect_dma semaphore(%arg12 : memref<!tpu.dma_semaphore, #tpu.memory_space<semaphore_mem>>) src(%arg9 : memref<80x16xf32, #tpu.memory_space<vmem>>) dst(%dma_wait3A_28 : memref<10000x16xf32, #tpu.memory_space<vmem_shared>>)
      %dma_wait3A_29 = arith.constant 0 : i32
      %dma_wait3A_30 = tpu.memref_slice %arg8[%scan3A_23, %dma_wait3A_29] : memref<125x80xi32, #tpu.memory_space<vmem>> -> memref<1x80xi32, #tpu.memory_space<vmem>>
      %dma_wait3A_31 = tpu.memref_squeeze %dma_wait3A_30 : memref<1x80xi32, #tpu.memory_space<vmem>> -> memref<80xi32, #tpu.memory_space<vmem>>
      %dma_wait3A_32 = arith.constant 0 : i32
      %dma_wait3A_33 = arith.constant 0 : i32
      %dma_wait3A_34 = tpu.memref_slice %arg11[%dma_wait3A_32, %dma_wait3A_33] : memref<10000x16xf32, #tpu.memory_space<vmem_shared>> -> memref<10000x16xf32, #tpu.memory_space<vmem_shared>>
      tpu.wait_indirect_dma semaphore(%arg12 : memref<!tpu.dma_semaphore, #tpu.memory_space<semaphore_mem>>) src(%arg9 : memref<80x16xf32, #tpu.memory_space<vmem>>) dst(%dma_wait3A_34 : memref<10000x16xf32, #tpu.memory_space<vmem_shared>>)
    }
    %scan3A_16 = arith.constant 30 : i32
    %barrier3A_17 = arith.constant 0 : index
    tpu.barrier barrier_id(%barrier3A_17)
    "tpu.region"() ({
      %run_scoped3A_23 = tpu.sem_alloc : memref<!tpu.dma_semaphore, #tpu.memory_space<semaphore_mem>>
      %dma_start3A = arith.constant 0 : i32
      %dma_start3A_24 = tpu.memref_slice %arg5[%arg0, %mul3A_3, %dma_start3A] : memref<2x10000x16xf32, #tpu.memory_space<hbm>> -> memref<1x624x16xf32, #tpu.memory_space<hbm>>
      %dma_start3A_25 = tpu.memref_squeeze %dma_start3A_24 : memref<1x624x16xf32, #tpu.memory_space<hbm>> -> memref<624x16xf32, #tpu.memory_space<hbm>>
      %dma_start3A_26 = arith.constant 0 : i32
      %dma_start3A_27 = tpu.memref_slice %arg10[%mul3A_3, %dma_start3A_26] : memref<10000x16xf32, #tpu.memory_space<vmem_shared>> -> memref<624x16xf32, #tpu.memory_space<vmem_shared>>
      tpu.enqueue_dma source(%dma_start3A_27 : memref<624x16xf32, #tpu.memory_space<vmem_shared>>) target(%dma_start3A_25 : memref<624x16xf32, #tpu.memory_space<hbm>>) target_semaphore(%run_scoped3A_23 : memref<!tpu.dma_semaphore, #tpu.memory_space<semaphore_mem>>)
      %dma_wait3A = arith.constant 0 : i32
      %dma_wait3A_28 = tpu.memref_slice %arg5[%arg0, %mul3A_3, %dma_wait3A] : memref<2x10000x16xf32, #tpu.memory_space<hbm>> -> memref<1x624x16xf32, #tpu.memory_space<hbm>>
      %dma_wait3A_29 = tpu.memref_squeeze %dma_wait3A_28 : memref<1x624x16xf32, #tpu.memory_space<hbm>> -> memref<624x16xf32, #tpu.memory_space<hbm>>
      %dma_wait3A_30 = arith.constant 0 : i32
      %dma_wait3A_31 = tpu.memref_slice %arg10[%mul3A_3, %dma_wait3A_30] : memref<10000x16xf32, #tpu.memory_space<vmem_shared>> -> memref<624x16xf32, #tpu.memory_space<vmem_shared>>
      tpu.wait_dma2 semaphore(%run_scoped3A_23 : memref<!tpu.dma_semaphore, #tpu.memory_space<semaphore_mem>>) src(%dma_wait3A_31 : memref<624x16xf32, #tpu.memory_space<vmem_shared>>) dst(%dma_wait3A_29 : memref<624x16xf32, #tpu.memory_space<hbm>>)
      tpu.yield
    }) : () -> ()
    "tpu.region"() ({
      %run_scoped3A_23 = tpu.sem_alloc : memref<!tpu.dma_semaphore, #tpu.memory_space<semaphore_mem>>
      %dma_start3A = arith.constant 0 : i32
      %dma_start3A_24 = tpu.memref_slice %arg6[%arg0, %mul3A_3, %dma_start3A] : memref<2x10000x16xf32, #tpu.memory_space<hbm>> -> memref<1x624x16xf32, #tpu.memory_space<hbm>>
      %dma_start3A_25 = tpu.memref_squeeze %dma_start3A_24 : memref<1x624x16xf32, #tpu.memory_space<hbm>> -> memref<624x16xf32, #tpu.memory_space<hbm>>
      %dma_start3A_26 = arith.constant 0 : i32
      %dma_start3A_27 = tpu.memref_slice %arg11[%mul3A_3, %dma_start3A_26] : memref<10000x16xf32, #tpu.memory_space<vmem_shared>> -> memref<624x16xf32, #tpu.memory_space<vmem_shared>>
      tpu.enqueue_dma source(%dma_start3A_27 : memref<624x16xf32, #tpu.memory_space<vmem_shared>>) target(%dma_start3A_25 : memref<624x16xf32, #tpu.memory_space<hbm>>) target_semaphore(%run_scoped3A_23 : memref<!tpu.dma_semaphore, #tpu.memory_space<semaphore_mem>>)
      %dma_wait3A = arith.constant 0 : i32
      %dma_wait3A_28 = tpu.memref_slice %arg6[%arg0, %mul3A_3, %dma_wait3A] : memref<2x10000x16xf32, #tpu.memory_space<hbm>> -> memref<1x624x16xf32, #tpu.memory_space<hbm>>
      %dma_wait3A_29 = tpu.memref_squeeze %dma_wait3A_28 : memref<1x624x16xf32, #tpu.memory_space<hbm>> -> memref<624x16xf32, #tpu.memory_space<hbm>>
      %dma_wait3A_30 = arith.constant 0 : i32
      %dma_wait3A_31 = tpu.memref_slice %arg11[%mul3A_3, %dma_wait3A_30] : memref<10000x16xf32, #tpu.memory_space<vmem_shared>> -> memref<624x16xf32, #tpu.memory_space<vmem_shared>>
      tpu.wait_dma2 semaphore(%run_scoped3A_23 : memref<!tpu.dma_semaphore, #tpu.memory_space<semaphore_mem>>) src(%dma_wait3A_31 : memref<624x16xf32, #tpu.memory_space<vmem_shared>>) dst(%dma_wait3A_29 : memref<624x16xf32, #tpu.memory_space<hbm>>)
      tpu.yield
    }) : () -> ()
    %eq3A_18 = arith.constant 15 : i32
    %eq3A_19 = arith.cmpi eq, %arg1, %eq3A_18 : i32
    %convert_element_type3A_20 = arith.extui %eq3A_19 : i1 to i32
    %cond3A_21 = arith.constant 0 : i32
    %cond3A_22 = arith.cmpi ne, %convert_element_type3A_20, %cond3A_21 : i32
    scf.if %cond3A_22 {
      "tpu.region"() ({
        %run_scoped3A_23 = tpu.sem_alloc : memref<!tpu.dma_semaphore, #tpu.memory_space<semaphore_mem>>
        %dma_start3A = arith.constant 9984 : i32
        %dma_start3A_24 = arith.constant 0 : i32
        %dma_start3A_25 = tpu.memref_slice %arg5[%arg0, %dma_start3A, %dma_start3A_24] : memref<2x10000x16xf32, #tpu.memory_space<hbm>> -> memref<1x16x16xf32, #tpu.memory_space<hbm>>
        %dma_start3A_26 = tpu.memref_squeeze %dma_start3A_25 : memref<1x16x16xf32, #tpu.memory_space<hbm>> -> memref<16x16xf32, #tpu.memory_space<hbm>>
        %dma_start3A_27 = arith.constant 9984 : i32
        %dma_start3A_28 = arith.constant 0 : i32
        %dma_start3A_29 = tpu.memref_slice %arg10[%dma_start3A_27, %dma_start3A_28] : memref<10000x16xf32, #tpu.memory_space<vmem_shared>> -> memref<16x16xf32, #tpu.memory_space<vmem_shared>>
        tpu.enqueue_dma source(%dma_start3A_29 : memref<16x16xf32, #tpu.memory_space<vmem_shared>>) target(%dma_start3A_26 : memref<16x16xf32, #tpu.memory_space<hbm>>) target_semaphore(%run_scoped3A_23 : memref<!tpu.dma_semaphore, #tpu.memory_space<semaphore_mem>>)
        %dma_wait3A = arith.constant 9984 : i32
        %dma_wait3A_30 = arith.constant 0 : i32
        %dma_wait3A_31 = tpu.memref_slice %arg5[%arg0, %dma_wait3A, %dma_wait3A_30] : memref<2x10000x16xf32, #tpu.memory_space<hbm>> -> memref<1x16x16xf32, #tpu.memory_space<hbm>>
        %dma_wait3A_32 = tpu.memref_squeeze %dma_wait3A_31 : memref<1x16x16xf32, #tpu.memory_space<hbm>> -> memref<16x16xf32, #tpu.memory_space<hbm>>
        %dma_wait3A_33 = arith.constant 9984 : i32
        %dma_wait3A_34 = arith.constant 0 : i32
        %dma_wait3A_35 = tpu.memref_slice %arg10[%dma_wait3A_33, %dma_wait3A_34] : memref<10000x16xf32, #tpu.memory_space<vmem_shared>> -> memref<16x16xf32, #tpu.memory_space<vmem_shared>>
        tpu.wait_dma2 semaphore(%run_scoped3A_23 : memref<!tpu.dma_semaphore, #tpu.memory_space<semaphore_mem>>) src(%dma_wait3A_35 : memref<16x16xf32, #tpu.memory_space<vmem_shared>>) dst(%dma_wait3A_32 : memref<16x16xf32, #tpu.memory_space<hbm>>)
        tpu.yield
      }) : () -> ()
      "tpu.region"() ({
        %run_scoped3A_23 = tpu.sem_alloc : memref<!tpu.dma_semaphore, #tpu.memory_space<semaphore_mem>>
        %dma_start3A = arith.constant 9984 : i32
        %dma_start3A_24 = arith.constant 0 : i32
        %dma_start3A_25 = tpu.memref_slice %arg6[%arg0, %dma_start3A, %dma_start3A_24] : memref<2x10000x16xf32, #tpu.memory_space<hbm>> -> memref<1x16x16xf32, #tpu.memory_space<hbm>>
        %dma_start3A_26 = tpu.memref_squeeze %dma_start3A_25 : memref<1x16x16xf32, #tpu.memory_space<hbm>> -> memref<16x16xf32, #tpu.memory_space<hbm>>
        %dma_start3A_27 = arith.constant 9984 : i32
        %dma_start3A_28 = arith.constant 0 : i32
        %dma_start3A_29 = tpu.memref_slice %arg11[%dma_start3A_27, %dma_start3A_28] : memref<10000x16xf32, #tpu.memory_space<vmem_shared>> -> memref<16x16xf32, #tpu.memory_space<vmem_shared>>
        tpu.enqueue_dma source(%dma_start3A_29 : memref<16x16xf32, #tpu.memory_space<vmem_shared>>) target(%dma_start3A_26 : memref<16x16xf32, #tpu.memory_space<hbm>>) target_semaphore(%run_scoped3A_23 : memref<!tpu.dma_semaphore, #tpu.memory_space<semaphore_mem>>)
        %dma_wait3A = arith.constant 9984 : i32
        %dma_wait3A_30 = arith.constant 0 : i32
        %dma_wait3A_31 = tpu.memref_slice %arg6[%arg0, %dma_wait3A, %dma_wait3A_30] : memref<2x10000x16xf32, #tpu.memory_space<hbm>> -> memref<1x16x16xf32, #tpu.memory_space<hbm>>
        %dma_wait3A_32 = tpu.memref_squeeze %dma_wait3A_31 : memref<1x16x16xf32, #tpu.memory_space<hbm>> -> memref<16x16xf32, #tpu.memory_space<hbm>>
        %dma_wait3A_33 = arith.constant 9984 : i32
        %dma_wait3A_34 = arith.constant 0 : i32
        %dma_wait3A_35 = tpu.memref_slice %arg11[%dma_wait3A_33, %dma_wait3A_34] : memref<10000x16xf32, #tpu.memory_space<vmem_shared>> -> memref<16x16xf32, #tpu.memory_space<vmem_shared>>
        tpu.wait_dma2 semaphore(%run_scoped3A_23 : memref<!tpu.dma_semaphore, #tpu.memory_space<semaphore_mem>>) src(%dma_wait3A_35 : memref<16x16xf32, #tpu.memory_space<vmem_shared>>) dst(%dma_wait3A_32 : memref<16x16xf32, #tpu.memory_space<hbm>>)
        tpu.yield
      }) : () -> ()
    } else {
    }
    return
  }
}

#map = affine_map<(d0, d1) -> (0, 0)>
#map1 = affine_map<(d0, d1) -> (0, 0, 0, 0)>
#map2 = affine_map<(d0, d1) -> (0, 0, 0)>
module attributes {stable_mosaic.version = 14 : i64} {
  func.func @_agg_kernel(%arg0: i32, %arg1: i32, %arg2: memref<10000x32xf32, #tpu.memory_space<hbm>>, %arg3: memref<2x32x125x80xi32, #tpu.memory_space<hbm>>, %arg4: memref<624x32xf32, #tpu.memory_space<hbm>>, %arg5: memref<2x10000x32xf32, #tpu.memory_space<hbm>>, %arg6: memref<125x80xi32, #tpu.memory_space<vmem>>, %arg7: memref<125x80xi32, #tpu.memory_space<vmem>>, %arg8: memref<10x80x32xf32, #tpu.memory_space<vmem>>, %arg9: memref<10000x32xf32, #tpu.memory_space<vmem_shared>>, %arg10: memref<10x!tpu.dma_semaphore, #tpu.memory_space<semaphore_mem>>, %arg11: memref<10x!tpu.dma_semaphore, #tpu.memory_space<semaphore_mem>>) attributes {dimension_semantics = [#tpu.dimension_semantics<core_parallel>, #tpu.dimension_semantics<subcore_parallel>], iteration_bounds = array<i64: 2, 16>, scalar_prefetch = 0 : i64, scratch_operands = 6 : i64, tpu.core_type = #tpu.core_type<sc_vector_subcore>, window_params = [{transform_indices = #map}, {transform_indices = #map1}, {transform_indices = #map}, {transform_indices = #map2}]} {
    %mul3A = arith.constant 16 : i32
    %mul3A_0 = arith.muli %arg0, %mul3A : i32
    %add3A = arith.addi %mul3A_0, %arg1 : i32
    %run_scoped3A = arith.constant 0 : i32
    "tpu.region"() ({
      %run_scoped3A_390 = tpu.sem_alloc : memref<!tpu.dma_semaphore, #tpu.memory_space<semaphore_mem>>
      %dma_start3A_391 = arith.constant 0 : i32
      %dma_start3A_392 = arith.constant 0 : i32
      %dma_start3A_393 = tpu.memref_slice %arg3[%run_scoped3A, %add3A, %dma_start3A_391, %dma_start3A_392] : memref<2x32x125x80xi32, #tpu.memory_space<hbm>> -> memref<1x1x125x80xi32, #tpu.memory_space<hbm>>
      %dma_start3A_394 = tpu.memref_squeeze %dma_start3A_393 : memref<1x1x125x80xi32, #tpu.memory_space<hbm>> -> memref<125x80xi32, #tpu.memory_space<hbm>>
      %dma_start3A_395 = arith.constant 0 : i32
      %dma_start3A_396 = arith.constant 0 : i32
      %dma_start3A_397 = tpu.memref_slice %arg3[%run_scoped3A, %add3A, %dma_start3A_395, %dma_start3A_396] : memref<2x32x125x80xi32, #tpu.memory_space<hbm>> -> memref<1x1x125x80xi32, #tpu.memory_space<hbm>>
      %dma_start3A_398 = tpu.memref_squeeze %dma_start3A_397 : memref<1x1x125x80xi32, #tpu.memory_space<hbm>> -> memref<125x80xi32, #tpu.memory_space<hbm>>
      tpu.enqueue_dma source(%dma_start3A_398 : memref<125x80xi32, #tpu.memory_space<hbm>>) target(%arg6 : memref<125x80xi32, #tpu.memory_space<vmem>>) target_semaphore(%run_scoped3A_390 : memref<!tpu.dma_semaphore, #tpu.memory_space<semaphore_mem>>)
      %dma_wait3A_399 = arith.constant 0 : i32
      %dma_wait3A_400 = arith.constant 0 : i32
      %dma_wait3A_401 = tpu.memref_slice %arg3[%run_scoped3A, %add3A, %dma_wait3A_399, %dma_wait3A_400] : memref<2x32x125x80xi32, #tpu.memory_space<hbm>> -> memref<1x1x125x80xi32, #tpu.memory_space<hbm>>
      %dma_wait3A_402 = tpu.memref_squeeze %dma_wait3A_401 : memref<1x1x125x80xi32, #tpu.memory_space<hbm>> -> memref<125x80xi32, #tpu.memory_space<hbm>>
      %dma_wait3A_403 = arith.constant 0 : i32
      %dma_wait3A_404 = arith.constant 0 : i32
      %dma_wait3A_405 = tpu.memref_slice %arg3[%run_scoped3A, %add3A, %dma_wait3A_403, %dma_wait3A_404] : memref<2x32x125x80xi32, #tpu.memory_space<hbm>> -> memref<1x1x125x80xi32, #tpu.memory_space<hbm>>
      %dma_wait3A_406 = tpu.memref_squeeze %dma_wait3A_405 : memref<1x1x125x80xi32, #tpu.memory_space<hbm>> -> memref<125x80xi32, #tpu.memory_space<hbm>>
      tpu.wait_dma2 semaphore(%run_scoped3A_390 : memref<!tpu.dma_semaphore, #tpu.memory_space<semaphore_mem>>) src(%dma_wait3A_406 : memref<125x80xi32, #tpu.memory_space<hbm>>) dst(%arg6 : memref<125x80xi32, #tpu.memory_space<vmem>>)
      tpu.yield
    }) : () -> ()
    %run_scoped3A_1 = arith.constant 1 : i32
    "tpu.region"() ({
      %run_scoped3A_390 = tpu.sem_alloc : memref<!tpu.dma_semaphore, #tpu.memory_space<semaphore_mem>>
      %dma_start3A_391 = arith.constant 0 : i32
      %dma_start3A_392 = arith.constant 0 : i32
      %dma_start3A_393 = tpu.memref_slice %arg3[%run_scoped3A_1, %add3A, %dma_start3A_391, %dma_start3A_392] : memref<2x32x125x80xi32, #tpu.memory_space<hbm>> -> memref<1x1x125x80xi32, #tpu.memory_space<hbm>>
      %dma_start3A_394 = tpu.memref_squeeze %dma_start3A_393 : memref<1x1x125x80xi32, #tpu.memory_space<hbm>> -> memref<125x80xi32, #tpu.memory_space<hbm>>
      %dma_start3A_395 = arith.constant 0 : i32
      %dma_start3A_396 = arith.constant 0 : i32
      %dma_start3A_397 = tpu.memref_slice %arg3[%run_scoped3A_1, %add3A, %dma_start3A_395, %dma_start3A_396] : memref<2x32x125x80xi32, #tpu.memory_space<hbm>> -> memref<1x1x125x80xi32, #tpu.memory_space<hbm>>
      %dma_start3A_398 = tpu.memref_squeeze %dma_start3A_397 : memref<1x1x125x80xi32, #tpu.memory_space<hbm>> -> memref<125x80xi32, #tpu.memory_space<hbm>>
      tpu.enqueue_dma source(%dma_start3A_398 : memref<125x80xi32, #tpu.memory_space<hbm>>) target(%arg7 : memref<125x80xi32, #tpu.memory_space<vmem>>) target_semaphore(%run_scoped3A_390 : memref<!tpu.dma_semaphore, #tpu.memory_space<semaphore_mem>>)
      %dma_wait3A_399 = arith.constant 0 : i32
      %dma_wait3A_400 = arith.constant 0 : i32
      %dma_wait3A_401 = tpu.memref_slice %arg3[%run_scoped3A_1, %add3A, %dma_wait3A_399, %dma_wait3A_400] : memref<2x32x125x80xi32, #tpu.memory_space<hbm>> -> memref<1x1x125x80xi32, #tpu.memory_space<hbm>>
      %dma_wait3A_402 = tpu.memref_squeeze %dma_wait3A_401 : memref<1x1x125x80xi32, #tpu.memory_space<hbm>> -> memref<125x80xi32, #tpu.memory_space<hbm>>
      %dma_wait3A_403 = arith.constant 0 : i32
      %dma_wait3A_404 = arith.constant 0 : i32
      %dma_wait3A_405 = tpu.memref_slice %arg3[%run_scoped3A_1, %add3A, %dma_wait3A_403, %dma_wait3A_404] : memref<2x32x125x80xi32, #tpu.memory_space<hbm>> -> memref<1x1x125x80xi32, #tpu.memory_space<hbm>>
      %dma_wait3A_406 = tpu.memref_squeeze %dma_wait3A_405 : memref<1x1x125x80xi32, #tpu.memory_space<hbm>> -> memref<125x80xi32, #tpu.memory_space<hbm>>
      tpu.wait_dma2 semaphore(%run_scoped3A_390 : memref<!tpu.dma_semaphore, #tpu.memory_space<semaphore_mem>>) src(%dma_wait3A_406 : memref<125x80xi32, #tpu.memory_space<hbm>>) dst(%arg7 : memref<125x80xi32, #tpu.memory_space<vmem>>)
      tpu.yield
    }) : () -> ()
    %dma_start3A = arith.constant 0 : i32
    %dma_start3A_2 = arith.constant 0 : i32
    %dma_start3A_3 = arith.constant 0 : i32
    %dma_start3A_4 = arith.constant 0 : i32
    %dma_start3A_5 = arith.constant 0 : i32
    %dma_start3A_6 = tpu.memref_slice %arg8[%dma_start3A_2, %dma_start3A_4, %dma_start3A_5] : memref<10x80x32xf32, #tpu.memory_space<vmem>> -> memref<1x80x32xf32, #tpu.memory_space<vmem>>
    %dma_start3A_7 = tpu.memref_squeeze %dma_start3A_6 : memref<1x80x32xf32, #tpu.memory_space<vmem>> -> memref<80x32xf32, #tpu.memory_space<vmem>>
    %dma_start3A_8 = arith.constant 0 : i32
    %dma_start3A_9 = tpu.memref_slice %arg6[%dma_start3A, %dma_start3A_8] : memref<125x80xi32, #tpu.memory_space<vmem>> -> memref<1x80xi32, #tpu.memory_space<vmem>>
    %dma_start3A_10 = tpu.memref_squeeze %dma_start3A_9 : memref<1x80xi32, #tpu.memory_space<vmem>> -> memref<80xi32, #tpu.memory_space<vmem>>
    %dma_start3A_11 = arith.constant 0 : i32
    %dma_start3A_12 = arith.constant 0 : i32
    %dma_start3A_13 = tpu.memref_slice %arg2[%dma_start3A_11, %dma_start3A_12] : memref<10000x32xf32, #tpu.memory_space<hbm>> -> memref<10000x32xf32, #tpu.memory_space<hbm>>
    %dma_start3A_14 = tpu.memref_slice %arg10[%dma_start3A_3] : memref<10x!tpu.dma_semaphore, #tpu.memory_space<semaphore_mem>> -> memref<1x!tpu.dma_semaphore, #tpu.memory_space<semaphore_mem>>
    %dma_start3A_15 = tpu.memref_squeeze %dma_start3A_14 : memref<1x!tpu.dma_semaphore, #tpu.memory_space<semaphore_mem>> -> memref<!tpu.dma_semaphore, #tpu.memory_space<semaphore_mem>>
    tpu.enqueue_indirect_dma source(%dma_start3A_13 : memref<10000x32xf32, #tpu.memory_space<hbm>>) target(%dma_start3A_7 : memref<80x32xf32, #tpu.memory_space<vmem>>) offsets(%dma_start3A_10 : memref<80xi32, #tpu.memory_space<vmem>>) semaphore(%dma_start3A_15 : memref<!tpu.dma_semaphore, #tpu.memory_space<semaphore_mem>>)
    %dma_start3A_16 = arith.constant 1 : i32
    %dma_start3A_17 = arith.constant 1 : i32
    %dma_start3A_18 = arith.constant 1 : i32
    %dma_start3A_19 = arith.constant 0 : i32
    %dma_start3A_20 = arith.constant 0 : i32
    %dma_start3A_21 = tpu.memref_slice %arg8[%dma_start3A_17, %dma_start3A_19, %dma_start3A_20] : memref<10x80x32xf32, #tpu.memory_space<vmem>> -> memref<1x80x32xf32, #tpu.memory_space<vmem>>
    %dma_start3A_22 = tpu.memref_squeeze %dma_start3A_21 : memref<1x80x32xf32, #tpu.memory_space<vmem>> -> memref<80x32xf32, #tpu.memory_space<vmem>>
    %dma_start3A_23 = arith.constant 0 : i32
    %dma_start3A_24 = tpu.memref_slice %arg6[%dma_start3A_16, %dma_start3A_23] : memref<125x80xi32, #tpu.memory_space<vmem>> -> memref<1x80xi32, #tpu.memory_space<vmem>>
    %dma_start3A_25 = tpu.memref_squeeze %dma_start3A_24 : memref<1x80xi32, #tpu.memory_space<vmem>> -> memref<80xi32, #tpu.memory_space<vmem>>
    %dma_start3A_26 = arith.constant 0 : i32
    %dma_start3A_27 = arith.constant 0 : i32
    %dma_start3A_28 = tpu.memref_slice %arg2[%dma_start3A_26, %dma_start3A_27] : memref<10000x32xf32, #tpu.memory_space<hbm>> -> memref<10000x32xf32, #tpu.memory_space<hbm>>
    %dma_start3A_29 = tpu.memref_slice %arg10[%dma_start3A_18] : memref<10x!tpu.dma_semaphore, #tpu.memory_space<semaphore_mem>> -> memref<1x!tpu.dma_semaphore, #tpu.memory_space<semaphore_mem>>
    %dma_start3A_30 = tpu.memref_squeeze %dma_start3A_29 : memref<1x!tpu.dma_semaphore, #tpu.memory_space<semaphore_mem>> -> memref<!tpu.dma_semaphore, #tpu.memory_space<semaphore_mem>>
    tpu.enqueue_indirect_dma source(%dma_start3A_28 : memref<10000x32xf32, #tpu.memory_space<hbm>>) target(%dma_start3A_22 : memref<80x32xf32, #tpu.memory_space<vmem>>) offsets(%dma_start3A_25 : memref<80xi32, #tpu.memory_space<vmem>>) semaphore(%dma_start3A_30 : memref<!tpu.dma_semaphore, #tpu.memory_space<semaphore_mem>>)
    %dma_start3A_31 = arith.constant 2 : i32
    %dma_start3A_32 = arith.constant 2 : i32
    %dma_start3A_33 = arith.constant 2 : i32
    %dma_start3A_34 = arith.constant 0 : i32
    %dma_start3A_35 = arith.constant 0 : i32
    %dma_start3A_36 = tpu.memref_slice %arg8[%dma_start3A_32, %dma_start3A_34, %dma_start3A_35] : memref<10x80x32xf32, #tpu.memory_space<vmem>> -> memref<1x80x32xf32, #tpu.memory_space<vmem>>
    %dma_start3A_37 = tpu.memref_squeeze %dma_start3A_36 : memref<1x80x32xf32, #tpu.memory_space<vmem>> -> memref<80x32xf32, #tpu.memory_space<vmem>>
    %dma_start3A_38 = arith.constant 0 : i32
    %dma_start3A_39 = tpu.memref_slice %arg6[%dma_start3A_31, %dma_start3A_38] : memref<125x80xi32, #tpu.memory_space<vmem>> -> memref<1x80xi32, #tpu.memory_space<vmem>>
    %dma_start3A_40 = tpu.memref_squeeze %dma_start3A_39 : memref<1x80xi32, #tpu.memory_space<vmem>> -> memref<80xi32, #tpu.memory_space<vmem>>
    %dma_start3A_41 = arith.constant 0 : i32
    %dma_start3A_42 = arith.constant 0 : i32
    %dma_start3A_43 = tpu.memref_slice %arg2[%dma_start3A_41, %dma_start3A_42] : memref<10000x32xf32, #tpu.memory_space<hbm>> -> memref<10000x32xf32, #tpu.memory_space<hbm>>
    %dma_start3A_44 = tpu.memref_slice %arg10[%dma_start3A_33] : memref<10x!tpu.dma_semaphore, #tpu.memory_space<semaphore_mem>> -> memref<1x!tpu.dma_semaphore, #tpu.memory_space<semaphore_mem>>
    %dma_start3A_45 = tpu.memref_squeeze %dma_start3A_44 : memref<1x!tpu.dma_semaphore, #tpu.memory_space<semaphore_mem>> -> memref<!tpu.dma_semaphore, #tpu.memory_space<semaphore_mem>>
    tpu.enqueue_indirect_dma source(%dma_start3A_43 : memref<10000x32xf32, #tpu.memory_space<hbm>>) target(%dma_start3A_37 : memref<80x32xf32, #tpu.memory_space<vmem>>) offsets(%dma_start3A_40 : memref<80xi32, #tpu.memory_space<vmem>>) semaphore(%dma_start3A_45 : memref<!tpu.dma_semaphore, #tpu.memory_space<semaphore_mem>>)
    %dma_start3A_46 = arith.constant 3 : i32
    %dma_start3A_47 = arith.constant 3 : i32
    %dma_start3A_48 = arith.constant 3 : i32
    %dma_start3A_49 = arith.constant 0 : i32
    %dma_start3A_50 = arith.constant 0 : i32
    %dma_start3A_51 = tpu.memref_slice %arg8[%dma_start3A_47, %dma_start3A_49, %dma_start3A_50] : memref<10x80x32xf32, #tpu.memory_space<vmem>> -> memref<1x80x32xf32, #tpu.memory_space<vmem>>
    %dma_start3A_52 = tpu.memref_squeeze %dma_start3A_51 : memref<1x80x32xf32, #tpu.memory_space<vmem>> -> memref<80x32xf32, #tpu.memory_space<vmem>>
    %dma_start3A_53 = arith.constant 0 : i32
    %dma_start3A_54 = tpu.memref_slice %arg6[%dma_start3A_46, %dma_start3A_53] : memref<125x80xi32, #tpu.memory_space<vmem>> -> memref<1x80xi32, #tpu.memory_space<vmem>>
    %dma_start3A_55 = tpu.memref_squeeze %dma_start3A_54 : memref<1x80xi32, #tpu.memory_space<vmem>> -> memref<80xi32, #tpu.memory_space<vmem>>
    %dma_start3A_56 = arith.constant 0 : i32
    %dma_start3A_57 = arith.constant 0 : i32
    %dma_start3A_58 = tpu.memref_slice %arg2[%dma_start3A_56, %dma_start3A_57] : memref<10000x32xf32, #tpu.memory_space<hbm>> -> memref<10000x32xf32, #tpu.memory_space<hbm>>
    %dma_start3A_59 = tpu.memref_slice %arg10[%dma_start3A_48] : memref<10x!tpu.dma_semaphore, #tpu.memory_space<semaphore_mem>> -> memref<1x!tpu.dma_semaphore, #tpu.memory_space<semaphore_mem>>
    %dma_start3A_60 = tpu.memref_squeeze %dma_start3A_59 : memref<1x!tpu.dma_semaphore, #tpu.memory_space<semaphore_mem>> -> memref<!tpu.dma_semaphore, #tpu.memory_space<semaphore_mem>>
    tpu.enqueue_indirect_dma source(%dma_start3A_58 : memref<10000x32xf32, #tpu.memory_space<hbm>>) target(%dma_start3A_52 : memref<80x32xf32, #tpu.memory_space<vmem>>) offsets(%dma_start3A_55 : memref<80xi32, #tpu.memory_space<vmem>>) semaphore(%dma_start3A_60 : memref<!tpu.dma_semaphore, #tpu.memory_space<semaphore_mem>>)
    %dma_start3A_61 = arith.constant 4 : i32
    %dma_start3A_62 = arith.constant 4 : i32
    %dma_start3A_63 = arith.constant 4 : i32
    %dma_start3A_64 = arith.constant 0 : i32
    %dma_start3A_65 = arith.constant 0 : i32
    %dma_start3A_66 = tpu.memref_slice %arg8[%dma_start3A_62, %dma_start3A_64, %dma_start3A_65] : memref<10x80x32xf32, #tpu.memory_space<vmem>> -> memref<1x80x32xf32, #tpu.memory_space<vmem>>
    %dma_start3A_67 = tpu.memref_squeeze %dma_start3A_66 : memref<1x80x32xf32, #tpu.memory_space<vmem>> -> memref<80x32xf32, #tpu.memory_space<vmem>>
    %dma_start3A_68 = arith.constant 0 : i32
    %dma_start3A_69 = tpu.memref_slice %arg6[%dma_start3A_61, %dma_start3A_68] : memref<125x80xi32, #tpu.memory_space<vmem>> -> memref<1x80xi32, #tpu.memory_space<vmem>>
    %dma_start3A_70 = tpu.memref_squeeze %dma_start3A_69 : memref<1x80xi32, #tpu.memory_space<vmem>> -> memref<80xi32, #tpu.memory_space<vmem>>
    %dma_start3A_71 = arith.constant 0 : i32
    %dma_start3A_72 = arith.constant 0 : i32
    %dma_start3A_73 = tpu.memref_slice %arg2[%dma_start3A_71, %dma_start3A_72] : memref<10000x32xf32, #tpu.memory_space<hbm>> -> memref<10000x32xf32, #tpu.memory_space<hbm>>
    %dma_start3A_74 = tpu.memref_slice %arg10[%dma_start3A_63] : memref<10x!tpu.dma_semaphore, #tpu.memory_space<semaphore_mem>> -> memref<1x!tpu.dma_semaphore, #tpu.memory_space<semaphore_mem>>
    %dma_start3A_75 = tpu.memref_squeeze %dma_start3A_74 : memref<1x!tpu.dma_semaphore, #tpu.memory_space<semaphore_mem>> -> memref<!tpu.dma_semaphore, #tpu.memory_space<semaphore_mem>>
    tpu.enqueue_indirect_dma source(%dma_start3A_73 : memref<10000x32xf32, #tpu.memory_space<hbm>>) target(%dma_start3A_67 : memref<80x32xf32, #tpu.memory_space<vmem>>) offsets(%dma_start3A_70 : memref<80xi32, #tpu.memory_space<vmem>>) semaphore(%dma_start3A_75 : memref<!tpu.dma_semaphore, #tpu.memory_space<semaphore_mem>>)
    %mul3A_76 = arith.constant 624 : i32
    %mul3A_77 = arith.muli %arg1, %mul3A_76 : i32
    "tpu.region"() ({
      %run_scoped3A_390 = tpu.sem_alloc : memref<!tpu.dma_semaphore, #tpu.memory_space<semaphore_mem>>
      %dma_start3A_391 = arith.constant 0 : i32
      %dma_start3A_392 = tpu.memref_slice %arg9[%mul3A_77, %dma_start3A_391] : memref<10000x32xf32, #tpu.memory_space<vmem_shared>> -> memref<624x32xf32, #tpu.memory_space<vmem_shared>>
      tpu.enqueue_dma source(%arg4 : memref<624x32xf32, #tpu.memory_space<hbm>>) target(%dma_start3A_392 : memref<624x32xf32, #tpu.memory_space<vmem_shared>>) target_semaphore(%run_scoped3A_390 : memref<!tpu.dma_semaphore, #tpu.memory_space<semaphore_mem>>)
      %dma_wait3A_393 = arith.constant 0 : i32
      %dma_wait3A_394 = tpu.memref_slice %arg9[%mul3A_77, %dma_wait3A_393] : memref<10000x32xf32, #tpu.memory_space<vmem_shared>> -> memref<624x32xf32, #tpu.memory_space<vmem_shared>>
      tpu.wait_dma2 semaphore(%run_scoped3A_390 : memref<!tpu.dma_semaphore, #tpu.memory_space<semaphore_mem>>) src(%arg4 : memref<624x32xf32, #tpu.memory_space<hbm>>) dst(%dma_wait3A_394 : memref<624x32xf32, #tpu.memory_space<vmem_shared>>)
      tpu.yield
    }) : () -> ()
    %eq3A = arith.constant 15 : i32
    %eq3A_78 = arith.cmpi eq, %arg1, %eq3A : i32
    %convert_element_type3A = arith.extui %eq3A_78 : i1 to i32
    %cond3A = arith.constant 0 : i32
    %cond3A_79 = arith.cmpi ne, %convert_element_type3A, %cond3A : i32
    scf.if %cond3A_79 {
      "tpu.region"() ({
        %run_scoped3A_390 = tpu.sem_alloc : memref<!tpu.dma_semaphore, #tpu.memory_space<semaphore_mem>>
        %dma_start3A_391 = arith.constant 9984 : i32
        %dma_start3A_392 = arith.constant 0 : i32
        %dma_start3A_393 = tpu.memref_slice %arg9[%dma_start3A_391, %dma_start3A_392] : memref<10000x32xf32, #tpu.memory_space<vmem_shared>> -> memref<16x32xf32, #tpu.memory_space<vmem_shared>>
        %dma_start3A_394 = arith.constant 0 : i32
        %dma_start3A_395 = arith.constant 0 : i32
        %dma_start3A_396 = tpu.memref_slice %arg4[%dma_start3A_394, %dma_start3A_395] : memref<624x32xf32, #tpu.memory_space<hbm>> -> memref<16x32xf32, #tpu.memory_space<hbm>>
        tpu.enqueue_dma source(%dma_start3A_396 : memref<16x32xf32, #tpu.memory_space<hbm>>) target(%dma_start3A_393 : memref<16x32xf32, #tpu.memory_space<vmem_shared>>) target_semaphore(%run_scoped3A_390 : memref<!tpu.dma_semaphore, #tpu.memory_space<semaphore_mem>>)
        %dma_wait3A_397 = arith.constant 9984 : i32
        %dma_wait3A_398 = arith.constant 0 : i32
        %dma_wait3A_399 = tpu.memref_slice %arg9[%dma_wait3A_397, %dma_wait3A_398] : memref<10000x32xf32, #tpu.memory_space<vmem_shared>> -> memref<16x32xf32, #tpu.memory_space<vmem_shared>>
        %dma_wait3A_400 = arith.constant 0 : i32
        %dma_wait3A_401 = arith.constant 0 : i32
        %dma_wait3A_402 = tpu.memref_slice %arg4[%dma_wait3A_400, %dma_wait3A_401] : memref<624x32xf32, #tpu.memory_space<hbm>> -> memref<16x32xf32, #tpu.memory_space<hbm>>
        tpu.wait_dma2 semaphore(%run_scoped3A_390 : memref<!tpu.dma_semaphore, #tpu.memory_space<semaphore_mem>>) src(%dma_wait3A_402 : memref<16x32xf32, #tpu.memory_space<hbm>>) dst(%dma_wait3A_399 : memref<16x32xf32, #tpu.memory_space<vmem_shared>>)
        tpu.yield
      }) : () -> ()
    } else {
    }
    %barrier3A = arith.constant 0 : index
    tpu.barrier barrier_id(%barrier3A)
    %scan3A = arith.constant 0 : i32
    %scan3A_80 = arith.constant 0 : i32
    %scan3A_81 = arith.constant 12 : i32
    %scan3A_82 = arith.addi %scan3A_80, %scan3A_81 : i32
    %scan3A_83 = arith.constant 1 : i32
    scf.for %scan3A_390 = %scan3A_80 to %scan3A_82 step %scan3A_83  : i32 {
      %mul3A_391 = arith.constant 10 : i32
      %mul3A_392 = arith.muli %scan3A_390, %mul3A_391 : i32
      %add3A_393 = arith.constant 0 : i32
      %add3A_394 = arith.addi %mul3A_392, %add3A_393 : i32
      %ge3A = arith.constant 1 : i32
      %ge3A_395 = arith.cmpi sge, %scan3A_390, %ge3A : i32
      %convert_element_type3A_396 = arith.extui %ge3A_395 : i1 to i32
      %cond3A_397 = arith.constant 0 : i32
      %cond3A_398 = arith.cmpi ne, %convert_element_type3A_396, %cond3A_397 : i32
      scf.if %cond3A_398 {
        %sub3A_956 = arith.constant 5 : i32
        %sub3A_957 = arith.subi %add3A_394, %sub3A_956 : i32
        %dma_wait3A_958 = arith.constant 5 : i32
        %dma_wait3A_959 = arith.constant 5 : i32
        %dma_wait3A_960 = arith.constant 0 : i32
        %dma_wait3A_961 = arith.constant 0 : i32
        %dma_wait3A_962 = tpu.memref_slice %arg8[%dma_wait3A_958, %dma_wait3A_960, %dma_wait3A_961] : memref<10x80x32xf32, #tpu.memory_space<vmem>> -> memref<1x80x32xf32, #tpu.memory_space<vmem>>
        %dma_wait3A_963 = tpu.memref_squeeze %dma_wait3A_962 : memref<1x80x32xf32, #tpu.memory_space<vmem>> -> memref<80x32xf32, #tpu.memory_space<vmem>>
        %dma_wait3A_964 = arith.constant 0 : i32
        %dma_wait3A_965 = tpu.memref_slice %arg7[%sub3A_957, %dma_wait3A_964] : memref<125x80xi32, #tpu.memory_space<vmem>> -> memref<1x80xi32, #tpu.memory_space<vmem>>
        %dma_wait3A_966 = tpu.memref_squeeze %dma_wait3A_965 : memref<1x80xi32, #tpu.memory_space<vmem>> -> memref<80xi32, #tpu.memory_space<vmem>>
        %dma_wait3A_967 = arith.constant 0 : i32
        %dma_wait3A_968 = arith.constant 0 : i32
        %dma_wait3A_969 = tpu.memref_slice %arg9[%dma_wait3A_967, %dma_wait3A_968] : memref<10000x32xf32, #tpu.memory_space<vmem_shared>> -> memref<10000x32xf32, #tpu.memory_space<vmem_shared>>
        %dma_wait3A_970 = tpu.memref_slice %arg11[%dma_wait3A_959] : memref<10x!tpu.dma_semaphore, #tpu.memory_space<semaphore_mem>> -> memref<1x!tpu.dma_semaphore, #tpu.memory_space<semaphore_mem>>
        %dma_wait3A_971 = tpu.memref_squeeze %dma_wait3A_970 : memref<1x!tpu.dma_semaphore, #tpu.memory_space<semaphore_mem>> -> memref<!tpu.dma_semaphore, #tpu.memory_space<semaphore_mem>>
        tpu.wait_indirect_dma semaphore(%dma_wait3A_971 : memref<!tpu.dma_semaphore, #tpu.memory_space<semaphore_mem>>) src(%dma_wait3A_963 : memref<80x32xf32, #tpu.memory_space<vmem>>) dst(%dma_wait3A_969 : memref<10000x32xf32, #tpu.memory_space<vmem_shared>>)
      } else {
      }
      %add3A_399 = arith.constant 5 : i32
      %add3A_400 = arith.addi %add3A_394, %add3A_399 : i32
      %dma_start3A_401 = arith.constant 5 : i32
      %dma_start3A_402 = arith.constant 5 : i32
      %dma_start3A_403 = arith.constant 0 : i32
      %dma_start3A_404 = arith.constant 0 : i32
      %dma_start3A_405 = tpu.memref_slice %arg8[%dma_start3A_401, %dma_start3A_403, %dma_start3A_404] : memref<10x80x32xf32, #tpu.memory_space<vmem>> -> memref<1x80x32xf32, #tpu.memory_space<vmem>>
      %dma_start3A_406 = tpu.memref_squeeze %dma_start3A_405 : memref<1x80x32xf32, #tpu.memory_space<vmem>> -> memref<80x32xf32, #tpu.memory_space<vmem>>
      %dma_start3A_407 = arith.constant 0 : i32
      %dma_start3A_408 = tpu.memref_slice %arg6[%add3A_400, %dma_start3A_407] : memref<125x80xi32, #tpu.memory_space<vmem>> -> memref<1x80xi32, #tpu.memory_space<vmem>>
      %dma_start3A_409 = tpu.memref_squeeze %dma_start3A_408 : memref<1x80xi32, #tpu.memory_space<vmem>> -> memref<80xi32, #tpu.memory_space<vmem>>
      %dma_start3A_410 = arith.constant 0 : i32
      %dma_start3A_411 = arith.constant 0 : i32
      %dma_start3A_412 = tpu.memref_slice %arg2[%dma_start3A_410, %dma_start3A_411] : memref<10000x32xf32, #tpu.memory_space<hbm>> -> memref<10000x32xf32, #tpu.memory_space<hbm>>
      %dma_start3A_413 = tpu.memref_slice %arg10[%dma_start3A_402] : memref<10x!tpu.dma_semaphore, #tpu.memory_space<semaphore_mem>> -> memref<1x!tpu.dma_semaphore, #tpu.memory_space<semaphore_mem>>
      %dma_start3A_414 = tpu.memref_squeeze %dma_start3A_413 : memref<1x!tpu.dma_semaphore, #tpu.memory_space<semaphore_mem>> -> memref<!tpu.dma_semaphore, #tpu.memory_space<semaphore_mem>>
      tpu.enqueue_indirect_dma source(%dma_start3A_412 : memref<10000x32xf32, #tpu.memory_space<hbm>>) target(%dma_start3A_406 : memref<80x32xf32, #tpu.memory_space<vmem>>) offsets(%dma_start3A_409 : memref<80xi32, #tpu.memory_space<vmem>>) semaphore(%dma_start3A_414 : memref<!tpu.dma_semaphore, #tpu.memory_space<semaphore_mem>>)
      %dma_wait3A_415 = arith.constant 0 : i32
      %dma_wait3A_416 = arith.constant 0 : i32
      %dma_wait3A_417 = arith.constant 0 : i32
      %dma_wait3A_418 = arith.constant 0 : i32
      %dma_wait3A_419 = tpu.memref_slice %arg8[%dma_wait3A_415, %dma_wait3A_417, %dma_wait3A_418] : memref<10x80x32xf32, #tpu.memory_space<vmem>> -> memref<1x80x32xf32, #tpu.memory_space<vmem>>
      %dma_wait3A_420 = tpu.memref_squeeze %dma_wait3A_419 : memref<1x80x32xf32, #tpu.memory_space<vmem>> -> memref<80x32xf32, #tpu.memory_space<vmem>>
      %dma_wait3A_421 = arith.constant 0 : i32
      %dma_wait3A_422 = tpu.memref_slice %arg6[%add3A_394, %dma_wait3A_421] : memref<125x80xi32, #tpu.memory_space<vmem>> -> memref<1x80xi32, #tpu.memory_space<vmem>>
      %dma_wait3A_423 = tpu.memref_squeeze %dma_wait3A_422 : memref<1x80xi32, #tpu.memory_space<vmem>> -> memref<80xi32, #tpu.memory_space<vmem>>
      %dma_wait3A_424 = arith.constant 0 : i32
      %dma_wait3A_425 = arith.constant 0 : i32
      %dma_wait3A_426 = tpu.memref_slice %arg2[%dma_wait3A_424, %dma_wait3A_425] : memref<10000x32xf32, #tpu.memory_space<hbm>> -> memref<10000x32xf32, #tpu.memory_space<hbm>>
      %dma_wait3A_427 = tpu.memref_slice %arg10[%dma_wait3A_416] : memref<10x!tpu.dma_semaphore, #tpu.memory_space<semaphore_mem>> -> memref<1x!tpu.dma_semaphore, #tpu.memory_space<semaphore_mem>>
      %dma_wait3A_428 = tpu.memref_squeeze %dma_wait3A_427 : memref<1x!tpu.dma_semaphore, #tpu.memory_space<semaphore_mem>> -> memref<!tpu.dma_semaphore, #tpu.memory_space<semaphore_mem>>
      tpu.wait_indirect_dma semaphore(%dma_wait3A_428 : memref<!tpu.dma_semaphore, #tpu.memory_space<semaphore_mem>>) src(%dma_wait3A_426 : memref<10000x32xf32, #tpu.memory_space<hbm>>) dst(%dma_wait3A_420 : memref<80x32xf32, #tpu.memory_space<vmem>>)
      %dma_start3A_429 = arith.constant 0 : i32
      %dma_start3A_430 = arith.constant 0 : i32
      %dma_start3A_431 = arith.constant 0 : i32
      %dma_start3A_432 = arith.constant 0 : i32
      %dma_start3A_433 = tpu.memref_slice %arg8[%dma_start3A_429, %dma_start3A_431, %dma_start3A_432] : memref<10x80x32xf32, #tpu.memory_space<vmem>> -> memref<1x80x32xf32, #tpu.memory_space<vmem>>
      %dma_start3A_434 = tpu.memref_squeeze %dma_start3A_433 : memref<1x80x32xf32, #tpu.memory_space<vmem>> -> memref<80x32xf32, #tpu.memory_space<vmem>>
      %dma_start3A_435 = arith.constant 0 : i32
      %dma_start3A_436 = tpu.memref_slice %arg7[%add3A_394, %dma_start3A_435] : memref<125x80xi32, #tpu.memory_space<vmem>> -> memref<1x80xi32, #tpu.memory_space<vmem>>
      %dma_start3A_437 = tpu.memref_squeeze %dma_start3A_436 : memref<1x80xi32, #tpu.memory_space<vmem>> -> memref<80xi32, #tpu.memory_space<vmem>>
      %dma_start3A_438 = arith.constant 0 : i32
      %dma_start3A_439 = arith.constant 0 : i32
      %dma_start3A_440 = tpu.memref_slice %arg9[%dma_start3A_438, %dma_start3A_439] : memref<10000x32xf32, #tpu.memory_space<vmem_shared>> -> memref<10000x32xf32, #tpu.memory_space<vmem_shared>>
      %dma_start3A_441 = tpu.memref_slice %arg11[%dma_start3A_430] : memref<10x!tpu.dma_semaphore, #tpu.memory_space<semaphore_mem>> -> memref<1x!tpu.dma_semaphore, #tpu.memory_space<semaphore_mem>>
      %dma_start3A_442 = tpu.memref_squeeze %dma_start3A_441 : memref<1x!tpu.dma_semaphore, #tpu.memory_space<semaphore_mem>> -> memref<!tpu.dma_semaphore, #tpu.memory_space<semaphore_mem>>
      tpu.enqueue_indirect_dma source(%dma_start3A_434 : memref<80x32xf32, #tpu.memory_space<vmem>>) target(%dma_start3A_440 : memref<10000x32xf32, #tpu.memory_space<vmem_shared>>) offsets(%dma_start3A_437 : memref<80xi32, #tpu.memory_space<vmem>>) semaphore(%dma_start3A_442 : memref<!tpu.dma_semaphore, #tpu.memory_space<semaphore_mem>>) {add = true}
      %add3A_443 = arith.constant 1 : i32
      %add3A_444 = arith.addi %mul3A_392, %add3A_443 : i32
      %ge3A_445 = arith.constant 1 : i32
      %ge3A_446 = arith.cmpi sge, %scan3A_390, %ge3A_445 : i32
      %convert_element_type3A_447 = arith.extui %ge3A_446 : i1 to i32
      %cond3A_448 = arith.constant 0 : i32
      %cond3A_449 = arith.cmpi ne, %convert_element_type3A_447, %cond3A_448 : i32
      scf.if %cond3A_449 {
        %sub3A_956 = arith.constant 5 : i32
        %sub3A_957 = arith.subi %add3A_444, %sub3A_956 : i32
        %dma_wait3A_958 = arith.constant 6 : i32
        %dma_wait3A_959 = arith.constant 6 : i32
        %dma_wait3A_960 = arith.constant 0 : i32
        %dma_wait3A_961 = arith.constant 0 : i32
        %dma_wait3A_962 = tpu.memref_slice %arg8[%dma_wait3A_958, %dma_wait3A_960, %dma_wait3A_961] : memref<10x80x32xf32, #tpu.memory_space<vmem>> -> memref<1x80x32xf32, #tpu.memory_space<vmem>>
        %dma_wait3A_963 = tpu.memref_squeeze %dma_wait3A_962 : memref<1x80x32xf32, #tpu.memory_space<vmem>> -> memref<80x32xf32, #tpu.memory_space<vmem>>
        %dma_wait3A_964 = arith.constant 0 : i32
        %dma_wait3A_965 = tpu.memref_slice %arg7[%sub3A_957, %dma_wait3A_964] : memref<125x80xi32, #tpu.memory_space<vmem>> -> memref<1x80xi32, #tpu.memory_space<vmem>>
        %dma_wait3A_966 = tpu.memref_squeeze %dma_wait3A_965 : memref<1x80xi32, #tpu.memory_space<vmem>> -> memref<80xi32, #tpu.memory_space<vmem>>
        %dma_wait3A_967 = arith.constant 0 : i32
        %dma_wait3A_968 = arith.constant 0 : i32
        %dma_wait3A_969 = tpu.memref_slice %arg9[%dma_wait3A_967, %dma_wait3A_968] : memref<10000x32xf32, #tpu.memory_space<vmem_shared>> -> memref<10000x32xf32, #tpu.memory_space<vmem_shared>>
        %dma_wait3A_970 = tpu.memref_slice %arg11[%dma_wait3A_959] : memref<10x!tpu.dma_semaphore, #tpu.memory_space<semaphore_mem>> -> memref<1x!tpu.dma_semaphore, #tpu.memory_space<semaphore_mem>>
        %dma_wait3A_971 = tpu.memref_squeeze %dma_wait3A_970 : memref<1x!tpu.dma_semaphore, #tpu.memory_space<semaphore_mem>> -> memref<!tpu.dma_semaphore, #tpu.memory_space<semaphore_mem>>
        tpu.wait_indirect_dma semaphore(%dma_wait3A_971 : memref<!tpu.dma_semaphore, #tpu.memory_space<semaphore_mem>>) src(%dma_wait3A_963 : memref<80x32xf32, #tpu.memory_space<vmem>>) dst(%dma_wait3A_969 : memref<10000x32xf32, #tpu.memory_space<vmem_shared>>)
      } else {
      }
      %add3A_450 = arith.constant 5 : i32
      %add3A_451 = arith.addi %add3A_444, %add3A_450 : i32
      %dma_start3A_452 = arith.constant 6 : i32
      %dma_start3A_453 = arith.constant 6 : i32
      %dma_start3A_454 = arith.constant 0 : i32
      %dma_start3A_455 = arith.constant 0 : i32
      %dma_start3A_456 = tpu.memref_slice %arg8[%dma_start3A_452, %dma_start3A_454, %dma_start3A_455] : memref<10x80x32xf32, #tpu.memory_space<vmem>> -> memref<1x80x32xf32, #tpu.memory_space<vmem>>
      %dma_start3A_457 = tpu.memref_squeeze %dma_start3A_456 : memref<1x80x32xf32, #tpu.memory_space<vmem>> -> memref<80x32xf32, #tpu.memory_space<vmem>>
      %dma_start3A_458 = arith.constant 0 : i32
      %dma_start3A_459 = tpu.memref_slice %arg6[%add3A_451, %dma_start3A_458] : memref<125x80xi32, #tpu.memory_space<vmem>> -> memref<1x80xi32, #tpu.memory_space<vmem>>
      %dma_start3A_460 = tpu.memref_squeeze %dma_start3A_459 : memref<1x80xi32, #tpu.memory_space<vmem>> -> memref<80xi32, #tpu.memory_space<vmem>>
      %dma_start3A_461 = arith.constant 0 : i32
      %dma_start3A_462 = arith.constant 0 : i32
      %dma_start3A_463 = tpu.memref_slice %arg2[%dma_start3A_461, %dma_start3A_462] : memref<10000x32xf32, #tpu.memory_space<hbm>> -> memref<10000x32xf32, #tpu.memory_space<hbm>>
      %dma_start3A_464 = tpu.memref_slice %arg10[%dma_start3A_453] : memref<10x!tpu.dma_semaphore, #tpu.memory_space<semaphore_mem>> -> memref<1x!tpu.dma_semaphore, #tpu.memory_space<semaphore_mem>>
      %dma_start3A_465 = tpu.memref_squeeze %dma_start3A_464 : memref<1x!tpu.dma_semaphore, #tpu.memory_space<semaphore_mem>> -> memref<!tpu.dma_semaphore, #tpu.memory_space<semaphore_mem>>
      tpu.enqueue_indirect_dma source(%dma_start3A_463 : memref<10000x32xf32, #tpu.memory_space<hbm>>) target(%dma_start3A_457 : memref<80x32xf32, #tpu.memory_space<vmem>>) offsets(%dma_start3A_460 : memref<80xi32, #tpu.memory_space<vmem>>) semaphore(%dma_start3A_465 : memref<!tpu.dma_semaphore, #tpu.memory_space<semaphore_mem>>)
      %dma_wait3A_466 = arith.constant 1 : i32
      %dma_wait3A_467 = arith.constant 1 : i32
      %dma_wait3A_468 = arith.constant 0 : i32
      %dma_wait3A_469 = arith.constant 0 : i32
      %dma_wait3A_470 = tpu.memref_slice %arg8[%dma_wait3A_466, %dma_wait3A_468, %dma_wait3A_469] : memref<10x80x32xf32, #tpu.memory_space<vmem>> -> memref<1x80x32xf32, #tpu.memory_space<vmem>>
      %dma_wait3A_471 = tpu.memref_squeeze %dma_wait3A_470 : memref<1x80x32xf32, #tpu.memory_space<vmem>> -> memref<80x32xf32, #tpu.memory_space<vmem>>
      %dma_wait3A_472 = arith.constant 0 : i32
      %dma_wait3A_473 = tpu.memref_slice %arg6[%add3A_444, %dma_wait3A_472] : memref<125x80xi32, #tpu.memory_space<vmem>> -> memref<1x80xi32, #tpu.memory_space<vmem>>
      %dma_wait3A_474 = tpu.memref_squeeze %dma_wait3A_473 : memref<1x80xi32, #tpu.memory_space<vmem>> -> memref<80xi32, #tpu.memory_space<vmem>>
      %dma_wait3A_475 = arith.constant 0 : i32
      %dma_wait3A_476 = arith.constant 0 : i32
      %dma_wait3A_477 = tpu.memref_slice %arg2[%dma_wait3A_475, %dma_wait3A_476] : memref<10000x32xf32, #tpu.memory_space<hbm>> -> memref<10000x32xf32, #tpu.memory_space<hbm>>
      %dma_wait3A_478 = tpu.memref_slice %arg10[%dma_wait3A_467] : memref<10x!tpu.dma_semaphore, #tpu.memory_space<semaphore_mem>> -> memref<1x!tpu.dma_semaphore, #tpu.memory_space<semaphore_mem>>
      %dma_wait3A_479 = tpu.memref_squeeze %dma_wait3A_478 : memref<1x!tpu.dma_semaphore, #tpu.memory_space<semaphore_mem>> -> memref<!tpu.dma_semaphore, #tpu.memory_space<semaphore_mem>>
      tpu.wait_indirect_dma semaphore(%dma_wait3A_479 : memref<!tpu.dma_semaphore, #tpu.memory_space<semaphore_mem>>) src(%dma_wait3A_477 : memref<10000x32xf32, #tpu.memory_space<hbm>>) dst(%dma_wait3A_471 : memref<80x32xf32, #tpu.memory_space<vmem>>)
      %dma_start3A_480 = arith.constant 1 : i32
      %dma_start3A_481 = arith.constant 1 : i32
      %dma_start3A_482 = arith.constant 0 : i32
      %dma_start3A_483 = arith.constant 0 : i32
      %dma_start3A_484 = tpu.memref_slice %arg8[%dma_start3A_480, %dma_start3A_482, %dma_start3A_483] : memref<10x80x32xf32, #tpu.memory_space<vmem>> -> memref<1x80x32xf32, #tpu.memory_space<vmem>>
      %dma_start3A_485 = tpu.memref_squeeze %dma_start3A_484 : memref<1x80x32xf32, #tpu.memory_space<vmem>> -> memref<80x32xf32, #tpu.memory_space<vmem>>
      %dma_start3A_486 = arith.constant 0 : i32
      %dma_start3A_487 = tpu.memref_slice %arg7[%add3A_444, %dma_start3A_486] : memref<125x80xi32, #tpu.memory_space<vmem>> -> memref<1x80xi32, #tpu.memory_space<vmem>>
      %dma_start3A_488 = tpu.memref_squeeze %dma_start3A_487 : memref<1x80xi32, #tpu.memory_space<vmem>> -> memref<80xi32, #tpu.memory_space<vmem>>
      %dma_start3A_489 = arith.constant 0 : i32
      %dma_start3A_490 = arith.constant 0 : i32
      %dma_start3A_491 = tpu.memref_slice %arg9[%dma_start3A_489, %dma_start3A_490] : memref<10000x32xf32, #tpu.memory_space<vmem_shared>> -> memref<10000x32xf32, #tpu.memory_space<vmem_shared>>
      %dma_start3A_492 = tpu.memref_slice %arg11[%dma_start3A_481] : memref<10x!tpu.dma_semaphore, #tpu.memory_space<semaphore_mem>> -> memref<1x!tpu.dma_semaphore, #tpu.memory_space<semaphore_mem>>
      %dma_start3A_493 = tpu.memref_squeeze %dma_start3A_492 : memref<1x!tpu.dma_semaphore, #tpu.memory_space<semaphore_mem>> -> memref<!tpu.dma_semaphore, #tpu.memory_space<semaphore_mem>>
      tpu.enqueue_indirect_dma source(%dma_start3A_485 : memref<80x32xf32, #tpu.memory_space<vmem>>) target(%dma_start3A_491 : memref<10000x32xf32, #tpu.memory_space<vmem_shared>>) offsets(%dma_start3A_488 : memref<80xi32, #tpu.memory_space<vmem>>) semaphore(%dma_start3A_493 : memref<!tpu.dma_semaphore, #tpu.memory_space<semaphore_mem>>) {add = true}
      %add3A_494 = arith.constant 2 : i32
      %add3A_495 = arith.addi %mul3A_392, %add3A_494 : i32
      %ge3A_496 = arith.constant 1 : i32
      %ge3A_497 = arith.cmpi sge, %scan3A_390, %ge3A_496 : i32
      %convert_element_type3A_498 = arith.extui %ge3A_497 : i1 to i32
      %cond3A_499 = arith.constant 0 : i32
      %cond3A_500 = arith.cmpi ne, %convert_element_type3A_498, %cond3A_499 : i32
      scf.if %cond3A_500 {
        %sub3A_956 = arith.constant 5 : i32
        %sub3A_957 = arith.subi %add3A_495, %sub3A_956 : i32
        %dma_wait3A_958 = arith.constant 7 : i32
        %dma_wait3A_959 = arith.constant 7 : i32
        %dma_wait3A_960 = arith.constant 0 : i32
        %dma_wait3A_961 = arith.constant 0 : i32
        %dma_wait3A_962 = tpu.memref_slice %arg8[%dma_wait3A_958, %dma_wait3A_960, %dma_wait3A_961] : memref<10x80x32xf32, #tpu.memory_space<vmem>> -> memref<1x80x32xf32, #tpu.memory_space<vmem>>
        %dma_wait3A_963 = tpu.memref_squeeze %dma_wait3A_962 : memref<1x80x32xf32, #tpu.memory_space<vmem>> -> memref<80x32xf32, #tpu.memory_space<vmem>>
        %dma_wait3A_964 = arith.constant 0 : i32
        %dma_wait3A_965 = tpu.memref_slice %arg7[%sub3A_957, %dma_wait3A_964] : memref<125x80xi32, #tpu.memory_space<vmem>> -> memref<1x80xi32, #tpu.memory_space<vmem>>
        %dma_wait3A_966 = tpu.memref_squeeze %dma_wait3A_965 : memref<1x80xi32, #tpu.memory_space<vmem>> -> memref<80xi32, #tpu.memory_space<vmem>>
        %dma_wait3A_967 = arith.constant 0 : i32
        %dma_wait3A_968 = arith.constant 0 : i32
        %dma_wait3A_969 = tpu.memref_slice %arg9[%dma_wait3A_967, %dma_wait3A_968] : memref<10000x32xf32, #tpu.memory_space<vmem_shared>> -> memref<10000x32xf32, #tpu.memory_space<vmem_shared>>
        %dma_wait3A_970 = tpu.memref_slice %arg11[%dma_wait3A_959] : memref<10x!tpu.dma_semaphore, #tpu.memory_space<semaphore_mem>> -> memref<1x!tpu.dma_semaphore, #tpu.memory_space<semaphore_mem>>
        %dma_wait3A_971 = tpu.memref_squeeze %dma_wait3A_970 : memref<1x!tpu.dma_semaphore, #tpu.memory_space<semaphore_mem>> -> memref<!tpu.dma_semaphore, #tpu.memory_space<semaphore_mem>>
        tpu.wait_indirect_dma semaphore(%dma_wait3A_971 : memref<!tpu.dma_semaphore, #tpu.memory_space<semaphore_mem>>) src(%dma_wait3A_963 : memref<80x32xf32, #tpu.memory_space<vmem>>) dst(%dma_wait3A_969 : memref<10000x32xf32, #tpu.memory_space<vmem_shared>>)
      } else {
      }
      %add3A_501 = arith.constant 5 : i32
      %add3A_502 = arith.addi %add3A_495, %add3A_501 : i32
      %dma_start3A_503 = arith.constant 7 : i32
      %dma_start3A_504 = arith.constant 7 : i32
      %dma_start3A_505 = arith.constant 0 : i32
      %dma_start3A_506 = arith.constant 0 : i32
      %dma_start3A_507 = tpu.memref_slice %arg8[%dma_start3A_503, %dma_start3A_505, %dma_start3A_506] : memref<10x80x32xf32, #tpu.memory_space<vmem>> -> memref<1x80x32xf32, #tpu.memory_space<vmem>>
      %dma_start3A_508 = tpu.memref_squeeze %dma_start3A_507 : memref<1x80x32xf32, #tpu.memory_space<vmem>> -> memref<80x32xf32, #tpu.memory_space<vmem>>
      %dma_start3A_509 = arith.constant 0 : i32
      %dma_start3A_510 = tpu.memref_slice %arg6[%add3A_502, %dma_start3A_509] : memref<125x80xi32, #tpu.memory_space<vmem>> -> memref<1x80xi32, #tpu.memory_space<vmem>>
      %dma_start3A_511 = tpu.memref_squeeze %dma_start3A_510 : memref<1x80xi32, #tpu.memory_space<vmem>> -> memref<80xi32, #tpu.memory_space<vmem>>
      %dma_start3A_512 = arith.constant 0 : i32
      %dma_start3A_513 = arith.constant 0 : i32
      %dma_start3A_514 = tpu.memref_slice %arg2[%dma_start3A_512, %dma_start3A_513] : memref<10000x32xf32, #tpu.memory_space<hbm>> -> memref<10000x32xf32, #tpu.memory_space<hbm>>
      %dma_start3A_515 = tpu.memref_slice %arg10[%dma_start3A_504] : memref<10x!tpu.dma_semaphore, #tpu.memory_space<semaphore_mem>> -> memref<1x!tpu.dma_semaphore, #tpu.memory_space<semaphore_mem>>
      %dma_start3A_516 = tpu.memref_squeeze %dma_start3A_515 : memref<1x!tpu.dma_semaphore, #tpu.memory_space<semaphore_mem>> -> memref<!tpu.dma_semaphore, #tpu.memory_space<semaphore_mem>>
      tpu.enqueue_indirect_dma source(%dma_start3A_514 : memref<10000x32xf32, #tpu.memory_space<hbm>>) target(%dma_start3A_508 : memref<80x32xf32, #tpu.memory_space<vmem>>) offsets(%dma_start3A_511 : memref<80xi32, #tpu.memory_space<vmem>>) semaphore(%dma_start3A_516 : memref<!tpu.dma_semaphore, #tpu.memory_space<semaphore_mem>>)
      %dma_wait3A_517 = arith.constant 2 : i32
      %dma_wait3A_518 = arith.constant 2 : i32
      %dma_wait3A_519 = arith.constant 0 : i32
      %dma_wait3A_520 = arith.constant 0 : i32
      %dma_wait3A_521 = tpu.memref_slice %arg8[%dma_wait3A_517, %dma_wait3A_519, %dma_wait3A_520] : memref<10x80x32xf32, #tpu.memory_space<vmem>> -> memref<1x80x32xf32, #tpu.memory_space<vmem>>
      %dma_wait3A_522 = tpu.memref_squeeze %dma_wait3A_521 : memref<1x80x32xf32, #tpu.memory_space<vmem>> -> memref<80x32xf32, #tpu.memory_space<vmem>>
      %dma_wait3A_523 = arith.constant 0 : i32
      %dma_wait3A_524 = tpu.memref_slice %arg6[%add3A_495, %dma_wait3A_523] : memref<125x80xi32, #tpu.memory_space<vmem>> -> memref<1x80xi32, #tpu.memory_space<vmem>>
      %dma_wait3A_525 = tpu.memref_squeeze %dma_wait3A_524 : memref<1x80xi32, #tpu.memory_space<vmem>> -> memref<80xi32, #tpu.memory_space<vmem>>
      %dma_wait3A_526 = arith.constant 0 : i32
      %dma_wait3A_527 = arith.constant 0 : i32
      %dma_wait3A_528 = tpu.memref_slice %arg2[%dma_wait3A_526, %dma_wait3A_527] : memref<10000x32xf32, #tpu.memory_space<hbm>> -> memref<10000x32xf32, #tpu.memory_space<hbm>>
      %dma_wait3A_529 = tpu.memref_slice %arg10[%dma_wait3A_518] : memref<10x!tpu.dma_semaphore, #tpu.memory_space<semaphore_mem>> -> memref<1x!tpu.dma_semaphore, #tpu.memory_space<semaphore_mem>>
      %dma_wait3A_530 = tpu.memref_squeeze %dma_wait3A_529 : memref<1x!tpu.dma_semaphore, #tpu.memory_space<semaphore_mem>> -> memref<!tpu.dma_semaphore, #tpu.memory_space<semaphore_mem>>
      tpu.wait_indirect_dma semaphore(%dma_wait3A_530 : memref<!tpu.dma_semaphore, #tpu.memory_space<semaphore_mem>>) src(%dma_wait3A_528 : memref<10000x32xf32, #tpu.memory_space<hbm>>) dst(%dma_wait3A_522 : memref<80x32xf32, #tpu.memory_space<vmem>>)
      %dma_start3A_531 = arith.constant 2 : i32
      %dma_start3A_532 = arith.constant 2 : i32
      %dma_start3A_533 = arith.constant 0 : i32
      %dma_start3A_534 = arith.constant 0 : i32
      %dma_start3A_535 = tpu.memref_slice %arg8[%dma_start3A_531, %dma_start3A_533, %dma_start3A_534] : memref<10x80x32xf32, #tpu.memory_space<vmem>> -> memref<1x80x32xf32, #tpu.memory_space<vmem>>
      %dma_start3A_536 = tpu.memref_squeeze %dma_start3A_535 : memref<1x80x32xf32, #tpu.memory_space<vmem>> -> memref<80x32xf32, #tpu.memory_space<vmem>>
      %dma_start3A_537 = arith.constant 0 : i32
      %dma_start3A_538 = tpu.memref_slice %arg7[%add3A_495, %dma_start3A_537] : memref<125x80xi32, #tpu.memory_space<vmem>> -> memref<1x80xi32, #tpu.memory_space<vmem>>
      %dma_start3A_539 = tpu.memref_squeeze %dma_start3A_538 : memref<1x80xi32, #tpu.memory_space<vmem>> -> memref<80xi32, #tpu.memory_space<vmem>>
      %dma_start3A_540 = arith.constant 0 : i32
      %dma_start3A_541 = arith.constant 0 : i32
      %dma_start3A_542 = tpu.memref_slice %arg9[%dma_start3A_540, %dma_start3A_541] : memref<10000x32xf32, #tpu.memory_space<vmem_shared>> -> memref<10000x32xf32, #tpu.memory_space<vmem_shared>>
      %dma_start3A_543 = tpu.memref_slice %arg11[%dma_start3A_532] : memref<10x!tpu.dma_semaphore, #tpu.memory_space<semaphore_mem>> -> memref<1x!tpu.dma_semaphore, #tpu.memory_space<semaphore_mem>>
      %dma_start3A_544 = tpu.memref_squeeze %dma_start3A_543 : memref<1x!tpu.dma_semaphore, #tpu.memory_space<semaphore_mem>> -> memref<!tpu.dma_semaphore, #tpu.memory_space<semaphore_mem>>
      tpu.enqueue_indirect_dma source(%dma_start3A_536 : memref<80x32xf32, #tpu.memory_space<vmem>>) target(%dma_start3A_542 : memref<10000x32xf32, #tpu.memory_space<vmem_shared>>) offsets(%dma_start3A_539 : memref<80xi32, #tpu.memory_space<vmem>>) semaphore(%dma_start3A_544 : memref<!tpu.dma_semaphore, #tpu.memory_space<semaphore_mem>>) {add = true}
      %add3A_545 = arith.constant 3 : i32
      %add3A_546 = arith.addi %mul3A_392, %add3A_545 : i32
      %ge3A_547 = arith.constant 1 : i32
      %ge3A_548 = arith.cmpi sge, %scan3A_390, %ge3A_547 : i32
      %convert_element_type3A_549 = arith.extui %ge3A_548 : i1 to i32
      %cond3A_550 = arith.constant 0 : i32
      %cond3A_551 = arith.cmpi ne, %convert_element_type3A_549, %cond3A_550 : i32
      scf.if %cond3A_551 {
        %sub3A_956 = arith.constant 5 : i32
        %sub3A_957 = arith.subi %add3A_546, %sub3A_956 : i32
        %dma_wait3A_958 = arith.constant 8 : i32
        %dma_wait3A_959 = arith.constant 8 : i32
        %dma_wait3A_960 = arith.constant 0 : i32
        %dma_wait3A_961 = arith.constant 0 : i32
        %dma_wait3A_962 = tpu.memref_slice %arg8[%dma_wait3A_958, %dma_wait3A_960, %dma_wait3A_961] : memref<10x80x32xf32, #tpu.memory_space<vmem>> -> memref<1x80x32xf32, #tpu.memory_space<vmem>>
        %dma_wait3A_963 = tpu.memref_squeeze %dma_wait3A_962 : memref<1x80x32xf32, #tpu.memory_space<vmem>> -> memref<80x32xf32, #tpu.memory_space<vmem>>
        %dma_wait3A_964 = arith.constant 0 : i32
        %dma_wait3A_965 = tpu.memref_slice %arg7[%sub3A_957, %dma_wait3A_964] : memref<125x80xi32, #tpu.memory_space<vmem>> -> memref<1x80xi32, #tpu.memory_space<vmem>>
        %dma_wait3A_966 = tpu.memref_squeeze %dma_wait3A_965 : memref<1x80xi32, #tpu.memory_space<vmem>> -> memref<80xi32, #tpu.memory_space<vmem>>
        %dma_wait3A_967 = arith.constant 0 : i32
        %dma_wait3A_968 = arith.constant 0 : i32
        %dma_wait3A_969 = tpu.memref_slice %arg9[%dma_wait3A_967, %dma_wait3A_968] : memref<10000x32xf32, #tpu.memory_space<vmem_shared>> -> memref<10000x32xf32, #tpu.memory_space<vmem_shared>>
        %dma_wait3A_970 = tpu.memref_slice %arg11[%dma_wait3A_959] : memref<10x!tpu.dma_semaphore, #tpu.memory_space<semaphore_mem>> -> memref<1x!tpu.dma_semaphore, #tpu.memory_space<semaphore_mem>>
        %dma_wait3A_971 = tpu.memref_squeeze %dma_wait3A_970 : memref<1x!tpu.dma_semaphore, #tpu.memory_space<semaphore_mem>> -> memref<!tpu.dma_semaphore, #tpu.memory_space<semaphore_mem>>
        tpu.wait_indirect_dma semaphore(%dma_wait3A_971 : memref<!tpu.dma_semaphore, #tpu.memory_space<semaphore_mem>>) src(%dma_wait3A_963 : memref<80x32xf32, #tpu.memory_space<vmem>>) dst(%dma_wait3A_969 : memref<10000x32xf32, #tpu.memory_space<vmem_shared>>)
      } else {
      }
      %add3A_552 = arith.constant 5 : i32
      %add3A_553 = arith.addi %add3A_546, %add3A_552 : i32
      %dma_start3A_554 = arith.constant 8 : i32
      %dma_start3A_555 = arith.constant 8 : i32
      %dma_start3A_556 = arith.constant 0 : i32
      %dma_start3A_557 = arith.constant 0 : i32
      %dma_start3A_558 = tpu.memref_slice %arg8[%dma_start3A_554, %dma_start3A_556, %dma_start3A_557] : memref<10x80x32xf32, #tpu.memory_space<vmem>> -> memref<1x80x32xf32, #tpu.memory_space<vmem>>
      %dma_start3A_559 = tpu.memref_squeeze %dma_start3A_558 : memref<1x80x32xf32, #tpu.memory_space<vmem>> -> memref<80x32xf32, #tpu.memory_space<vmem>>
      %dma_start3A_560 = arith.constant 0 : i32
      %dma_start3A_561 = tpu.memref_slice %arg6[%add3A_553, %dma_start3A_560] : memref<125x80xi32, #tpu.memory_space<vmem>> -> memref<1x80xi32, #tpu.memory_space<vmem>>
      %dma_start3A_562 = tpu.memref_squeeze %dma_start3A_561 : memref<1x80xi32, #tpu.memory_space<vmem>> -> memref<80xi32, #tpu.memory_space<vmem>>
      %dma_start3A_563 = arith.constant 0 : i32
      %dma_start3A_564 = arith.constant 0 : i32
      %dma_start3A_565 = tpu.memref_slice %arg2[%dma_start3A_563, %dma_start3A_564] : memref<10000x32xf32, #tpu.memory_space<hbm>> -> memref<10000x32xf32, #tpu.memory_space<hbm>>
      %dma_start3A_566 = tpu.memref_slice %arg10[%dma_start3A_555] : memref<10x!tpu.dma_semaphore, #tpu.memory_space<semaphore_mem>> -> memref<1x!tpu.dma_semaphore, #tpu.memory_space<semaphore_mem>>
      %dma_start3A_567 = tpu.memref_squeeze %dma_start3A_566 : memref<1x!tpu.dma_semaphore, #tpu.memory_space<semaphore_mem>> -> memref<!tpu.dma_semaphore, #tpu.memory_space<semaphore_mem>>
      tpu.enqueue_indirect_dma source(%dma_start3A_565 : memref<10000x32xf32, #tpu.memory_space<hbm>>) target(%dma_start3A_559 : memref<80x32xf32, #tpu.memory_space<vmem>>) offsets(%dma_start3A_562 : memref<80xi32, #tpu.memory_space<vmem>>) semaphore(%dma_start3A_567 : memref<!tpu.dma_semaphore, #tpu.memory_space<semaphore_mem>>)
      %dma_wait3A_568 = arith.constant 3 : i32
      %dma_wait3A_569 = arith.constant 3 : i32
      %dma_wait3A_570 = arith.constant 0 : i32
      %dma_wait3A_571 = arith.constant 0 : i32
      %dma_wait3A_572 = tpu.memref_slice %arg8[%dma_wait3A_568, %dma_wait3A_570, %dma_wait3A_571] : memref<10x80x32xf32, #tpu.memory_space<vmem>> -> memref<1x80x32xf32, #tpu.memory_space<vmem>>
      %dma_wait3A_573 = tpu.memref_squeeze %dma_wait3A_572 : memref<1x80x32xf32, #tpu.memory_space<vmem>> -> memref<80x32xf32, #tpu.memory_space<vmem>>
      %dma_wait3A_574 = arith.constant 0 : i32
      %dma_wait3A_575 = tpu.memref_slice %arg6[%add3A_546, %dma_wait3A_574] : memref<125x80xi32, #tpu.memory_space<vmem>> -> memref<1x80xi32, #tpu.memory_space<vmem>>
      %dma_wait3A_576 = tpu.memref_squeeze %dma_wait3A_575 : memref<1x80xi32, #tpu.memory_space<vmem>> -> memref<80xi32, #tpu.memory_space<vmem>>
      %dma_wait3A_577 = arith.constant 0 : i32
      %dma_wait3A_578 = arith.constant 0 : i32
      %dma_wait3A_579 = tpu.memref_slice %arg2[%dma_wait3A_577, %dma_wait3A_578] : memref<10000x32xf32, #tpu.memory_space<hbm>> -> memref<10000x32xf32, #tpu.memory_space<hbm>>
      %dma_wait3A_580 = tpu.memref_slice %arg10[%dma_wait3A_569] : memref<10x!tpu.dma_semaphore, #tpu.memory_space<semaphore_mem>> -> memref<1x!tpu.dma_semaphore, #tpu.memory_space<semaphore_mem>>
      %dma_wait3A_581 = tpu.memref_squeeze %dma_wait3A_580 : memref<1x!tpu.dma_semaphore, #tpu.memory_space<semaphore_mem>> -> memref<!tpu.dma_semaphore, #tpu.memory_space<semaphore_mem>>
      tpu.wait_indirect_dma semaphore(%dma_wait3A_581 : memref<!tpu.dma_semaphore, #tpu.memory_space<semaphore_mem>>) src(%dma_wait3A_579 : memref<10000x32xf32, #tpu.memory_space<hbm>>) dst(%dma_wait3A_573 : memref<80x32xf32, #tpu.memory_space<vmem>>)
      %dma_start3A_582 = arith.constant 3 : i32
      %dma_start3A_583 = arith.constant 3 : i32
      %dma_start3A_584 = arith.constant 0 : i32
      %dma_start3A_585 = arith.constant 0 : i32
      %dma_start3A_586 = tpu.memref_slice %arg8[%dma_start3A_582, %dma_start3A_584, %dma_start3A_585] : memref<10x80x32xf32, #tpu.memory_space<vmem>> -> memref<1x80x32xf32, #tpu.memory_space<vmem>>
      %dma_start3A_587 = tpu.memref_squeeze %dma_start3A_586 : memref<1x80x32xf32, #tpu.memory_space<vmem>> -> memref<80x32xf32, #tpu.memory_space<vmem>>
      %dma_start3A_588 = arith.constant 0 : i32
      %dma_start3A_589 = tpu.memref_slice %arg7[%add3A_546, %dma_start3A_588] : memref<125x80xi32, #tpu.memory_space<vmem>> -> memref<1x80xi32, #tpu.memory_space<vmem>>
      %dma_start3A_590 = tpu.memref_squeeze %dma_start3A_589 : memref<1x80xi32, #tpu.memory_space<vmem>> -> memref<80xi32, #tpu.memory_space<vmem>>
      %dma_start3A_591 = arith.constant 0 : i32
      %dma_start3A_592 = arith.constant 0 : i32
      %dma_start3A_593 = tpu.memref_slice %arg9[%dma_start3A_591, %dma_start3A_592] : memref<10000x32xf32, #tpu.memory_space<vmem_shared>> -> memref<10000x32xf32, #tpu.memory_space<vmem_shared>>
      %dma_start3A_594 = tpu.memref_slice %arg11[%dma_start3A_583] : memref<10x!tpu.dma_semaphore, #tpu.memory_space<semaphore_mem>> -> memref<1x!tpu.dma_semaphore, #tpu.memory_space<semaphore_mem>>
      %dma_start3A_595 = tpu.memref_squeeze %dma_start3A_594 : memref<1x!tpu.dma_semaphore, #tpu.memory_space<semaphore_mem>> -> memref<!tpu.dma_semaphore, #tpu.memory_space<semaphore_mem>>
      tpu.enqueue_indirect_dma source(%dma_start3A_587 : memref<80x32xf32, #tpu.memory_space<vmem>>) target(%dma_start3A_593 : memref<10000x32xf32, #tpu.memory_space<vmem_shared>>) offsets(%dma_start3A_590 : memref<80xi32, #tpu.memory_space<vmem>>) semaphore(%dma_start3A_595 : memref<!tpu.dma_semaphore, #tpu.memory_space<semaphore_mem>>) {add = true}
      %add3A_596 = arith.constant 4 : i32
      %add3A_597 = arith.addi %mul3A_392, %add3A_596 : i32
      %ge3A_598 = arith.constant 1 : i32
      %ge3A_599 = arith.cmpi sge, %scan3A_390, %ge3A_598 : i32
      %convert_element_type3A_600 = arith.extui %ge3A_599 : i1 to i32
      %cond3A_601 = arith.constant 0 : i32
      %cond3A_602 = arith.cmpi ne, %convert_element_type3A_600, %cond3A_601 : i32
      scf.if %cond3A_602 {
        %sub3A_956 = arith.constant 5 : i32
        %sub3A_957 = arith.subi %add3A_597, %sub3A_956 : i32
        %dma_wait3A_958 = arith.constant 9 : i32
        %dma_wait3A_959 = arith.constant 9 : i32
        %dma_wait3A_960 = arith.constant 0 : i32
        %dma_wait3A_961 = arith.constant 0 : i32
        %dma_wait3A_962 = tpu.memref_slice %arg8[%dma_wait3A_958, %dma_wait3A_960, %dma_wait3A_961] : memref<10x80x32xf32, #tpu.memory_space<vmem>> -> memref<1x80x32xf32, #tpu.memory_space<vmem>>
        %dma_wait3A_963 = tpu.memref_squeeze %dma_wait3A_962 : memref<1x80x32xf32, #tpu.memory_space<vmem>> -> memref<80x32xf32, #tpu.memory_space<vmem>>
        %dma_wait3A_964 = arith.constant 0 : i32
        %dma_wait3A_965 = tpu.memref_slice %arg7[%sub3A_957, %dma_wait3A_964] : memref<125x80xi32, #tpu.memory_space<vmem>> -> memref<1x80xi32, #tpu.memory_space<vmem>>
        %dma_wait3A_966 = tpu.memref_squeeze %dma_wait3A_965 : memref<1x80xi32, #tpu.memory_space<vmem>> -> memref<80xi32, #tpu.memory_space<vmem>>
        %dma_wait3A_967 = arith.constant 0 : i32
        %dma_wait3A_968 = arith.constant 0 : i32
        %dma_wait3A_969 = tpu.memref_slice %arg9[%dma_wait3A_967, %dma_wait3A_968] : memref<10000x32xf32, #tpu.memory_space<vmem_shared>> -> memref<10000x32xf32, #tpu.memory_space<vmem_shared>>
        %dma_wait3A_970 = tpu.memref_slice %arg11[%dma_wait3A_959] : memref<10x!tpu.dma_semaphore, #tpu.memory_space<semaphore_mem>> -> memref<1x!tpu.dma_semaphore, #tpu.memory_space<semaphore_mem>>
        %dma_wait3A_971 = tpu.memref_squeeze %dma_wait3A_970 : memref<1x!tpu.dma_semaphore, #tpu.memory_space<semaphore_mem>> -> memref<!tpu.dma_semaphore, #tpu.memory_space<semaphore_mem>>
        tpu.wait_indirect_dma semaphore(%dma_wait3A_971 : memref<!tpu.dma_semaphore, #tpu.memory_space<semaphore_mem>>) src(%dma_wait3A_963 : memref<80x32xf32, #tpu.memory_space<vmem>>) dst(%dma_wait3A_969 : memref<10000x32xf32, #tpu.memory_space<vmem_shared>>)
      } else {
      }
      %add3A_603 = arith.constant 5 : i32
      %add3A_604 = arith.addi %add3A_597, %add3A_603 : i32
      %dma_start3A_605 = arith.constant 9 : i32
      %dma_start3A_606 = arith.constant 9 : i32
      %dma_start3A_607 = arith.constant 0 : i32
      %dma_start3A_608 = arith.constant 0 : i32
      %dma_start3A_609 = tpu.memref_slice %arg8[%dma_start3A_605, %dma_start3A_607, %dma_start3A_608] : memref<10x80x32xf32, #tpu.memory_space<vmem>> -> memref<1x80x32xf32, #tpu.memory_space<vmem>>
      %dma_start3A_610 = tpu.memref_squeeze %dma_start3A_609 : memref<1x80x32xf32, #tpu.memory_space<vmem>> -> memref<80x32xf32, #tpu.memory_space<vmem>>
      %dma_start3A_611 = arith.constant 0 : i32
      %dma_start3A_612 = tpu.memref_slice %arg6[%add3A_604, %dma_start3A_611] : memref<125x80xi32, #tpu.memory_space<vmem>> -> memref<1x80xi32, #tpu.memory_space<vmem>>
      %dma_start3A_613 = tpu.memref_squeeze %dma_start3A_612 : memref<1x80xi32, #tpu.memory_space<vmem>> -> memref<80xi32, #tpu.memory_space<vmem>>
      %dma_start3A_614 = arith.constant 0 : i32
      %dma_start3A_615 = arith.constant 0 : i32
      %dma_start3A_616 = tpu.memref_slice %arg2[%dma_start3A_614, %dma_start3A_615] : memref<10000x32xf32, #tpu.memory_space<hbm>> -> memref<10000x32xf32, #tpu.memory_space<hbm>>
      %dma_start3A_617 = tpu.memref_slice %arg10[%dma_start3A_606] : memref<10x!tpu.dma_semaphore, #tpu.memory_space<semaphore_mem>> -> memref<1x!tpu.dma_semaphore, #tpu.memory_space<semaphore_mem>>
      %dma_start3A_618 = tpu.memref_squeeze %dma_start3A_617 : memref<1x!tpu.dma_semaphore, #tpu.memory_space<semaphore_mem>> -> memref<!tpu.dma_semaphore, #tpu.memory_space<semaphore_mem>>
      tpu.enqueue_indirect_dma source(%dma_start3A_616 : memref<10000x32xf32, #tpu.memory_space<hbm>>) target(%dma_start3A_610 : memref<80x32xf32, #tpu.memory_space<vmem>>) offsets(%dma_start3A_613 : memref<80xi32, #tpu.memory_space<vmem>>) semaphore(%dma_start3A_618 : memref<!tpu.dma_semaphore, #tpu.memory_space<semaphore_mem>>)
      %dma_wait3A_619 = arith.constant 4 : i32
      %dma_wait3A_620 = arith.constant 4 : i32
      %dma_wait3A_621 = arith.constant 0 : i32
      %dma_wait3A_622 = arith.constant 0 : i32
      %dma_wait3A_623 = tpu.memref_slice %arg8[%dma_wait3A_619, %dma_wait3A_621, %dma_wait3A_622] : memref<10x80x32xf32, #tpu.memory_space<vmem>> -> memref<1x80x32xf32, #tpu.memory_space<vmem>>
      %dma_wait3A_624 = tpu.memref_squeeze %dma_wait3A_623 : memref<1x80x32xf32, #tpu.memory_space<vmem>> -> memref<80x32xf32, #tpu.memory_space<vmem>>
      %dma_wait3A_625 = arith.constant 0 : i32
      %dma_wait3A_626 = tpu.memref_slice %arg6[%add3A_597, %dma_wait3A_625] : memref<125x80xi32, #tpu.memory_space<vmem>> -> memref<1x80xi32, #tpu.memory_space<vmem>>
      %dma_wait3A_627 = tpu.memref_squeeze %dma_wait3A_626 : memref<1x80xi32, #tpu.memory_space<vmem>> -> memref<80xi32, #tpu.memory_space<vmem>>
      %dma_wait3A_628 = arith.constant 0 : i32
      %dma_wait3A_629 = arith.constant 0 : i32
      %dma_wait3A_630 = tpu.memref_slice %arg2[%dma_wait3A_628, %dma_wait3A_629] : memref<10000x32xf32, #tpu.memory_space<hbm>> -> memref<10000x32xf32, #tpu.memory_space<hbm>>
      %dma_wait3A_631 = tpu.memref_slice %arg10[%dma_wait3A_620] : memref<10x!tpu.dma_semaphore, #tpu.memory_space<semaphore_mem>> -> memref<1x!tpu.dma_semaphore, #tpu.memory_space<semaphore_mem>>
      %dma_wait3A_632 = tpu.memref_squeeze %dma_wait3A_631 : memref<1x!tpu.dma_semaphore, #tpu.memory_space<semaphore_mem>> -> memref<!tpu.dma_semaphore, #tpu.memory_space<semaphore_mem>>
      tpu.wait_indirect_dma semaphore(%dma_wait3A_632 : memref<!tpu.dma_semaphore, #tpu.memory_space<semaphore_mem>>) src(%dma_wait3A_630 : memref<10000x32xf32, #tpu.memory_space<hbm>>) dst(%dma_wait3A_624 : memref<80x32xf32, #tpu.memory_space<vmem>>)
      %dma_start3A_633 = arith.constant 4 : i32
      %dma_start3A_634 = arith.constant 4 : i32
      %dma_start3A_635 = arith.constant 0 : i32
      %dma_start3A_636 = arith.constant 0 : i32
      %dma_start3A_637 = tpu.memref_slice %arg8[%dma_start3A_633, %dma_start3A_635, %dma_start3A_636] : memref<10x80x32xf32, #tpu.memory_space<vmem>> -> memref<1x80x32xf32, #tpu.memory_space<vmem>>
      %dma_start3A_638 = tpu.memref_squeeze %dma_start3A_637 : memref<1x80x32xf32, #tpu.memory_space<vmem>> -> memref<80x32xf32, #tpu.memory_space<vmem>>
      %dma_start3A_639 = arith.constant 0 : i32
      %dma_start3A_640 = tpu.memref_slice %arg7[%add3A_597, %dma_start3A_639] : memref<125x80xi32, #tpu.memory_space<vmem>> -> memref<1x80xi32, #tpu.memory_space<vmem>>
      %dma_start3A_641 = tpu.memref_squeeze %dma_start3A_640 : memref<1x80xi32, #tpu.memory_space<vmem>> -> memref<80xi32, #tpu.memory_space<vmem>>
      %dma_start3A_642 = arith.constant 0 : i32
      %dma_start3A_643 = arith.constant 0 : i32
      %dma_start3A_644 = tpu.memref_slice %arg9[%dma_start3A_642, %dma_start3A_643] : memref<10000x32xf32, #tpu.memory_space<vmem_shared>> -> memref<10000x32xf32, #tpu.memory_space<vmem_shared>>
      %dma_start3A_645 = tpu.memref_slice %arg11[%dma_start3A_634] : memref<10x!tpu.dma_semaphore, #tpu.memory_space<semaphore_mem>> -> memref<1x!tpu.dma_semaphore, #tpu.memory_space<semaphore_mem>>
      %dma_start3A_646 = tpu.memref_squeeze %dma_start3A_645 : memref<1x!tpu.dma_semaphore, #tpu.memory_space<semaphore_mem>> -> memref<!tpu.dma_semaphore, #tpu.memory_space<semaphore_mem>>
      tpu.enqueue_indirect_dma source(%dma_start3A_638 : memref<80x32xf32, #tpu.memory_space<vmem>>) target(%dma_start3A_644 : memref<10000x32xf32, #tpu.memory_space<vmem_shared>>) offsets(%dma_start3A_641 : memref<80xi32, #tpu.memory_space<vmem>>) semaphore(%dma_start3A_646 : memref<!tpu.dma_semaphore, #tpu.memory_space<semaphore_mem>>) {add = true}
      %add3A_647 = arith.constant 5 : i32
      %add3A_648 = arith.addi %mul3A_392, %add3A_647 : i32
      %sub3A = arith.constant 5 : i32
      %sub3A_649 = arith.subi %add3A_648, %sub3A : i32
      %dma_wait3A_650 = arith.constant 0 : i32
      %dma_wait3A_651 = arith.constant 0 : i32
      %dma_wait3A_652 = arith.constant 0 : i32
      %dma_wait3A_653 = arith.constant 0 : i32
      %dma_wait3A_654 = tpu.memref_slice %arg8[%dma_wait3A_650, %dma_wait3A_652, %dma_wait3A_653] : memref<10x80x32xf32, #tpu.memory_space<vmem>> -> memref<1x80x32xf32, #tpu.memory_space<vmem>>
      %dma_wait3A_655 = tpu.memref_squeeze %dma_wait3A_654 : memref<1x80x32xf32, #tpu.memory_space<vmem>> -> memref<80x32xf32, #tpu.memory_space<vmem>>
      %dma_wait3A_656 = arith.constant 0 : i32
      %dma_wait3A_657 = tpu.memref_slice %arg7[%sub3A_649, %dma_wait3A_656] : memref<125x80xi32, #tpu.memory_space<vmem>> -> memref<1x80xi32, #tpu.memory_space<vmem>>
      %dma_wait3A_658 = tpu.memref_squeeze %dma_wait3A_657 : memref<1x80xi32, #tpu.memory_space<vmem>> -> memref<80xi32, #tpu.memory_space<vmem>>
      %dma_wait3A_659 = arith.constant 0 : i32
      %dma_wait3A_660 = arith.constant 0 : i32
      %dma_wait3A_661 = tpu.memref_slice %arg9[%dma_wait3A_659, %dma_wait3A_660] : memref<10000x32xf32, #tpu.memory_space<vmem_shared>> -> memref<10000x32xf32, #tpu.memory_space<vmem_shared>>
      %dma_wait3A_662 = tpu.memref_slice %arg11[%dma_wait3A_651] : memref<10x!tpu.dma_semaphore, #tpu.memory_space<semaphore_mem>> -> memref<1x!tpu.dma_semaphore, #tpu.memory_space<semaphore_mem>>
      %dma_wait3A_663 = tpu.memref_squeeze %dma_wait3A_662 : memref<1x!tpu.dma_semaphore, #tpu.memory_space<semaphore_mem>> -> memref<!tpu.dma_semaphore, #tpu.memory_space<semaphore_mem>>
      tpu.wait_indirect_dma semaphore(%dma_wait3A_663 : memref<!tpu.dma_semaphore, #tpu.memory_space<semaphore_mem>>) src(%dma_wait3A_655 : memref<80x32xf32, #tpu.memory_space<vmem>>) dst(%dma_wait3A_661 : memref<10000x32xf32, #tpu.memory_space<vmem_shared>>)
      %add3A_664 = arith.constant 5 : i32
      %add3A_665 = arith.addi %add3A_648, %add3A_664 : i32
      %dma_start3A_666 = arith.constant 0 : i32
      %dma_start3A_667 = arith.constant 0 : i32
      %dma_start3A_668 = arith.constant 0 : i32
      %dma_start3A_669 = arith.constant 0 : i32
      %dma_start3A_670 = tpu.memref_slice %arg8[%dma_start3A_666, %dma_start3A_668, %dma_start3A_669] : memref<10x80x32xf32, #tpu.memory_space<vmem>> -> memref<1x80x32xf32, #tpu.memory_space<vmem>>
      %dma_start3A_671 = tpu.memref_squeeze %dma_start3A_670 : memref<1x80x32xf32, #tpu.memory_space<vmem>> -> memref<80x32xf32, #tpu.memory_space<vmem>>
      %dma_start3A_672 = arith.constant 0 : i32
      %dma_start3A_673 = tpu.memref_slice %arg6[%add3A_665, %dma_start3A_672] : memref<125x80xi32, #tpu.memory_space<vmem>> -> memref<1x80xi32, #tpu.memory_space<vmem>>
      %dma_start3A_674 = tpu.memref_squeeze %dma_start3A_673 : memref<1x80xi32, #tpu.memory_space<vmem>> -> memref<80xi32, #tpu.memory_space<vmem>>
      %dma_start3A_675 = arith.constant 0 : i32
      %dma_start3A_676 = arith.constant 0 : i32
      %dma_start3A_677 = tpu.memref_slice %arg2[%dma_start3A_675, %dma_start3A_676] : memref<10000x32xf32, #tpu.memory_space<hbm>> -> memref<10000x32xf32, #tpu.memory_space<hbm>>
      %dma_start3A_678 = tpu.memref_slice %arg10[%dma_start3A_667] : memref<10x!tpu.dma_semaphore, #tpu.memory_space<semaphore_mem>> -> memref<1x!tpu.dma_semaphore, #tpu.memory_space<semaphore_mem>>
      %dma_start3A_679 = tpu.memref_squeeze %dma_start3A_678 : memref<1x!tpu.dma_semaphore, #tpu.memory_space<semaphore_mem>> -> memref<!tpu.dma_semaphore, #tpu.memory_space<semaphore_mem>>
      tpu.enqueue_indirect_dma source(%dma_start3A_677 : memref<10000x32xf32, #tpu.memory_space<hbm>>) target(%dma_start3A_671 : memref<80x32xf32, #tpu.memory_space<vmem>>) offsets(%dma_start3A_674 : memref<80xi32, #tpu.memory_space<vmem>>) semaphore(%dma_start3A_679 : memref<!tpu.dma_semaphore, #tpu.memory_space<semaphore_mem>>)
      %dma_wait3A_680 = arith.constant 5 : i32
      %dma_wait3A_681 = arith.constant 5 : i32
      %dma_wait3A_682 = arith.constant 0 : i32
      %dma_wait3A_683 = arith.constant 0 : i32
      %dma_wait3A_684 = tpu.memref_slice %arg8[%dma_wait3A_680, %dma_wait3A_682, %dma_wait3A_683] : memref<10x80x32xf32, #tpu.memory_space<vmem>> -> memref<1x80x32xf32, #tpu.memory_space<vmem>>
      %dma_wait3A_685 = tpu.memref_squeeze %dma_wait3A_684 : memref<1x80x32xf32, #tpu.memory_space<vmem>> -> memref<80x32xf32, #tpu.memory_space<vmem>>
      %dma_wait3A_686 = arith.constant 0 : i32
      %dma_wait3A_687 = tpu.memref_slice %arg6[%add3A_648, %dma_wait3A_686] : memref<125x80xi32, #tpu.memory_space<vmem>> -> memref<1x80xi32, #tpu.memory_space<vmem>>
      %dma_wait3A_688 = tpu.memref_squeeze %dma_wait3A_687 : memref<1x80xi32, #tpu.memory_space<vmem>> -> memref<80xi32, #tpu.memory_space<vmem>>
      %dma_wait3A_689 = arith.constant 0 : i32
      %dma_wait3A_690 = arith.constant 0 : i32
      %dma_wait3A_691 = tpu.memref_slice %arg2[%dma_wait3A_689, %dma_wait3A_690] : memref<10000x32xf32, #tpu.memory_space<hbm>> -> memref<10000x32xf32, #tpu.memory_space<hbm>>
      %dma_wait3A_692 = tpu.memref_slice %arg10[%dma_wait3A_681] : memref<10x!tpu.dma_semaphore, #tpu.memory_space<semaphore_mem>> -> memref<1x!tpu.dma_semaphore, #tpu.memory_space<semaphore_mem>>
      %dma_wait3A_693 = tpu.memref_squeeze %dma_wait3A_692 : memref<1x!tpu.dma_semaphore, #tpu.memory_space<semaphore_mem>> -> memref<!tpu.dma_semaphore, #tpu.memory_space<semaphore_mem>>
      tpu.wait_indirect_dma semaphore(%dma_wait3A_693 : memref<!tpu.dma_semaphore, #tpu.memory_space<semaphore_mem>>) src(%dma_wait3A_691 : memref<10000x32xf32, #tpu.memory_space<hbm>>) dst(%dma_wait3A_685 : memref<80x32xf32, #tpu.memory_space<vmem>>)
      %dma_start3A_694 = arith.constant 5 : i32
      %dma_start3A_695 = arith.constant 5 : i32
      %dma_start3A_696 = arith.constant 0 : i32
      %dma_start3A_697 = arith.constant 0 : i32
      %dma_start3A_698 = tpu.memref_slice %arg8[%dma_start3A_694, %dma_start3A_696, %dma_start3A_697] : memref<10x80x32xf32, #tpu.memory_space<vmem>> -> memref<1x80x32xf32, #tpu.memory_space<vmem>>
      %dma_start3A_699 = tpu.memref_squeeze %dma_start3A_698 : memref<1x80x32xf32, #tpu.memory_space<vmem>> -> memref<80x32xf32, #tpu.memory_space<vmem>>
      %dma_start3A_700 = arith.constant 0 : i32
      %dma_start3A_701 = tpu.memref_slice %arg7[%add3A_648, %dma_start3A_700] : memref<125x80xi32, #tpu.memory_space<vmem>> -> memref<1x80xi32, #tpu.memory_space<vmem>>
      %dma_start3A_702 = tpu.memref_squeeze %dma_start3A_701 : memref<1x80xi32, #tpu.memory_space<vmem>> -> memref<80xi32, #tpu.memory_space<vmem>>
      %dma_start3A_703 = arith.constant 0 : i32
      %dma_start3A_704 = arith.constant 0 : i32
      %dma_start3A_705 = tpu.memref_slice %arg9[%dma_start3A_703, %dma_start3A_704] : memref<10000x32xf32, #tpu.memory_space<vmem_shared>> -> memref<10000x32xf32, #tpu.memory_space<vmem_shared>>
      %dma_start3A_706 = tpu.memref_slice %arg11[%dma_start3A_695] : memref<10x!tpu.dma_semaphore, #tpu.memory_space<semaphore_mem>> -> memref<1x!tpu.dma_semaphore, #tpu.memory_space<semaphore_mem>>
      %dma_start3A_707 = tpu.memref_squeeze %dma_start3A_706 : memref<1x!tpu.dma_semaphore, #tpu.memory_space<semaphore_mem>> -> memref<!tpu.dma_semaphore, #tpu.memory_space<semaphore_mem>>
      tpu.enqueue_indirect_dma source(%dma_start3A_699 : memref<80x32xf32, #tpu.memory_space<vmem>>) target(%dma_start3A_705 : memref<10000x32xf32, #tpu.memory_space<vmem_shared>>) offsets(%dma_start3A_702 : memref<80xi32, #tpu.memory_space<vmem>>) semaphore(%dma_start3A_707 : memref<!tpu.dma_semaphore, #tpu.memory_space<semaphore_mem>>) {add = true}
      %add3A_708 = arith.constant 6 : i32
      %add3A_709 = arith.addi %mul3A_392, %add3A_708 : i32
      %sub3A_710 = arith.constant 5 : i32
      %sub3A_711 = arith.subi %add3A_709, %sub3A_710 : i32
      %dma_wait3A_712 = arith.constant 1 : i32
      %dma_wait3A_713 = arith.constant 1 : i32
      %dma_wait3A_714 = arith.constant 0 : i32
      %dma_wait3A_715 = arith.constant 0 : i32
      %dma_wait3A_716 = tpu.memref_slice %arg8[%dma_wait3A_712, %dma_wait3A_714, %dma_wait3A_715] : memref<10x80x32xf32, #tpu.memory_space<vmem>> -> memref<1x80x32xf32, #tpu.memory_space<vmem>>
      %dma_wait3A_717 = tpu.memref_squeeze %dma_wait3A_716 : memref<1x80x32xf32, #tpu.memory_space<vmem>> -> memref<80x32xf32, #tpu.memory_space<vmem>>
      %dma_wait3A_718 = arith.constant 0 : i32
      %dma_wait3A_719 = tpu.memref_slice %arg7[%sub3A_711, %dma_wait3A_718] : memref<125x80xi32, #tpu.memory_space<vmem>> -> memref<1x80xi32, #tpu.memory_space<vmem>>
      %dma_wait3A_720 = tpu.memref_squeeze %dma_wait3A_719 : memref<1x80xi32, #tpu.memory_space<vmem>> -> memref<80xi32, #tpu.memory_space<vmem>>
      %dma_wait3A_721 = arith.constant 0 : i32
      %dma_wait3A_722 = arith.constant 0 : i32
      %dma_wait3A_723 = tpu.memref_slice %arg9[%dma_wait3A_721, %dma_wait3A_722] : memref<10000x32xf32, #tpu.memory_space<vmem_shared>> -> memref<10000x32xf32, #tpu.memory_space<vmem_shared>>
      %dma_wait3A_724 = tpu.memref_slice %arg11[%dma_wait3A_713] : memref<10x!tpu.dma_semaphore, #tpu.memory_space<semaphore_mem>> -> memref<1x!tpu.dma_semaphore, #tpu.memory_space<semaphore_mem>>
      %dma_wait3A_725 = tpu.memref_squeeze %dma_wait3A_724 : memref<1x!tpu.dma_semaphore, #tpu.memory_space<semaphore_mem>> -> memref<!tpu.dma_semaphore, #tpu.memory_space<semaphore_mem>>
      tpu.wait_indirect_dma semaphore(%dma_wait3A_725 : memref<!tpu.dma_semaphore, #tpu.memory_space<semaphore_mem>>) src(%dma_wait3A_717 : memref<80x32xf32, #tpu.memory_space<vmem>>) dst(%dma_wait3A_723 : memref<10000x32xf32, #tpu.memory_space<vmem_shared>>)
      %add3A_726 = arith.constant 5 : i32
      %add3A_727 = arith.addi %add3A_709, %add3A_726 : i32
      %dma_start3A_728 = arith.constant 1 : i32
      %dma_start3A_729 = arith.constant 1 : i32
      %dma_start3A_730 = arith.constant 0 : i32
      %dma_start3A_731 = arith.constant 0 : i32
      %dma_start3A_732 = tpu.memref_slice %arg8[%dma_start3A_728, %dma_start3A_730, %dma_start3A_731] : memref<10x80x32xf32, #tpu.memory_space<vmem>> -> memref<1x80x32xf32, #tpu.memory_space<vmem>>
      %dma_start3A_733 = tpu.memref_squeeze %dma_start3A_732 : memref<1x80x32xf32, #tpu.memory_space<vmem>> -> memref<80x32xf32, #tpu.memory_space<vmem>>
      %dma_start3A_734 = arith.constant 0 : i32
      %dma_start3A_735 = tpu.memref_slice %arg6[%add3A_727, %dma_start3A_734] : memref<125x80xi32, #tpu.memory_space<vmem>> -> memref<1x80xi32, #tpu.memory_space<vmem>>
      %dma_start3A_736 = tpu.memref_squeeze %dma_start3A_735 : memref<1x80xi32, #tpu.memory_space<vmem>> -> memref<80xi32, #tpu.memory_space<vmem>>
      %dma_start3A_737 = arith.constant 0 : i32
      %dma_start3A_738 = arith.constant 0 : i32
      %dma_start3A_739 = tpu.memref_slice %arg2[%dma_start3A_737, %dma_start3A_738] : memref<10000x32xf32, #tpu.memory_space<hbm>> -> memref<10000x32xf32, #tpu.memory_space<hbm>>
      %dma_start3A_740 = tpu.memref_slice %arg10[%dma_start3A_729] : memref<10x!tpu.dma_semaphore, #tpu.memory_space<semaphore_mem>> -> memref<1x!tpu.dma_semaphore, #tpu.memory_space<semaphore_mem>>
      %dma_start3A_741 = tpu.memref_squeeze %dma_start3A_740 : memref<1x!tpu.dma_semaphore, #tpu.memory_space<semaphore_mem>> -> memref<!tpu.dma_semaphore, #tpu.memory_space<semaphore_mem>>
      tpu.enqueue_indirect_dma source(%dma_start3A_739 : memref<10000x32xf32, #tpu.memory_space<hbm>>) target(%dma_start3A_733 : memref<80x32xf32, #tpu.memory_space<vmem>>) offsets(%dma_start3A_736 : memref<80xi32, #tpu.memory_space<vmem>>) semaphore(%dma_start3A_741 : memref<!tpu.dma_semaphore, #tpu.memory_space<semaphore_mem>>)
      %dma_wait3A_742 = arith.constant 6 : i32
      %dma_wait3A_743 = arith.constant 6 : i32
      %dma_wait3A_744 = arith.constant 0 : i32
      %dma_wait3A_745 = arith.constant 0 : i32
      %dma_wait3A_746 = tpu.memref_slice %arg8[%dma_wait3A_742, %dma_wait3A_744, %dma_wait3A_745] : memref<10x80x32xf32, #tpu.memory_space<vmem>> -> memref<1x80x32xf32, #tpu.memory_space<vmem>>
      %dma_wait3A_747 = tpu.memref_squeeze %dma_wait3A_746 : memref<1x80x32xf32, #tpu.memory_space<vmem>> -> memref<80x32xf32, #tpu.memory_space<vmem>>
      %dma_wait3A_748 = arith.constant 0 : i32
      %dma_wait3A_749 = tpu.memref_slice %arg6[%add3A_709, %dma_wait3A_748] : memref<125x80xi32, #tpu.memory_space<vmem>> -> memref<1x80xi32, #tpu.memory_space<vmem>>
      %dma_wait3A_750 = tpu.memref_squeeze %dma_wait3A_749 : memref<1x80xi32, #tpu.memory_space<vmem>> -> memref<80xi32, #tpu.memory_space<vmem>>
      %dma_wait3A_751 = arith.constant 0 : i32
      %dma_wait3A_752 = arith.constant 0 : i32
      %dma_wait3A_753 = tpu.memref_slice %arg2[%dma_wait3A_751, %dma_wait3A_752] : memref<10000x32xf32, #tpu.memory_space<hbm>> -> memref<10000x32xf32, #tpu.memory_space<hbm>>
      %dma_wait3A_754 = tpu.memref_slice %arg10[%dma_wait3A_743] : memref<10x!tpu.dma_semaphore, #tpu.memory_space<semaphore_mem>> -> memref<1x!tpu.dma_semaphore, #tpu.memory_space<semaphore_mem>>
      %dma_wait3A_755 = tpu.memref_squeeze %dma_wait3A_754 : memref<1x!tpu.dma_semaphore, #tpu.memory_space<semaphore_mem>> -> memref<!tpu.dma_semaphore, #tpu.memory_space<semaphore_mem>>
      tpu.wait_indirect_dma semaphore(%dma_wait3A_755 : memref<!tpu.dma_semaphore, #tpu.memory_space<semaphore_mem>>) src(%dma_wait3A_753 : memref<10000x32xf32, #tpu.memory_space<hbm>>) dst(%dma_wait3A_747 : memref<80x32xf32, #tpu.memory_space<vmem>>)
      %dma_start3A_756 = arith.constant 6 : i32
      %dma_start3A_757 = arith.constant 6 : i32
      %dma_start3A_758 = arith.constant 0 : i32
      %dma_start3A_759 = arith.constant 0 : i32
      %dma_start3A_760 = tpu.memref_slice %arg8[%dma_start3A_756, %dma_start3A_758, %dma_start3A_759] : memref<10x80x32xf32, #tpu.memory_space<vmem>> -> memref<1x80x32xf32, #tpu.memory_space<vmem>>
      %dma_start3A_761 = tpu.memref_squeeze %dma_start3A_760 : memref<1x80x32xf32, #tpu.memory_space<vmem>> -> memref<80x32xf32, #tpu.memory_space<vmem>>
      %dma_start3A_762 = arith.constant 0 : i32
      %dma_start3A_763 = tpu.memref_slice %arg7[%add3A_709, %dma_start3A_762] : memref<125x80xi32, #tpu.memory_space<vmem>> -> memref<1x80xi32, #tpu.memory_space<vmem>>
      %dma_start3A_764 = tpu.memref_squeeze %dma_start3A_763 : memref<1x80xi32, #tpu.memory_space<vmem>> -> memref<80xi32, #tpu.memory_space<vmem>>
      %dma_start3A_765 = arith.constant 0 : i32
      %dma_start3A_766 = arith.constant 0 : i32
      %dma_start3A_767 = tpu.memref_slice %arg9[%dma_start3A_765, %dma_start3A_766] : memref<10000x32xf32, #tpu.memory_space<vmem_shared>> -> memref<10000x32xf32, #tpu.memory_space<vmem_shared>>
      %dma_start3A_768 = tpu.memref_slice %arg11[%dma_start3A_757] : memref<10x!tpu.dma_semaphore, #tpu.memory_space<semaphore_mem>> -> memref<1x!tpu.dma_semaphore, #tpu.memory_space<semaphore_mem>>
      %dma_start3A_769 = tpu.memref_squeeze %dma_start3A_768 : memref<1x!tpu.dma_semaphore, #tpu.memory_space<semaphore_mem>> -> memref<!tpu.dma_semaphore, #tpu.memory_space<semaphore_mem>>
      tpu.enqueue_indirect_dma source(%dma_start3A_761 : memref<80x32xf32, #tpu.memory_space<vmem>>) target(%dma_start3A_767 : memref<10000x32xf32, #tpu.memory_space<vmem_shared>>) offsets(%dma_start3A_764 : memref<80xi32, #tpu.memory_space<vmem>>) semaphore(%dma_start3A_769 : memref<!tpu.dma_semaphore, #tpu.memory_space<semaphore_mem>>) {add = true}
      %add3A_770 = arith.constant 7 : i32
      %add3A_771 = arith.addi %mul3A_392, %add3A_770 : i32
      %sub3A_772 = arith.constant 5 : i32
      %sub3A_773 = arith.subi %add3A_771, %sub3A_772 : i32
      %dma_wait3A_774 = arith.constant 2 : i32
      %dma_wait3A_775 = arith.constant 2 : i32
      %dma_wait3A_776 = arith.constant 0 : i32
      %dma_wait3A_777 = arith.constant 0 : i32
      %dma_wait3A_778 = tpu.memref_slice %arg8[%dma_wait3A_774, %dma_wait3A_776, %dma_wait3A_777] : memref<10x80x32xf32, #tpu.memory_space<vmem>> -> memref<1x80x32xf32, #tpu.memory_space<vmem>>
      %dma_wait3A_779 = tpu.memref_squeeze %dma_wait3A_778 : memref<1x80x32xf32, #tpu.memory_space<vmem>> -> memref<80x32xf32, #tpu.memory_space<vmem>>
      %dma_wait3A_780 = arith.constant 0 : i32
      %dma_wait3A_781 = tpu.memref_slice %arg7[%sub3A_773, %dma_wait3A_780] : memref<125x80xi32, #tpu.memory_space<vmem>> -> memref<1x80xi32, #tpu.memory_space<vmem>>
      %dma_wait3A_782 = tpu.memref_squeeze %dma_wait3A_781 : memref<1x80xi32, #tpu.memory_space<vmem>> -> memref<80xi32, #tpu.memory_space<vmem>>
      %dma_wait3A_783 = arith.constant 0 : i32
      %dma_wait3A_784 = arith.constant 0 : i32
      %dma_wait3A_785 = tpu.memref_slice %arg9[%dma_wait3A_783, %dma_wait3A_784] : memref<10000x32xf32, #tpu.memory_space<vmem_shared>> -> memref<10000x32xf32, #tpu.memory_space<vmem_shared>>
      %dma_wait3A_786 = tpu.memref_slice %arg11[%dma_wait3A_775] : memref<10x!tpu.dma_semaphore, #tpu.memory_space<semaphore_mem>> -> memref<1x!tpu.dma_semaphore, #tpu.memory_space<semaphore_mem>>
      %dma_wait3A_787 = tpu.memref_squeeze %dma_wait3A_786 : memref<1x!tpu.dma_semaphore, #tpu.memory_space<semaphore_mem>> -> memref<!tpu.dma_semaphore, #tpu.memory_space<semaphore_mem>>
      tpu.wait_indirect_dma semaphore(%dma_wait3A_787 : memref<!tpu.dma_semaphore, #tpu.memory_space<semaphore_mem>>) src(%dma_wait3A_779 : memref<80x32xf32, #tpu.memory_space<vmem>>) dst(%dma_wait3A_785 : memref<10000x32xf32, #tpu.memory_space<vmem_shared>>)
      %add3A_788 = arith.constant 5 : i32
      %add3A_789 = arith.addi %add3A_771, %add3A_788 : i32
      %dma_start3A_790 = arith.constant 2 : i32
      %dma_start3A_791 = arith.constant 2 : i32
      %dma_start3A_792 = arith.constant 0 : i32
      %dma_start3A_793 = arith.constant 0 : i32
      %dma_start3A_794 = tpu.memref_slice %arg8[%dma_start3A_790, %dma_start3A_792, %dma_start3A_793] : memref<10x80x32xf32, #tpu.memory_space<vmem>> -> memref<1x80x32xf32, #tpu.memory_space<vmem>>
      %dma_start3A_795 = tpu.memref_squeeze %dma_start3A_794 : memref<1x80x32xf32, #tpu.memory_space<vmem>> -> memref<80x32xf32, #tpu.memory_space<vmem>>
      %dma_start3A_796 = arith.constant 0 : i32
      %dma_start3A_797 = tpu.memref_slice %arg6[%add3A_789, %dma_start3A_796] : memref<125x80xi32, #tpu.memory_space<vmem>> -> memref<1x80xi32, #tpu.memory_space<vmem>>
      %dma_start3A_798 = tpu.memref_squeeze %dma_start3A_797 : memref<1x80xi32, #tpu.memory_space<vmem>> -> memref<80xi32, #tpu.memory_space<vmem>>
      %dma_start3A_799 = arith.constant 0 : i32
      %dma_start3A_800 = arith.constant 0 : i32
      %dma_start3A_801 = tpu.memref_slice %arg2[%dma_start3A_799, %dma_start3A_800] : memref<10000x32xf32, #tpu.memory_space<hbm>> -> memref<10000x32xf32, #tpu.memory_space<hbm>>
      %dma_start3A_802 = tpu.memref_slice %arg10[%dma_start3A_791] : memref<10x!tpu.dma_semaphore, #tpu.memory_space<semaphore_mem>> -> memref<1x!tpu.dma_semaphore, #tpu.memory_space<semaphore_mem>>
      %dma_start3A_803 = tpu.memref_squeeze %dma_start3A_802 : memref<1x!tpu.dma_semaphore, #tpu.memory_space<semaphore_mem>> -> memref<!tpu.dma_semaphore, #tpu.memory_space<semaphore_mem>>
      tpu.enqueue_indirect_dma source(%dma_start3A_801 : memref<10000x32xf32, #tpu.memory_space<hbm>>) target(%dma_start3A_795 : memref<80x32xf32, #tpu.memory_space<vmem>>) offsets(%dma_start3A_798 : memref<80xi32, #tpu.memory_space<vmem>>) semaphore(%dma_start3A_803 : memref<!tpu.dma_semaphore, #tpu.memory_space<semaphore_mem>>)
      %dma_wait3A_804 = arith.constant 7 : i32
      %dma_wait3A_805 = arith.constant 7 : i32
      %dma_wait3A_806 = arith.constant 0 : i32
      %dma_wait3A_807 = arith.constant 0 : i32
      %dma_wait3A_808 = tpu.memref_slice %arg8[%dma_wait3A_804, %dma_wait3A_806, %dma_wait3A_807] : memref<10x80x32xf32, #tpu.memory_space<vmem>> -> memref<1x80x32xf32, #tpu.memory_space<vmem>>
      %dma_wait3A_809 = tpu.memref_squeeze %dma_wait3A_808 : memref<1x80x32xf32, #tpu.memory_space<vmem>> -> memref<80x32xf32, #tpu.memory_space<vmem>>
      %dma_wait3A_810 = arith.constant 0 : i32
      %dma_wait3A_811 = tpu.memref_slice %arg6[%add3A_771, %dma_wait3A_810] : memref<125x80xi32, #tpu.memory_space<vmem>> -> memref<1x80xi32, #tpu.memory_space<vmem>>
      %dma_wait3A_812 = tpu.memref_squeeze %dma_wait3A_811 : memref<1x80xi32, #tpu.memory_space<vmem>> -> memref<80xi32, #tpu.memory_space<vmem>>
      %dma_wait3A_813 = arith.constant 0 : i32
      %dma_wait3A_814 = arith.constant 0 : i32
      %dma_wait3A_815 = tpu.memref_slice %arg2[%dma_wait3A_813, %dma_wait3A_814] : memref<10000x32xf32, #tpu.memory_space<hbm>> -> memref<10000x32xf32, #tpu.memory_space<hbm>>
      %dma_wait3A_816 = tpu.memref_slice %arg10[%dma_wait3A_805] : memref<10x!tpu.dma_semaphore, #tpu.memory_space<semaphore_mem>> -> memref<1x!tpu.dma_semaphore, #tpu.memory_space<semaphore_mem>>
      %dma_wait3A_817 = tpu.memref_squeeze %dma_wait3A_816 : memref<1x!tpu.dma_semaphore, #tpu.memory_space<semaphore_mem>> -> memref<!tpu.dma_semaphore, #tpu.memory_space<semaphore_mem>>
      tpu.wait_indirect_dma semaphore(%dma_wait3A_817 : memref<!tpu.dma_semaphore, #tpu.memory_space<semaphore_mem>>) src(%dma_wait3A_815 : memref<10000x32xf32, #tpu.memory_space<hbm>>) dst(%dma_wait3A_809 : memref<80x32xf32, #tpu.memory_space<vmem>>)
      %dma_start3A_818 = arith.constant 7 : i32
      %dma_start3A_819 = arith.constant 7 : i32
      %dma_start3A_820 = arith.constant 0 : i32
      %dma_start3A_821 = arith.constant 0 : i32
      %dma_start3A_822 = tpu.memref_slice %arg8[%dma_start3A_818, %dma_start3A_820, %dma_start3A_821] : memref<10x80x32xf32, #tpu.memory_space<vmem>> -> memref<1x80x32xf32, #tpu.memory_space<vmem>>
      %dma_start3A_823 = tpu.memref_squeeze %dma_start3A_822 : memref<1x80x32xf32, #tpu.memory_space<vmem>> -> memref<80x32xf32, #tpu.memory_space<vmem>>
      %dma_start3A_824 = arith.constant 0 : i32
      %dma_start3A_825 = tpu.memref_slice %arg7[%add3A_771, %dma_start3A_824] : memref<125x80xi32, #tpu.memory_space<vmem>> -> memref<1x80xi32, #tpu.memory_space<vmem>>
      %dma_start3A_826 = tpu.memref_squeeze %dma_start3A_825 : memref<1x80xi32, #tpu.memory_space<vmem>> -> memref<80xi32, #tpu.memory_space<vmem>>
      %dma_start3A_827 = arith.constant 0 : i32
      %dma_start3A_828 = arith.constant 0 : i32
      %dma_start3A_829 = tpu.memref_slice %arg9[%dma_start3A_827, %dma_start3A_828] : memref<10000x32xf32, #tpu.memory_space<vmem_shared>> -> memref<10000x32xf32, #tpu.memory_space<vmem_shared>>
      %dma_start3A_830 = tpu.memref_slice %arg11[%dma_start3A_819] : memref<10x!tpu.dma_semaphore, #tpu.memory_space<semaphore_mem>> -> memref<1x!tpu.dma_semaphore, #tpu.memory_space<semaphore_mem>>
      %dma_start3A_831 = tpu.memref_squeeze %dma_start3A_830 : memref<1x!tpu.dma_semaphore, #tpu.memory_space<semaphore_mem>> -> memref<!tpu.dma_semaphore, #tpu.memory_space<semaphore_mem>>
      tpu.enqueue_indirect_dma source(%dma_start3A_823 : memref<80x32xf32, #tpu.memory_space<vmem>>) target(%dma_start3A_829 : memref<10000x32xf32, #tpu.memory_space<vmem_shared>>) offsets(%dma_start3A_826 : memref<80xi32, #tpu.memory_space<vmem>>) semaphore(%dma_start3A_831 : memref<!tpu.dma_semaphore, #tpu.memory_space<semaphore_mem>>) {add = true}
      %add3A_832 = arith.constant 8 : i32
      %add3A_833 = arith.addi %mul3A_392, %add3A_832 : i32
      %sub3A_834 = arith.constant 5 : i32
      %sub3A_835 = arith.subi %add3A_833, %sub3A_834 : i32
      %dma_wait3A_836 = arith.constant 3 : i32
      %dma_wait3A_837 = arith.constant 3 : i32
      %dma_wait3A_838 = arith.constant 0 : i32
      %dma_wait3A_839 = arith.constant 0 : i32
      %dma_wait3A_840 = tpu.memref_slice %arg8[%dma_wait3A_836, %dma_wait3A_838, %dma_wait3A_839] : memref<10x80x32xf32, #tpu.memory_space<vmem>> -> memref<1x80x32xf32, #tpu.memory_space<vmem>>
      %dma_wait3A_841 = tpu.memref_squeeze %dma_wait3A_840 : memref<1x80x32xf32, #tpu.memory_space<vmem>> -> memref<80x32xf32, #tpu.memory_space<vmem>>
      %dma_wait3A_842 = arith.constant 0 : i32
      %dma_wait3A_843 = tpu.memref_slice %arg7[%sub3A_835, %dma_wait3A_842] : memref<125x80xi32, #tpu.memory_space<vmem>> -> memref<1x80xi32, #tpu.memory_space<vmem>>
      %dma_wait3A_844 = tpu.memref_squeeze %dma_wait3A_843 : memref<1x80xi32, #tpu.memory_space<vmem>> -> memref<80xi32, #tpu.memory_space<vmem>>
      %dma_wait3A_845 = arith.constant 0 : i32
      %dma_wait3A_846 = arith.constant 0 : i32
      %dma_wait3A_847 = tpu.memref_slice %arg9[%dma_wait3A_845, %dma_wait3A_846] : memref<10000x32xf32, #tpu.memory_space<vmem_shared>> -> memref<10000x32xf32, #tpu.memory_space<vmem_shared>>
      %dma_wait3A_848 = tpu.memref_slice %arg11[%dma_wait3A_837] : memref<10x!tpu.dma_semaphore, #tpu.memory_space<semaphore_mem>> -> memref<1x!tpu.dma_semaphore, #tpu.memory_space<semaphore_mem>>
      %dma_wait3A_849 = tpu.memref_squeeze %dma_wait3A_848 : memref<1x!tpu.dma_semaphore, #tpu.memory_space<semaphore_mem>> -> memref<!tpu.dma_semaphore, #tpu.memory_space<semaphore_mem>>
      tpu.wait_indirect_dma semaphore(%dma_wait3A_849 : memref<!tpu.dma_semaphore, #tpu.memory_space<semaphore_mem>>) src(%dma_wait3A_841 : memref<80x32xf32, #tpu.memory_space<vmem>>) dst(%dma_wait3A_847 : memref<10000x32xf32, #tpu.memory_space<vmem_shared>>)
      %add3A_850 = arith.constant 5 : i32
      %add3A_851 = arith.addi %add3A_833, %add3A_850 : i32
      %dma_start3A_852 = arith.constant 3 : i32
      %dma_start3A_853 = arith.constant 3 : i32
      %dma_start3A_854 = arith.constant 0 : i32
      %dma_start3A_855 = arith.constant 0 : i32
      %dma_start3A_856 = tpu.memref_slice %arg8[%dma_start3A_852, %dma_start3A_854, %dma_start3A_855] : memref<10x80x32xf32, #tpu.memory_space<vmem>> -> memref<1x80x32xf32, #tpu.memory_space<vmem>>
      %dma_start3A_857 = tpu.memref_squeeze %dma_start3A_856 : memref<1x80x32xf32, #tpu.memory_space<vmem>> -> memref<80x32xf32, #tpu.memory_space<vmem>>
      %dma_start3A_858 = arith.constant 0 : i32
      %dma_start3A_859 = tpu.memref_slice %arg6[%add3A_851, %dma_start3A_858] : memref<125x80xi32, #tpu.memory_space<vmem>> -> memref<1x80xi32, #tpu.memory_space<vmem>>
      %dma_start3A_860 = tpu.memref_squeeze %dma_start3A_859 : memref<1x80xi32, #tpu.memory_space<vmem>> -> memref<80xi32, #tpu.memory_space<vmem>>
      %dma_start3A_861 = arith.constant 0 : i32
      %dma_start3A_862 = arith.constant 0 : i32
      %dma_start3A_863 = tpu.memref_slice %arg2[%dma_start3A_861, %dma_start3A_862] : memref<10000x32xf32, #tpu.memory_space<hbm>> -> memref<10000x32xf32, #tpu.memory_space<hbm>>
      %dma_start3A_864 = tpu.memref_slice %arg10[%dma_start3A_853] : memref<10x!tpu.dma_semaphore, #tpu.memory_space<semaphore_mem>> -> memref<1x!tpu.dma_semaphore, #tpu.memory_space<semaphore_mem>>
      %dma_start3A_865 = tpu.memref_squeeze %dma_start3A_864 : memref<1x!tpu.dma_semaphore, #tpu.memory_space<semaphore_mem>> -> memref<!tpu.dma_semaphore, #tpu.memory_space<semaphore_mem>>
      tpu.enqueue_indirect_dma source(%dma_start3A_863 : memref<10000x32xf32, #tpu.memory_space<hbm>>) target(%dma_start3A_857 : memref<80x32xf32, #tpu.memory_space<vmem>>) offsets(%dma_start3A_860 : memref<80xi32, #tpu.memory_space<vmem>>) semaphore(%dma_start3A_865 : memref<!tpu.dma_semaphore, #tpu.memory_space<semaphore_mem>>)
      %dma_wait3A_866 = arith.constant 8 : i32
      %dma_wait3A_867 = arith.constant 8 : i32
      %dma_wait3A_868 = arith.constant 0 : i32
      %dma_wait3A_869 = arith.constant 0 : i32
      %dma_wait3A_870 = tpu.memref_slice %arg8[%dma_wait3A_866, %dma_wait3A_868, %dma_wait3A_869] : memref<10x80x32xf32, #tpu.memory_space<vmem>> -> memref<1x80x32xf32, #tpu.memory_space<vmem>>
      %dma_wait3A_871 = tpu.memref_squeeze %dma_wait3A_870 : memref<1x80x32xf32, #tpu.memory_space<vmem>> -> memref<80x32xf32, #tpu.memory_space<vmem>>
      %dma_wait3A_872 = arith.constant 0 : i32
      %dma_wait3A_873 = tpu.memref_slice %arg6[%add3A_833, %dma_wait3A_872] : memref<125x80xi32, #tpu.memory_space<vmem>> -> memref<1x80xi32, #tpu.memory_space<vmem>>
      %dma_wait3A_874 = tpu.memref_squeeze %dma_wait3A_873 : memref<1x80xi32, #tpu.memory_space<vmem>> -> memref<80xi32, #tpu.memory_space<vmem>>
      %dma_wait3A_875 = arith.constant 0 : i32
      %dma_wait3A_876 = arith.constant 0 : i32
      %dma_wait3A_877 = tpu.memref_slice %arg2[%dma_wait3A_875, %dma_wait3A_876] : memref<10000x32xf32, #tpu.memory_space<hbm>> -> memref<10000x32xf32, #tpu.memory_space<hbm>>
      %dma_wait3A_878 = tpu.memref_slice %arg10[%dma_wait3A_867] : memref<10x!tpu.dma_semaphore, #tpu.memory_space<semaphore_mem>> -> memref<1x!tpu.dma_semaphore, #tpu.memory_space<semaphore_mem>>
      %dma_wait3A_879 = tpu.memref_squeeze %dma_wait3A_878 : memref<1x!tpu.dma_semaphore, #tpu.memory_space<semaphore_mem>> -> memref<!tpu.dma_semaphore, #tpu.memory_space<semaphore_mem>>
      tpu.wait_indirect_dma semaphore(%dma_wait3A_879 : memref<!tpu.dma_semaphore, #tpu.memory_space<semaphore_mem>>) src(%dma_wait3A_877 : memref<10000x32xf32, #tpu.memory_space<hbm>>) dst(%dma_wait3A_871 : memref<80x32xf32, #tpu.memory_space<vmem>>)
      %dma_start3A_880 = arith.constant 8 : i32
      %dma_start3A_881 = arith.constant 8 : i32
      %dma_start3A_882 = arith.constant 0 : i32
      %dma_start3A_883 = arith.constant 0 : i32
      %dma_start3A_884 = tpu.memref_slice %arg8[%dma_start3A_880, %dma_start3A_882, %dma_start3A_883] : memref<10x80x32xf32, #tpu.memory_space<vmem>> -> memref<1x80x32xf32, #tpu.memory_space<vmem>>
      %dma_start3A_885 = tpu.memref_squeeze %dma_start3A_884 : memref<1x80x32xf32, #tpu.memory_space<vmem>> -> memref<80x32xf32, #tpu.memory_space<vmem>>
      %dma_start3A_886 = arith.constant 0 : i32
      %dma_start3A_887 = tpu.memref_slice %arg7[%add3A_833, %dma_start3A_886] : memref<125x80xi32, #tpu.memory_space<vmem>> -> memref<1x80xi32, #tpu.memory_space<vmem>>
      %dma_start3A_888 = tpu.memref_squeeze %dma_start3A_887 : memref<1x80xi32, #tpu.memory_space<vmem>> -> memref<80xi32, #tpu.memory_space<vmem>>
      %dma_start3A_889 = arith.constant 0 : i32
      %dma_start3A_890 = arith.constant 0 : i32
      %dma_start3A_891 = tpu.memref_slice %arg9[%dma_start3A_889, %dma_start3A_890] : memref<10000x32xf32, #tpu.memory_space<vmem_shared>> -> memref<10000x32xf32, #tpu.memory_space<vmem_shared>>
      %dma_start3A_892 = tpu.memref_slice %arg11[%dma_start3A_881] : memref<10x!tpu.dma_semaphore, #tpu.memory_space<semaphore_mem>> -> memref<1x!tpu.dma_semaphore, #tpu.memory_space<semaphore_mem>>
      %dma_start3A_893 = tpu.memref_squeeze %dma_start3A_892 : memref<1x!tpu.dma_semaphore, #tpu.memory_space<semaphore_mem>> -> memref<!tpu.dma_semaphore, #tpu.memory_space<semaphore_mem>>
      tpu.enqueue_indirect_dma source(%dma_start3A_885 : memref<80x32xf32, #tpu.memory_space<vmem>>) target(%dma_start3A_891 : memref<10000x32xf32, #tpu.memory_space<vmem_shared>>) offsets(%dma_start3A_888 : memref<80xi32, #tpu.memory_space<vmem>>) semaphore(%dma_start3A_893 : memref<!tpu.dma_semaphore, #tpu.memory_space<semaphore_mem>>) {add = true}
      %add3A_894 = arith.constant 9 : i32
      %add3A_895 = arith.addi %mul3A_392, %add3A_894 : i32
      %sub3A_896 = arith.constant 5 : i32
      %sub3A_897 = arith.subi %add3A_895, %sub3A_896 : i32
      %dma_wait3A_898 = arith.constant 4 : i32
      %dma_wait3A_899 = arith.constant 4 : i32
      %dma_wait3A_900 = arith.constant 0 : i32
      %dma_wait3A_901 = arith.constant 0 : i32
      %dma_wait3A_902 = tpu.memref_slice %arg8[%dma_wait3A_898, %dma_wait3A_900, %dma_wait3A_901] : memref<10x80x32xf32, #tpu.memory_space<vmem>> -> memref<1x80x32xf32, #tpu.memory_space<vmem>>
      %dma_wait3A_903 = tpu.memref_squeeze %dma_wait3A_902 : memref<1x80x32xf32, #tpu.memory_space<vmem>> -> memref<80x32xf32, #tpu.memory_space<vmem>>
      %dma_wait3A_904 = arith.constant 0 : i32
      %dma_wait3A_905 = tpu.memref_slice %arg7[%sub3A_897, %dma_wait3A_904] : memref<125x80xi32, #tpu.memory_space<vmem>> -> memref<1x80xi32, #tpu.memory_space<vmem>>
      %dma_wait3A_906 = tpu.memref_squeeze %dma_wait3A_905 : memref<1x80xi32, #tpu.memory_space<vmem>> -> memref<80xi32, #tpu.memory_space<vmem>>
      %dma_wait3A_907 = arith.constant 0 : i32
      %dma_wait3A_908 = arith.constant 0 : i32
      %dma_wait3A_909 = tpu.memref_slice %arg9[%dma_wait3A_907, %dma_wait3A_908] : memref<10000x32xf32, #tpu.memory_space<vmem_shared>> -> memref<10000x32xf32, #tpu.memory_space<vmem_shared>>
      %dma_wait3A_910 = tpu.memref_slice %arg11[%dma_wait3A_899] : memref<10x!tpu.dma_semaphore, #tpu.memory_space<semaphore_mem>> -> memref<1x!tpu.dma_semaphore, #tpu.memory_space<semaphore_mem>>
      %dma_wait3A_911 = tpu.memref_squeeze %dma_wait3A_910 : memref<1x!tpu.dma_semaphore, #tpu.memory_space<semaphore_mem>> -> memref<!tpu.dma_semaphore, #tpu.memory_space<semaphore_mem>>
      tpu.wait_indirect_dma semaphore(%dma_wait3A_911 : memref<!tpu.dma_semaphore, #tpu.memory_space<semaphore_mem>>) src(%dma_wait3A_903 : memref<80x32xf32, #tpu.memory_space<vmem>>) dst(%dma_wait3A_909 : memref<10000x32xf32, #tpu.memory_space<vmem_shared>>)
      %add3A_912 = arith.constant 5 : i32
      %add3A_913 = arith.addi %add3A_895, %add3A_912 : i32
      %dma_start3A_914 = arith.constant 4 : i32
      %dma_start3A_915 = arith.constant 4 : i32
      %dma_start3A_916 = arith.constant 0 : i32
      %dma_start3A_917 = arith.constant 0 : i32
      %dma_start3A_918 = tpu.memref_slice %arg8[%dma_start3A_914, %dma_start3A_916, %dma_start3A_917] : memref<10x80x32xf32, #tpu.memory_space<vmem>> -> memref<1x80x32xf32, #tpu.memory_space<vmem>>
      %dma_start3A_919 = tpu.memref_squeeze %dma_start3A_918 : memref<1x80x32xf32, #tpu.memory_space<vmem>> -> memref<80x32xf32, #tpu.memory_space<vmem>>
      %dma_start3A_920 = arith.constant 0 : i32
      %dma_start3A_921 = tpu.memref_slice %arg6[%add3A_913, %dma_start3A_920] : memref<125x80xi32, #tpu.memory_space<vmem>> -> memref<1x80xi32, #tpu.memory_space<vmem>>
      %dma_start3A_922 = tpu.memref_squeeze %dma_start3A_921 : memref<1x80xi32, #tpu.memory_space<vmem>> -> memref<80xi32, #tpu.memory_space<vmem>>
      %dma_start3A_923 = arith.constant 0 : i32
      %dma_start3A_924 = arith.constant 0 : i32
      %dma_start3A_925 = tpu.memref_slice %arg2[%dma_start3A_923, %dma_start3A_924] : memref<10000x32xf32, #tpu.memory_space<hbm>> -> memref<10000x32xf32, #tpu.memory_space<hbm>>
      %dma_start3A_926 = tpu.memref_slice %arg10[%dma_start3A_915] : memref<10x!tpu.dma_semaphore, #tpu.memory_space<semaphore_mem>> -> memref<1x!tpu.dma_semaphore, #tpu.memory_space<semaphore_mem>>
      %dma_start3A_927 = tpu.memref_squeeze %dma_start3A_926 : memref<1x!tpu.dma_semaphore, #tpu.memory_space<semaphore_mem>> -> memref<!tpu.dma_semaphore, #tpu.memory_space<semaphore_mem>>
      tpu.enqueue_indirect_dma source(%dma_start3A_925 : memref<10000x32xf32, #tpu.memory_space<hbm>>) target(%dma_start3A_919 : memref<80x32xf32, #tpu.memory_space<vmem>>) offsets(%dma_start3A_922 : memref<80xi32, #tpu.memory_space<vmem>>) semaphore(%dma_start3A_927 : memref<!tpu.dma_semaphore, #tpu.memory_space<semaphore_mem>>)
      %dma_wait3A_928 = arith.constant 9 : i32
      %dma_wait3A_929 = arith.constant 9 : i32
      %dma_wait3A_930 = arith.constant 0 : i32
      %dma_wait3A_931 = arith.constant 0 : i32
      %dma_wait3A_932 = tpu.memref_slice %arg8[%dma_wait3A_928, %dma_wait3A_930, %dma_wait3A_931] : memref<10x80x32xf32, #tpu.memory_space<vmem>> -> memref<1x80x32xf32, #tpu.memory_space<vmem>>
      %dma_wait3A_933 = tpu.memref_squeeze %dma_wait3A_932 : memref<1x80x32xf32, #tpu.memory_space<vmem>> -> memref<80x32xf32, #tpu.memory_space<vmem>>
      %dma_wait3A_934 = arith.constant 0 : i32
      %dma_wait3A_935 = tpu.memref_slice %arg6[%add3A_895, %dma_wait3A_934] : memref<125x80xi32, #tpu.memory_space<vmem>> -> memref<1x80xi32, #tpu.memory_space<vmem>>
      %dma_wait3A_936 = tpu.memref_squeeze %dma_wait3A_935 : memref<1x80xi32, #tpu.memory_space<vmem>> -> memref<80xi32, #tpu.memory_space<vmem>>
      %dma_wait3A_937 = arith.constant 0 : i32
      %dma_wait3A_938 = arith.constant 0 : i32
      %dma_wait3A_939 = tpu.memref_slice %arg2[%dma_wait3A_937, %dma_wait3A_938] : memref<10000x32xf32, #tpu.memory_space<hbm>> -> memref<10000x32xf32, #tpu.memory_space<hbm>>
      %dma_wait3A_940 = tpu.memref_slice %arg10[%dma_wait3A_929] : memref<10x!tpu.dma_semaphore, #tpu.memory_space<semaphore_mem>> -> memref<1x!tpu.dma_semaphore, #tpu.memory_space<semaphore_mem>>
      %dma_wait3A_941 = tpu.memref_squeeze %dma_wait3A_940 : memref<1x!tpu.dma_semaphore, #tpu.memory_space<semaphore_mem>> -> memref<!tpu.dma_semaphore, #tpu.memory_space<semaphore_mem>>
      tpu.wait_indirect_dma semaphore(%dma_wait3A_941 : memref<!tpu.dma_semaphore, #tpu.memory_space<semaphore_mem>>) src(%dma_wait3A_939 : memref<10000x32xf32, #tpu.memory_space<hbm>>) dst(%dma_wait3A_933 : memref<80x32xf32, #tpu.memory_space<vmem>>)
      %dma_start3A_942 = arith.constant 9 : i32
      %dma_start3A_943 = arith.constant 9 : i32
      %dma_start3A_944 = arith.constant 0 : i32
      %dma_start3A_945 = arith.constant 0 : i32
      %dma_start3A_946 = tpu.memref_slice %arg8[%dma_start3A_942, %dma_start3A_944, %dma_start3A_945] : memref<10x80x32xf32, #tpu.memory_space<vmem>> -> memref<1x80x32xf32, #tpu.memory_space<vmem>>
      %dma_start3A_947 = tpu.memref_squeeze %dma_start3A_946 : memref<1x80x32xf32, #tpu.memory_space<vmem>> -> memref<80x32xf32, #tpu.memory_space<vmem>>
      %dma_start3A_948 = arith.constant 0 : i32
      %dma_start3A_949 = tpu.memref_slice %arg7[%add3A_895, %dma_start3A_948] : memref<125x80xi32, #tpu.memory_space<vmem>> -> memref<1x80xi32, #tpu.memory_space<vmem>>
      %dma_start3A_950 = tpu.memref_squeeze %dma_start3A_949 : memref<1x80xi32, #tpu.memory_space<vmem>> -> memref<80xi32, #tpu.memory_space<vmem>>
      %dma_start3A_951 = arith.constant 0 : i32
      %dma_start3A_952 = arith.constant 0 : i32
      %dma_start3A_953 = tpu.memref_slice %arg9[%dma_start3A_951, %dma_start3A_952] : memref<10000x32xf32, #tpu.memory_space<vmem_shared>> -> memref<10000x32xf32, #tpu.memory_space<vmem_shared>>
      %dma_start3A_954 = tpu.memref_slice %arg11[%dma_start3A_943] : memref<10x!tpu.dma_semaphore, #tpu.memory_space<semaphore_mem>> -> memref<1x!tpu.dma_semaphore, #tpu.memory_space<semaphore_mem>>
      %dma_start3A_955 = tpu.memref_squeeze %dma_start3A_954 : memref<1x!tpu.dma_semaphore, #tpu.memory_space<semaphore_mem>> -> memref<!tpu.dma_semaphore, #tpu.memory_space<semaphore_mem>>
      tpu.enqueue_indirect_dma source(%dma_start3A_947 : memref<80x32xf32, #tpu.memory_space<vmem>>) target(%dma_start3A_953 : memref<10000x32xf32, #tpu.memory_space<vmem_shared>>) offsets(%dma_start3A_950 : memref<80xi32, #tpu.memory_space<vmem>>) semaphore(%dma_start3A_955 : memref<!tpu.dma_semaphore, #tpu.memory_space<semaphore_mem>>) {add = true}
    }
    %scan3A_84 = arith.constant 12 : i32
    %dma_wait3A = arith.constant 5 : i32
    %dma_wait3A_85 = arith.constant 115 : i32
    %dma_wait3A_86 = arith.constant 5 : i32
    %dma_wait3A_87 = arith.constant 0 : i32
    %dma_wait3A_88 = arith.constant 0 : i32
    %dma_wait3A_89 = tpu.memref_slice %arg8[%dma_wait3A, %dma_wait3A_87, %dma_wait3A_88] : memref<10x80x32xf32, #tpu.memory_space<vmem>> -> memref<1x80x32xf32, #tpu.memory_space<vmem>>
    %dma_wait3A_90 = tpu.memref_squeeze %dma_wait3A_89 : memref<1x80x32xf32, #tpu.memory_space<vmem>> -> memref<80x32xf32, #tpu.memory_space<vmem>>
    %dma_wait3A_91 = arith.constant 0 : i32
    %dma_wait3A_92 = tpu.memref_slice %arg7[%dma_wait3A_85, %dma_wait3A_91] : memref<125x80xi32, #tpu.memory_space<vmem>> -> memref<1x80xi32, #tpu.memory_space<vmem>>
    %dma_wait3A_93 = tpu.memref_squeeze %dma_wait3A_92 : memref<1x80xi32, #tpu.memory_space<vmem>> -> memref<80xi32, #tpu.memory_space<vmem>>
    %dma_wait3A_94 = arith.constant 0 : i32
    %dma_wait3A_95 = arith.constant 0 : i32
    %dma_wait3A_96 = tpu.memref_slice %arg9[%dma_wait3A_94, %dma_wait3A_95] : memref<10000x32xf32, #tpu.memory_space<vmem_shared>> -> memref<10000x32xf32, #tpu.memory_space<vmem_shared>>
    %dma_wait3A_97 = tpu.memref_slice %arg11[%dma_wait3A_86] : memref<10x!tpu.dma_semaphore, #tpu.memory_space<semaphore_mem>> -> memref<1x!tpu.dma_semaphore, #tpu.memory_space<semaphore_mem>>
    %dma_wait3A_98 = tpu.memref_squeeze %dma_wait3A_97 : memref<1x!tpu.dma_semaphore, #tpu.memory_space<semaphore_mem>> -> memref<!tpu.dma_semaphore, #tpu.memory_space<semaphore_mem>>
    tpu.wait_indirect_dma semaphore(%dma_wait3A_98 : memref<!tpu.dma_semaphore, #tpu.memory_space<semaphore_mem>>) src(%dma_wait3A_90 : memref<80x32xf32, #tpu.memory_space<vmem>>) dst(%dma_wait3A_96 : memref<10000x32xf32, #tpu.memory_space<vmem_shared>>)
    %dma_wait3A_99 = arith.constant 120 : i32
    %dma_wait3A_100 = arith.constant 0 : i32
    %dma_wait3A_101 = arith.constant 0 : i32
    %dma_wait3A_102 = arith.constant 0 : i32
    %dma_wait3A_103 = arith.constant 0 : i32
    %dma_wait3A_104 = tpu.memref_slice %arg8[%dma_wait3A_100, %dma_wait3A_102, %dma_wait3A_103] : memref<10x80x32xf32, #tpu.memory_space<vmem>> -> memref<1x80x32xf32, #tpu.memory_space<vmem>>
    %dma_wait3A_105 = tpu.memref_squeeze %dma_wait3A_104 : memref<1x80x32xf32, #tpu.memory_space<vmem>> -> memref<80x32xf32, #tpu.memory_space<vmem>>
    %dma_wait3A_106 = arith.constant 0 : i32
    %dma_wait3A_107 = tpu.memref_slice %arg6[%dma_wait3A_99, %dma_wait3A_106] : memref<125x80xi32, #tpu.memory_space<vmem>> -> memref<1x80xi32, #tpu.memory_space<vmem>>
    %dma_wait3A_108 = tpu.memref_squeeze %dma_wait3A_107 : memref<1x80xi32, #tpu.memory_space<vmem>> -> memref<80xi32, #tpu.memory_space<vmem>>
    %dma_wait3A_109 = arith.constant 0 : i32
    %dma_wait3A_110 = arith.constant 0 : i32
    %dma_wait3A_111 = tpu.memref_slice %arg2[%dma_wait3A_109, %dma_wait3A_110] : memref<10000x32xf32, #tpu.memory_space<hbm>> -> memref<10000x32xf32, #tpu.memory_space<hbm>>
    %dma_wait3A_112 = tpu.memref_slice %arg10[%dma_wait3A_101] : memref<10x!tpu.dma_semaphore, #tpu.memory_space<semaphore_mem>> -> memref<1x!tpu.dma_semaphore, #tpu.memory_space<semaphore_mem>>
    %dma_wait3A_113 = tpu.memref_squeeze %dma_wait3A_112 : memref<1x!tpu.dma_semaphore, #tpu.memory_space<semaphore_mem>> -> memref<!tpu.dma_semaphore, #tpu.memory_space<semaphore_mem>>
    tpu.wait_indirect_dma semaphore(%dma_wait3A_113 : memref<!tpu.dma_semaphore, #tpu.memory_space<semaphore_mem>>) src(%dma_wait3A_111 : memref<10000x32xf32, #tpu.memory_space<hbm>>) dst(%dma_wait3A_105 : memref<80x32xf32, #tpu.memory_space<vmem>>)
    %dma_start3A_114 = arith.constant 0 : i32
    %dma_start3A_115 = arith.constant 120 : i32
    %dma_start3A_116 = arith.constant 0 : i32
    %dma_start3A_117 = arith.constant 0 : i32
    %dma_start3A_118 = arith.constant 0 : i32
    %dma_start3A_119 = tpu.memref_slice %arg8[%dma_start3A_114, %dma_start3A_117, %dma_start3A_118] : memref<10x80x32xf32, #tpu.memory_space<vmem>> -> memref<1x80x32xf32, #tpu.memory_space<vmem>>
    %dma_start3A_120 = tpu.memref_squeeze %dma_start3A_119 : memref<1x80x32xf32, #tpu.memory_space<vmem>> -> memref<80x32xf32, #tpu.memory_space<vmem>>
    %dma_start3A_121 = arith.constant 0 : i32
    %dma_start3A_122 = tpu.memref_slice %arg7[%dma_start3A_115, %dma_start3A_121] : memref<125x80xi32, #tpu.memory_space<vmem>> -> memref<1x80xi32, #tpu.memory_space<vmem>>
    %dma_start3A_123 = tpu.memref_squeeze %dma_start3A_122 : memref<1x80xi32, #tpu.memory_space<vmem>> -> memref<80xi32, #tpu.memory_space<vmem>>
    %dma_start3A_124 = arith.constant 0 : i32
    %dma_start3A_125 = arith.constant 0 : i32
    %dma_start3A_126 = tpu.memref_slice %arg9[%dma_start3A_124, %dma_start3A_125] : memref<10000x32xf32, #tpu.memory_space<vmem_shared>> -> memref<10000x32xf32, #tpu.memory_space<vmem_shared>>
    %dma_start3A_127 = tpu.memref_slice %arg11[%dma_start3A_116] : memref<10x!tpu.dma_semaphore, #tpu.memory_space<semaphore_mem>> -> memref<1x!tpu.dma_semaphore, #tpu.memory_space<semaphore_mem>>
    %dma_start3A_128 = tpu.memref_squeeze %dma_start3A_127 : memref<1x!tpu.dma_semaphore, #tpu.memory_space<semaphore_mem>> -> memref<!tpu.dma_semaphore, #tpu.memory_space<semaphore_mem>>
    tpu.enqueue_indirect_dma source(%dma_start3A_120 : memref<80x32xf32, #tpu.memory_space<vmem>>) target(%dma_start3A_126 : memref<10000x32xf32, #tpu.memory_space<vmem_shared>>) offsets(%dma_start3A_123 : memref<80xi32, #tpu.memory_space<vmem>>) semaphore(%dma_start3A_128 : memref<!tpu.dma_semaphore, #tpu.memory_space<semaphore_mem>>) {add = true}
    %dma_wait3A_129 = arith.constant 6 : i32
    %dma_wait3A_130 = arith.constant 116 : i32
    %dma_wait3A_131 = arith.constant 6 : i32
    %dma_wait3A_132 = arith.constant 0 : i32
    %dma_wait3A_133 = arith.constant 0 : i32
    %dma_wait3A_134 = tpu.memref_slice %arg8[%dma_wait3A_129, %dma_wait3A_132, %dma_wait3A_133] : memref<10x80x32xf32, #tpu.memory_space<vmem>> -> memref<1x80x32xf32, #tpu.memory_space<vmem>>
    %dma_wait3A_135 = tpu.memref_squeeze %dma_wait3A_134 : memref<1x80x32xf32, #tpu.memory_space<vmem>> -> memref<80x32xf32, #tpu.memory_space<vmem>>
    %dma_wait3A_136 = arith.constant 0 : i32
    %dma_wait3A_137 = tpu.memref_slice %arg7[%dma_wait3A_130, %dma_wait3A_136] : memref<125x80xi32, #tpu.memory_space<vmem>> -> memref<1x80xi32, #tpu.memory_space<vmem>>
    %dma_wait3A_138 = tpu.memref_squeeze %dma_wait3A_137 : memref<1x80xi32, #tpu.memory_space<vmem>> -> memref<80xi32, #tpu.memory_space<vmem>>
    %dma_wait3A_139 = arith.constant 0 : i32
    %dma_wait3A_140 = arith.constant 0 : i32
    %dma_wait3A_141 = tpu.memref_slice %arg9[%dma_wait3A_139, %dma_wait3A_140] : memref<10000x32xf32, #tpu.memory_space<vmem_shared>> -> memref<10000x32xf32, #tpu.memory_space<vmem_shared>>
    %dma_wait3A_142 = tpu.memref_slice %arg11[%dma_wait3A_131] : memref<10x!tpu.dma_semaphore, #tpu.memory_space<semaphore_mem>> -> memref<1x!tpu.dma_semaphore, #tpu.memory_space<semaphore_mem>>
    %dma_wait3A_143 = tpu.memref_squeeze %dma_wait3A_142 : memref<1x!tpu.dma_semaphore, #tpu.memory_space<semaphore_mem>> -> memref<!tpu.dma_semaphore, #tpu.memory_space<semaphore_mem>>
    tpu.wait_indirect_dma semaphore(%dma_wait3A_143 : memref<!tpu.dma_semaphore, #tpu.memory_space<semaphore_mem>>) src(%dma_wait3A_135 : memref<80x32xf32, #tpu.memory_space<vmem>>) dst(%dma_wait3A_141 : memref<10000x32xf32, #tpu.memory_space<vmem_shared>>)
    %dma_wait3A_144 = arith.constant 121 : i32
    %dma_wait3A_145 = arith.constant 1 : i32
    %dma_wait3A_146 = arith.constant 1 : i32
    %dma_wait3A_147 = arith.constant 0 : i32
    %dma_wait3A_148 = arith.constant 0 : i32
    %dma_wait3A_149 = tpu.memref_slice %arg8[%dma_wait3A_145, %dma_wait3A_147, %dma_wait3A_148] : memref<10x80x32xf32, #tpu.memory_space<vmem>> -> memref<1x80x32xf32, #tpu.memory_space<vmem>>
    %dma_wait3A_150 = tpu.memref_squeeze %dma_wait3A_149 : memref<1x80x32xf32, #tpu.memory_space<vmem>> -> memref<80x32xf32, #tpu.memory_space<vmem>>
    %dma_wait3A_151 = arith.constant 0 : i32
    %dma_wait3A_152 = tpu.memref_slice %arg6[%dma_wait3A_144, %dma_wait3A_151] : memref<125x80xi32, #tpu.memory_space<vmem>> -> memref<1x80xi32, #tpu.memory_space<vmem>>
    %dma_wait3A_153 = tpu.memref_squeeze %dma_wait3A_152 : memref<1x80xi32, #tpu.memory_space<vmem>> -> memref<80xi32, #tpu.memory_space<vmem>>
    %dma_wait3A_154 = arith.constant 0 : i32
    %dma_wait3A_155 = arith.constant 0 : i32
    %dma_wait3A_156 = tpu.memref_slice %arg2[%dma_wait3A_154, %dma_wait3A_155] : memref<10000x32xf32, #tpu.memory_space<hbm>> -> memref<10000x32xf32, #tpu.memory_space<hbm>>
    %dma_wait3A_157 = tpu.memref_slice %arg10[%dma_wait3A_146] : memref<10x!tpu.dma_semaphore, #tpu.memory_space<semaphore_mem>> -> memref<1x!tpu.dma_semaphore, #tpu.memory_space<semaphore_mem>>
    %dma_wait3A_158 = tpu.memref_squeeze %dma_wait3A_157 : memref<1x!tpu.dma_semaphore, #tpu.memory_space<semaphore_mem>> -> memref<!tpu.dma_semaphore, #tpu.memory_space<semaphore_mem>>
    tpu.wait_indirect_dma semaphore(%dma_wait3A_158 : memref<!tpu.dma_semaphore, #tpu.memory_space<semaphore_mem>>) src(%dma_wait3A_156 : memref<10000x32xf32, #tpu.memory_space<hbm>>) dst(%dma_wait3A_150 : memref<80x32xf32, #tpu.memory_space<vmem>>)
    %dma_start3A_159 = arith.constant 1 : i32
    %dma_start3A_160 = arith.constant 121 : i32
    %dma_start3A_161 = arith.constant 1 : i32
    %dma_start3A_162 = arith.constant 0 : i32
    %dma_start3A_163 = arith.constant 0 : i32
    %dma_start3A_164 = tpu.memref_slice %arg8[%dma_start3A_159, %dma_start3A_162, %dma_start3A_163] : memref<10x80x32xf32, #tpu.memory_space<vmem>> -> memref<1x80x32xf32, #tpu.memory_space<vmem>>
    %dma_start3A_165 = tpu.memref_squeeze %dma_start3A_164 : memref<1x80x32xf32, #tpu.memory_space<vmem>> -> memref<80x32xf32, #tpu.memory_space<vmem>>
    %dma_start3A_166 = arith.constant 0 : i32
    %dma_start3A_167 = tpu.memref_slice %arg7[%dma_start3A_160, %dma_start3A_166] : memref<125x80xi32, #tpu.memory_space<vmem>> -> memref<1x80xi32, #tpu.memory_space<vmem>>
    %dma_start3A_168 = tpu.memref_squeeze %dma_start3A_167 : memref<1x80xi32, #tpu.memory_space<vmem>> -> memref<80xi32, #tpu.memory_space<vmem>>
    %dma_start3A_169 = arith.constant 0 : i32
    %dma_start3A_170 = arith.constant 0 : i32
    %dma_start3A_171 = tpu.memref_slice %arg9[%dma_start3A_169, %dma_start3A_170] : memref<10000x32xf32, #tpu.memory_space<vmem_shared>> -> memref<10000x32xf32, #tpu.memory_space<vmem_shared>>
    %dma_start3A_172 = tpu.memref_slice %arg11[%dma_start3A_161] : memref<10x!tpu.dma_semaphore, #tpu.memory_space<semaphore_mem>> -> memref<1x!tpu.dma_semaphore, #tpu.memory_space<semaphore_mem>>
    %dma_start3A_173 = tpu.memref_squeeze %dma_start3A_172 : memref<1x!tpu.dma_semaphore, #tpu.memory_space<semaphore_mem>> -> memref<!tpu.dma_semaphore, #tpu.memory_space<semaphore_mem>>
    tpu.enqueue_indirect_dma source(%dma_start3A_165 : memref<80x32xf32, #tpu.memory_space<vmem>>) target(%dma_start3A_171 : memref<10000x32xf32, #tpu.memory_space<vmem_shared>>) offsets(%dma_start3A_168 : memref<80xi32, #tpu.memory_space<vmem>>) semaphore(%dma_start3A_173 : memref<!tpu.dma_semaphore, #tpu.memory_space<semaphore_mem>>) {add = true}
    %dma_wait3A_174 = arith.constant 7 : i32
    %dma_wait3A_175 = arith.constant 117 : i32
    %dma_wait3A_176 = arith.constant 7 : i32
    %dma_wait3A_177 = arith.constant 0 : i32
    %dma_wait3A_178 = arith.constant 0 : i32
    %dma_wait3A_179 = tpu.memref_slice %arg8[%dma_wait3A_174, %dma_wait3A_177, %dma_wait3A_178] : memref<10x80x32xf32, #tpu.memory_space<vmem>> -> memref<1x80x32xf32, #tpu.memory_space<vmem>>
    %dma_wait3A_180 = tpu.memref_squeeze %dma_wait3A_179 : memref<1x80x32xf32, #tpu.memory_space<vmem>> -> memref<80x32xf32, #tpu.memory_space<vmem>>
    %dma_wait3A_181 = arith.constant 0 : i32
    %dma_wait3A_182 = tpu.memref_slice %arg7[%dma_wait3A_175, %dma_wait3A_181] : memref<125x80xi32, #tpu.memory_space<vmem>> -> memref<1x80xi32, #tpu.memory_space<vmem>>
    %dma_wait3A_183 = tpu.memref_squeeze %dma_wait3A_182 : memref<1x80xi32, #tpu.memory_space<vmem>> -> memref<80xi32, #tpu.memory_space<vmem>>
    %dma_wait3A_184 = arith.constant 0 : i32
    %dma_wait3A_185 = arith.constant 0 : i32
    %dma_wait3A_186 = tpu.memref_slice %arg9[%dma_wait3A_184, %dma_wait3A_185] : memref<10000x32xf32, #tpu.memory_space<vmem_shared>> -> memref<10000x32xf32, #tpu.memory_space<vmem_shared>>
    %dma_wait3A_187 = tpu.memref_slice %arg11[%dma_wait3A_176] : memref<10x!tpu.dma_semaphore, #tpu.memory_space<semaphore_mem>> -> memref<1x!tpu.dma_semaphore, #tpu.memory_space<semaphore_mem>>
    %dma_wait3A_188 = tpu.memref_squeeze %dma_wait3A_187 : memref<1x!tpu.dma_semaphore, #tpu.memory_space<semaphore_mem>> -> memref<!tpu.dma_semaphore, #tpu.memory_space<semaphore_mem>>
    tpu.wait_indirect_dma semaphore(%dma_wait3A_188 : memref<!tpu.dma_semaphore, #tpu.memory_space<semaphore_mem>>) src(%dma_wait3A_180 : memref<80x32xf32, #tpu.memory_space<vmem>>) dst(%dma_wait3A_186 : memref<10000x32xf32, #tpu.memory_space<vmem_shared>>)
    %dma_wait3A_189 = arith.constant 122 : i32
    %dma_wait3A_190 = arith.constant 2 : i32
    %dma_wait3A_191 = arith.constant 2 : i32
    %dma_wait3A_192 = arith.constant 0 : i32
    %dma_wait3A_193 = arith.constant 0 : i32
    %dma_wait3A_194 = tpu.memref_slice %arg8[%dma_wait3A_190, %dma_wait3A_192, %dma_wait3A_193] : memref<10x80x32xf32, #tpu.memory_space<vmem>> -> memref<1x80x32xf32, #tpu.memory_space<vmem>>
    %dma_wait3A_195 = tpu.memref_squeeze %dma_wait3A_194 : memref<1x80x32xf32, #tpu.memory_space<vmem>> -> memref<80x32xf32, #tpu.memory_space<vmem>>
    %dma_wait3A_196 = arith.constant 0 : i32
    %dma_wait3A_197 = tpu.memref_slice %arg6[%dma_wait3A_189, %dma_wait3A_196] : memref<125x80xi32, #tpu.memory_space<vmem>> -> memref<1x80xi32, #tpu.memory_space<vmem>>
    %dma_wait3A_198 = tpu.memref_squeeze %dma_wait3A_197 : memref<1x80xi32, #tpu.memory_space<vmem>> -> memref<80xi32, #tpu.memory_space<vmem>>
    %dma_wait3A_199 = arith.constant 0 : i32
    %dma_wait3A_200 = arith.constant 0 : i32
    %dma_wait3A_201 = tpu.memref_slice %arg2[%dma_wait3A_199, %dma_wait3A_200] : memref<10000x32xf32, #tpu.memory_space<hbm>> -> memref<10000x32xf32, #tpu.memory_space<hbm>>
    %dma_wait3A_202 = tpu.memref_slice %arg10[%dma_wait3A_191] : memref<10x!tpu.dma_semaphore, #tpu.memory_space<semaphore_mem>> -> memref<1x!tpu.dma_semaphore, #tpu.memory_space<semaphore_mem>>
    %dma_wait3A_203 = tpu.memref_squeeze %dma_wait3A_202 : memref<1x!tpu.dma_semaphore, #tpu.memory_space<semaphore_mem>> -> memref<!tpu.dma_semaphore, #tpu.memory_space<semaphore_mem>>
    tpu.wait_indirect_dma semaphore(%dma_wait3A_203 : memref<!tpu.dma_semaphore, #tpu.memory_space<semaphore_mem>>) src(%dma_wait3A_201 : memref<10000x32xf32, #tpu.memory_space<hbm>>) dst(%dma_wait3A_195 : memref<80x32xf32, #tpu.memory_space<vmem>>)
    %dma_start3A_204 = arith.constant 2 : i32
    %dma_start3A_205 = arith.constant 122 : i32
    %dma_start3A_206 = arith.constant 2 : i32
    %dma_start3A_207 = arith.constant 0 : i32
    %dma_start3A_208 = arith.constant 0 : i32
    %dma_start3A_209 = tpu.memref_slice %arg8[%dma_start3A_204, %dma_start3A_207, %dma_start3A_208] : memref<10x80x32xf32, #tpu.memory_space<vmem>> -> memref<1x80x32xf32, #tpu.memory_space<vmem>>
    %dma_start3A_210 = tpu.memref_squeeze %dma_start3A_209 : memref<1x80x32xf32, #tpu.memory_space<vmem>> -> memref<80x32xf32, #tpu.memory_space<vmem>>
    %dma_start3A_211 = arith.constant 0 : i32
    %dma_start3A_212 = tpu.memref_slice %arg7[%dma_start3A_205, %dma_start3A_211] : memref<125x80xi32, #tpu.memory_space<vmem>> -> memref<1x80xi32, #tpu.memory_space<vmem>>
    %dma_start3A_213 = tpu.memref_squeeze %dma_start3A_212 : memref<1x80xi32, #tpu.memory_space<vmem>> -> memref<80xi32, #tpu.memory_space<vmem>>
    %dma_start3A_214 = arith.constant 0 : i32
    %dma_start3A_215 = arith.constant 0 : i32
    %dma_start3A_216 = tpu.memref_slice %arg9[%dma_start3A_214, %dma_start3A_215] : memref<10000x32xf32, #tpu.memory_space<vmem_shared>> -> memref<10000x32xf32, #tpu.memory_space<vmem_shared>>
    %dma_start3A_217 = tpu.memref_slice %arg11[%dma_start3A_206] : memref<10x!tpu.dma_semaphore, #tpu.memory_space<semaphore_mem>> -> memref<1x!tpu.dma_semaphore, #tpu.memory_space<semaphore_mem>>
    %dma_start3A_218 = tpu.memref_squeeze %dma_start3A_217 : memref<1x!tpu.dma_semaphore, #tpu.memory_space<semaphore_mem>> -> memref<!tpu.dma_semaphore, #tpu.memory_space<semaphore_mem>>
    tpu.enqueue_indirect_dma source(%dma_start3A_210 : memref<80x32xf32, #tpu.memory_space<vmem>>) target(%dma_start3A_216 : memref<10000x32xf32, #tpu.memory_space<vmem_shared>>) offsets(%dma_start3A_213 : memref<80xi32, #tpu.memory_space<vmem>>) semaphore(%dma_start3A_218 : memref<!tpu.dma_semaphore, #tpu.memory_space<semaphore_mem>>) {add = true}
    %dma_wait3A_219 = arith.constant 8 : i32
    %dma_wait3A_220 = arith.constant 118 : i32
    %dma_wait3A_221 = arith.constant 8 : i32
    %dma_wait3A_222 = arith.constant 0 : i32
    %dma_wait3A_223 = arith.constant 0 : i32
    %dma_wait3A_224 = tpu.memref_slice %arg8[%dma_wait3A_219, %dma_wait3A_222, %dma_wait3A_223] : memref<10x80x32xf32, #tpu.memory_space<vmem>> -> memref<1x80x32xf32, #tpu.memory_space<vmem>>
    %dma_wait3A_225 = tpu.memref_squeeze %dma_wait3A_224 : memref<1x80x32xf32, #tpu.memory_space<vmem>> -> memref<80x32xf32, #tpu.memory_space<vmem>>
    %dma_wait3A_226 = arith.constant 0 : i32
    %dma_wait3A_227 = tpu.memref_slice %arg7[%dma_wait3A_220, %dma_wait3A_226] : memref<125x80xi32, #tpu.memory_space<vmem>> -> memref<1x80xi32, #tpu.memory_space<vmem>>
    %dma_wait3A_228 = tpu.memref_squeeze %dma_wait3A_227 : memref<1x80xi32, #tpu.memory_space<vmem>> -> memref<80xi32, #tpu.memory_space<vmem>>
    %dma_wait3A_229 = arith.constant 0 : i32
    %dma_wait3A_230 = arith.constant 0 : i32
    %dma_wait3A_231 = tpu.memref_slice %arg9[%dma_wait3A_229, %dma_wait3A_230] : memref<10000x32xf32, #tpu.memory_space<vmem_shared>> -> memref<10000x32xf32, #tpu.memory_space<vmem_shared>>
    %dma_wait3A_232 = tpu.memref_slice %arg11[%dma_wait3A_221] : memref<10x!tpu.dma_semaphore, #tpu.memory_space<semaphore_mem>> -> memref<1x!tpu.dma_semaphore, #tpu.memory_space<semaphore_mem>>
    %dma_wait3A_233 = tpu.memref_squeeze %dma_wait3A_232 : memref<1x!tpu.dma_semaphore, #tpu.memory_space<semaphore_mem>> -> memref<!tpu.dma_semaphore, #tpu.memory_space<semaphore_mem>>
    tpu.wait_indirect_dma semaphore(%dma_wait3A_233 : memref<!tpu.dma_semaphore, #tpu.memory_space<semaphore_mem>>) src(%dma_wait3A_225 : memref<80x32xf32, #tpu.memory_space<vmem>>) dst(%dma_wait3A_231 : memref<10000x32xf32, #tpu.memory_space<vmem_shared>>)
    %dma_wait3A_234 = arith.constant 123 : i32
    %dma_wait3A_235 = arith.constant 3 : i32
    %dma_wait3A_236 = arith.constant 3 : i32
    %dma_wait3A_237 = arith.constant 0 : i32
    %dma_wait3A_238 = arith.constant 0 : i32
    %dma_wait3A_239 = tpu.memref_slice %arg8[%dma_wait3A_235, %dma_wait3A_237, %dma_wait3A_238] : memref<10x80x32xf32, #tpu.memory_space<vmem>> -> memref<1x80x32xf32, #tpu.memory_space<vmem>>
    %dma_wait3A_240 = tpu.memref_squeeze %dma_wait3A_239 : memref<1x80x32xf32, #tpu.memory_space<vmem>> -> memref<80x32xf32, #tpu.memory_space<vmem>>
    %dma_wait3A_241 = arith.constant 0 : i32
    %dma_wait3A_242 = tpu.memref_slice %arg6[%dma_wait3A_234, %dma_wait3A_241] : memref<125x80xi32, #tpu.memory_space<vmem>> -> memref<1x80xi32, #tpu.memory_space<vmem>>
    %dma_wait3A_243 = tpu.memref_squeeze %dma_wait3A_242 : memref<1x80xi32, #tpu.memory_space<vmem>> -> memref<80xi32, #tpu.memory_space<vmem>>
    %dma_wait3A_244 = arith.constant 0 : i32
    %dma_wait3A_245 = arith.constant 0 : i32
    %dma_wait3A_246 = tpu.memref_slice %arg2[%dma_wait3A_244, %dma_wait3A_245] : memref<10000x32xf32, #tpu.memory_space<hbm>> -> memref<10000x32xf32, #tpu.memory_space<hbm>>
    %dma_wait3A_247 = tpu.memref_slice %arg10[%dma_wait3A_236] : memref<10x!tpu.dma_semaphore, #tpu.memory_space<semaphore_mem>> -> memref<1x!tpu.dma_semaphore, #tpu.memory_space<semaphore_mem>>
    %dma_wait3A_248 = tpu.memref_squeeze %dma_wait3A_247 : memref<1x!tpu.dma_semaphore, #tpu.memory_space<semaphore_mem>> -> memref<!tpu.dma_semaphore, #tpu.memory_space<semaphore_mem>>
    tpu.wait_indirect_dma semaphore(%dma_wait3A_248 : memref<!tpu.dma_semaphore, #tpu.memory_space<semaphore_mem>>) src(%dma_wait3A_246 : memref<10000x32xf32, #tpu.memory_space<hbm>>) dst(%dma_wait3A_240 : memref<80x32xf32, #tpu.memory_space<vmem>>)
    %dma_start3A_249 = arith.constant 3 : i32
    %dma_start3A_250 = arith.constant 123 : i32
    %dma_start3A_251 = arith.constant 3 : i32
    %dma_start3A_252 = arith.constant 0 : i32
    %dma_start3A_253 = arith.constant 0 : i32
    %dma_start3A_254 = tpu.memref_slice %arg8[%dma_start3A_249, %dma_start3A_252, %dma_start3A_253] : memref<10x80x32xf32, #tpu.memory_space<vmem>> -> memref<1x80x32xf32, #tpu.memory_space<vmem>>
    %dma_start3A_255 = tpu.memref_squeeze %dma_start3A_254 : memref<1x80x32xf32, #tpu.memory_space<vmem>> -> memref<80x32xf32, #tpu.memory_space<vmem>>
    %dma_start3A_256 = arith.constant 0 : i32
    %dma_start3A_257 = tpu.memref_slice %arg7[%dma_start3A_250, %dma_start3A_256] : memref<125x80xi32, #tpu.memory_space<vmem>> -> memref<1x80xi32, #tpu.memory_space<vmem>>
    %dma_start3A_258 = tpu.memref_squeeze %dma_start3A_257 : memref<1x80xi32, #tpu.memory_space<vmem>> -> memref<80xi32, #tpu.memory_space<vmem>>
    %dma_start3A_259 = arith.constant 0 : i32
    %dma_start3A_260 = arith.constant 0 : i32
    %dma_start3A_261 = tpu.memref_slice %arg9[%dma_start3A_259, %dma_start3A_260] : memref<10000x32xf32, #tpu.memory_space<vmem_shared>> -> memref<10000x32xf32, #tpu.memory_space<vmem_shared>>
    %dma_start3A_262 = tpu.memref_slice %arg11[%dma_start3A_251] : memref<10x!tpu.dma_semaphore, #tpu.memory_space<semaphore_mem>> -> memref<1x!tpu.dma_semaphore, #tpu.memory_space<semaphore_mem>>
    %dma_start3A_263 = tpu.memref_squeeze %dma_start3A_262 : memref<1x!tpu.dma_semaphore, #tpu.memory_space<semaphore_mem>> -> memref<!tpu.dma_semaphore, #tpu.memory_space<semaphore_mem>>
    tpu.enqueue_indirect_dma source(%dma_start3A_255 : memref<80x32xf32, #tpu.memory_space<vmem>>) target(%dma_start3A_261 : memref<10000x32xf32, #tpu.memory_space<vmem_shared>>) offsets(%dma_start3A_258 : memref<80xi32, #tpu.memory_space<vmem>>) semaphore(%dma_start3A_263 : memref<!tpu.dma_semaphore, #tpu.memory_space<semaphore_mem>>) {add = true}
    %dma_wait3A_264 = arith.constant 9 : i32
    %dma_wait3A_265 = arith.constant 119 : i32
    %dma_wait3A_266 = arith.constant 9 : i32
    %dma_wait3A_267 = arith.constant 0 : i32
    %dma_wait3A_268 = arith.constant 0 : i32
    %dma_wait3A_269 = tpu.memref_slice %arg8[%dma_wait3A_264, %dma_wait3A_267, %dma_wait3A_268] : memref<10x80x32xf32, #tpu.memory_space<vmem>> -> memref<1x80x32xf32, #tpu.memory_space<vmem>>
    %dma_wait3A_270 = tpu.memref_squeeze %dma_wait3A_269 : memref<1x80x32xf32, #tpu.memory_space<vmem>> -> memref<80x32xf32, #tpu.memory_space<vmem>>
    %dma_wait3A_271 = arith.constant 0 : i32
    %dma_wait3A_272 = tpu.memref_slice %arg7[%dma_wait3A_265, %dma_wait3A_271] : memref<125x80xi32, #tpu.memory_space<vmem>> -> memref<1x80xi32, #tpu.memory_space<vmem>>
    %dma_wait3A_273 = tpu.memref_squeeze %dma_wait3A_272 : memref<1x80xi32, #tpu.memory_space<vmem>> -> memref<80xi32, #tpu.memory_space<vmem>>
    %dma_wait3A_274 = arith.constant 0 : i32
    %dma_wait3A_275 = arith.constant 0 : i32
    %dma_wait3A_276 = tpu.memref_slice %arg9[%dma_wait3A_274, %dma_wait3A_275] : memref<10000x32xf32, #tpu.memory_space<vmem_shared>> -> memref<10000x32xf32, #tpu.memory_space<vmem_shared>>
    %dma_wait3A_277 = tpu.memref_slice %arg11[%dma_wait3A_266] : memref<10x!tpu.dma_semaphore, #tpu.memory_space<semaphore_mem>> -> memref<1x!tpu.dma_semaphore, #tpu.memory_space<semaphore_mem>>
    %dma_wait3A_278 = tpu.memref_squeeze %dma_wait3A_277 : memref<1x!tpu.dma_semaphore, #tpu.memory_space<semaphore_mem>> -> memref<!tpu.dma_semaphore, #tpu.memory_space<semaphore_mem>>
    tpu.wait_indirect_dma semaphore(%dma_wait3A_278 : memref<!tpu.dma_semaphore, #tpu.memory_space<semaphore_mem>>) src(%dma_wait3A_270 : memref<80x32xf32, #tpu.memory_space<vmem>>) dst(%dma_wait3A_276 : memref<10000x32xf32, #tpu.memory_space<vmem_shared>>)
    %dma_wait3A_279 = arith.constant 124 : i32
    %dma_wait3A_280 = arith.constant 4 : i32
    %dma_wait3A_281 = arith.constant 4 : i32
    %dma_wait3A_282 = arith.constant 0 : i32
    %dma_wait3A_283 = arith.constant 0 : i32
    %dma_wait3A_284 = tpu.memref_slice %arg8[%dma_wait3A_280, %dma_wait3A_282, %dma_wait3A_283] : memref<10x80x32xf32, #tpu.memory_space<vmem>> -> memref<1x80x32xf32, #tpu.memory_space<vmem>>
    %dma_wait3A_285 = tpu.memref_squeeze %dma_wait3A_284 : memref<1x80x32xf32, #tpu.memory_space<vmem>> -> memref<80x32xf32, #tpu.memory_space<vmem>>
    %dma_wait3A_286 = arith.constant 0 : i32
    %dma_wait3A_287 = tpu.memref_slice %arg6[%dma_wait3A_279, %dma_wait3A_286] : memref<125x80xi32, #tpu.memory_space<vmem>> -> memref<1x80xi32, #tpu.memory_space<vmem>>
    %dma_wait3A_288 = tpu.memref_squeeze %dma_wait3A_287 : memref<1x80xi32, #tpu.memory_space<vmem>> -> memref<80xi32, #tpu.memory_space<vmem>>
    %dma_wait3A_289 = arith.constant 0 : i32
    %dma_wait3A_290 = arith.constant 0 : i32
    %dma_wait3A_291 = tpu.memref_slice %arg2[%dma_wait3A_289, %dma_wait3A_290] : memref<10000x32xf32, #tpu.memory_space<hbm>> -> memref<10000x32xf32, #tpu.memory_space<hbm>>
    %dma_wait3A_292 = tpu.memref_slice %arg10[%dma_wait3A_281] : memref<10x!tpu.dma_semaphore, #tpu.memory_space<semaphore_mem>> -> memref<1x!tpu.dma_semaphore, #tpu.memory_space<semaphore_mem>>
    %dma_wait3A_293 = tpu.memref_squeeze %dma_wait3A_292 : memref<1x!tpu.dma_semaphore, #tpu.memory_space<semaphore_mem>> -> memref<!tpu.dma_semaphore, #tpu.memory_space<semaphore_mem>>
    tpu.wait_indirect_dma semaphore(%dma_wait3A_293 : memref<!tpu.dma_semaphore, #tpu.memory_space<semaphore_mem>>) src(%dma_wait3A_291 : memref<10000x32xf32, #tpu.memory_space<hbm>>) dst(%dma_wait3A_285 : memref<80x32xf32, #tpu.memory_space<vmem>>)
    %dma_start3A_294 = arith.constant 4 : i32
    %dma_start3A_295 = arith.constant 124 : i32
    %dma_start3A_296 = arith.constant 4 : i32
    %dma_start3A_297 = arith.constant 0 : i32
    %dma_start3A_298 = arith.constant 0 : i32
    %dma_start3A_299 = tpu.memref_slice %arg8[%dma_start3A_294, %dma_start3A_297, %dma_start3A_298] : memref<10x80x32xf32, #tpu.memory_space<vmem>> -> memref<1x80x32xf32, #tpu.memory_space<vmem>>
    %dma_start3A_300 = tpu.memref_squeeze %dma_start3A_299 : memref<1x80x32xf32, #tpu.memory_space<vmem>> -> memref<80x32xf32, #tpu.memory_space<vmem>>
    %dma_start3A_301 = arith.constant 0 : i32
    %dma_start3A_302 = tpu.memref_slice %arg7[%dma_start3A_295, %dma_start3A_301] : memref<125x80xi32, #tpu.memory_space<vmem>> -> memref<1x80xi32, #tpu.memory_space<vmem>>
    %dma_start3A_303 = tpu.memref_squeeze %dma_start3A_302 : memref<1x80xi32, #tpu.memory_space<vmem>> -> memref<80xi32, #tpu.memory_space<vmem>>
    %dma_start3A_304 = arith.constant 0 : i32
    %dma_start3A_305 = arith.constant 0 : i32
    %dma_start3A_306 = tpu.memref_slice %arg9[%dma_start3A_304, %dma_start3A_305] : memref<10000x32xf32, #tpu.memory_space<vmem_shared>> -> memref<10000x32xf32, #tpu.memory_space<vmem_shared>>
    %dma_start3A_307 = tpu.memref_slice %arg11[%dma_start3A_296] : memref<10x!tpu.dma_semaphore, #tpu.memory_space<semaphore_mem>> -> memref<1x!tpu.dma_semaphore, #tpu.memory_space<semaphore_mem>>
    %dma_start3A_308 = tpu.memref_squeeze %dma_start3A_307 : memref<1x!tpu.dma_semaphore, #tpu.memory_space<semaphore_mem>> -> memref<!tpu.dma_semaphore, #tpu.memory_space<semaphore_mem>>
    tpu.enqueue_indirect_dma source(%dma_start3A_300 : memref<80x32xf32, #tpu.memory_space<vmem>>) target(%dma_start3A_306 : memref<10000x32xf32, #tpu.memory_space<vmem_shared>>) offsets(%dma_start3A_303 : memref<80xi32, #tpu.memory_space<vmem>>) semaphore(%dma_start3A_308 : memref<!tpu.dma_semaphore, #tpu.memory_space<semaphore_mem>>) {add = true}
    %dma_wait3A_309 = arith.constant 0 : i32
    %dma_wait3A_310 = arith.constant 120 : i32
    %dma_wait3A_311 = arith.constant 0 : i32
    %dma_wait3A_312 = arith.constant 0 : i32
    %dma_wait3A_313 = arith.constant 0 : i32
    %dma_wait3A_314 = tpu.memref_slice %arg8[%dma_wait3A_309, %dma_wait3A_312, %dma_wait3A_313] : memref<10x80x32xf32, #tpu.memory_space<vmem>> -> memref<1x80x32xf32, #tpu.memory_space<vmem>>
    %dma_wait3A_315 = tpu.memref_squeeze %dma_wait3A_314 : memref<1x80x32xf32, #tpu.memory_space<vmem>> -> memref<80x32xf32, #tpu.memory_space<vmem>>
    %dma_wait3A_316 = arith.constant 0 : i32
    %dma_wait3A_317 = tpu.memref_slice %arg7[%dma_wait3A_310, %dma_wait3A_316] : memref<125x80xi32, #tpu.memory_space<vmem>> -> memref<1x80xi32, #tpu.memory_space<vmem>>
    %dma_wait3A_318 = tpu.memref_squeeze %dma_wait3A_317 : memref<1x80xi32, #tpu.memory_space<vmem>> -> memref<80xi32, #tpu.memory_space<vmem>>
    %dma_wait3A_319 = arith.constant 0 : i32
    %dma_wait3A_320 = arith.constant 0 : i32
    %dma_wait3A_321 = tpu.memref_slice %arg9[%dma_wait3A_319, %dma_wait3A_320] : memref<10000x32xf32, #tpu.memory_space<vmem_shared>> -> memref<10000x32xf32, #tpu.memory_space<vmem_shared>>
    %dma_wait3A_322 = tpu.memref_slice %arg11[%dma_wait3A_311] : memref<10x!tpu.dma_semaphore, #tpu.memory_space<semaphore_mem>> -> memref<1x!tpu.dma_semaphore, #tpu.memory_space<semaphore_mem>>
    %dma_wait3A_323 = tpu.memref_squeeze %dma_wait3A_322 : memref<1x!tpu.dma_semaphore, #tpu.memory_space<semaphore_mem>> -> memref<!tpu.dma_semaphore, #tpu.memory_space<semaphore_mem>>
    tpu.wait_indirect_dma semaphore(%dma_wait3A_323 : memref<!tpu.dma_semaphore, #tpu.memory_space<semaphore_mem>>) src(%dma_wait3A_315 : memref<80x32xf32, #tpu.memory_space<vmem>>) dst(%dma_wait3A_321 : memref<10000x32xf32, #tpu.memory_space<vmem_shared>>)
    %dma_wait3A_324 = arith.constant 1 : i32
    %dma_wait3A_325 = arith.constant 121 : i32
    %dma_wait3A_326 = arith.constant 1 : i32
    %dma_wait3A_327 = arith.constant 0 : i32
    %dma_wait3A_328 = arith.constant 0 : i32
    %dma_wait3A_329 = tpu.memref_slice %arg8[%dma_wait3A_324, %dma_wait3A_327, %dma_wait3A_328] : memref<10x80x32xf32, #tpu.memory_space<vmem>> -> memref<1x80x32xf32, #tpu.memory_space<vmem>>
    %dma_wait3A_330 = tpu.memref_squeeze %dma_wait3A_329 : memref<1x80x32xf32, #tpu.memory_space<vmem>> -> memref<80x32xf32, #tpu.memory_space<vmem>>
    %dma_wait3A_331 = arith.constant 0 : i32
    %dma_wait3A_332 = tpu.memref_slice %arg7[%dma_wait3A_325, %dma_wait3A_331] : memref<125x80xi32, #tpu.memory_space<vmem>> -> memref<1x80xi32, #tpu.memory_space<vmem>>
    %dma_wait3A_333 = tpu.memref_squeeze %dma_wait3A_332 : memref<1x80xi32, #tpu.memory_space<vmem>> -> memref<80xi32, #tpu.memory_space<vmem>>
    %dma_wait3A_334 = arith.constant 0 : i32
    %dma_wait3A_335 = arith.constant 0 : i32
    %dma_wait3A_336 = tpu.memref_slice %arg9[%dma_wait3A_334, %dma_wait3A_335] : memref<10000x32xf32, #tpu.memory_space<vmem_shared>> -> memref<10000x32xf32, #tpu.memory_space<vmem_shared>>
    %dma_wait3A_337 = tpu.memref_slice %arg11[%dma_wait3A_326] : memref<10x!tpu.dma_semaphore, #tpu.memory_space<semaphore_mem>> -> memref<1x!tpu.dma_semaphore, #tpu.memory_space<semaphore_mem>>
    %dma_wait3A_338 = tpu.memref_squeeze %dma_wait3A_337 : memref<1x!tpu.dma_semaphore, #tpu.memory_space<semaphore_mem>> -> memref<!tpu.dma_semaphore, #tpu.memory_space<semaphore_mem>>
    tpu.wait_indirect_dma semaphore(%dma_wait3A_338 : memref<!tpu.dma_semaphore, #tpu.memory_space<semaphore_mem>>) src(%dma_wait3A_330 : memref<80x32xf32, #tpu.memory_space<vmem>>) dst(%dma_wait3A_336 : memref<10000x32xf32, #tpu.memory_space<vmem_shared>>)
    %dma_wait3A_339 = arith.constant 2 : i32
    %dma_wait3A_340 = arith.constant 122 : i32
    %dma_wait3A_341 = arith.constant 2 : i32
    %dma_wait3A_342 = arith.constant 0 : i32
    %dma_wait3A_343 = arith.constant 0 : i32
    %dma_wait3A_344 = tpu.memref_slice %arg8[%dma_wait3A_339, %dma_wait3A_342, %dma_wait3A_343] : memref<10x80x32xf32, #tpu.memory_space<vmem>> -> memref<1x80x32xf32, #tpu.memory_space<vmem>>
    %dma_wait3A_345 = tpu.memref_squeeze %dma_wait3A_344 : memref<1x80x32xf32, #tpu.memory_space<vmem>> -> memref<80x32xf32, #tpu.memory_space<vmem>>
    %dma_wait3A_346 = arith.constant 0 : i32
    %dma_wait3A_347 = tpu.memref_slice %arg7[%dma_wait3A_340, %dma_wait3A_346] : memref<125x80xi32, #tpu.memory_space<vmem>> -> memref<1x80xi32, #tpu.memory_space<vmem>>
    %dma_wait3A_348 = tpu.memref_squeeze %dma_wait3A_347 : memref<1x80xi32, #tpu.memory_space<vmem>> -> memref<80xi32, #tpu.memory_space<vmem>>
    %dma_wait3A_349 = arith.constant 0 : i32
    %dma_wait3A_350 = arith.constant 0 : i32
    %dma_wait3A_351 = tpu.memref_slice %arg9[%dma_wait3A_349, %dma_wait3A_350] : memref<10000x32xf32, #tpu.memory_space<vmem_shared>> -> memref<10000x32xf32, #tpu.memory_space<vmem_shared>>
    %dma_wait3A_352 = tpu.memref_slice %arg11[%dma_wait3A_341] : memref<10x!tpu.dma_semaphore, #tpu.memory_space<semaphore_mem>> -> memref<1x!tpu.dma_semaphore, #tpu.memory_space<semaphore_mem>>
    %dma_wait3A_353 = tpu.memref_squeeze %dma_wait3A_352 : memref<1x!tpu.dma_semaphore, #tpu.memory_space<semaphore_mem>> -> memref<!tpu.dma_semaphore, #tpu.memory_space<semaphore_mem>>
    tpu.wait_indirect_dma semaphore(%dma_wait3A_353 : memref<!tpu.dma_semaphore, #tpu.memory_space<semaphore_mem>>) src(%dma_wait3A_345 : memref<80x32xf32, #tpu.memory_space<vmem>>) dst(%dma_wait3A_351 : memref<10000x32xf32, #tpu.memory_space<vmem_shared>>)
    %dma_wait3A_354 = arith.constant 3 : i32
    %dma_wait3A_355 = arith.constant 123 : i32
    %dma_wait3A_356 = arith.constant 3 : i32
    %dma_wait3A_357 = arith.constant 0 : i32
    %dma_wait3A_358 = arith.constant 0 : i32
    %dma_wait3A_359 = tpu.memref_slice %arg8[%dma_wait3A_354, %dma_wait3A_357, %dma_wait3A_358] : memref<10x80x32xf32, #tpu.memory_space<vmem>> -> memref<1x80x32xf32, #tpu.memory_space<vmem>>
    %dma_wait3A_360 = tpu.memref_squeeze %dma_wait3A_359 : memref<1x80x32xf32, #tpu.memory_space<vmem>> -> memref<80x32xf32, #tpu.memory_space<vmem>>
    %dma_wait3A_361 = arith.constant 0 : i32
    %dma_wait3A_362 = tpu.memref_slice %arg7[%dma_wait3A_355, %dma_wait3A_361] : memref<125x80xi32, #tpu.memory_space<vmem>> -> memref<1x80xi32, #tpu.memory_space<vmem>>
    %dma_wait3A_363 = tpu.memref_squeeze %dma_wait3A_362 : memref<1x80xi32, #tpu.memory_space<vmem>> -> memref<80xi32, #tpu.memory_space<vmem>>
    %dma_wait3A_364 = arith.constant 0 : i32
    %dma_wait3A_365 = arith.constant 0 : i32
    %dma_wait3A_366 = tpu.memref_slice %arg9[%dma_wait3A_364, %dma_wait3A_365] : memref<10000x32xf32, #tpu.memory_space<vmem_shared>> -> memref<10000x32xf32, #tpu.memory_space<vmem_shared>>
    %dma_wait3A_367 = tpu.memref_slice %arg11[%dma_wait3A_356] : memref<10x!tpu.dma_semaphore, #tpu.memory_space<semaphore_mem>> -> memref<1x!tpu.dma_semaphore, #tpu.memory_space<semaphore_mem>>
    %dma_wait3A_368 = tpu.memref_squeeze %dma_wait3A_367 : memref<1x!tpu.dma_semaphore, #tpu.memory_space<semaphore_mem>> -> memref<!tpu.dma_semaphore, #tpu.memory_space<semaphore_mem>>
    tpu.wait_indirect_dma semaphore(%dma_wait3A_368 : memref<!tpu.dma_semaphore, #tpu.memory_space<semaphore_mem>>) src(%dma_wait3A_360 : memref<80x32xf32, #tpu.memory_space<vmem>>) dst(%dma_wait3A_366 : memref<10000x32xf32, #tpu.memory_space<vmem_shared>>)
    %dma_wait3A_369 = arith.constant 4 : i32
    %dma_wait3A_370 = arith.constant 124 : i32
    %dma_wait3A_371 = arith.constant 4 : i32
    %dma_wait3A_372 = arith.constant 0 : i32
    %dma_wait3A_373 = arith.constant 0 : i32
    %dma_wait3A_374 = tpu.memref_slice %arg8[%dma_wait3A_369, %dma_wait3A_372, %dma_wait3A_373] : memref<10x80x32xf32, #tpu.memory_space<vmem>> -> memref<1x80x32xf32, #tpu.memory_space<vmem>>
    %dma_wait3A_375 = tpu.memref_squeeze %dma_wait3A_374 : memref<1x80x32xf32, #tpu.memory_space<vmem>> -> memref<80x32xf32, #tpu.memory_space<vmem>>
    %dma_wait3A_376 = arith.constant 0 : i32
    %dma_wait3A_377 = tpu.memref_slice %arg7[%dma_wait3A_370, %dma_wait3A_376] : memref<125x80xi32, #tpu.memory_space<vmem>> -> memref<1x80xi32, #tpu.memory_space<vmem>>
    %dma_wait3A_378 = tpu.memref_squeeze %dma_wait3A_377 : memref<1x80xi32, #tpu.memory_space<vmem>> -> memref<80xi32, #tpu.memory_space<vmem>>
    %dma_wait3A_379 = arith.constant 0 : i32
    %dma_wait3A_380 = arith.constant 0 : i32
    %dma_wait3A_381 = tpu.memref_slice %arg9[%dma_wait3A_379, %dma_wait3A_380] : memref<10000x32xf32, #tpu.memory_space<vmem_shared>> -> memref<10000x32xf32, #tpu.memory_space<vmem_shared>>
    %dma_wait3A_382 = tpu.memref_slice %arg11[%dma_wait3A_371] : memref<10x!tpu.dma_semaphore, #tpu.memory_space<semaphore_mem>> -> memref<1x!tpu.dma_semaphore, #tpu.memory_space<semaphore_mem>>
    %dma_wait3A_383 = tpu.memref_squeeze %dma_wait3A_382 : memref<1x!tpu.dma_semaphore, #tpu.memory_space<semaphore_mem>> -> memref<!tpu.dma_semaphore, #tpu.memory_space<semaphore_mem>>
    tpu.wait_indirect_dma semaphore(%dma_wait3A_383 : memref<!tpu.dma_semaphore, #tpu.memory_space<semaphore_mem>>) src(%dma_wait3A_375 : memref<80x32xf32, #tpu.memory_space<vmem>>) dst(%dma_wait3A_381 : memref<10000x32xf32, #tpu.memory_space<vmem_shared>>)
    %barrier3A_384 = arith.constant 0 : index
    tpu.barrier barrier_id(%barrier3A_384)
    "tpu.region"() ({
      %run_scoped3A_390 = tpu.sem_alloc : memref<!tpu.dma_semaphore, #tpu.memory_space<semaphore_mem>>
      %dma_start3A_391 = arith.constant 0 : i32
      %dma_start3A_392 = tpu.memref_slice %arg5[%arg0, %mul3A_77, %dma_start3A_391] : memref<2x10000x32xf32, #tpu.memory_space<hbm>> -> memref<1x624x32xf32, #tpu.memory_space<hbm>>
      %dma_start3A_393 = tpu.memref_squeeze %dma_start3A_392 : memref<1x624x32xf32, #tpu.memory_space<hbm>> -> memref<624x32xf32, #tpu.memory_space<hbm>>
      %dma_start3A_394 = arith.constant 0 : i32
      %dma_start3A_395 = tpu.memref_slice %arg9[%mul3A_77, %dma_start3A_394] : memref<10000x32xf32, #tpu.memory_space<vmem_shared>> -> memref<624x32xf32, #tpu.memory_space<vmem_shared>>
      tpu.enqueue_dma source(%dma_start3A_395 : memref<624x32xf32, #tpu.memory_space<vmem_shared>>) target(%dma_start3A_393 : memref<624x32xf32, #tpu.memory_space<hbm>>) target_semaphore(%run_scoped3A_390 : memref<!tpu.dma_semaphore, #tpu.memory_space<semaphore_mem>>)
      %dma_wait3A_396 = arith.constant 0 : i32
      %dma_wait3A_397 = tpu.memref_slice %arg5[%arg0, %mul3A_77, %dma_wait3A_396] : memref<2x10000x32xf32, #tpu.memory_space<hbm>> -> memref<1x624x32xf32, #tpu.memory_space<hbm>>
      %dma_wait3A_398 = tpu.memref_squeeze %dma_wait3A_397 : memref<1x624x32xf32, #tpu.memory_space<hbm>> -> memref<624x32xf32, #tpu.memory_space<hbm>>
      %dma_wait3A_399 = arith.constant 0 : i32
      %dma_wait3A_400 = tpu.memref_slice %arg9[%mul3A_77, %dma_wait3A_399] : memref<10000x32xf32, #tpu.memory_space<vmem_shared>> -> memref<624x32xf32, #tpu.memory_space<vmem_shared>>
      tpu.wait_dma2 semaphore(%run_scoped3A_390 : memref<!tpu.dma_semaphore, #tpu.memory_space<semaphore_mem>>) src(%dma_wait3A_400 : memref<624x32xf32, #tpu.memory_space<vmem_shared>>) dst(%dma_wait3A_398 : memref<624x32xf32, #tpu.memory_space<hbm>>)
      tpu.yield
    }) : () -> ()
    %eq3A_385 = arith.constant 15 : i32
    %eq3A_386 = arith.cmpi eq, %arg1, %eq3A_385 : i32
    %convert_element_type3A_387 = arith.extui %eq3A_386 : i1 to i32
    %cond3A_388 = arith.constant 0 : i32
    %cond3A_389 = arith.cmpi ne, %convert_element_type3A_387, %cond3A_388 : i32
    scf.if %cond3A_389 {
      "tpu.region"() ({
        %run_scoped3A_390 = tpu.sem_alloc : memref<!tpu.dma_semaphore, #tpu.memory_space<semaphore_mem>>
        %dma_start3A_391 = arith.constant 9984 : i32
        %dma_start3A_392 = arith.constant 0 : i32
        %dma_start3A_393 = tpu.memref_slice %arg5[%arg0, %dma_start3A_391, %dma_start3A_392] : memref<2x10000x32xf32, #tpu.memory_space<hbm>> -> memref<1x16x32xf32, #tpu.memory_space<hbm>>
        %dma_start3A_394 = tpu.memref_squeeze %dma_start3A_393 : memref<1x16x32xf32, #tpu.memory_space<hbm>> -> memref<16x32xf32, #tpu.memory_space<hbm>>
        %dma_start3A_395 = arith.constant 9984 : i32
        %dma_start3A_396 = arith.constant 0 : i32
        %dma_start3A_397 = tpu.memref_slice %arg9[%dma_start3A_395, %dma_start3A_396] : memref<10000x32xf32, #tpu.memory_space<vmem_shared>> -> memref<16x32xf32, #tpu.memory_space<vmem_shared>>
        tpu.enqueue_dma source(%dma_start3A_397 : memref<16x32xf32, #tpu.memory_space<vmem_shared>>) target(%dma_start3A_394 : memref<16x32xf32, #tpu.memory_space<hbm>>) target_semaphore(%run_scoped3A_390 : memref<!tpu.dma_semaphore, #tpu.memory_space<semaphore_mem>>)
        %dma_wait3A_398 = arith.constant 9984 : i32
        %dma_wait3A_399 = arith.constant 0 : i32
        %dma_wait3A_400 = tpu.memref_slice %arg5[%arg0, %dma_wait3A_398, %dma_wait3A_399] : memref<2x10000x32xf32, #tpu.memory_space<hbm>> -> memref<1x16x32xf32, #tpu.memory_space<hbm>>
        %dma_wait3A_401 = tpu.memref_squeeze %dma_wait3A_400 : memref<1x16x32xf32, #tpu.memory_space<hbm>> -> memref<16x32xf32, #tpu.memory_space<hbm>>
        %dma_wait3A_402 = arith.constant 9984 : i32
        %dma_wait3A_403 = arith.constant 0 : i32
        %dma_wait3A_404 = tpu.memref_slice %arg9[%dma_wait3A_402, %dma_wait3A_403] : memref<10000x32xf32, #tpu.memory_space<vmem_shared>> -> memref<16x32xf32, #tpu.memory_space<vmem_shared>>
        tpu.wait_dma2 semaphore(%run_scoped3A_390 : memref<!tpu.dma_semaphore, #tpu.memory_space<semaphore_mem>>) src(%dma_wait3A_404 : memref<16x32xf32, #tpu.memory_space<vmem_shared>>) dst(%dma_wait3A_401 : memref<16x32xf32, #tpu.memory_space<hbm>>)
        tpu.yield
      }) : () -> ()
    } else {
    }
    return
  }
}

#map = affine_map<(d0, d1) -> (0, 0)>
#map1 = affine_map<(d0, d1) -> (0, 0, 0, 0)>
#map2 = affine_map<(d0, d1) -> (0, 0, 0)>
module attributes {stable_mosaic.version = 14 : i64} {
  func.func @_agg_kernel(%arg0: i32, %arg1: i32, %arg2: memref<10000x32xf32, #tpu.memory_space<hbm>>, %arg3: memref<2x32x125x80xi32, #tpu.memory_space<hbm>>, %arg4: memref<624x32xf32, #tpu.memory_space<hbm>>, %arg5: memref<2x10000x32xf32, #tpu.memory_space<hbm>>, %arg6: memref<125x80xi32, #tpu.memory_space<vmem>>, %arg7: memref<125x80xi32, #tpu.memory_space<vmem>>, %arg8: memref<10x80x32xf32, #tpu.memory_space<vmem>>, %arg9: memref<10000x32xf32, #tpu.memory_space<vmem_shared>>, %arg10: memref<10x!tpu.dma_semaphore, #tpu.memory_space<semaphore_mem>>, %arg11: memref<10x!tpu.dma_semaphore, #tpu.memory_space<semaphore_mem>>) attributes {dimension_semantics = [#tpu.dimension_semantics<core_parallel>, #tpu.dimension_semantics<subcore_parallel>], iteration_bounds = array<i64: 2, 16>, scalar_prefetch = 0 : i64, scratch_operands = 6 : i64, tpu.core_type = #tpu.core_type<sc_vector_subcore>, window_params = [{transform_indices = #map}, {transform_indices = #map1}, {transform_indices = #map}, {transform_indices = #map2}]} {
    %mul3A = arith.constant 16 : i32
    %mul3A_0 = arith.muli %arg0, %mul3A : i32
    %add3A = arith.addi %mul3A_0, %arg1 : i32
    %run_scoped3A = arith.constant 0 : i32
    "tpu.region"() ({
      %run_scoped3A_390 = tpu.sem_alloc : memref<!tpu.dma_semaphore, #tpu.memory_space<semaphore_mem>>
      %dma_start3A_391 = arith.constant 0 : i32
      %dma_start3A_392 = arith.constant 0 : i32
      %dma_start3A_393 = tpu.memref_slice %arg3[%run_scoped3A, %add3A, %dma_start3A_391, %dma_start3A_392] : memref<2x32x125x80xi32, #tpu.memory_space<hbm>> -> memref<1x1x125x80xi32, #tpu.memory_space<hbm>>
      %dma_start3A_394 = tpu.memref_squeeze %dma_start3A_393 : memref<1x1x125x80xi32, #tpu.memory_space<hbm>> -> memref<125x80xi32, #tpu.memory_space<hbm>>
      %dma_start3A_395 = arith.constant 0 : i32
      %dma_start3A_396 = arith.constant 0 : i32
      %dma_start3A_397 = tpu.memref_slice %arg3[%run_scoped3A, %add3A, %dma_start3A_395, %dma_start3A_396] : memref<2x32x125x80xi32, #tpu.memory_space<hbm>> -> memref<1x1x125x80xi32, #tpu.memory_space<hbm>>
      %dma_start3A_398 = tpu.memref_squeeze %dma_start3A_397 : memref<1x1x125x80xi32, #tpu.memory_space<hbm>> -> memref<125x80xi32, #tpu.memory_space<hbm>>
      tpu.enqueue_dma source(%dma_start3A_398 : memref<125x80xi32, #tpu.memory_space<hbm>>) target(%arg6 : memref<125x80xi32, #tpu.memory_space<vmem>>) target_semaphore(%run_scoped3A_390 : memref<!tpu.dma_semaphore, #tpu.memory_space<semaphore_mem>>)
      %dma_wait3A_399 = arith.constant 0 : i32
      %dma_wait3A_400 = arith.constant 0 : i32
      %dma_wait3A_401 = tpu.memref_slice %arg3[%run_scoped3A, %add3A, %dma_wait3A_399, %dma_wait3A_400] : memref<2x32x125x80xi32, #tpu.memory_space<hbm>> -> memref<1x1x125x80xi32, #tpu.memory_space<hbm>>
      %dma_wait3A_402 = tpu.memref_squeeze %dma_wait3A_401 : memref<1x1x125x80xi32, #tpu.memory_space<hbm>> -> memref<125x80xi32, #tpu.memory_space<hbm>>
      %dma_wait3A_403 = arith.constant 0 : i32
      %dma_wait3A_404 = arith.constant 0 : i32
      %dma_wait3A_405 = tpu.memref_slice %arg3[%run_scoped3A, %add3A, %dma_wait3A_403, %dma_wait3A_404] : memref<2x32x125x80xi32, #tpu.memory_space<hbm>> -> memref<1x1x125x80xi32, #tpu.memory_space<hbm>>
      %dma_wait3A_406 = tpu.memref_squeeze %dma_wait3A_405 : memref<1x1x125x80xi32, #tpu.memory_space<hbm>> -> memref<125x80xi32, #tpu.memory_space<hbm>>
      tpu.wait_dma2 semaphore(%run_scoped3A_390 : memref<!tpu.dma_semaphore, #tpu.memory_space<semaphore_mem>>) src(%dma_wait3A_406 : memref<125x80xi32, #tpu.memory_space<hbm>>) dst(%arg6 : memref<125x80xi32, #tpu.memory_space<vmem>>)
      tpu.yield
    }) : () -> ()
    %run_scoped3A_1 = arith.constant 1 : i32
    "tpu.region"() ({
      %run_scoped3A_390 = tpu.sem_alloc : memref<!tpu.dma_semaphore, #tpu.memory_space<semaphore_mem>>
      %dma_start3A_391 = arith.constant 0 : i32
      %dma_start3A_392 = arith.constant 0 : i32
      %dma_start3A_393 = tpu.memref_slice %arg3[%run_scoped3A_1, %add3A, %dma_start3A_391, %dma_start3A_392] : memref<2x32x125x80xi32, #tpu.memory_space<hbm>> -> memref<1x1x125x80xi32, #tpu.memory_space<hbm>>
      %dma_start3A_394 = tpu.memref_squeeze %dma_start3A_393 : memref<1x1x125x80xi32, #tpu.memory_space<hbm>> -> memref<125x80xi32, #tpu.memory_space<hbm>>
      %dma_start3A_395 = arith.constant 0 : i32
      %dma_start3A_396 = arith.constant 0 : i32
      %dma_start3A_397 = tpu.memref_slice %arg3[%run_scoped3A_1, %add3A, %dma_start3A_395, %dma_start3A_396] : memref<2x32x125x80xi32, #tpu.memory_space<hbm>> -> memref<1x1x125x80xi32, #tpu.memory_space<hbm>>
      %dma_start3A_398 = tpu.memref_squeeze %dma_start3A_397 : memref<1x1x125x80xi32, #tpu.memory_space<hbm>> -> memref<125x80xi32, #tpu.memory_space<hbm>>
      tpu.enqueue_dma source(%dma_start3A_398 : memref<125x80xi32, #tpu.memory_space<hbm>>) target(%arg7 : memref<125x80xi32, #tpu.memory_space<vmem>>) target_semaphore(%run_scoped3A_390 : memref<!tpu.dma_semaphore, #tpu.memory_space<semaphore_mem>>)
      %dma_wait3A_399 = arith.constant 0 : i32
      %dma_wait3A_400 = arith.constant 0 : i32
      %dma_wait3A_401 = tpu.memref_slice %arg3[%run_scoped3A_1, %add3A, %dma_wait3A_399, %dma_wait3A_400] : memref<2x32x125x80xi32, #tpu.memory_space<hbm>> -> memref<1x1x125x80xi32, #tpu.memory_space<hbm>>
      %dma_wait3A_402 = tpu.memref_squeeze %dma_wait3A_401 : memref<1x1x125x80xi32, #tpu.memory_space<hbm>> -> memref<125x80xi32, #tpu.memory_space<hbm>>
      %dma_wait3A_403 = arith.constant 0 : i32
      %dma_wait3A_404 = arith.constant 0 : i32
      %dma_wait3A_405 = tpu.memref_slice %arg3[%run_scoped3A_1, %add3A, %dma_wait3A_403, %dma_wait3A_404] : memref<2x32x125x80xi32, #tpu.memory_space<hbm>> -> memref<1x1x125x80xi32, #tpu.memory_space<hbm>>
      %dma_wait3A_406 = tpu.memref_squeeze %dma_wait3A_405 : memref<1x1x125x80xi32, #tpu.memory_space<hbm>> -> memref<125x80xi32, #tpu.memory_space<hbm>>
      tpu.wait_dma2 semaphore(%run_scoped3A_390 : memref<!tpu.dma_semaphore, #tpu.memory_space<semaphore_mem>>) src(%dma_wait3A_406 : memref<125x80xi32, #tpu.memory_space<hbm>>) dst(%arg7 : memref<125x80xi32, #tpu.memory_space<vmem>>)
      tpu.yield
    }) : () -> ()
    %dma_start3A = arith.constant 0 : i32
    %dma_start3A_2 = arith.constant 0 : i32
    %dma_start3A_3 = arith.constant 0 : i32
    %dma_start3A_4 = arith.constant 0 : i32
    %dma_start3A_5 = arith.constant 0 : i32
    %dma_start3A_6 = tpu.memref_slice %arg8[%dma_start3A_2, %dma_start3A_4, %dma_start3A_5] : memref<10x80x32xf32, #tpu.memory_space<vmem>> -> memref<1x80x32xf32, #tpu.memory_space<vmem>>
    %dma_start3A_7 = tpu.memref_squeeze %dma_start3A_6 : memref<1x80x32xf32, #tpu.memory_space<vmem>> -> memref<80x32xf32, #tpu.memory_space<vmem>>
    %dma_start3A_8 = arith.constant 0 : i32
    %dma_start3A_9 = tpu.memref_slice %arg6[%dma_start3A, %dma_start3A_8] : memref<125x80xi32, #tpu.memory_space<vmem>> -> memref<1x80xi32, #tpu.memory_space<vmem>>
    %dma_start3A_10 = tpu.memref_squeeze %dma_start3A_9 : memref<1x80xi32, #tpu.memory_space<vmem>> -> memref<80xi32, #tpu.memory_space<vmem>>
    %dma_start3A_11 = arith.constant 0 : i32
    %dma_start3A_12 = arith.constant 0 : i32
    %dma_start3A_13 = tpu.memref_slice %arg2[%dma_start3A_11, %dma_start3A_12] : memref<10000x32xf32, #tpu.memory_space<hbm>> -> memref<10000x32xf32, #tpu.memory_space<hbm>>
    %dma_start3A_14 = tpu.memref_slice %arg10[%dma_start3A_3] : memref<10x!tpu.dma_semaphore, #tpu.memory_space<semaphore_mem>> -> memref<1x!tpu.dma_semaphore, #tpu.memory_space<semaphore_mem>>
    %dma_start3A_15 = tpu.memref_squeeze %dma_start3A_14 : memref<1x!tpu.dma_semaphore, #tpu.memory_space<semaphore_mem>> -> memref<!tpu.dma_semaphore, #tpu.memory_space<semaphore_mem>>
    tpu.enqueue_indirect_dma source(%dma_start3A_13 : memref<10000x32xf32, #tpu.memory_space<hbm>>) target(%dma_start3A_7 : memref<80x32xf32, #tpu.memory_space<vmem>>) offsets(%dma_start3A_10 : memref<80xi32, #tpu.memory_space<vmem>>) semaphore(%dma_start3A_15 : memref<!tpu.dma_semaphore, #tpu.memory_space<semaphore_mem>>)
    %dma_start3A_16 = arith.constant 1 : i32
    %dma_start3A_17 = arith.constant 1 : i32
    %dma_start3A_18 = arith.constant 1 : i32
    %dma_start3A_19 = arith.constant 0 : i32
    %dma_start3A_20 = arith.constant 0 : i32
    %dma_start3A_21 = tpu.memref_slice %arg8[%dma_start3A_17, %dma_start3A_19, %dma_start3A_20] : memref<10x80x32xf32, #tpu.memory_space<vmem>> -> memref<1x80x32xf32, #tpu.memory_space<vmem>>
    %dma_start3A_22 = tpu.memref_squeeze %dma_start3A_21 : memref<1x80x32xf32, #tpu.memory_space<vmem>> -> memref<80x32xf32, #tpu.memory_space<vmem>>
    %dma_start3A_23 = arith.constant 0 : i32
    %dma_start3A_24 = tpu.memref_slice %arg6[%dma_start3A_16, %dma_start3A_23] : memref<125x80xi32, #tpu.memory_space<vmem>> -> memref<1x80xi32, #tpu.memory_space<vmem>>
    %dma_start3A_25 = tpu.memref_squeeze %dma_start3A_24 : memref<1x80xi32, #tpu.memory_space<vmem>> -> memref<80xi32, #tpu.memory_space<vmem>>
    %dma_start3A_26 = arith.constant 0 : i32
    %dma_start3A_27 = arith.constant 0 : i32
    %dma_start3A_28 = tpu.memref_slice %arg2[%dma_start3A_26, %dma_start3A_27] : memref<10000x32xf32, #tpu.memory_space<hbm>> -> memref<10000x32xf32, #tpu.memory_space<hbm>>
    %dma_start3A_29 = tpu.memref_slice %arg10[%dma_start3A_18] : memref<10x!tpu.dma_semaphore, #tpu.memory_space<semaphore_mem>> -> memref<1x!tpu.dma_semaphore, #tpu.memory_space<semaphore_mem>>
    %dma_start3A_30 = tpu.memref_squeeze %dma_start3A_29 : memref<1x!tpu.dma_semaphore, #tpu.memory_space<semaphore_mem>> -> memref<!tpu.dma_semaphore, #tpu.memory_space<semaphore_mem>>
    tpu.enqueue_indirect_dma source(%dma_start3A_28 : memref<10000x32xf32, #tpu.memory_space<hbm>>) target(%dma_start3A_22 : memref<80x32xf32, #tpu.memory_space<vmem>>) offsets(%dma_start3A_25 : memref<80xi32, #tpu.memory_space<vmem>>) semaphore(%dma_start3A_30 : memref<!tpu.dma_semaphore, #tpu.memory_space<semaphore_mem>>)
    %dma_start3A_31 = arith.constant 2 : i32
    %dma_start3A_32 = arith.constant 2 : i32
    %dma_start3A_33 = arith.constant 2 : i32
    %dma_start3A_34 = arith.constant 0 : i32
    %dma_start3A_35 = arith.constant 0 : i32
    %dma_start3A_36 = tpu.memref_slice %arg8[%dma_start3A_32, %dma_start3A_34, %dma_start3A_35] : memref<10x80x32xf32, #tpu.memory_space<vmem>> -> memref<1x80x32xf32, #tpu.memory_space<vmem>>
    %dma_start3A_37 = tpu.memref_squeeze %dma_start3A_36 : memref<1x80x32xf32, #tpu.memory_space<vmem>> -> memref<80x32xf32, #tpu.memory_space<vmem>>
    %dma_start3A_38 = arith.constant 0 : i32
    %dma_start3A_39 = tpu.memref_slice %arg6[%dma_start3A_31, %dma_start3A_38] : memref<125x80xi32, #tpu.memory_space<vmem>> -> memref<1x80xi32, #tpu.memory_space<vmem>>
    %dma_start3A_40 = tpu.memref_squeeze %dma_start3A_39 : memref<1x80xi32, #tpu.memory_space<vmem>> -> memref<80xi32, #tpu.memory_space<vmem>>
    %dma_start3A_41 = arith.constant 0 : i32
    %dma_start3A_42 = arith.constant 0 : i32
    %dma_start3A_43 = tpu.memref_slice %arg2[%dma_start3A_41, %dma_start3A_42] : memref<10000x32xf32, #tpu.memory_space<hbm>> -> memref<10000x32xf32, #tpu.memory_space<hbm>>
    %dma_start3A_44 = tpu.memref_slice %arg10[%dma_start3A_33] : memref<10x!tpu.dma_semaphore, #tpu.memory_space<semaphore_mem>> -> memref<1x!tpu.dma_semaphore, #tpu.memory_space<semaphore_mem>>
    %dma_start3A_45 = tpu.memref_squeeze %dma_start3A_44 : memref<1x!tpu.dma_semaphore, #tpu.memory_space<semaphore_mem>> -> memref<!tpu.dma_semaphore, #tpu.memory_space<semaphore_mem>>
    tpu.enqueue_indirect_dma source(%dma_start3A_43 : memref<10000x32xf32, #tpu.memory_space<hbm>>) target(%dma_start3A_37 : memref<80x32xf32, #tpu.memory_space<vmem>>) offsets(%dma_start3A_40 : memref<80xi32, #tpu.memory_space<vmem>>) semaphore(%dma_start3A_45 : memref<!tpu.dma_semaphore, #tpu.memory_space<semaphore_mem>>)
    %dma_start3A_46 = arith.constant 3 : i32
    %dma_start3A_47 = arith.constant 3 : i32
    %dma_start3A_48 = arith.constant 3 : i32
    %dma_start3A_49 = arith.constant 0 : i32
    %dma_start3A_50 = arith.constant 0 : i32
    %dma_start3A_51 = tpu.memref_slice %arg8[%dma_start3A_47, %dma_start3A_49, %dma_start3A_50] : memref<10x80x32xf32, #tpu.memory_space<vmem>> -> memref<1x80x32xf32, #tpu.memory_space<vmem>>
    %dma_start3A_52 = tpu.memref_squeeze %dma_start3A_51 : memref<1x80x32xf32, #tpu.memory_space<vmem>> -> memref<80x32xf32, #tpu.memory_space<vmem>>
    %dma_start3A_53 = arith.constant 0 : i32
    %dma_start3A_54 = tpu.memref_slice %arg6[%dma_start3A_46, %dma_start3A_53] : memref<125x80xi32, #tpu.memory_space<vmem>> -> memref<1x80xi32, #tpu.memory_space<vmem>>
    %dma_start3A_55 = tpu.memref_squeeze %dma_start3A_54 : memref<1x80xi32, #tpu.memory_space<vmem>> -> memref<80xi32, #tpu.memory_space<vmem>>
    %dma_start3A_56 = arith.constant 0 : i32
    %dma_start3A_57 = arith.constant 0 : i32
    %dma_start3A_58 = tpu.memref_slice %arg2[%dma_start3A_56, %dma_start3A_57] : memref<10000x32xf32, #tpu.memory_space<hbm>> -> memref<10000x32xf32, #tpu.memory_space<hbm>>
    %dma_start3A_59 = tpu.memref_slice %arg10[%dma_start3A_48] : memref<10x!tpu.dma_semaphore, #tpu.memory_space<semaphore_mem>> -> memref<1x!tpu.dma_semaphore, #tpu.memory_space<semaphore_mem>>
    %dma_start3A_60 = tpu.memref_squeeze %dma_start3A_59 : memref<1x!tpu.dma_semaphore, #tpu.memory_space<semaphore_mem>> -> memref<!tpu.dma_semaphore, #tpu.memory_space<semaphore_mem>>
    tpu.enqueue_indirect_dma source(%dma_start3A_58 : memref<10000x32xf32, #tpu.memory_space<hbm>>) target(%dma_start3A_52 : memref<80x32xf32, #tpu.memory_space<vmem>>) offsets(%dma_start3A_55 : memref<80xi32, #tpu.memory_space<vmem>>) semaphore(%dma_start3A_60 : memref<!tpu.dma_semaphore, #tpu.memory_space<semaphore_mem>>)
    %dma_start3A_61 = arith.constant 4 : i32
    %dma_start3A_62 = arith.constant 4 : i32
    %dma_start3A_63 = arith.constant 4 : i32
    %dma_start3A_64 = arith.constant 0 : i32
    %dma_start3A_65 = arith.constant 0 : i32
    %dma_start3A_66 = tpu.memref_slice %arg8[%dma_start3A_62, %dma_start3A_64, %dma_start3A_65] : memref<10x80x32xf32, #tpu.memory_space<vmem>> -> memref<1x80x32xf32, #tpu.memory_space<vmem>>
    %dma_start3A_67 = tpu.memref_squeeze %dma_start3A_66 : memref<1x80x32xf32, #tpu.memory_space<vmem>> -> memref<80x32xf32, #tpu.memory_space<vmem>>
    %dma_start3A_68 = arith.constant 0 : i32
    %dma_start3A_69 = tpu.memref_slice %arg6[%dma_start3A_61, %dma_start3A_68] : memref<125x80xi32, #tpu.memory_space<vmem>> -> memref<1x80xi32, #tpu.memory_space<vmem>>
    %dma_start3A_70 = tpu.memref_squeeze %dma_start3A_69 : memref<1x80xi32, #tpu.memory_space<vmem>> -> memref<80xi32, #tpu.memory_space<vmem>>
    %dma_start3A_71 = arith.constant 0 : i32
    %dma_start3A_72 = arith.constant 0 : i32
    %dma_start3A_73 = tpu.memref_slice %arg2[%dma_start3A_71, %dma_start3A_72] : memref<10000x32xf32, #tpu.memory_space<hbm>> -> memref<10000x32xf32, #tpu.memory_space<hbm>>
    %dma_start3A_74 = tpu.memref_slice %arg10[%dma_start3A_63] : memref<10x!tpu.dma_semaphore, #tpu.memory_space<semaphore_mem>> -> memref<1x!tpu.dma_semaphore, #tpu.memory_space<semaphore_mem>>
    %dma_start3A_75 = tpu.memref_squeeze %dma_start3A_74 : memref<1x!tpu.dma_semaphore, #tpu.memory_space<semaphore_mem>> -> memref<!tpu.dma_semaphore, #tpu.memory_space<semaphore_mem>>
    tpu.enqueue_indirect_dma source(%dma_start3A_73 : memref<10000x32xf32, #tpu.memory_space<hbm>>) target(%dma_start3A_67 : memref<80x32xf32, #tpu.memory_space<vmem>>) offsets(%dma_start3A_70 : memref<80xi32, #tpu.memory_space<vmem>>) semaphore(%dma_start3A_75 : memref<!tpu.dma_semaphore, #tpu.memory_space<semaphore_mem>>)
    %mul3A_76 = arith.constant 624 : i32
    %mul3A_77 = arith.muli %arg1, %mul3A_76 : i32
    "tpu.region"() ({
      %run_scoped3A_390 = tpu.sem_alloc : memref<!tpu.dma_semaphore, #tpu.memory_space<semaphore_mem>>
      %dma_start3A_391 = arith.constant 0 : i32
      %dma_start3A_392 = tpu.memref_slice %arg9[%mul3A_77, %dma_start3A_391] : memref<10000x32xf32, #tpu.memory_space<vmem_shared>> -> memref<624x32xf32, #tpu.memory_space<vmem_shared>>
      tpu.enqueue_dma source(%arg4 : memref<624x32xf32, #tpu.memory_space<hbm>>) target(%dma_start3A_392 : memref<624x32xf32, #tpu.memory_space<vmem_shared>>) target_semaphore(%run_scoped3A_390 : memref<!tpu.dma_semaphore, #tpu.memory_space<semaphore_mem>>)
      %dma_wait3A_393 = arith.constant 0 : i32
      %dma_wait3A_394 = tpu.memref_slice %arg9[%mul3A_77, %dma_wait3A_393] : memref<10000x32xf32, #tpu.memory_space<vmem_shared>> -> memref<624x32xf32, #tpu.memory_space<vmem_shared>>
      tpu.wait_dma2 semaphore(%run_scoped3A_390 : memref<!tpu.dma_semaphore, #tpu.memory_space<semaphore_mem>>) src(%arg4 : memref<624x32xf32, #tpu.memory_space<hbm>>) dst(%dma_wait3A_394 : memref<624x32xf32, #tpu.memory_space<vmem_shared>>)
      tpu.yield
    }) : () -> ()
    %eq3A = arith.constant 15 : i32
    %eq3A_78 = arith.cmpi eq, %arg1, %eq3A : i32
    %convert_element_type3A = arith.extui %eq3A_78 : i1 to i32
    %cond3A = arith.constant 0 : i32
    %cond3A_79 = arith.cmpi ne, %convert_element_type3A, %cond3A : i32
    scf.if %cond3A_79 {
      "tpu.region"() ({
        %run_scoped3A_390 = tpu.sem_alloc : memref<!tpu.dma_semaphore, #tpu.memory_space<semaphore_mem>>
        %dma_start3A_391 = arith.constant 9984 : i32
        %dma_start3A_392 = arith.constant 0 : i32
        %dma_start3A_393 = tpu.memref_slice %arg9[%dma_start3A_391, %dma_start3A_392] : memref<10000x32xf32, #tpu.memory_space<vmem_shared>> -> memref<16x32xf32, #tpu.memory_space<vmem_shared>>
        %dma_start3A_394 = arith.constant 0 : i32
        %dma_start3A_395 = arith.constant 0 : i32
        %dma_start3A_396 = tpu.memref_slice %arg4[%dma_start3A_394, %dma_start3A_395] : memref<624x32xf32, #tpu.memory_space<hbm>> -> memref<16x32xf32, #tpu.memory_space<hbm>>
        tpu.enqueue_dma source(%dma_start3A_396 : memref<16x32xf32, #tpu.memory_space<hbm>>) target(%dma_start3A_393 : memref<16x32xf32, #tpu.memory_space<vmem_shared>>) target_semaphore(%run_scoped3A_390 : memref<!tpu.dma_semaphore, #tpu.memory_space<semaphore_mem>>)
        %dma_wait3A_397 = arith.constant 9984 : i32
        %dma_wait3A_398 = arith.constant 0 : i32
        %dma_wait3A_399 = tpu.memref_slice %arg9[%dma_wait3A_397, %dma_wait3A_398] : memref<10000x32xf32, #tpu.memory_space<vmem_shared>> -> memref<16x32xf32, #tpu.memory_space<vmem_shared>>
        %dma_wait3A_400 = arith.constant 0 : i32
        %dma_wait3A_401 = arith.constant 0 : i32
        %dma_wait3A_402 = tpu.memref_slice %arg4[%dma_wait3A_400, %dma_wait3A_401] : memref<624x32xf32, #tpu.memory_space<hbm>> -> memref<16x32xf32, #tpu.memory_space<hbm>>
        tpu.wait_dma2 semaphore(%run_scoped3A_390 : memref<!tpu.dma_semaphore, #tpu.memory_space<semaphore_mem>>) src(%dma_wait3A_402 : memref<16x32xf32, #tpu.memory_space<hbm>>) dst(%dma_wait3A_399 : memref<16x32xf32, #tpu.memory_space<vmem_shared>>)
        tpu.yield
      }) : () -> ()
    } else {
    }
    %barrier3A = arith.constant 0 : index
    tpu.barrier barrier_id(%barrier3A)
    %scan3A = arith.constant 0 : i32
    %scan3A_80 = arith.constant 0 : i32
    %scan3A_81 = arith.constant 12 : i32
    %scan3A_82 = arith.addi %scan3A_80, %scan3A_81 : i32
    %scan3A_83 = arith.constant 1 : i32
    scf.for %scan3A_390 = %scan3A_80 to %scan3A_82 step %scan3A_83  : i32 {
      %mul3A_391 = arith.constant 10 : i32
      %mul3A_392 = arith.muli %scan3A_390, %mul3A_391 : i32
      %add3A_393 = arith.constant 0 : i32
      %add3A_394 = arith.addi %mul3A_392, %add3A_393 : i32
      %ge3A = arith.constant 1 : i32
      %ge3A_395 = arith.cmpi sge, %scan3A_390, %ge3A : i32
      %convert_element_type3A_396 = arith.extui %ge3A_395 : i1 to i32
      %cond3A_397 = arith.constant 0 : i32
      %cond3A_398 = arith.cmpi ne, %convert_element_type3A_396, %cond3A_397 : i32
      scf.if %cond3A_398 {
        %sub3A_956 = arith.constant 5 : i32
        %sub3A_957 = arith.subi %add3A_394, %sub3A_956 : i32
        %dma_wait3A_958 = arith.constant 5 : i32
        %dma_wait3A_959 = arith.constant 5 : i32
        %dma_wait3A_960 = arith.constant 0 : i32
        %dma_wait3A_961 = arith.constant 0 : i32
        %dma_wait3A_962 = tpu.memref_slice %arg8[%dma_wait3A_958, %dma_wait3A_960, %dma_wait3A_961] : memref<10x80x32xf32, #tpu.memory_space<vmem>> -> memref<1x80x32xf32, #tpu.memory_space<vmem>>
        %dma_wait3A_963 = tpu.memref_squeeze %dma_wait3A_962 : memref<1x80x32xf32, #tpu.memory_space<vmem>> -> memref<80x32xf32, #tpu.memory_space<vmem>>
        %dma_wait3A_964 = arith.constant 0 : i32
        %dma_wait3A_965 = tpu.memref_slice %arg7[%sub3A_957, %dma_wait3A_964] : memref<125x80xi32, #tpu.memory_space<vmem>> -> memref<1x80xi32, #tpu.memory_space<vmem>>
        %dma_wait3A_966 = tpu.memref_squeeze %dma_wait3A_965 : memref<1x80xi32, #tpu.memory_space<vmem>> -> memref<80xi32, #tpu.memory_space<vmem>>
        %dma_wait3A_967 = arith.constant 0 : i32
        %dma_wait3A_968 = arith.constant 0 : i32
        %dma_wait3A_969 = tpu.memref_slice %arg9[%dma_wait3A_967, %dma_wait3A_968] : memref<10000x32xf32, #tpu.memory_space<vmem_shared>> -> memref<10000x32xf32, #tpu.memory_space<vmem_shared>>
        %dma_wait3A_970 = tpu.memref_slice %arg11[%dma_wait3A_959] : memref<10x!tpu.dma_semaphore, #tpu.memory_space<semaphore_mem>> -> memref<1x!tpu.dma_semaphore, #tpu.memory_space<semaphore_mem>>
        %dma_wait3A_971 = tpu.memref_squeeze %dma_wait3A_970 : memref<1x!tpu.dma_semaphore, #tpu.memory_space<semaphore_mem>> -> memref<!tpu.dma_semaphore, #tpu.memory_space<semaphore_mem>>
        tpu.wait_indirect_dma semaphore(%dma_wait3A_971 : memref<!tpu.dma_semaphore, #tpu.memory_space<semaphore_mem>>) src(%dma_wait3A_963 : memref<80x32xf32, #tpu.memory_space<vmem>>) dst(%dma_wait3A_969 : memref<10000x32xf32, #tpu.memory_space<vmem_shared>>)
      } else {
      }
      %add3A_399 = arith.constant 5 : i32
      %add3A_400 = arith.addi %add3A_394, %add3A_399 : i32
      %dma_start3A_401 = arith.constant 5 : i32
      %dma_start3A_402 = arith.constant 5 : i32
      %dma_start3A_403 = arith.constant 0 : i32
      %dma_start3A_404 = arith.constant 0 : i32
      %dma_start3A_405 = tpu.memref_slice %arg8[%dma_start3A_401, %dma_start3A_403, %dma_start3A_404] : memref<10x80x32xf32, #tpu.memory_space<vmem>> -> memref<1x80x32xf32, #tpu.memory_space<vmem>>
      %dma_start3A_406 = tpu.memref_squeeze %dma_start3A_405 : memref<1x80x32xf32, #tpu.memory_space<vmem>> -> memref<80x32xf32, #tpu.memory_space<vmem>>
      %dma_start3A_407 = arith.constant 0 : i32
      %dma_start3A_408 = tpu.memref_slice %arg6[%add3A_400, %dma_start3A_407] : memref<125x80xi32, #tpu.memory_space<vmem>> -> memref<1x80xi32, #tpu.memory_space<vmem>>
      %dma_start3A_409 = tpu.memref_squeeze %dma_start3A_408 : memref<1x80xi32, #tpu.memory_space<vmem>> -> memref<80xi32, #tpu.memory_space<vmem>>
      %dma_start3A_410 = arith.constant 0 : i32
      %dma_start3A_411 = arith.constant 0 : i32
      %dma_start3A_412 = tpu.memref_slice %arg2[%dma_start3A_410, %dma_start3A_411] : memref<10000x32xf32, #tpu.memory_space<hbm>> -> memref<10000x32xf32, #tpu.memory_space<hbm>>
      %dma_start3A_413 = tpu.memref_slice %arg10[%dma_start3A_402] : memref<10x!tpu.dma_semaphore, #tpu.memory_space<semaphore_mem>> -> memref<1x!tpu.dma_semaphore, #tpu.memory_space<semaphore_mem>>
      %dma_start3A_414 = tpu.memref_squeeze %dma_start3A_413 : memref<1x!tpu.dma_semaphore, #tpu.memory_space<semaphore_mem>> -> memref<!tpu.dma_semaphore, #tpu.memory_space<semaphore_mem>>
      tpu.enqueue_indirect_dma source(%dma_start3A_412 : memref<10000x32xf32, #tpu.memory_space<hbm>>) target(%dma_start3A_406 : memref<80x32xf32, #tpu.memory_space<vmem>>) offsets(%dma_start3A_409 : memref<80xi32, #tpu.memory_space<vmem>>) semaphore(%dma_start3A_414 : memref<!tpu.dma_semaphore, #tpu.memory_space<semaphore_mem>>)
      %dma_wait3A_415 = arith.constant 0 : i32
      %dma_wait3A_416 = arith.constant 0 : i32
      %dma_wait3A_417 = arith.constant 0 : i32
      %dma_wait3A_418 = arith.constant 0 : i32
      %dma_wait3A_419 = tpu.memref_slice %arg8[%dma_wait3A_415, %dma_wait3A_417, %dma_wait3A_418] : memref<10x80x32xf32, #tpu.memory_space<vmem>> -> memref<1x80x32xf32, #tpu.memory_space<vmem>>
      %dma_wait3A_420 = tpu.memref_squeeze %dma_wait3A_419 : memref<1x80x32xf32, #tpu.memory_space<vmem>> -> memref<80x32xf32, #tpu.memory_space<vmem>>
      %dma_wait3A_421 = arith.constant 0 : i32
      %dma_wait3A_422 = tpu.memref_slice %arg6[%add3A_394, %dma_wait3A_421] : memref<125x80xi32, #tpu.memory_space<vmem>> -> memref<1x80xi32, #tpu.memory_space<vmem>>
      %dma_wait3A_423 = tpu.memref_squeeze %dma_wait3A_422 : memref<1x80xi32, #tpu.memory_space<vmem>> -> memref<80xi32, #tpu.memory_space<vmem>>
      %dma_wait3A_424 = arith.constant 0 : i32
      %dma_wait3A_425 = arith.constant 0 : i32
      %dma_wait3A_426 = tpu.memref_slice %arg2[%dma_wait3A_424, %dma_wait3A_425] : memref<10000x32xf32, #tpu.memory_space<hbm>> -> memref<10000x32xf32, #tpu.memory_space<hbm>>
      %dma_wait3A_427 = tpu.memref_slice %arg10[%dma_wait3A_416] : memref<10x!tpu.dma_semaphore, #tpu.memory_space<semaphore_mem>> -> memref<1x!tpu.dma_semaphore, #tpu.memory_space<semaphore_mem>>
      %dma_wait3A_428 = tpu.memref_squeeze %dma_wait3A_427 : memref<1x!tpu.dma_semaphore, #tpu.memory_space<semaphore_mem>> -> memref<!tpu.dma_semaphore, #tpu.memory_space<semaphore_mem>>
      tpu.wait_indirect_dma semaphore(%dma_wait3A_428 : memref<!tpu.dma_semaphore, #tpu.memory_space<semaphore_mem>>) src(%dma_wait3A_426 : memref<10000x32xf32, #tpu.memory_space<hbm>>) dst(%dma_wait3A_420 : memref<80x32xf32, #tpu.memory_space<vmem>>)
      %dma_start3A_429 = arith.constant 0 : i32
      %dma_start3A_430 = arith.constant 0 : i32
      %dma_start3A_431 = arith.constant 0 : i32
      %dma_start3A_432 = arith.constant 0 : i32
      %dma_start3A_433 = tpu.memref_slice %arg8[%dma_start3A_429, %dma_start3A_431, %dma_start3A_432] : memref<10x80x32xf32, #tpu.memory_space<vmem>> -> memref<1x80x32xf32, #tpu.memory_space<vmem>>
      %dma_start3A_434 = tpu.memref_squeeze %dma_start3A_433 : memref<1x80x32xf32, #tpu.memory_space<vmem>> -> memref<80x32xf32, #tpu.memory_space<vmem>>
      %dma_start3A_435 = arith.constant 0 : i32
      %dma_start3A_436 = tpu.memref_slice %arg7[%add3A_394, %dma_start3A_435] : memref<125x80xi32, #tpu.memory_space<vmem>> -> memref<1x80xi32, #tpu.memory_space<vmem>>
      %dma_start3A_437 = tpu.memref_squeeze %dma_start3A_436 : memref<1x80xi32, #tpu.memory_space<vmem>> -> memref<80xi32, #tpu.memory_space<vmem>>
      %dma_start3A_438 = arith.constant 0 : i32
      %dma_start3A_439 = arith.constant 0 : i32
      %dma_start3A_440 = tpu.memref_slice %arg9[%dma_start3A_438, %dma_start3A_439] : memref<10000x32xf32, #tpu.memory_space<vmem_shared>> -> memref<10000x32xf32, #tpu.memory_space<vmem_shared>>
      %dma_start3A_441 = tpu.memref_slice %arg11[%dma_start3A_430] : memref<10x!tpu.dma_semaphore, #tpu.memory_space<semaphore_mem>> -> memref<1x!tpu.dma_semaphore, #tpu.memory_space<semaphore_mem>>
      %dma_start3A_442 = tpu.memref_squeeze %dma_start3A_441 : memref<1x!tpu.dma_semaphore, #tpu.memory_space<semaphore_mem>> -> memref<!tpu.dma_semaphore, #tpu.memory_space<semaphore_mem>>
      tpu.enqueue_indirect_dma source(%dma_start3A_434 : memref<80x32xf32, #tpu.memory_space<vmem>>) target(%dma_start3A_440 : memref<10000x32xf32, #tpu.memory_space<vmem_shared>>) offsets(%dma_start3A_437 : memref<80xi32, #tpu.memory_space<vmem>>) semaphore(%dma_start3A_442 : memref<!tpu.dma_semaphore, #tpu.memory_space<semaphore_mem>>) {add = true}
      %add3A_443 = arith.constant 1 : i32
      %add3A_444 = arith.addi %mul3A_392, %add3A_443 : i32
      %ge3A_445 = arith.constant 1 : i32
      %ge3A_446 = arith.cmpi sge, %scan3A_390, %ge3A_445 : i32
      %convert_element_type3A_447 = arith.extui %ge3A_446 : i1 to i32
      %cond3A_448 = arith.constant 0 : i32
      %cond3A_449 = arith.cmpi ne, %convert_element_type3A_447, %cond3A_448 : i32
      scf.if %cond3A_449 {
        %sub3A_956 = arith.constant 5 : i32
        %sub3A_957 = arith.subi %add3A_444, %sub3A_956 : i32
        %dma_wait3A_958 = arith.constant 6 : i32
        %dma_wait3A_959 = arith.constant 6 : i32
        %dma_wait3A_960 = arith.constant 0 : i32
        %dma_wait3A_961 = arith.constant 0 : i32
        %dma_wait3A_962 = tpu.memref_slice %arg8[%dma_wait3A_958, %dma_wait3A_960, %dma_wait3A_961] : memref<10x80x32xf32, #tpu.memory_space<vmem>> -> memref<1x80x32xf32, #tpu.memory_space<vmem>>
        %dma_wait3A_963 = tpu.memref_squeeze %dma_wait3A_962 : memref<1x80x32xf32, #tpu.memory_space<vmem>> -> memref<80x32xf32, #tpu.memory_space<vmem>>
        %dma_wait3A_964 = arith.constant 0 : i32
        %dma_wait3A_965 = tpu.memref_slice %arg7[%sub3A_957, %dma_wait3A_964] : memref<125x80xi32, #tpu.memory_space<vmem>> -> memref<1x80xi32, #tpu.memory_space<vmem>>
        %dma_wait3A_966 = tpu.memref_squeeze %dma_wait3A_965 : memref<1x80xi32, #tpu.memory_space<vmem>> -> memref<80xi32, #tpu.memory_space<vmem>>
        %dma_wait3A_967 = arith.constant 0 : i32
        %dma_wait3A_968 = arith.constant 0 : i32
        %dma_wait3A_969 = tpu.memref_slice %arg9[%dma_wait3A_967, %dma_wait3A_968] : memref<10000x32xf32, #tpu.memory_space<vmem_shared>> -> memref<10000x32xf32, #tpu.memory_space<vmem_shared>>
        %dma_wait3A_970 = tpu.memref_slice %arg11[%dma_wait3A_959] : memref<10x!tpu.dma_semaphore, #tpu.memory_space<semaphore_mem>> -> memref<1x!tpu.dma_semaphore, #tpu.memory_space<semaphore_mem>>
        %dma_wait3A_971 = tpu.memref_squeeze %dma_wait3A_970 : memref<1x!tpu.dma_semaphore, #tpu.memory_space<semaphore_mem>> -> memref<!tpu.dma_semaphore, #tpu.memory_space<semaphore_mem>>
        tpu.wait_indirect_dma semaphore(%dma_wait3A_971 : memref<!tpu.dma_semaphore, #tpu.memory_space<semaphore_mem>>) src(%dma_wait3A_963 : memref<80x32xf32, #tpu.memory_space<vmem>>) dst(%dma_wait3A_969 : memref<10000x32xf32, #tpu.memory_space<vmem_shared>>)
      } else {
      }
      %add3A_450 = arith.constant 5 : i32
      %add3A_451 = arith.addi %add3A_444, %add3A_450 : i32
      %dma_start3A_452 = arith.constant 6 : i32
      %dma_start3A_453 = arith.constant 6 : i32
      %dma_start3A_454 = arith.constant 0 : i32
      %dma_start3A_455 = arith.constant 0 : i32
      %dma_start3A_456 = tpu.memref_slice %arg8[%dma_start3A_452, %dma_start3A_454, %dma_start3A_455] : memref<10x80x32xf32, #tpu.memory_space<vmem>> -> memref<1x80x32xf32, #tpu.memory_space<vmem>>
      %dma_start3A_457 = tpu.memref_squeeze %dma_start3A_456 : memref<1x80x32xf32, #tpu.memory_space<vmem>> -> memref<80x32xf32, #tpu.memory_space<vmem>>
      %dma_start3A_458 = arith.constant 0 : i32
      %dma_start3A_459 = tpu.memref_slice %arg6[%add3A_451, %dma_start3A_458] : memref<125x80xi32, #tpu.memory_space<vmem>> -> memref<1x80xi32, #tpu.memory_space<vmem>>
      %dma_start3A_460 = tpu.memref_squeeze %dma_start3A_459 : memref<1x80xi32, #tpu.memory_space<vmem>> -> memref<80xi32, #tpu.memory_space<vmem>>
      %dma_start3A_461 = arith.constant 0 : i32
      %dma_start3A_462 = arith.constant 0 : i32
      %dma_start3A_463 = tpu.memref_slice %arg2[%dma_start3A_461, %dma_start3A_462] : memref<10000x32xf32, #tpu.memory_space<hbm>> -> memref<10000x32xf32, #tpu.memory_space<hbm>>
      %dma_start3A_464 = tpu.memref_slice %arg10[%dma_start3A_453] : memref<10x!tpu.dma_semaphore, #tpu.memory_space<semaphore_mem>> -> memref<1x!tpu.dma_semaphore, #tpu.memory_space<semaphore_mem>>
      %dma_start3A_465 = tpu.memref_squeeze %dma_start3A_464 : memref<1x!tpu.dma_semaphore, #tpu.memory_space<semaphore_mem>> -> memref<!tpu.dma_semaphore, #tpu.memory_space<semaphore_mem>>
      tpu.enqueue_indirect_dma source(%dma_start3A_463 : memref<10000x32xf32, #tpu.memory_space<hbm>>) target(%dma_start3A_457 : memref<80x32xf32, #tpu.memory_space<vmem>>) offsets(%dma_start3A_460 : memref<80xi32, #tpu.memory_space<vmem>>) semaphore(%dma_start3A_465 : memref<!tpu.dma_semaphore, #tpu.memory_space<semaphore_mem>>)
      %dma_wait3A_466 = arith.constant 1 : i32
      %dma_wait3A_467 = arith.constant 1 : i32
      %dma_wait3A_468 = arith.constant 0 : i32
      %dma_wait3A_469 = arith.constant 0 : i32
      %dma_wait3A_470 = tpu.memref_slice %arg8[%dma_wait3A_466, %dma_wait3A_468, %dma_wait3A_469] : memref<10x80x32xf32, #tpu.memory_space<vmem>> -> memref<1x80x32xf32, #tpu.memory_space<vmem>>
      %dma_wait3A_471 = tpu.memref_squeeze %dma_wait3A_470 : memref<1x80x32xf32, #tpu.memory_space<vmem>> -> memref<80x32xf32, #tpu.memory_space<vmem>>
      %dma_wait3A_472 = arith.constant 0 : i32
      %dma_wait3A_473 = tpu.memref_slice %arg6[%add3A_444, %dma_wait3A_472] : memref<125x80xi32, #tpu.memory_space<vmem>> -> memref<1x80xi32, #tpu.memory_space<vmem>>
      %dma_wait3A_474 = tpu.memref_squeeze %dma_wait3A_473 : memref<1x80xi32, #tpu.memory_space<vmem>> -> memref<80xi32, #tpu.memory_space<vmem>>
      %dma_wait3A_475 = arith.constant 0 : i32
      %dma_wait3A_476 = arith.constant 0 : i32
      %dma_wait3A_477 = tpu.memref_slice %arg2[%dma_wait3A_475, %dma_wait3A_476] : memref<10000x32xf32, #tpu.memory_space<hbm>> -> memref<10000x32xf32, #tpu.memory_space<hbm>>
      %dma_wait3A_478 = tpu.memref_slice %arg10[%dma_wait3A_467] : memref<10x!tpu.dma_semaphore, #tpu.memory_space<semaphore_mem>> -> memref<1x!tpu.dma_semaphore, #tpu.memory_space<semaphore_mem>>
      %dma_wait3A_479 = tpu.memref_squeeze %dma_wait3A_478 : memref<1x!tpu.dma_semaphore, #tpu.memory_space<semaphore_mem>> -> memref<!tpu.dma_semaphore, #tpu.memory_space<semaphore_mem>>
      tpu.wait_indirect_dma semaphore(%dma_wait3A_479 : memref<!tpu.dma_semaphore, #tpu.memory_space<semaphore_mem>>) src(%dma_wait3A_477 : memref<10000x32xf32, #tpu.memory_space<hbm>>) dst(%dma_wait3A_471 : memref<80x32xf32, #tpu.memory_space<vmem>>)
      %dma_start3A_480 = arith.constant 1 : i32
      %dma_start3A_481 = arith.constant 1 : i32
      %dma_start3A_482 = arith.constant 0 : i32
      %dma_start3A_483 = arith.constant 0 : i32
      %dma_start3A_484 = tpu.memref_slice %arg8[%dma_start3A_480, %dma_start3A_482, %dma_start3A_483] : memref<10x80x32xf32, #tpu.memory_space<vmem>> -> memref<1x80x32xf32, #tpu.memory_space<vmem>>
      %dma_start3A_485 = tpu.memref_squeeze %dma_start3A_484 : memref<1x80x32xf32, #tpu.memory_space<vmem>> -> memref<80x32xf32, #tpu.memory_space<vmem>>
      %dma_start3A_486 = arith.constant 0 : i32
      %dma_start3A_487 = tpu.memref_slice %arg7[%add3A_444, %dma_start3A_486] : memref<125x80xi32, #tpu.memory_space<vmem>> -> memref<1x80xi32, #tpu.memory_space<vmem>>
      %dma_start3A_488 = tpu.memref_squeeze %dma_start3A_487 : memref<1x80xi32, #tpu.memory_space<vmem>> -> memref<80xi32, #tpu.memory_space<vmem>>
      %dma_start3A_489 = arith.constant 0 : i32
      %dma_start3A_490 = arith.constant 0 : i32
      %dma_start3A_491 = tpu.memref_slice %arg9[%dma_start3A_489, %dma_start3A_490] : memref<10000x32xf32, #tpu.memory_space<vmem_shared>> -> memref<10000x32xf32, #tpu.memory_space<vmem_shared>>
      %dma_start3A_492 = tpu.memref_slice %arg11[%dma_start3A_481] : memref<10x!tpu.dma_semaphore, #tpu.memory_space<semaphore_mem>> -> memref<1x!tpu.dma_semaphore, #tpu.memory_space<semaphore_mem>>
      %dma_start3A_493 = tpu.memref_squeeze %dma_start3A_492 : memref<1x!tpu.dma_semaphore, #tpu.memory_space<semaphore_mem>> -> memref<!tpu.dma_semaphore, #tpu.memory_space<semaphore_mem>>
      tpu.enqueue_indirect_dma source(%dma_start3A_485 : memref<80x32xf32, #tpu.memory_space<vmem>>) target(%dma_start3A_491 : memref<10000x32xf32, #tpu.memory_space<vmem_shared>>) offsets(%dma_start3A_488 : memref<80xi32, #tpu.memory_space<vmem>>) semaphore(%dma_start3A_493 : memref<!tpu.dma_semaphore, #tpu.memory_space<semaphore_mem>>) {add = true}
      %add3A_494 = arith.constant 2 : i32
      %add3A_495 = arith.addi %mul3A_392, %add3A_494 : i32
      %ge3A_496 = arith.constant 1 : i32
      %ge3A_497 = arith.cmpi sge, %scan3A_390, %ge3A_496 : i32
      %convert_element_type3A_498 = arith.extui %ge3A_497 : i1 to i32
      %cond3A_499 = arith.constant 0 : i32
      %cond3A_500 = arith.cmpi ne, %convert_element_type3A_498, %cond3A_499 : i32
      scf.if %cond3A_500 {
        %sub3A_956 = arith.constant 5 : i32
        %sub3A_957 = arith.subi %add3A_495, %sub3A_956 : i32
        %dma_wait3A_958 = arith.constant 7 : i32
        %dma_wait3A_959 = arith.constant 7 : i32
        %dma_wait3A_960 = arith.constant 0 : i32
        %dma_wait3A_961 = arith.constant 0 : i32
        %dma_wait3A_962 = tpu.memref_slice %arg8[%dma_wait3A_958, %dma_wait3A_960, %dma_wait3A_961] : memref<10x80x32xf32, #tpu.memory_space<vmem>> -> memref<1x80x32xf32, #tpu.memory_space<vmem>>
        %dma_wait3A_963 = tpu.memref_squeeze %dma_wait3A_962 : memref<1x80x32xf32, #tpu.memory_space<vmem>> -> memref<80x32xf32, #tpu.memory_space<vmem>>
        %dma_wait3A_964 = arith.constant 0 : i32
        %dma_wait3A_965 = tpu.memref_slice %arg7[%sub3A_957, %dma_wait3A_964] : memref<125x80xi32, #tpu.memory_space<vmem>> -> memref<1x80xi32, #tpu.memory_space<vmem>>
        %dma_wait3A_966 = tpu.memref_squeeze %dma_wait3A_965 : memref<1x80xi32, #tpu.memory_space<vmem>> -> memref<80xi32, #tpu.memory_space<vmem>>
        %dma_wait3A_967 = arith.constant 0 : i32
        %dma_wait3A_968 = arith.constant 0 : i32
        %dma_wait3A_969 = tpu.memref_slice %arg9[%dma_wait3A_967, %dma_wait3A_968] : memref<10000x32xf32, #tpu.memory_space<vmem_shared>> -> memref<10000x32xf32, #tpu.memory_space<vmem_shared>>
        %dma_wait3A_970 = tpu.memref_slice %arg11[%dma_wait3A_959] : memref<10x!tpu.dma_semaphore, #tpu.memory_space<semaphore_mem>> -> memref<1x!tpu.dma_semaphore, #tpu.memory_space<semaphore_mem>>
        %dma_wait3A_971 = tpu.memref_squeeze %dma_wait3A_970 : memref<1x!tpu.dma_semaphore, #tpu.memory_space<semaphore_mem>> -> memref<!tpu.dma_semaphore, #tpu.memory_space<semaphore_mem>>
        tpu.wait_indirect_dma semaphore(%dma_wait3A_971 : memref<!tpu.dma_semaphore, #tpu.memory_space<semaphore_mem>>) src(%dma_wait3A_963 : memref<80x32xf32, #tpu.memory_space<vmem>>) dst(%dma_wait3A_969 : memref<10000x32xf32, #tpu.memory_space<vmem_shared>>)
      } else {
      }
      %add3A_501 = arith.constant 5 : i32
      %add3A_502 = arith.addi %add3A_495, %add3A_501 : i32
      %dma_start3A_503 = arith.constant 7 : i32
      %dma_start3A_504 = arith.constant 7 : i32
      %dma_start3A_505 = arith.constant 0 : i32
      %dma_start3A_506 = arith.constant 0 : i32
      %dma_start3A_507 = tpu.memref_slice %arg8[%dma_start3A_503, %dma_start3A_505, %dma_start3A_506] : memref<10x80x32xf32, #tpu.memory_space<vmem>> -> memref<1x80x32xf32, #tpu.memory_space<vmem>>
      %dma_start3A_508 = tpu.memref_squeeze %dma_start3A_507 : memref<1x80x32xf32, #tpu.memory_space<vmem>> -> memref<80x32xf32, #tpu.memory_space<vmem>>
      %dma_start3A_509 = arith.constant 0 : i32
      %dma_start3A_510 = tpu.memref_slice %arg6[%add3A_502, %dma_start3A_509] : memref<125x80xi32, #tpu.memory_space<vmem>> -> memref<1x80xi32, #tpu.memory_space<vmem>>
      %dma_start3A_511 = tpu.memref_squeeze %dma_start3A_510 : memref<1x80xi32, #tpu.memory_space<vmem>> -> memref<80xi32, #tpu.memory_space<vmem>>
      %dma_start3A_512 = arith.constant 0 : i32
      %dma_start3A_513 = arith.constant 0 : i32
      %dma_start3A_514 = tpu.memref_slice %arg2[%dma_start3A_512, %dma_start3A_513] : memref<10000x32xf32, #tpu.memory_space<hbm>> -> memref<10000x32xf32, #tpu.memory_space<hbm>>
      %dma_start3A_515 = tpu.memref_slice %arg10[%dma_start3A_504] : memref<10x!tpu.dma_semaphore, #tpu.memory_space<semaphore_mem>> -> memref<1x!tpu.dma_semaphore, #tpu.memory_space<semaphore_mem>>
      %dma_start3A_516 = tpu.memref_squeeze %dma_start3A_515 : memref<1x!tpu.dma_semaphore, #tpu.memory_space<semaphore_mem>> -> memref<!tpu.dma_semaphore, #tpu.memory_space<semaphore_mem>>
      tpu.enqueue_indirect_dma source(%dma_start3A_514 : memref<10000x32xf32, #tpu.memory_space<hbm>>) target(%dma_start3A_508 : memref<80x32xf32, #tpu.memory_space<vmem>>) offsets(%dma_start3A_511 : memref<80xi32, #tpu.memory_space<vmem>>) semaphore(%dma_start3A_516 : memref<!tpu.dma_semaphore, #tpu.memory_space<semaphore_mem>>)
      %dma_wait3A_517 = arith.constant 2 : i32
      %dma_wait3A_518 = arith.constant 2 : i32
      %dma_wait3A_519 = arith.constant 0 : i32
      %dma_wait3A_520 = arith.constant 0 : i32
      %dma_wait3A_521 = tpu.memref_slice %arg8[%dma_wait3A_517, %dma_wait3A_519, %dma_wait3A_520] : memref<10x80x32xf32, #tpu.memory_space<vmem>> -> memref<1x80x32xf32, #tpu.memory_space<vmem>>
      %dma_wait3A_522 = tpu.memref_squeeze %dma_wait3A_521 : memref<1x80x32xf32, #tpu.memory_space<vmem>> -> memref<80x32xf32, #tpu.memory_space<vmem>>
      %dma_wait3A_523 = arith.constant 0 : i32
      %dma_wait3A_524 = tpu.memref_slice %arg6[%add3A_495, %dma_wait3A_523] : memref<125x80xi32, #tpu.memory_space<vmem>> -> memref<1x80xi32, #tpu.memory_space<vmem>>
      %dma_wait3A_525 = tpu.memref_squeeze %dma_wait3A_524 : memref<1x80xi32, #tpu.memory_space<vmem>> -> memref<80xi32, #tpu.memory_space<vmem>>
      %dma_wait3A_526 = arith.constant 0 : i32
      %dma_wait3A_527 = arith.constant 0 : i32
      %dma_wait3A_528 = tpu.memref_slice %arg2[%dma_wait3A_526, %dma_wait3A_527] : memref<10000x32xf32, #tpu.memory_space<hbm>> -> memref<10000x32xf32, #tpu.memory_space<hbm>>
      %dma_wait3A_529 = tpu.memref_slice %arg10[%dma_wait3A_518] : memref<10x!tpu.dma_semaphore, #tpu.memory_space<semaphore_mem>> -> memref<1x!tpu.dma_semaphore, #tpu.memory_space<semaphore_mem>>
      %dma_wait3A_530 = tpu.memref_squeeze %dma_wait3A_529 : memref<1x!tpu.dma_semaphore, #tpu.memory_space<semaphore_mem>> -> memref<!tpu.dma_semaphore, #tpu.memory_space<semaphore_mem>>
      tpu.wait_indirect_dma semaphore(%dma_wait3A_530 : memref<!tpu.dma_semaphore, #tpu.memory_space<semaphore_mem>>) src(%dma_wait3A_528 : memref<10000x32xf32, #tpu.memory_space<hbm>>) dst(%dma_wait3A_522 : memref<80x32xf32, #tpu.memory_space<vmem>>)
      %dma_start3A_531 = arith.constant 2 : i32
      %dma_start3A_532 = arith.constant 2 : i32
      %dma_start3A_533 = arith.constant 0 : i32
      %dma_start3A_534 = arith.constant 0 : i32
      %dma_start3A_535 = tpu.memref_slice %arg8[%dma_start3A_531, %dma_start3A_533, %dma_start3A_534] : memref<10x80x32xf32, #tpu.memory_space<vmem>> -> memref<1x80x32xf32, #tpu.memory_space<vmem>>
      %dma_start3A_536 = tpu.memref_squeeze %dma_start3A_535 : memref<1x80x32xf32, #tpu.memory_space<vmem>> -> memref<80x32xf32, #tpu.memory_space<vmem>>
      %dma_start3A_537 = arith.constant 0 : i32
      %dma_start3A_538 = tpu.memref_slice %arg7[%add3A_495, %dma_start3A_537] : memref<125x80xi32, #tpu.memory_space<vmem>> -> memref<1x80xi32, #tpu.memory_space<vmem>>
      %dma_start3A_539 = tpu.memref_squeeze %dma_start3A_538 : memref<1x80xi32, #tpu.memory_space<vmem>> -> memref<80xi32, #tpu.memory_space<vmem>>
      %dma_start3A_540 = arith.constant 0 : i32
      %dma_start3A_541 = arith.constant 0 : i32
      %dma_start3A_542 = tpu.memref_slice %arg9[%dma_start3A_540, %dma_start3A_541] : memref<10000x32xf32, #tpu.memory_space<vmem_shared>> -> memref<10000x32xf32, #tpu.memory_space<vmem_shared>>
      %dma_start3A_543 = tpu.memref_slice %arg11[%dma_start3A_532] : memref<10x!tpu.dma_semaphore, #tpu.memory_space<semaphore_mem>> -> memref<1x!tpu.dma_semaphore, #tpu.memory_space<semaphore_mem>>
      %dma_start3A_544 = tpu.memref_squeeze %dma_start3A_543 : memref<1x!tpu.dma_semaphore, #tpu.memory_space<semaphore_mem>> -> memref<!tpu.dma_semaphore, #tpu.memory_space<semaphore_mem>>
      tpu.enqueue_indirect_dma source(%dma_start3A_536 : memref<80x32xf32, #tpu.memory_space<vmem>>) target(%dma_start3A_542 : memref<10000x32xf32, #tpu.memory_space<vmem_shared>>) offsets(%dma_start3A_539 : memref<80xi32, #tpu.memory_space<vmem>>) semaphore(%dma_start3A_544 : memref<!tpu.dma_semaphore, #tpu.memory_space<semaphore_mem>>) {add = true}
      %add3A_545 = arith.constant 3 : i32
      %add3A_546 = arith.addi %mul3A_392, %add3A_545 : i32
      %ge3A_547 = arith.constant 1 : i32
      %ge3A_548 = arith.cmpi sge, %scan3A_390, %ge3A_547 : i32
      %convert_element_type3A_549 = arith.extui %ge3A_548 : i1 to i32
      %cond3A_550 = arith.constant 0 : i32
      %cond3A_551 = arith.cmpi ne, %convert_element_type3A_549, %cond3A_550 : i32
      scf.if %cond3A_551 {
        %sub3A_956 = arith.constant 5 : i32
        %sub3A_957 = arith.subi %add3A_546, %sub3A_956 : i32
        %dma_wait3A_958 = arith.constant 8 : i32
        %dma_wait3A_959 = arith.constant 8 : i32
        %dma_wait3A_960 = arith.constant 0 : i32
        %dma_wait3A_961 = arith.constant 0 : i32
        %dma_wait3A_962 = tpu.memref_slice %arg8[%dma_wait3A_958, %dma_wait3A_960, %dma_wait3A_961] : memref<10x80x32xf32, #tpu.memory_space<vmem>> -> memref<1x80x32xf32, #tpu.memory_space<vmem>>
        %dma_wait3A_963 = tpu.memref_squeeze %dma_wait3A_962 : memref<1x80x32xf32, #tpu.memory_space<vmem>> -> memref<80x32xf32, #tpu.memory_space<vmem>>
        %dma_wait3A_964 = arith.constant 0 : i32
        %dma_wait3A_965 = tpu.memref_slice %arg7[%sub3A_957, %dma_wait3A_964] : memref<125x80xi32, #tpu.memory_space<vmem>> -> memref<1x80xi32, #tpu.memory_space<vmem>>
        %dma_wait3A_966 = tpu.memref_squeeze %dma_wait3A_965 : memref<1x80xi32, #tpu.memory_space<vmem>> -> memref<80xi32, #tpu.memory_space<vmem>>
        %dma_wait3A_967 = arith.constant 0 : i32
        %dma_wait3A_968 = arith.constant 0 : i32
        %dma_wait3A_969 = tpu.memref_slice %arg9[%dma_wait3A_967, %dma_wait3A_968] : memref<10000x32xf32, #tpu.memory_space<vmem_shared>> -> memref<10000x32xf32, #tpu.memory_space<vmem_shared>>
        %dma_wait3A_970 = tpu.memref_slice %arg11[%dma_wait3A_959] : memref<10x!tpu.dma_semaphore, #tpu.memory_space<semaphore_mem>> -> memref<1x!tpu.dma_semaphore, #tpu.memory_space<semaphore_mem>>
        %dma_wait3A_971 = tpu.memref_squeeze %dma_wait3A_970 : memref<1x!tpu.dma_semaphore, #tpu.memory_space<semaphore_mem>> -> memref<!tpu.dma_semaphore, #tpu.memory_space<semaphore_mem>>
        tpu.wait_indirect_dma semaphore(%dma_wait3A_971 : memref<!tpu.dma_semaphore, #tpu.memory_space<semaphore_mem>>) src(%dma_wait3A_963 : memref<80x32xf32, #tpu.memory_space<vmem>>) dst(%dma_wait3A_969 : memref<10000x32xf32, #tpu.memory_space<vmem_shared>>)
      } else {
      }
      %add3A_552 = arith.constant 5 : i32
      %add3A_553 = arith.addi %add3A_546, %add3A_552 : i32
      %dma_start3A_554 = arith.constant 8 : i32
      %dma_start3A_555 = arith.constant 8 : i32
      %dma_start3A_556 = arith.constant 0 : i32
      %dma_start3A_557 = arith.constant 0 : i32
      %dma_start3A_558 = tpu.memref_slice %arg8[%dma_start3A_554, %dma_start3A_556, %dma_start3A_557] : memref<10x80x32xf32, #tpu.memory_space<vmem>> -> memref<1x80x32xf32, #tpu.memory_space<vmem>>
      %dma_start3A_559 = tpu.memref_squeeze %dma_start3A_558 : memref<1x80x32xf32, #tpu.memory_space<vmem>> -> memref<80x32xf32, #tpu.memory_space<vmem>>
      %dma_start3A_560 = arith.constant 0 : i32
      %dma_start3A_561 = tpu.memref_slice %arg6[%add3A_553, %dma_start3A_560] : memref<125x80xi32, #tpu.memory_space<vmem>> -> memref<1x80xi32, #tpu.memory_space<vmem>>
      %dma_start3A_562 = tpu.memref_squeeze %dma_start3A_561 : memref<1x80xi32, #tpu.memory_space<vmem>> -> memref<80xi32, #tpu.memory_space<vmem>>
      %dma_start3A_563 = arith.constant 0 : i32
      %dma_start3A_564 = arith.constant 0 : i32
      %dma_start3A_565 = tpu.memref_slice %arg2[%dma_start3A_563, %dma_start3A_564] : memref<10000x32xf32, #tpu.memory_space<hbm>> -> memref<10000x32xf32, #tpu.memory_space<hbm>>
      %dma_start3A_566 = tpu.memref_slice %arg10[%dma_start3A_555] : memref<10x!tpu.dma_semaphore, #tpu.memory_space<semaphore_mem>> -> memref<1x!tpu.dma_semaphore, #tpu.memory_space<semaphore_mem>>
      %dma_start3A_567 = tpu.memref_squeeze %dma_start3A_566 : memref<1x!tpu.dma_semaphore, #tpu.memory_space<semaphore_mem>> -> memref<!tpu.dma_semaphore, #tpu.memory_space<semaphore_mem>>
      tpu.enqueue_indirect_dma source(%dma_start3A_565 : memref<10000x32xf32, #tpu.memory_space<hbm>>) target(%dma_start3A_559 : memref<80x32xf32, #tpu.memory_space<vmem>>) offsets(%dma_start3A_562 : memref<80xi32, #tpu.memory_space<vmem>>) semaphore(%dma_start3A_567 : memref<!tpu.dma_semaphore, #tpu.memory_space<semaphore_mem>>)
      %dma_wait3A_568 = arith.constant 3 : i32
      %dma_wait3A_569 = arith.constant 3 : i32
      %dma_wait3A_570 = arith.constant 0 : i32
      %dma_wait3A_571 = arith.constant 0 : i32
      %dma_wait3A_572 = tpu.memref_slice %arg8[%dma_wait3A_568, %dma_wait3A_570, %dma_wait3A_571] : memref<10x80x32xf32, #tpu.memory_space<vmem>> -> memref<1x80x32xf32, #tpu.memory_space<vmem>>
      %dma_wait3A_573 = tpu.memref_squeeze %dma_wait3A_572 : memref<1x80x32xf32, #tpu.memory_space<vmem>> -> memref<80x32xf32, #tpu.memory_space<vmem>>
      %dma_wait3A_574 = arith.constant 0 : i32
      %dma_wait3A_575 = tpu.memref_slice %arg6[%add3A_546, %dma_wait3A_574] : memref<125x80xi32, #tpu.memory_space<vmem>> -> memref<1x80xi32, #tpu.memory_space<vmem>>
      %dma_wait3A_576 = tpu.memref_squeeze %dma_wait3A_575 : memref<1x80xi32, #tpu.memory_space<vmem>> -> memref<80xi32, #tpu.memory_space<vmem>>
      %dma_wait3A_577 = arith.constant 0 : i32
      %dma_wait3A_578 = arith.constant 0 : i32
      %dma_wait3A_579 = tpu.memref_slice %arg2[%dma_wait3A_577, %dma_wait3A_578] : memref<10000x32xf32, #tpu.memory_space<hbm>> -> memref<10000x32xf32, #tpu.memory_space<hbm>>
      %dma_wait3A_580 = tpu.memref_slice %arg10[%dma_wait3A_569] : memref<10x!tpu.dma_semaphore, #tpu.memory_space<semaphore_mem>> -> memref<1x!tpu.dma_semaphore, #tpu.memory_space<semaphore_mem>>
      %dma_wait3A_581 = tpu.memref_squeeze %dma_wait3A_580 : memref<1x!tpu.dma_semaphore, #tpu.memory_space<semaphore_mem>> -> memref<!tpu.dma_semaphore, #tpu.memory_space<semaphore_mem>>
      tpu.wait_indirect_dma semaphore(%dma_wait3A_581 : memref<!tpu.dma_semaphore, #tpu.memory_space<semaphore_mem>>) src(%dma_wait3A_579 : memref<10000x32xf32, #tpu.memory_space<hbm>>) dst(%dma_wait3A_573 : memref<80x32xf32, #tpu.memory_space<vmem>>)
      %dma_start3A_582 = arith.constant 3 : i32
      %dma_start3A_583 = arith.constant 3 : i32
      %dma_start3A_584 = arith.constant 0 : i32
      %dma_start3A_585 = arith.constant 0 : i32
      %dma_start3A_586 = tpu.memref_slice %arg8[%dma_start3A_582, %dma_start3A_584, %dma_start3A_585] : memref<10x80x32xf32, #tpu.memory_space<vmem>> -> memref<1x80x32xf32, #tpu.memory_space<vmem>>
      %dma_start3A_587 = tpu.memref_squeeze %dma_start3A_586 : memref<1x80x32xf32, #tpu.memory_space<vmem>> -> memref<80x32xf32, #tpu.memory_space<vmem>>
      %dma_start3A_588 = arith.constant 0 : i32
      %dma_start3A_589 = tpu.memref_slice %arg7[%add3A_546, %dma_start3A_588] : memref<125x80xi32, #tpu.memory_space<vmem>> -> memref<1x80xi32, #tpu.memory_space<vmem>>
      %dma_start3A_590 = tpu.memref_squeeze %dma_start3A_589 : memref<1x80xi32, #tpu.memory_space<vmem>> -> memref<80xi32, #tpu.memory_space<vmem>>
      %dma_start3A_591 = arith.constant 0 : i32
      %dma_start3A_592 = arith.constant 0 : i32
      %dma_start3A_593 = tpu.memref_slice %arg9[%dma_start3A_591, %dma_start3A_592] : memref<10000x32xf32, #tpu.memory_space<vmem_shared>> -> memref<10000x32xf32, #tpu.memory_space<vmem_shared>>
      %dma_start3A_594 = tpu.memref_slice %arg11[%dma_start3A_583] : memref<10x!tpu.dma_semaphore, #tpu.memory_space<semaphore_mem>> -> memref<1x!tpu.dma_semaphore, #tpu.memory_space<semaphore_mem>>
      %dma_start3A_595 = tpu.memref_squeeze %dma_start3A_594 : memref<1x!tpu.dma_semaphore, #tpu.memory_space<semaphore_mem>> -> memref<!tpu.dma_semaphore, #tpu.memory_space<semaphore_mem>>
      tpu.enqueue_indirect_dma source(%dma_start3A_587 : memref<80x32xf32, #tpu.memory_space<vmem>>) target(%dma_start3A_593 : memref<10000x32xf32, #tpu.memory_space<vmem_shared>>) offsets(%dma_start3A_590 : memref<80xi32, #tpu.memory_space<vmem>>) semaphore(%dma_start3A_595 : memref<!tpu.dma_semaphore, #tpu.memory_space<semaphore_mem>>) {add = true}
      %add3A_596 = arith.constant 4 : i32
      %add3A_597 = arith.addi %mul3A_392, %add3A_596 : i32
      %ge3A_598 = arith.constant 1 : i32
      %ge3A_599 = arith.cmpi sge, %scan3A_390, %ge3A_598 : i32
      %convert_element_type3A_600 = arith.extui %ge3A_599 : i1 to i32
      %cond3A_601 = arith.constant 0 : i32
      %cond3A_602 = arith.cmpi ne, %convert_element_type3A_600, %cond3A_601 : i32
      scf.if %cond3A_602 {
        %sub3A_956 = arith.constant 5 : i32
        %sub3A_957 = arith.subi %add3A_597, %sub3A_956 : i32
        %dma_wait3A_958 = arith.constant 9 : i32
        %dma_wait3A_959 = arith.constant 9 : i32
        %dma_wait3A_960 = arith.constant 0 : i32
        %dma_wait3A_961 = arith.constant 0 : i32
        %dma_wait3A_962 = tpu.memref_slice %arg8[%dma_wait3A_958, %dma_wait3A_960, %dma_wait3A_961] : memref<10x80x32xf32, #tpu.memory_space<vmem>> -> memref<1x80x32xf32, #tpu.memory_space<vmem>>
        %dma_wait3A_963 = tpu.memref_squeeze %dma_wait3A_962 : memref<1x80x32xf32, #tpu.memory_space<vmem>> -> memref<80x32xf32, #tpu.memory_space<vmem>>
        %dma_wait3A_964 = arith.constant 0 : i32
        %dma_wait3A_965 = tpu.memref_slice %arg7[%sub3A_957, %dma_wait3A_964] : memref<125x80xi32, #tpu.memory_space<vmem>> -> memref<1x80xi32, #tpu.memory_space<vmem>>
        %dma_wait3A_966 = tpu.memref_squeeze %dma_wait3A_965 : memref<1x80xi32, #tpu.memory_space<vmem>> -> memref<80xi32, #tpu.memory_space<vmem>>
        %dma_wait3A_967 = arith.constant 0 : i32
        %dma_wait3A_968 = arith.constant 0 : i32
        %dma_wait3A_969 = tpu.memref_slice %arg9[%dma_wait3A_967, %dma_wait3A_968] : memref<10000x32xf32, #tpu.memory_space<vmem_shared>> -> memref<10000x32xf32, #tpu.memory_space<vmem_shared>>
        %dma_wait3A_970 = tpu.memref_slice %arg11[%dma_wait3A_959] : memref<10x!tpu.dma_semaphore, #tpu.memory_space<semaphore_mem>> -> memref<1x!tpu.dma_semaphore, #tpu.memory_space<semaphore_mem>>
        %dma_wait3A_971 = tpu.memref_squeeze %dma_wait3A_970 : memref<1x!tpu.dma_semaphore, #tpu.memory_space<semaphore_mem>> -> memref<!tpu.dma_semaphore, #tpu.memory_space<semaphore_mem>>
        tpu.wait_indirect_dma semaphore(%dma_wait3A_971 : memref<!tpu.dma_semaphore, #tpu.memory_space<semaphore_mem>>) src(%dma_wait3A_963 : memref<80x32xf32, #tpu.memory_space<vmem>>) dst(%dma_wait3A_969 : memref<10000x32xf32, #tpu.memory_space<vmem_shared>>)
      } else {
      }
      %add3A_603 = arith.constant 5 : i32
      %add3A_604 = arith.addi %add3A_597, %add3A_603 : i32
      %dma_start3A_605 = arith.constant 9 : i32
      %dma_start3A_606 = arith.constant 9 : i32
      %dma_start3A_607 = arith.constant 0 : i32
      %dma_start3A_608 = arith.constant 0 : i32
      %dma_start3A_609 = tpu.memref_slice %arg8[%dma_start3A_605, %dma_start3A_607, %dma_start3A_608] : memref<10x80x32xf32, #tpu.memory_space<vmem>> -> memref<1x80x32xf32, #tpu.memory_space<vmem>>
      %dma_start3A_610 = tpu.memref_squeeze %dma_start3A_609 : memref<1x80x32xf32, #tpu.memory_space<vmem>> -> memref<80x32xf32, #tpu.memory_space<vmem>>
      %dma_start3A_611 = arith.constant 0 : i32
      %dma_start3A_612 = tpu.memref_slice %arg6[%add3A_604, %dma_start3A_611] : memref<125x80xi32, #tpu.memory_space<vmem>> -> memref<1x80xi32, #tpu.memory_space<vmem>>
      %dma_start3A_613 = tpu.memref_squeeze %dma_start3A_612 : memref<1x80xi32, #tpu.memory_space<vmem>> -> memref<80xi32, #tpu.memory_space<vmem>>
      %dma_start3A_614 = arith.constant 0 : i32
      %dma_start3A_615 = arith.constant 0 : i32
      %dma_start3A_616 = tpu.memref_slice %arg2[%dma_start3A_614, %dma_start3A_615] : memref<10000x32xf32, #tpu.memory_space<hbm>> -> memref<10000x32xf32, #tpu.memory_space<hbm>>
      %dma_start3A_617 = tpu.memref_slice %arg10[%dma_start3A_606] : memref<10x!tpu.dma_semaphore, #tpu.memory_space<semaphore_mem>> -> memref<1x!tpu.dma_semaphore, #tpu.memory_space<semaphore_mem>>
      %dma_start3A_618 = tpu.memref_squeeze %dma_start3A_617 : memref<1x!tpu.dma_semaphore, #tpu.memory_space<semaphore_mem>> -> memref<!tpu.dma_semaphore, #tpu.memory_space<semaphore_mem>>
      tpu.enqueue_indirect_dma source(%dma_start3A_616 : memref<10000x32xf32, #tpu.memory_space<hbm>>) target(%dma_start3A_610 : memref<80x32xf32, #tpu.memory_space<vmem>>) offsets(%dma_start3A_613 : memref<80xi32, #tpu.memory_space<vmem>>) semaphore(%dma_start3A_618 : memref<!tpu.dma_semaphore, #tpu.memory_space<semaphore_mem>>)
      %dma_wait3A_619 = arith.constant 4 : i32
      %dma_wait3A_620 = arith.constant 4 : i32
      %dma_wait3A_621 = arith.constant 0 : i32
      %dma_wait3A_622 = arith.constant 0 : i32
      %dma_wait3A_623 = tpu.memref_slice %arg8[%dma_wait3A_619, %dma_wait3A_621, %dma_wait3A_622] : memref<10x80x32xf32, #tpu.memory_space<vmem>> -> memref<1x80x32xf32, #tpu.memory_space<vmem>>
      %dma_wait3A_624 = tpu.memref_squeeze %dma_wait3A_623 : memref<1x80x32xf32, #tpu.memory_space<vmem>> -> memref<80x32xf32, #tpu.memory_space<vmem>>
      %dma_wait3A_625 = arith.constant 0 : i32
      %dma_wait3A_626 = tpu.memref_slice %arg6[%add3A_597, %dma_wait3A_625] : memref<125x80xi32, #tpu.memory_space<vmem>> -> memref<1x80xi32, #tpu.memory_space<vmem>>
      %dma_wait3A_627 = tpu.memref_squeeze %dma_wait3A_626 : memref<1x80xi32, #tpu.memory_space<vmem>> -> memref<80xi32, #tpu.memory_space<vmem>>
      %dma_wait3A_628 = arith.constant 0 : i32
      %dma_wait3A_629 = arith.constant 0 : i32
      %dma_wait3A_630 = tpu.memref_slice %arg2[%dma_wait3A_628, %dma_wait3A_629] : memref<10000x32xf32, #tpu.memory_space<hbm>> -> memref<10000x32xf32, #tpu.memory_space<hbm>>
      %dma_wait3A_631 = tpu.memref_slice %arg10[%dma_wait3A_620] : memref<10x!tpu.dma_semaphore, #tpu.memory_space<semaphore_mem>> -> memref<1x!tpu.dma_semaphore, #tpu.memory_space<semaphore_mem>>
      %dma_wait3A_632 = tpu.memref_squeeze %dma_wait3A_631 : memref<1x!tpu.dma_semaphore, #tpu.memory_space<semaphore_mem>> -> memref<!tpu.dma_semaphore, #tpu.memory_space<semaphore_mem>>
      tpu.wait_indirect_dma semaphore(%dma_wait3A_632 : memref<!tpu.dma_semaphore, #tpu.memory_space<semaphore_mem>>) src(%dma_wait3A_630 : memref<10000x32xf32, #tpu.memory_space<hbm>>) dst(%dma_wait3A_624 : memref<80x32xf32, #tpu.memory_space<vmem>>)
      %dma_start3A_633 = arith.constant 4 : i32
      %dma_start3A_634 = arith.constant 4 : i32
      %dma_start3A_635 = arith.constant 0 : i32
      %dma_start3A_636 = arith.constant 0 : i32
      %dma_start3A_637 = tpu.memref_slice %arg8[%dma_start3A_633, %dma_start3A_635, %dma_start3A_636] : memref<10x80x32xf32, #tpu.memory_space<vmem>> -> memref<1x80x32xf32, #tpu.memory_space<vmem>>
      %dma_start3A_638 = tpu.memref_squeeze %dma_start3A_637 : memref<1x80x32xf32, #tpu.memory_space<vmem>> -> memref<80x32xf32, #tpu.memory_space<vmem>>
      %dma_start3A_639 = arith.constant 0 : i32
      %dma_start3A_640 = tpu.memref_slice %arg7[%add3A_597, %dma_start3A_639] : memref<125x80xi32, #tpu.memory_space<vmem>> -> memref<1x80xi32, #tpu.memory_space<vmem>>
      %dma_start3A_641 = tpu.memref_squeeze %dma_start3A_640 : memref<1x80xi32, #tpu.memory_space<vmem>> -> memref<80xi32, #tpu.memory_space<vmem>>
      %dma_start3A_642 = arith.constant 0 : i32
      %dma_start3A_643 = arith.constant 0 : i32
      %dma_start3A_644 = tpu.memref_slice %arg9[%dma_start3A_642, %dma_start3A_643] : memref<10000x32xf32, #tpu.memory_space<vmem_shared>> -> memref<10000x32xf32, #tpu.memory_space<vmem_shared>>
      %dma_start3A_645 = tpu.memref_slice %arg11[%dma_start3A_634] : memref<10x!tpu.dma_semaphore, #tpu.memory_space<semaphore_mem>> -> memref<1x!tpu.dma_semaphore, #tpu.memory_space<semaphore_mem>>
      %dma_start3A_646 = tpu.memref_squeeze %dma_start3A_645 : memref<1x!tpu.dma_semaphore, #tpu.memory_space<semaphore_mem>> -> memref<!tpu.dma_semaphore, #tpu.memory_space<semaphore_mem>>
      tpu.enqueue_indirect_dma source(%dma_start3A_638 : memref<80x32xf32, #tpu.memory_space<vmem>>) target(%dma_start3A_644 : memref<10000x32xf32, #tpu.memory_space<vmem_shared>>) offsets(%dma_start3A_641 : memref<80xi32, #tpu.memory_space<vmem>>) semaphore(%dma_start3A_646 : memref<!tpu.dma_semaphore, #tpu.memory_space<semaphore_mem>>) {add = true}
      %add3A_647 = arith.constant 5 : i32
      %add3A_648 = arith.addi %mul3A_392, %add3A_647 : i32
      %sub3A = arith.constant 5 : i32
      %sub3A_649 = arith.subi %add3A_648, %sub3A : i32
      %dma_wait3A_650 = arith.constant 0 : i32
      %dma_wait3A_651 = arith.constant 0 : i32
      %dma_wait3A_652 = arith.constant 0 : i32
      %dma_wait3A_653 = arith.constant 0 : i32
      %dma_wait3A_654 = tpu.memref_slice %arg8[%dma_wait3A_650, %dma_wait3A_652, %dma_wait3A_653] : memref<10x80x32xf32, #tpu.memory_space<vmem>> -> memref<1x80x32xf32, #tpu.memory_space<vmem>>
      %dma_wait3A_655 = tpu.memref_squeeze %dma_wait3A_654 : memref<1x80x32xf32, #tpu.memory_space<vmem>> -> memref<80x32xf32, #tpu.memory_space<vmem>>
      %dma_wait3A_656 = arith.constant 0 : i32
      %dma_wait3A_657 = tpu.memref_slice %arg7[%sub3A_649, %dma_wait3A_656] : memref<125x80xi32, #tpu.memory_space<vmem>> -> memref<1x80xi32, #tpu.memory_space<vmem>>
      %dma_wait3A_658 = tpu.memref_squeeze %dma_wait3A_657 : memref<1x80xi32, #tpu.memory_space<vmem>> -> memref<80xi32, #tpu.memory_space<vmem>>
      %dma_wait3A_659 = arith.constant 0 : i32
      %dma_wait3A_660 = arith.constant 0 : i32
      %dma_wait3A_661 = tpu.memref_slice %arg9[%dma_wait3A_659, %dma_wait3A_660] : memref<10000x32xf32, #tpu.memory_space<vmem_shared>> -> memref<10000x32xf32, #tpu.memory_space<vmem_shared>>
      %dma_wait3A_662 = tpu.memref_slice %arg11[%dma_wait3A_651] : memref<10x!tpu.dma_semaphore, #tpu.memory_space<semaphore_mem>> -> memref<1x!tpu.dma_semaphore, #tpu.memory_space<semaphore_mem>>
      %dma_wait3A_663 = tpu.memref_squeeze %dma_wait3A_662 : memref<1x!tpu.dma_semaphore, #tpu.memory_space<semaphore_mem>> -> memref<!tpu.dma_semaphore, #tpu.memory_space<semaphore_mem>>
      tpu.wait_indirect_dma semaphore(%dma_wait3A_663 : memref<!tpu.dma_semaphore, #tpu.memory_space<semaphore_mem>>) src(%dma_wait3A_655 : memref<80x32xf32, #tpu.memory_space<vmem>>) dst(%dma_wait3A_661 : memref<10000x32xf32, #tpu.memory_space<vmem_shared>>)
      %add3A_664 = arith.constant 5 : i32
      %add3A_665 = arith.addi %add3A_648, %add3A_664 : i32
      %dma_start3A_666 = arith.constant 0 : i32
      %dma_start3A_667 = arith.constant 0 : i32
      %dma_start3A_668 = arith.constant 0 : i32
      %dma_start3A_669 = arith.constant 0 : i32
      %dma_start3A_670 = tpu.memref_slice %arg8[%dma_start3A_666, %dma_start3A_668, %dma_start3A_669] : memref<10x80x32xf32, #tpu.memory_space<vmem>> -> memref<1x80x32xf32, #tpu.memory_space<vmem>>
      %dma_start3A_671 = tpu.memref_squeeze %dma_start3A_670 : memref<1x80x32xf32, #tpu.memory_space<vmem>> -> memref<80x32xf32, #tpu.memory_space<vmem>>
      %dma_start3A_672 = arith.constant 0 : i32
      %dma_start3A_673 = tpu.memref_slice %arg6[%add3A_665, %dma_start3A_672] : memref<125x80xi32, #tpu.memory_space<vmem>> -> memref<1x80xi32, #tpu.memory_space<vmem>>
      %dma_start3A_674 = tpu.memref_squeeze %dma_start3A_673 : memref<1x80xi32, #tpu.memory_space<vmem>> -> memref<80xi32, #tpu.memory_space<vmem>>
      %dma_start3A_675 = arith.constant 0 : i32
      %dma_start3A_676 = arith.constant 0 : i32
      %dma_start3A_677 = tpu.memref_slice %arg2[%dma_start3A_675, %dma_start3A_676] : memref<10000x32xf32, #tpu.memory_space<hbm>> -> memref<10000x32xf32, #tpu.memory_space<hbm>>
      %dma_start3A_678 = tpu.memref_slice %arg10[%dma_start3A_667] : memref<10x!tpu.dma_semaphore, #tpu.memory_space<semaphore_mem>> -> memref<1x!tpu.dma_semaphore, #tpu.memory_space<semaphore_mem>>
      %dma_start3A_679 = tpu.memref_squeeze %dma_start3A_678 : memref<1x!tpu.dma_semaphore, #tpu.memory_space<semaphore_mem>> -> memref<!tpu.dma_semaphore, #tpu.memory_space<semaphore_mem>>
      tpu.enqueue_indirect_dma source(%dma_start3A_677 : memref<10000x32xf32, #tpu.memory_space<hbm>>) target(%dma_start3A_671 : memref<80x32xf32, #tpu.memory_space<vmem>>) offsets(%dma_start3A_674 : memref<80xi32, #tpu.memory_space<vmem>>) semaphore(%dma_start3A_679 : memref<!tpu.dma_semaphore, #tpu.memory_space<semaphore_mem>>)
      %dma_wait3A_680 = arith.constant 5 : i32
      %dma_wait3A_681 = arith.constant 5 : i32
      %dma_wait3A_682 = arith.constant 0 : i32
      %dma_wait3A_683 = arith.constant 0 : i32
      %dma_wait3A_684 = tpu.memref_slice %arg8[%dma_wait3A_680, %dma_wait3A_682, %dma_wait3A_683] : memref<10x80x32xf32, #tpu.memory_space<vmem>> -> memref<1x80x32xf32, #tpu.memory_space<vmem>>
      %dma_wait3A_685 = tpu.memref_squeeze %dma_wait3A_684 : memref<1x80x32xf32, #tpu.memory_space<vmem>> -> memref<80x32xf32, #tpu.memory_space<vmem>>
      %dma_wait3A_686 = arith.constant 0 : i32
      %dma_wait3A_687 = tpu.memref_slice %arg6[%add3A_648, %dma_wait3A_686] : memref<125x80xi32, #tpu.memory_space<vmem>> -> memref<1x80xi32, #tpu.memory_space<vmem>>
      %dma_wait3A_688 = tpu.memref_squeeze %dma_wait3A_687 : memref<1x80xi32, #tpu.memory_space<vmem>> -> memref<80xi32, #tpu.memory_space<vmem>>
      %dma_wait3A_689 = arith.constant 0 : i32
      %dma_wait3A_690 = arith.constant 0 : i32
      %dma_wait3A_691 = tpu.memref_slice %arg2[%dma_wait3A_689, %dma_wait3A_690] : memref<10000x32xf32, #tpu.memory_space<hbm>> -> memref<10000x32xf32, #tpu.memory_space<hbm>>
      %dma_wait3A_692 = tpu.memref_slice %arg10[%dma_wait3A_681] : memref<10x!tpu.dma_semaphore, #tpu.memory_space<semaphore_mem>> -> memref<1x!tpu.dma_semaphore, #tpu.memory_space<semaphore_mem>>
      %dma_wait3A_693 = tpu.memref_squeeze %dma_wait3A_692 : memref<1x!tpu.dma_semaphore, #tpu.memory_space<semaphore_mem>> -> memref<!tpu.dma_semaphore, #tpu.memory_space<semaphore_mem>>
      tpu.wait_indirect_dma semaphore(%dma_wait3A_693 : memref<!tpu.dma_semaphore, #tpu.memory_space<semaphore_mem>>) src(%dma_wait3A_691 : memref<10000x32xf32, #tpu.memory_space<hbm>>) dst(%dma_wait3A_685 : memref<80x32xf32, #tpu.memory_space<vmem>>)
      %dma_start3A_694 = arith.constant 5 : i32
      %dma_start3A_695 = arith.constant 5 : i32
      %dma_start3A_696 = arith.constant 0 : i32
      %dma_start3A_697 = arith.constant 0 : i32
      %dma_start3A_698 = tpu.memref_slice %arg8[%dma_start3A_694, %dma_start3A_696, %dma_start3A_697] : memref<10x80x32xf32, #tpu.memory_space<vmem>> -> memref<1x80x32xf32, #tpu.memory_space<vmem>>
      %dma_start3A_699 = tpu.memref_squeeze %dma_start3A_698 : memref<1x80x32xf32, #tpu.memory_space<vmem>> -> memref<80x32xf32, #tpu.memory_space<vmem>>
      %dma_start3A_700 = arith.constant 0 : i32
      %dma_start3A_701 = tpu.memref_slice %arg7[%add3A_648, %dma_start3A_700] : memref<125x80xi32, #tpu.memory_space<vmem>> -> memref<1x80xi32, #tpu.memory_space<vmem>>
      %dma_start3A_702 = tpu.memref_squeeze %dma_start3A_701 : memref<1x80xi32, #tpu.memory_space<vmem>> -> memref<80xi32, #tpu.memory_space<vmem>>
      %dma_start3A_703 = arith.constant 0 : i32
      %dma_start3A_704 = arith.constant 0 : i32
      %dma_start3A_705 = tpu.memref_slice %arg9[%dma_start3A_703, %dma_start3A_704] : memref<10000x32xf32, #tpu.memory_space<vmem_shared>> -> memref<10000x32xf32, #tpu.memory_space<vmem_shared>>
      %dma_start3A_706 = tpu.memref_slice %arg11[%dma_start3A_695] : memref<10x!tpu.dma_semaphore, #tpu.memory_space<semaphore_mem>> -> memref<1x!tpu.dma_semaphore, #tpu.memory_space<semaphore_mem>>
      %dma_start3A_707 = tpu.memref_squeeze %dma_start3A_706 : memref<1x!tpu.dma_semaphore, #tpu.memory_space<semaphore_mem>> -> memref<!tpu.dma_semaphore, #tpu.memory_space<semaphore_mem>>
      tpu.enqueue_indirect_dma source(%dma_start3A_699 : memref<80x32xf32, #tpu.memory_space<vmem>>) target(%dma_start3A_705 : memref<10000x32xf32, #tpu.memory_space<vmem_shared>>) offsets(%dma_start3A_702 : memref<80xi32, #tpu.memory_space<vmem>>) semaphore(%dma_start3A_707 : memref<!tpu.dma_semaphore, #tpu.memory_space<semaphore_mem>>) {add = true}
      %add3A_708 = arith.constant 6 : i32
      %add3A_709 = arith.addi %mul3A_392, %add3A_708 : i32
      %sub3A_710 = arith.constant 5 : i32
      %sub3A_711 = arith.subi %add3A_709, %sub3A_710 : i32
      %dma_wait3A_712 = arith.constant 1 : i32
      %dma_wait3A_713 = arith.constant 1 : i32
      %dma_wait3A_714 = arith.constant 0 : i32
      %dma_wait3A_715 = arith.constant 0 : i32
      %dma_wait3A_716 = tpu.memref_slice %arg8[%dma_wait3A_712, %dma_wait3A_714, %dma_wait3A_715] : memref<10x80x32xf32, #tpu.memory_space<vmem>> -> memref<1x80x32xf32, #tpu.memory_space<vmem>>
      %dma_wait3A_717 = tpu.memref_squeeze %dma_wait3A_716 : memref<1x80x32xf32, #tpu.memory_space<vmem>> -> memref<80x32xf32, #tpu.memory_space<vmem>>
      %dma_wait3A_718 = arith.constant 0 : i32
      %dma_wait3A_719 = tpu.memref_slice %arg7[%sub3A_711, %dma_wait3A_718] : memref<125x80xi32, #tpu.memory_space<vmem>> -> memref<1x80xi32, #tpu.memory_space<vmem>>
      %dma_wait3A_720 = tpu.memref_squeeze %dma_wait3A_719 : memref<1x80xi32, #tpu.memory_space<vmem>> -> memref<80xi32, #tpu.memory_space<vmem>>
      %dma_wait3A_721 = arith.constant 0 : i32
      %dma_wait3A_722 = arith.constant 0 : i32
      %dma_wait3A_723 = tpu.memref_slice %arg9[%dma_wait3A_721, %dma_wait3A_722] : memref<10000x32xf32, #tpu.memory_space<vmem_shared>> -> memref<10000x32xf32, #tpu.memory_space<vmem_shared>>
      %dma_wait3A_724 = tpu.memref_slice %arg11[%dma_wait3A_713] : memref<10x!tpu.dma_semaphore, #tpu.memory_space<semaphore_mem>> -> memref<1x!tpu.dma_semaphore, #tpu.memory_space<semaphore_mem>>
      %dma_wait3A_725 = tpu.memref_squeeze %dma_wait3A_724 : memref<1x!tpu.dma_semaphore, #tpu.memory_space<semaphore_mem>> -> memref<!tpu.dma_semaphore, #tpu.memory_space<semaphore_mem>>
      tpu.wait_indirect_dma semaphore(%dma_wait3A_725 : memref<!tpu.dma_semaphore, #tpu.memory_space<semaphore_mem>>) src(%dma_wait3A_717 : memref<80x32xf32, #tpu.memory_space<vmem>>) dst(%dma_wait3A_723 : memref<10000x32xf32, #tpu.memory_space<vmem_shared>>)
      %add3A_726 = arith.constant 5 : i32
      %add3A_727 = arith.addi %add3A_709, %add3A_726 : i32
      %dma_start3A_728 = arith.constant 1 : i32
      %dma_start3A_729 = arith.constant 1 : i32
      %dma_start3A_730 = arith.constant 0 : i32
      %dma_start3A_731 = arith.constant 0 : i32
      %dma_start3A_732 = tpu.memref_slice %arg8[%dma_start3A_728, %dma_start3A_730, %dma_start3A_731] : memref<10x80x32xf32, #tpu.memory_space<vmem>> -> memref<1x80x32xf32, #tpu.memory_space<vmem>>
      %dma_start3A_733 = tpu.memref_squeeze %dma_start3A_732 : memref<1x80x32xf32, #tpu.memory_space<vmem>> -> memref<80x32xf32, #tpu.memory_space<vmem>>
      %dma_start3A_734 = arith.constant 0 : i32
      %dma_start3A_735 = tpu.memref_slice %arg6[%add3A_727, %dma_start3A_734] : memref<125x80xi32, #tpu.memory_space<vmem>> -> memref<1x80xi32, #tpu.memory_space<vmem>>
      %dma_start3A_736 = tpu.memref_squeeze %dma_start3A_735 : memref<1x80xi32, #tpu.memory_space<vmem>> -> memref<80xi32, #tpu.memory_space<vmem>>
      %dma_start3A_737 = arith.constant 0 : i32
      %dma_start3A_738 = arith.constant 0 : i32
      %dma_start3A_739 = tpu.memref_slice %arg2[%dma_start3A_737, %dma_start3A_738] : memref<10000x32xf32, #tpu.memory_space<hbm>> -> memref<10000x32xf32, #tpu.memory_space<hbm>>
      %dma_start3A_740 = tpu.memref_slice %arg10[%dma_start3A_729] : memref<10x!tpu.dma_semaphore, #tpu.memory_space<semaphore_mem>> -> memref<1x!tpu.dma_semaphore, #tpu.memory_space<semaphore_mem>>
      %dma_start3A_741 = tpu.memref_squeeze %dma_start3A_740 : memref<1x!tpu.dma_semaphore, #tpu.memory_space<semaphore_mem>> -> memref<!tpu.dma_semaphore, #tpu.memory_space<semaphore_mem>>
      tpu.enqueue_indirect_dma source(%dma_start3A_739 : memref<10000x32xf32, #tpu.memory_space<hbm>>) target(%dma_start3A_733 : memref<80x32xf32, #tpu.memory_space<vmem>>) offsets(%dma_start3A_736 : memref<80xi32, #tpu.memory_space<vmem>>) semaphore(%dma_start3A_741 : memref<!tpu.dma_semaphore, #tpu.memory_space<semaphore_mem>>)
      %dma_wait3A_742 = arith.constant 6 : i32
      %dma_wait3A_743 = arith.constant 6 : i32
      %dma_wait3A_744 = arith.constant 0 : i32
      %dma_wait3A_745 = arith.constant 0 : i32
      %dma_wait3A_746 = tpu.memref_slice %arg8[%dma_wait3A_742, %dma_wait3A_744, %dma_wait3A_745] : memref<10x80x32xf32, #tpu.memory_space<vmem>> -> memref<1x80x32xf32, #tpu.memory_space<vmem>>
      %dma_wait3A_747 = tpu.memref_squeeze %dma_wait3A_746 : memref<1x80x32xf32, #tpu.memory_space<vmem>> -> memref<80x32xf32, #tpu.memory_space<vmem>>
      %dma_wait3A_748 = arith.constant 0 : i32
      %dma_wait3A_749 = tpu.memref_slice %arg6[%add3A_709, %dma_wait3A_748] : memref<125x80xi32, #tpu.memory_space<vmem>> -> memref<1x80xi32, #tpu.memory_space<vmem>>
      %dma_wait3A_750 = tpu.memref_squeeze %dma_wait3A_749 : memref<1x80xi32, #tpu.memory_space<vmem>> -> memref<80xi32, #tpu.memory_space<vmem>>
      %dma_wait3A_751 = arith.constant 0 : i32
      %dma_wait3A_752 = arith.constant 0 : i32
      %dma_wait3A_753 = tpu.memref_slice %arg2[%dma_wait3A_751, %dma_wait3A_752] : memref<10000x32xf32, #tpu.memory_space<hbm>> -> memref<10000x32xf32, #tpu.memory_space<hbm>>
      %dma_wait3A_754 = tpu.memref_slice %arg10[%dma_wait3A_743] : memref<10x!tpu.dma_semaphore, #tpu.memory_space<semaphore_mem>> -> memref<1x!tpu.dma_semaphore, #tpu.memory_space<semaphore_mem>>
      %dma_wait3A_755 = tpu.memref_squeeze %dma_wait3A_754 : memref<1x!tpu.dma_semaphore, #tpu.memory_space<semaphore_mem>> -> memref<!tpu.dma_semaphore, #tpu.memory_space<semaphore_mem>>
      tpu.wait_indirect_dma semaphore(%dma_wait3A_755 : memref<!tpu.dma_semaphore, #tpu.memory_space<semaphore_mem>>) src(%dma_wait3A_753 : memref<10000x32xf32, #tpu.memory_space<hbm>>) dst(%dma_wait3A_747 : memref<80x32xf32, #tpu.memory_space<vmem>>)
      %dma_start3A_756 = arith.constant 6 : i32
      %dma_start3A_757 = arith.constant 6 : i32
      %dma_start3A_758 = arith.constant 0 : i32
      %dma_start3A_759 = arith.constant 0 : i32
      %dma_start3A_760 = tpu.memref_slice %arg8[%dma_start3A_756, %dma_start3A_758, %dma_start3A_759] : memref<10x80x32xf32, #tpu.memory_space<vmem>> -> memref<1x80x32xf32, #tpu.memory_space<vmem>>
      %dma_start3A_761 = tpu.memref_squeeze %dma_start3A_760 : memref<1x80x32xf32, #tpu.memory_space<vmem>> -> memref<80x32xf32, #tpu.memory_space<vmem>>
      %dma_start3A_762 = arith.constant 0 : i32
      %dma_start3A_763 = tpu.memref_slice %arg7[%add3A_709, %dma_start3A_762] : memref<125x80xi32, #tpu.memory_space<vmem>> -> memref<1x80xi32, #tpu.memory_space<vmem>>
      %dma_start3A_764 = tpu.memref_squeeze %dma_start3A_763 : memref<1x80xi32, #tpu.memory_space<vmem>> -> memref<80xi32, #tpu.memory_space<vmem>>
      %dma_start3A_765 = arith.constant 0 : i32
      %dma_start3A_766 = arith.constant 0 : i32
      %dma_start3A_767 = tpu.memref_slice %arg9[%dma_start3A_765, %dma_start3A_766] : memref<10000x32xf32, #tpu.memory_space<vmem_shared>> -> memref<10000x32xf32, #tpu.memory_space<vmem_shared>>
      %dma_start3A_768 = tpu.memref_slice %arg11[%dma_start3A_757] : memref<10x!tpu.dma_semaphore, #tpu.memory_space<semaphore_mem>> -> memref<1x!tpu.dma_semaphore, #tpu.memory_space<semaphore_mem>>
      %dma_start3A_769 = tpu.memref_squeeze %dma_start3A_768 : memref<1x!tpu.dma_semaphore, #tpu.memory_space<semaphore_mem>> -> memref<!tpu.dma_semaphore, #tpu.memory_space<semaphore_mem>>
      tpu.enqueue_indirect_dma source(%dma_start3A_761 : memref<80x32xf32, #tpu.memory_space<vmem>>) target(%dma_start3A_767 : memref<10000x32xf32, #tpu.memory_space<vmem_shared>>) offsets(%dma_start3A_764 : memref<80xi32, #tpu.memory_space<vmem>>) semaphore(%dma_start3A_769 : memref<!tpu.dma_semaphore, #tpu.memory_space<semaphore_mem>>) {add = true}
      %add3A_770 = arith.constant 7 : i32
      %add3A_771 = arith.addi %mul3A_392, %add3A_770 : i32
      %sub3A_772 = arith.constant 5 : i32
      %sub3A_773 = arith.subi %add3A_771, %sub3A_772 : i32
      %dma_wait3A_774 = arith.constant 2 : i32
      %dma_wait3A_775 = arith.constant 2 : i32
      %dma_wait3A_776 = arith.constant 0 : i32
      %dma_wait3A_777 = arith.constant 0 : i32
      %dma_wait3A_778 = tpu.memref_slice %arg8[%dma_wait3A_774, %dma_wait3A_776, %dma_wait3A_777] : memref<10x80x32xf32, #tpu.memory_space<vmem>> -> memref<1x80x32xf32, #tpu.memory_space<vmem>>
      %dma_wait3A_779 = tpu.memref_squeeze %dma_wait3A_778 : memref<1x80x32xf32, #tpu.memory_space<vmem>> -> memref<80x32xf32, #tpu.memory_space<vmem>>
      %dma_wait3A_780 = arith.constant 0 : i32
      %dma_wait3A_781 = tpu.memref_slice %arg7[%sub3A_773, %dma_wait3A_780] : memref<125x80xi32, #tpu.memory_space<vmem>> -> memref<1x80xi32, #tpu.memory_space<vmem>>
      %dma_wait3A_782 = tpu.memref_squeeze %dma_wait3A_781 : memref<1x80xi32, #tpu.memory_space<vmem>> -> memref<80xi32, #tpu.memory_space<vmem>>
      %dma_wait3A_783 = arith.constant 0 : i32
      %dma_wait3A_784 = arith.constant 0 : i32
      %dma_wait3A_785 = tpu.memref_slice %arg9[%dma_wait3A_783, %dma_wait3A_784] : memref<10000x32xf32, #tpu.memory_space<vmem_shared>> -> memref<10000x32xf32, #tpu.memory_space<vmem_shared>>
      %dma_wait3A_786 = tpu.memref_slice %arg11[%dma_wait3A_775] : memref<10x!tpu.dma_semaphore, #tpu.memory_space<semaphore_mem>> -> memref<1x!tpu.dma_semaphore, #tpu.memory_space<semaphore_mem>>
      %dma_wait3A_787 = tpu.memref_squeeze %dma_wait3A_786 : memref<1x!tpu.dma_semaphore, #tpu.memory_space<semaphore_mem>> -> memref<!tpu.dma_semaphore, #tpu.memory_space<semaphore_mem>>
      tpu.wait_indirect_dma semaphore(%dma_wait3A_787 : memref<!tpu.dma_semaphore, #tpu.memory_space<semaphore_mem>>) src(%dma_wait3A_779 : memref<80x32xf32, #tpu.memory_space<vmem>>) dst(%dma_wait3A_785 : memref<10000x32xf32, #tpu.memory_space<vmem_shared>>)
      %add3A_788 = arith.constant 5 : i32
      %add3A_789 = arith.addi %add3A_771, %add3A_788 : i32
      %dma_start3A_790 = arith.constant 2 : i32
      %dma_start3A_791 = arith.constant 2 : i32
      %dma_start3A_792 = arith.constant 0 : i32
      %dma_start3A_793 = arith.constant 0 : i32
      %dma_start3A_794 = tpu.memref_slice %arg8[%dma_start3A_790, %dma_start3A_792, %dma_start3A_793] : memref<10x80x32xf32, #tpu.memory_space<vmem>> -> memref<1x80x32xf32, #tpu.memory_space<vmem>>
      %dma_start3A_795 = tpu.memref_squeeze %dma_start3A_794 : memref<1x80x32xf32, #tpu.memory_space<vmem>> -> memref<80x32xf32, #tpu.memory_space<vmem>>
      %dma_start3A_796 = arith.constant 0 : i32
      %dma_start3A_797 = tpu.memref_slice %arg6[%add3A_789, %dma_start3A_796] : memref<125x80xi32, #tpu.memory_space<vmem>> -> memref<1x80xi32, #tpu.memory_space<vmem>>
      %dma_start3A_798 = tpu.memref_squeeze %dma_start3A_797 : memref<1x80xi32, #tpu.memory_space<vmem>> -> memref<80xi32, #tpu.memory_space<vmem>>
      %dma_start3A_799 = arith.constant 0 : i32
      %dma_start3A_800 = arith.constant 0 : i32
      %dma_start3A_801 = tpu.memref_slice %arg2[%dma_start3A_799, %dma_start3A_800] : memref<10000x32xf32, #tpu.memory_space<hbm>> -> memref<10000x32xf32, #tpu.memory_space<hbm>>
      %dma_start3A_802 = tpu.memref_slice %arg10[%dma_start3A_791] : memref<10x!tpu.dma_semaphore, #tpu.memory_space<semaphore_mem>> -> memref<1x!tpu.dma_semaphore, #tpu.memory_space<semaphore_mem>>
      %dma_start3A_803 = tpu.memref_squeeze %dma_start3A_802 : memref<1x!tpu.dma_semaphore, #tpu.memory_space<semaphore_mem>> -> memref<!tpu.dma_semaphore, #tpu.memory_space<semaphore_mem>>
      tpu.enqueue_indirect_dma source(%dma_start3A_801 : memref<10000x32xf32, #tpu.memory_space<hbm>>) target(%dma_start3A_795 : memref<80x32xf32, #tpu.memory_space<vmem>>) offsets(%dma_start3A_798 : memref<80xi32, #tpu.memory_space<vmem>>) semaphore(%dma_start3A_803 : memref<!tpu.dma_semaphore, #tpu.memory_space<semaphore_mem>>)
      %dma_wait3A_804 = arith.constant 7 : i32
      %dma_wait3A_805 = arith.constant 7 : i32
      %dma_wait3A_806 = arith.constant 0 : i32
      %dma_wait3A_807 = arith.constant 0 : i32
      %dma_wait3A_808 = tpu.memref_slice %arg8[%dma_wait3A_804, %dma_wait3A_806, %dma_wait3A_807] : memref<10x80x32xf32, #tpu.memory_space<vmem>> -> memref<1x80x32xf32, #tpu.memory_space<vmem>>
      %dma_wait3A_809 = tpu.memref_squeeze %dma_wait3A_808 : memref<1x80x32xf32, #tpu.memory_space<vmem>> -> memref<80x32xf32, #tpu.memory_space<vmem>>
      %dma_wait3A_810 = arith.constant 0 : i32
      %dma_wait3A_811 = tpu.memref_slice %arg6[%add3A_771, %dma_wait3A_810] : memref<125x80xi32, #tpu.memory_space<vmem>> -> memref<1x80xi32, #tpu.memory_space<vmem>>
      %dma_wait3A_812 = tpu.memref_squeeze %dma_wait3A_811 : memref<1x80xi32, #tpu.memory_space<vmem>> -> memref<80xi32, #tpu.memory_space<vmem>>
      %dma_wait3A_813 = arith.constant 0 : i32
      %dma_wait3A_814 = arith.constant 0 : i32
      %dma_wait3A_815 = tpu.memref_slice %arg2[%dma_wait3A_813, %dma_wait3A_814] : memref<10000x32xf32, #tpu.memory_space<hbm>> -> memref<10000x32xf32, #tpu.memory_space<hbm>>
      %dma_wait3A_816 = tpu.memref_slice %arg10[%dma_wait3A_805] : memref<10x!tpu.dma_semaphore, #tpu.memory_space<semaphore_mem>> -> memref<1x!tpu.dma_semaphore, #tpu.memory_space<semaphore_mem>>
      %dma_wait3A_817 = tpu.memref_squeeze %dma_wait3A_816 : memref<1x!tpu.dma_semaphore, #tpu.memory_space<semaphore_mem>> -> memref<!tpu.dma_semaphore, #tpu.memory_space<semaphore_mem>>
      tpu.wait_indirect_dma semaphore(%dma_wait3A_817 : memref<!tpu.dma_semaphore, #tpu.memory_space<semaphore_mem>>) src(%dma_wait3A_815 : memref<10000x32xf32, #tpu.memory_space<hbm>>) dst(%dma_wait3A_809 : memref<80x32xf32, #tpu.memory_space<vmem>>)
      %dma_start3A_818 = arith.constant 7 : i32
      %dma_start3A_819 = arith.constant 7 : i32
      %dma_start3A_820 = arith.constant 0 : i32
      %dma_start3A_821 = arith.constant 0 : i32
      %dma_start3A_822 = tpu.memref_slice %arg8[%dma_start3A_818, %dma_start3A_820, %dma_start3A_821] : memref<10x80x32xf32, #tpu.memory_space<vmem>> -> memref<1x80x32xf32, #tpu.memory_space<vmem>>
      %dma_start3A_823 = tpu.memref_squeeze %dma_start3A_822 : memref<1x80x32xf32, #tpu.memory_space<vmem>> -> memref<80x32xf32, #tpu.memory_space<vmem>>
      %dma_start3A_824 = arith.constant 0 : i32
      %dma_start3A_825 = tpu.memref_slice %arg7[%add3A_771, %dma_start3A_824] : memref<125x80xi32, #tpu.memory_space<vmem>> -> memref<1x80xi32, #tpu.memory_space<vmem>>
      %dma_start3A_826 = tpu.memref_squeeze %dma_start3A_825 : memref<1x80xi32, #tpu.memory_space<vmem>> -> memref<80xi32, #tpu.memory_space<vmem>>
      %dma_start3A_827 = arith.constant 0 : i32
      %dma_start3A_828 = arith.constant 0 : i32
      %dma_start3A_829 = tpu.memref_slice %arg9[%dma_start3A_827, %dma_start3A_828] : memref<10000x32xf32, #tpu.memory_space<vmem_shared>> -> memref<10000x32xf32, #tpu.memory_space<vmem_shared>>
      %dma_start3A_830 = tpu.memref_slice %arg11[%dma_start3A_819] : memref<10x!tpu.dma_semaphore, #tpu.memory_space<semaphore_mem>> -> memref<1x!tpu.dma_semaphore, #tpu.memory_space<semaphore_mem>>
      %dma_start3A_831 = tpu.memref_squeeze %dma_start3A_830 : memref<1x!tpu.dma_semaphore, #tpu.memory_space<semaphore_mem>> -> memref<!tpu.dma_semaphore, #tpu.memory_space<semaphore_mem>>
      tpu.enqueue_indirect_dma source(%dma_start3A_823 : memref<80x32xf32, #tpu.memory_space<vmem>>) target(%dma_start3A_829 : memref<10000x32xf32, #tpu.memory_space<vmem_shared>>) offsets(%dma_start3A_826 : memref<80xi32, #tpu.memory_space<vmem>>) semaphore(%dma_start3A_831 : memref<!tpu.dma_semaphore, #tpu.memory_space<semaphore_mem>>) {add = true}
      %add3A_832 = arith.constant 8 : i32
      %add3A_833 = arith.addi %mul3A_392, %add3A_832 : i32
      %sub3A_834 = arith.constant 5 : i32
      %sub3A_835 = arith.subi %add3A_833, %sub3A_834 : i32
      %dma_wait3A_836 = arith.constant 3 : i32
      %dma_wait3A_837 = arith.constant 3 : i32
      %dma_wait3A_838 = arith.constant 0 : i32
      %dma_wait3A_839 = arith.constant 0 : i32
      %dma_wait3A_840 = tpu.memref_slice %arg8[%dma_wait3A_836, %dma_wait3A_838, %dma_wait3A_839] : memref<10x80x32xf32, #tpu.memory_space<vmem>> -> memref<1x80x32xf32, #tpu.memory_space<vmem>>
      %dma_wait3A_841 = tpu.memref_squeeze %dma_wait3A_840 : memref<1x80x32xf32, #tpu.memory_space<vmem>> -> memref<80x32xf32, #tpu.memory_space<vmem>>
      %dma_wait3A_842 = arith.constant 0 : i32
      %dma_wait3A_843 = tpu.memref_slice %arg7[%sub3A_835, %dma_wait3A_842] : memref<125x80xi32, #tpu.memory_space<vmem>> -> memref<1x80xi32, #tpu.memory_space<vmem>>
      %dma_wait3A_844 = tpu.memref_squeeze %dma_wait3A_843 : memref<1x80xi32, #tpu.memory_space<vmem>> -> memref<80xi32, #tpu.memory_space<vmem>>
      %dma_wait3A_845 = arith.constant 0 : i32
      %dma_wait3A_846 = arith.constant 0 : i32
      %dma_wait3A_847 = tpu.memref_slice %arg9[%dma_wait3A_845, %dma_wait3A_846] : memref<10000x32xf32, #tpu.memory_space<vmem_shared>> -> memref<10000x32xf32, #tpu.memory_space<vmem_shared>>
      %dma_wait3A_848 = tpu.memref_slice %arg11[%dma_wait3A_837] : memref<10x!tpu.dma_semaphore, #tpu.memory_space<semaphore_mem>> -> memref<1x!tpu.dma_semaphore, #tpu.memory_space<semaphore_mem>>
      %dma_wait3A_849 = tpu.memref_squeeze %dma_wait3A_848 : memref<1x!tpu.dma_semaphore, #tpu.memory_space<semaphore_mem>> -> memref<!tpu.dma_semaphore, #tpu.memory_space<semaphore_mem>>
      tpu.wait_indirect_dma semaphore(%dma_wait3A_849 : memref<!tpu.dma_semaphore, #tpu.memory_space<semaphore_mem>>) src(%dma_wait3A_841 : memref<80x32xf32, #tpu.memory_space<vmem>>) dst(%dma_wait3A_847 : memref<10000x32xf32, #tpu.memory_space<vmem_shared>>)
      %add3A_850 = arith.constant 5 : i32
      %add3A_851 = arith.addi %add3A_833, %add3A_850 : i32
      %dma_start3A_852 = arith.constant 3 : i32
      %dma_start3A_853 = arith.constant 3 : i32
      %dma_start3A_854 = arith.constant 0 : i32
      %dma_start3A_855 = arith.constant 0 : i32
      %dma_start3A_856 = tpu.memref_slice %arg8[%dma_start3A_852, %dma_start3A_854, %dma_start3A_855] : memref<10x80x32xf32, #tpu.memory_space<vmem>> -> memref<1x80x32xf32, #tpu.memory_space<vmem>>
      %dma_start3A_857 = tpu.memref_squeeze %dma_start3A_856 : memref<1x80x32xf32, #tpu.memory_space<vmem>> -> memref<80x32xf32, #tpu.memory_space<vmem>>
      %dma_start3A_858 = arith.constant 0 : i32
      %dma_start3A_859 = tpu.memref_slice %arg6[%add3A_851, %dma_start3A_858] : memref<125x80xi32, #tpu.memory_space<vmem>> -> memref<1x80xi32, #tpu.memory_space<vmem>>
      %dma_start3A_860 = tpu.memref_squeeze %dma_start3A_859 : memref<1x80xi32, #tpu.memory_space<vmem>> -> memref<80xi32, #tpu.memory_space<vmem>>
      %dma_start3A_861 = arith.constant 0 : i32
      %dma_start3A_862 = arith.constant 0 : i32
      %dma_start3A_863 = tpu.memref_slice %arg2[%dma_start3A_861, %dma_start3A_862] : memref<10000x32xf32, #tpu.memory_space<hbm>> -> memref<10000x32xf32, #tpu.memory_space<hbm>>
      %dma_start3A_864 = tpu.memref_slice %arg10[%dma_start3A_853] : memref<10x!tpu.dma_semaphore, #tpu.memory_space<semaphore_mem>> -> memref<1x!tpu.dma_semaphore, #tpu.memory_space<semaphore_mem>>
      %dma_start3A_865 = tpu.memref_squeeze %dma_start3A_864 : memref<1x!tpu.dma_semaphore, #tpu.memory_space<semaphore_mem>> -> memref<!tpu.dma_semaphore, #tpu.memory_space<semaphore_mem>>
      tpu.enqueue_indirect_dma source(%dma_start3A_863 : memref<10000x32xf32, #tpu.memory_space<hbm>>) target(%dma_start3A_857 : memref<80x32xf32, #tpu.memory_space<vmem>>) offsets(%dma_start3A_860 : memref<80xi32, #tpu.memory_space<vmem>>) semaphore(%dma_start3A_865 : memref<!tpu.dma_semaphore, #tpu.memory_space<semaphore_mem>>)
      %dma_wait3A_866 = arith.constant 8 : i32
      %dma_wait3A_867 = arith.constant 8 : i32
      %dma_wait3A_868 = arith.constant 0 : i32
      %dma_wait3A_869 = arith.constant 0 : i32
      %dma_wait3A_870 = tpu.memref_slice %arg8[%dma_wait3A_866, %dma_wait3A_868, %dma_wait3A_869] : memref<10x80x32xf32, #tpu.memory_space<vmem>> -> memref<1x80x32xf32, #tpu.memory_space<vmem>>
      %dma_wait3A_871 = tpu.memref_squeeze %dma_wait3A_870 : memref<1x80x32xf32, #tpu.memory_space<vmem>> -> memref<80x32xf32, #tpu.memory_space<vmem>>
      %dma_wait3A_872 = arith.constant 0 : i32
      %dma_wait3A_873 = tpu.memref_slice %arg6[%add3A_833, %dma_wait3A_872] : memref<125x80xi32, #tpu.memory_space<vmem>> -> memref<1x80xi32, #tpu.memory_space<vmem>>
      %dma_wait3A_874 = tpu.memref_squeeze %dma_wait3A_873 : memref<1x80xi32, #tpu.memory_space<vmem>> -> memref<80xi32, #tpu.memory_space<vmem>>
      %dma_wait3A_875 = arith.constant 0 : i32
      %dma_wait3A_876 = arith.constant 0 : i32
      %dma_wait3A_877 = tpu.memref_slice %arg2[%dma_wait3A_875, %dma_wait3A_876] : memref<10000x32xf32, #tpu.memory_space<hbm>> -> memref<10000x32xf32, #tpu.memory_space<hbm>>
      %dma_wait3A_878 = tpu.memref_slice %arg10[%dma_wait3A_867] : memref<10x!tpu.dma_semaphore, #tpu.memory_space<semaphore_mem>> -> memref<1x!tpu.dma_semaphore, #tpu.memory_space<semaphore_mem>>
      %dma_wait3A_879 = tpu.memref_squeeze %dma_wait3A_878 : memref<1x!tpu.dma_semaphore, #tpu.memory_space<semaphore_mem>> -> memref<!tpu.dma_semaphore, #tpu.memory_space<semaphore_mem>>
      tpu.wait_indirect_dma semaphore(%dma_wait3A_879 : memref<!tpu.dma_semaphore, #tpu.memory_space<semaphore_mem>>) src(%dma_wait3A_877 : memref<10000x32xf32, #tpu.memory_space<hbm>>) dst(%dma_wait3A_871 : memref<80x32xf32, #tpu.memory_space<vmem>>)
      %dma_start3A_880 = arith.constant 8 : i32
      %dma_start3A_881 = arith.constant 8 : i32
      %dma_start3A_882 = arith.constant 0 : i32
      %dma_start3A_883 = arith.constant 0 : i32
      %dma_start3A_884 = tpu.memref_slice %arg8[%dma_start3A_880, %dma_start3A_882, %dma_start3A_883] : memref<10x80x32xf32, #tpu.memory_space<vmem>> -> memref<1x80x32xf32, #tpu.memory_space<vmem>>
      %dma_start3A_885 = tpu.memref_squeeze %dma_start3A_884 : memref<1x80x32xf32, #tpu.memory_space<vmem>> -> memref<80x32xf32, #tpu.memory_space<vmem>>
      %dma_start3A_886 = arith.constant 0 : i32
      %dma_start3A_887 = tpu.memref_slice %arg7[%add3A_833, %dma_start3A_886] : memref<125x80xi32, #tpu.memory_space<vmem>> -> memref<1x80xi32, #tpu.memory_space<vmem>>
      %dma_start3A_888 = tpu.memref_squeeze %dma_start3A_887 : memref<1x80xi32, #tpu.memory_space<vmem>> -> memref<80xi32, #tpu.memory_space<vmem>>
      %dma_start3A_889 = arith.constant 0 : i32
      %dma_start3A_890 = arith.constant 0 : i32
      %dma_start3A_891 = tpu.memref_slice %arg9[%dma_start3A_889, %dma_start3A_890] : memref<10000x32xf32, #tpu.memory_space<vmem_shared>> -> memref<10000x32xf32, #tpu.memory_space<vmem_shared>>
      %dma_start3A_892 = tpu.memref_slice %arg11[%dma_start3A_881] : memref<10x!tpu.dma_semaphore, #tpu.memory_space<semaphore_mem>> -> memref<1x!tpu.dma_semaphore, #tpu.memory_space<semaphore_mem>>
      %dma_start3A_893 = tpu.memref_squeeze %dma_start3A_892 : memref<1x!tpu.dma_semaphore, #tpu.memory_space<semaphore_mem>> -> memref<!tpu.dma_semaphore, #tpu.memory_space<semaphore_mem>>
      tpu.enqueue_indirect_dma source(%dma_start3A_885 : memref<80x32xf32, #tpu.memory_space<vmem>>) target(%dma_start3A_891 : memref<10000x32xf32, #tpu.memory_space<vmem_shared>>) offsets(%dma_start3A_888 : memref<80xi32, #tpu.memory_space<vmem>>) semaphore(%dma_start3A_893 : memref<!tpu.dma_semaphore, #tpu.memory_space<semaphore_mem>>) {add = true}
      %add3A_894 = arith.constant 9 : i32
      %add3A_895 = arith.addi %mul3A_392, %add3A_894 : i32
      %sub3A_896 = arith.constant 5 : i32
      %sub3A_897 = arith.subi %add3A_895, %sub3A_896 : i32
      %dma_wait3A_898 = arith.constant 4 : i32
      %dma_wait3A_899 = arith.constant 4 : i32
      %dma_wait3A_900 = arith.constant 0 : i32
      %dma_wait3A_901 = arith.constant 0 : i32
      %dma_wait3A_902 = tpu.memref_slice %arg8[%dma_wait3A_898, %dma_wait3A_900, %dma_wait3A_901] : memref<10x80x32xf32, #tpu.memory_space<vmem>> -> memref<1x80x32xf32, #tpu.memory_space<vmem>>
      %dma_wait3A_903 = tpu.memref_squeeze %dma_wait3A_902 : memref<1x80x32xf32, #tpu.memory_space<vmem>> -> memref<80x32xf32, #tpu.memory_space<vmem>>
      %dma_wait3A_904 = arith.constant 0 : i32
      %dma_wait3A_905 = tpu.memref_slice %arg7[%sub3A_897, %dma_wait3A_904] : memref<125x80xi32, #tpu.memory_space<vmem>> -> memref<1x80xi32, #tpu.memory_space<vmem>>
      %dma_wait3A_906 = tpu.memref_squeeze %dma_wait3A_905 : memref<1x80xi32, #tpu.memory_space<vmem>> -> memref<80xi32, #tpu.memory_space<vmem>>
      %dma_wait3A_907 = arith.constant 0 : i32
      %dma_wait3A_908 = arith.constant 0 : i32
      %dma_wait3A_909 = tpu.memref_slice %arg9[%dma_wait3A_907, %dma_wait3A_908] : memref<10000x32xf32, #tpu.memory_space<vmem_shared>> -> memref<10000x32xf32, #tpu.memory_space<vmem_shared>>
      %dma_wait3A_910 = tpu.memref_slice %arg11[%dma_wait3A_899] : memref<10x!tpu.dma_semaphore, #tpu.memory_space<semaphore_mem>> -> memref<1x!tpu.dma_semaphore, #tpu.memory_space<semaphore_mem>>
      %dma_wait3A_911 = tpu.memref_squeeze %dma_wait3A_910 : memref<1x!tpu.dma_semaphore, #tpu.memory_space<semaphore_mem>> -> memref<!tpu.dma_semaphore, #tpu.memory_space<semaphore_mem>>
      tpu.wait_indirect_dma semaphore(%dma_wait3A_911 : memref<!tpu.dma_semaphore, #tpu.memory_space<semaphore_mem>>) src(%dma_wait3A_903 : memref<80x32xf32, #tpu.memory_space<vmem>>) dst(%dma_wait3A_909 : memref<10000x32xf32, #tpu.memory_space<vmem_shared>>)
      %add3A_912 = arith.constant 5 : i32
      %add3A_913 = arith.addi %add3A_895, %add3A_912 : i32
      %dma_start3A_914 = arith.constant 4 : i32
      %dma_start3A_915 = arith.constant 4 : i32
      %dma_start3A_916 = arith.constant 0 : i32
      %dma_start3A_917 = arith.constant 0 : i32
      %dma_start3A_918 = tpu.memref_slice %arg8[%dma_start3A_914, %dma_start3A_916, %dma_start3A_917] : memref<10x80x32xf32, #tpu.memory_space<vmem>> -> memref<1x80x32xf32, #tpu.memory_space<vmem>>
      %dma_start3A_919 = tpu.memref_squeeze %dma_start3A_918 : memref<1x80x32xf32, #tpu.memory_space<vmem>> -> memref<80x32xf32, #tpu.memory_space<vmem>>
      %dma_start3A_920 = arith.constant 0 : i32
      %dma_start3A_921 = tpu.memref_slice %arg6[%add3A_913, %dma_start3A_920] : memref<125x80xi32, #tpu.memory_space<vmem>> -> memref<1x80xi32, #tpu.memory_space<vmem>>
      %dma_start3A_922 = tpu.memref_squeeze %dma_start3A_921 : memref<1x80xi32, #tpu.memory_space<vmem>> -> memref<80xi32, #tpu.memory_space<vmem>>
      %dma_start3A_923 = arith.constant 0 : i32
      %dma_start3A_924 = arith.constant 0 : i32
      %dma_start3A_925 = tpu.memref_slice %arg2[%dma_start3A_923, %dma_start3A_924] : memref<10000x32xf32, #tpu.memory_space<hbm>> -> memref<10000x32xf32, #tpu.memory_space<hbm>>
      %dma_start3A_926 = tpu.memref_slice %arg10[%dma_start3A_915] : memref<10x!tpu.dma_semaphore, #tpu.memory_space<semaphore_mem>> -> memref<1x!tpu.dma_semaphore, #tpu.memory_space<semaphore_mem>>
      %dma_start3A_927 = tpu.memref_squeeze %dma_start3A_926 : memref<1x!tpu.dma_semaphore, #tpu.memory_space<semaphore_mem>> -> memref<!tpu.dma_semaphore, #tpu.memory_space<semaphore_mem>>
      tpu.enqueue_indirect_dma source(%dma_start3A_925 : memref<10000x32xf32, #tpu.memory_space<hbm>>) target(%dma_start3A_919 : memref<80x32xf32, #tpu.memory_space<vmem>>) offsets(%dma_start3A_922 : memref<80xi32, #tpu.memory_space<vmem>>) semaphore(%dma_start3A_927 : memref<!tpu.dma_semaphore, #tpu.memory_space<semaphore_mem>>)
      %dma_wait3A_928 = arith.constant 9 : i32
      %dma_wait3A_929 = arith.constant 9 : i32
      %dma_wait3A_930 = arith.constant 0 : i32
      %dma_wait3A_931 = arith.constant 0 : i32
      %dma_wait3A_932 = tpu.memref_slice %arg8[%dma_wait3A_928, %dma_wait3A_930, %dma_wait3A_931] : memref<10x80x32xf32, #tpu.memory_space<vmem>> -> memref<1x80x32xf32, #tpu.memory_space<vmem>>
      %dma_wait3A_933 = tpu.memref_squeeze %dma_wait3A_932 : memref<1x80x32xf32, #tpu.memory_space<vmem>> -> memref<80x32xf32, #tpu.memory_space<vmem>>
      %dma_wait3A_934 = arith.constant 0 : i32
      %dma_wait3A_935 = tpu.memref_slice %arg6[%add3A_895, %dma_wait3A_934] : memref<125x80xi32, #tpu.memory_space<vmem>> -> memref<1x80xi32, #tpu.memory_space<vmem>>
      %dma_wait3A_936 = tpu.memref_squeeze %dma_wait3A_935 : memref<1x80xi32, #tpu.memory_space<vmem>> -> memref<80xi32, #tpu.memory_space<vmem>>
      %dma_wait3A_937 = arith.constant 0 : i32
      %dma_wait3A_938 = arith.constant 0 : i32
      %dma_wait3A_939 = tpu.memref_slice %arg2[%dma_wait3A_937, %dma_wait3A_938] : memref<10000x32xf32, #tpu.memory_space<hbm>> -> memref<10000x32xf32, #tpu.memory_space<hbm>>
      %dma_wait3A_940 = tpu.memref_slice %arg10[%dma_wait3A_929] : memref<10x!tpu.dma_semaphore, #tpu.memory_space<semaphore_mem>> -> memref<1x!tpu.dma_semaphore, #tpu.memory_space<semaphore_mem>>
      %dma_wait3A_941 = tpu.memref_squeeze %dma_wait3A_940 : memref<1x!tpu.dma_semaphore, #tpu.memory_space<semaphore_mem>> -> memref<!tpu.dma_semaphore, #tpu.memory_space<semaphore_mem>>
      tpu.wait_indirect_dma semaphore(%dma_wait3A_941 : memref<!tpu.dma_semaphore, #tpu.memory_space<semaphore_mem>>) src(%dma_wait3A_939 : memref<10000x32xf32, #tpu.memory_space<hbm>>) dst(%dma_wait3A_933 : memref<80x32xf32, #tpu.memory_space<vmem>>)
      %dma_start3A_942 = arith.constant 9 : i32
      %dma_start3A_943 = arith.constant 9 : i32
      %dma_start3A_944 = arith.constant 0 : i32
      %dma_start3A_945 = arith.constant 0 : i32
      %dma_start3A_946 = tpu.memref_slice %arg8[%dma_start3A_942, %dma_start3A_944, %dma_start3A_945] : memref<10x80x32xf32, #tpu.memory_space<vmem>> -> memref<1x80x32xf32, #tpu.memory_space<vmem>>
      %dma_start3A_947 = tpu.memref_squeeze %dma_start3A_946 : memref<1x80x32xf32, #tpu.memory_space<vmem>> -> memref<80x32xf32, #tpu.memory_space<vmem>>
      %dma_start3A_948 = arith.constant 0 : i32
      %dma_start3A_949 = tpu.memref_slice %arg7[%add3A_895, %dma_start3A_948] : memref<125x80xi32, #tpu.memory_space<vmem>> -> memref<1x80xi32, #tpu.memory_space<vmem>>
      %dma_start3A_950 = tpu.memref_squeeze %dma_start3A_949 : memref<1x80xi32, #tpu.memory_space<vmem>> -> memref<80xi32, #tpu.memory_space<vmem>>
      %dma_start3A_951 = arith.constant 0 : i32
      %dma_start3A_952 = arith.constant 0 : i32
      %dma_start3A_953 = tpu.memref_slice %arg9[%dma_start3A_951, %dma_start3A_952] : memref<10000x32xf32, #tpu.memory_space<vmem_shared>> -> memref<10000x32xf32, #tpu.memory_space<vmem_shared>>
      %dma_start3A_954 = tpu.memref_slice %arg11[%dma_start3A_943] : memref<10x!tpu.dma_semaphore, #tpu.memory_space<semaphore_mem>> -> memref<1x!tpu.dma_semaphore, #tpu.memory_space<semaphore_mem>>
      %dma_start3A_955 = tpu.memref_squeeze %dma_start3A_954 : memref<1x!tpu.dma_semaphore, #tpu.memory_space<semaphore_mem>> -> memref<!tpu.dma_semaphore, #tpu.memory_space<semaphore_mem>>
      tpu.enqueue_indirect_dma source(%dma_start3A_947 : memref<80x32xf32, #tpu.memory_space<vmem>>) target(%dma_start3A_953 : memref<10000x32xf32, #tpu.memory_space<vmem_shared>>) offsets(%dma_start3A_950 : memref<80xi32, #tpu.memory_space<vmem>>) semaphore(%dma_start3A_955 : memref<!tpu.dma_semaphore, #tpu.memory_space<semaphore_mem>>) {add = true}
    }
    %scan3A_84 = arith.constant 12 : i32
    %dma_wait3A = arith.constant 5 : i32
    %dma_wait3A_85 = arith.constant 115 : i32
    %dma_wait3A_86 = arith.constant 5 : i32
    %dma_wait3A_87 = arith.constant 0 : i32
    %dma_wait3A_88 = arith.constant 0 : i32
    %dma_wait3A_89 = tpu.memref_slice %arg8[%dma_wait3A, %dma_wait3A_87, %dma_wait3A_88] : memref<10x80x32xf32, #tpu.memory_space<vmem>> -> memref<1x80x32xf32, #tpu.memory_space<vmem>>
    %dma_wait3A_90 = tpu.memref_squeeze %dma_wait3A_89 : memref<1x80x32xf32, #tpu.memory_space<vmem>> -> memref<80x32xf32, #tpu.memory_space<vmem>>
    %dma_wait3A_91 = arith.constant 0 : i32
    %dma_wait3A_92 = tpu.memref_slice %arg7[%dma_wait3A_85, %dma_wait3A_91] : memref<125x80xi32, #tpu.memory_space<vmem>> -> memref<1x80xi32, #tpu.memory_space<vmem>>
    %dma_wait3A_93 = tpu.memref_squeeze %dma_wait3A_92 : memref<1x80xi32, #tpu.memory_space<vmem>> -> memref<80xi32, #tpu.memory_space<vmem>>
    %dma_wait3A_94 = arith.constant 0 : i32
    %dma_wait3A_95 = arith.constant 0 : i32
    %dma_wait3A_96 = tpu.memref_slice %arg9[%dma_wait3A_94, %dma_wait3A_95] : memref<10000x32xf32, #tpu.memory_space<vmem_shared>> -> memref<10000x32xf32, #tpu.memory_space<vmem_shared>>
    %dma_wait3A_97 = tpu.memref_slice %arg11[%dma_wait3A_86] : memref<10x!tpu.dma_semaphore, #tpu.memory_space<semaphore_mem>> -> memref<1x!tpu.dma_semaphore, #tpu.memory_space<semaphore_mem>>
    %dma_wait3A_98 = tpu.memref_squeeze %dma_wait3A_97 : memref<1x!tpu.dma_semaphore, #tpu.memory_space<semaphore_mem>> -> memref<!tpu.dma_semaphore, #tpu.memory_space<semaphore_mem>>
    tpu.wait_indirect_dma semaphore(%dma_wait3A_98 : memref<!tpu.dma_semaphore, #tpu.memory_space<semaphore_mem>>) src(%dma_wait3A_90 : memref<80x32xf32, #tpu.memory_space<vmem>>) dst(%dma_wait3A_96 : memref<10000x32xf32, #tpu.memory_space<vmem_shared>>)
    %dma_wait3A_99 = arith.constant 120 : i32
    %dma_wait3A_100 = arith.constant 0 : i32
    %dma_wait3A_101 = arith.constant 0 : i32
    %dma_wait3A_102 = arith.constant 0 : i32
    %dma_wait3A_103 = arith.constant 0 : i32
    %dma_wait3A_104 = tpu.memref_slice %arg8[%dma_wait3A_100, %dma_wait3A_102, %dma_wait3A_103] : memref<10x80x32xf32, #tpu.memory_space<vmem>> -> memref<1x80x32xf32, #tpu.memory_space<vmem>>
    %dma_wait3A_105 = tpu.memref_squeeze %dma_wait3A_104 : memref<1x80x32xf32, #tpu.memory_space<vmem>> -> memref<80x32xf32, #tpu.memory_space<vmem>>
    %dma_wait3A_106 = arith.constant 0 : i32
    %dma_wait3A_107 = tpu.memref_slice %arg6[%dma_wait3A_99, %dma_wait3A_106] : memref<125x80xi32, #tpu.memory_space<vmem>> -> memref<1x80xi32, #tpu.memory_space<vmem>>
    %dma_wait3A_108 = tpu.memref_squeeze %dma_wait3A_107 : memref<1x80xi32, #tpu.memory_space<vmem>> -> memref<80xi32, #tpu.memory_space<vmem>>
    %dma_wait3A_109 = arith.constant 0 : i32
    %dma_wait3A_110 = arith.constant 0 : i32
    %dma_wait3A_111 = tpu.memref_slice %arg2[%dma_wait3A_109, %dma_wait3A_110] : memref<10000x32xf32, #tpu.memory_space<hbm>> -> memref<10000x32xf32, #tpu.memory_space<hbm>>
    %dma_wait3A_112 = tpu.memref_slice %arg10[%dma_wait3A_101] : memref<10x!tpu.dma_semaphore, #tpu.memory_space<semaphore_mem>> -> memref<1x!tpu.dma_semaphore, #tpu.memory_space<semaphore_mem>>
    %dma_wait3A_113 = tpu.memref_squeeze %dma_wait3A_112 : memref<1x!tpu.dma_semaphore, #tpu.memory_space<semaphore_mem>> -> memref<!tpu.dma_semaphore, #tpu.memory_space<semaphore_mem>>
    tpu.wait_indirect_dma semaphore(%dma_wait3A_113 : memref<!tpu.dma_semaphore, #tpu.memory_space<semaphore_mem>>) src(%dma_wait3A_111 : memref<10000x32xf32, #tpu.memory_space<hbm>>) dst(%dma_wait3A_105 : memref<80x32xf32, #tpu.memory_space<vmem>>)
    %dma_start3A_114 = arith.constant 0 : i32
    %dma_start3A_115 = arith.constant 120 : i32
    %dma_start3A_116 = arith.constant 0 : i32
    %dma_start3A_117 = arith.constant 0 : i32
    %dma_start3A_118 = arith.constant 0 : i32
    %dma_start3A_119 = tpu.memref_slice %arg8[%dma_start3A_114, %dma_start3A_117, %dma_start3A_118] : memref<10x80x32xf32, #tpu.memory_space<vmem>> -> memref<1x80x32xf32, #tpu.memory_space<vmem>>
    %dma_start3A_120 = tpu.memref_squeeze %dma_start3A_119 : memref<1x80x32xf32, #tpu.memory_space<vmem>> -> memref<80x32xf32, #tpu.memory_space<vmem>>
    %dma_start3A_121 = arith.constant 0 : i32
    %dma_start3A_122 = tpu.memref_slice %arg7[%dma_start3A_115, %dma_start3A_121] : memref<125x80xi32, #tpu.memory_space<vmem>> -> memref<1x80xi32, #tpu.memory_space<vmem>>
    %dma_start3A_123 = tpu.memref_squeeze %dma_start3A_122 : memref<1x80xi32, #tpu.memory_space<vmem>> -> memref<80xi32, #tpu.memory_space<vmem>>
    %dma_start3A_124 = arith.constant 0 : i32
    %dma_start3A_125 = arith.constant 0 : i32
    %dma_start3A_126 = tpu.memref_slice %arg9[%dma_start3A_124, %dma_start3A_125] : memref<10000x32xf32, #tpu.memory_space<vmem_shared>> -> memref<10000x32xf32, #tpu.memory_space<vmem_shared>>
    %dma_start3A_127 = tpu.memref_slice %arg11[%dma_start3A_116] : memref<10x!tpu.dma_semaphore, #tpu.memory_space<semaphore_mem>> -> memref<1x!tpu.dma_semaphore, #tpu.memory_space<semaphore_mem>>
    %dma_start3A_128 = tpu.memref_squeeze %dma_start3A_127 : memref<1x!tpu.dma_semaphore, #tpu.memory_space<semaphore_mem>> -> memref<!tpu.dma_semaphore, #tpu.memory_space<semaphore_mem>>
    tpu.enqueue_indirect_dma source(%dma_start3A_120 : memref<80x32xf32, #tpu.memory_space<vmem>>) target(%dma_start3A_126 : memref<10000x32xf32, #tpu.memory_space<vmem_shared>>) offsets(%dma_start3A_123 : memref<80xi32, #tpu.memory_space<vmem>>) semaphore(%dma_start3A_128 : memref<!tpu.dma_semaphore, #tpu.memory_space<semaphore_mem>>) {add = true}
    %dma_wait3A_129 = arith.constant 6 : i32
    %dma_wait3A_130 = arith.constant 116 : i32
    %dma_wait3A_131 = arith.constant 6 : i32
    %dma_wait3A_132 = arith.constant 0 : i32
    %dma_wait3A_133 = arith.constant 0 : i32
    %dma_wait3A_134 = tpu.memref_slice %arg8[%dma_wait3A_129, %dma_wait3A_132, %dma_wait3A_133] : memref<10x80x32xf32, #tpu.memory_space<vmem>> -> memref<1x80x32xf32, #tpu.memory_space<vmem>>
    %dma_wait3A_135 = tpu.memref_squeeze %dma_wait3A_134 : memref<1x80x32xf32, #tpu.memory_space<vmem>> -> memref<80x32xf32, #tpu.memory_space<vmem>>
    %dma_wait3A_136 = arith.constant 0 : i32
    %dma_wait3A_137 = tpu.memref_slice %arg7[%dma_wait3A_130, %dma_wait3A_136] : memref<125x80xi32, #tpu.memory_space<vmem>> -> memref<1x80xi32, #tpu.memory_space<vmem>>
    %dma_wait3A_138 = tpu.memref_squeeze %dma_wait3A_137 : memref<1x80xi32, #tpu.memory_space<vmem>> -> memref<80xi32, #tpu.memory_space<vmem>>
    %dma_wait3A_139 = arith.constant 0 : i32
    %dma_wait3A_140 = arith.constant 0 : i32
    %dma_wait3A_141 = tpu.memref_slice %arg9[%dma_wait3A_139, %dma_wait3A_140] : memref<10000x32xf32, #tpu.memory_space<vmem_shared>> -> memref<10000x32xf32, #tpu.memory_space<vmem_shared>>
    %dma_wait3A_142 = tpu.memref_slice %arg11[%dma_wait3A_131] : memref<10x!tpu.dma_semaphore, #tpu.memory_space<semaphore_mem>> -> memref<1x!tpu.dma_semaphore, #tpu.memory_space<semaphore_mem>>
    %dma_wait3A_143 = tpu.memref_squeeze %dma_wait3A_142 : memref<1x!tpu.dma_semaphore, #tpu.memory_space<semaphore_mem>> -> memref<!tpu.dma_semaphore, #tpu.memory_space<semaphore_mem>>
    tpu.wait_indirect_dma semaphore(%dma_wait3A_143 : memref<!tpu.dma_semaphore, #tpu.memory_space<semaphore_mem>>) src(%dma_wait3A_135 : memref<80x32xf32, #tpu.memory_space<vmem>>) dst(%dma_wait3A_141 : memref<10000x32xf32, #tpu.memory_space<vmem_shared>>)
    %dma_wait3A_144 = arith.constant 121 : i32
    %dma_wait3A_145 = arith.constant 1 : i32
    %dma_wait3A_146 = arith.constant 1 : i32
    %dma_wait3A_147 = arith.constant 0 : i32
    %dma_wait3A_148 = arith.constant 0 : i32
    %dma_wait3A_149 = tpu.memref_slice %arg8[%dma_wait3A_145, %dma_wait3A_147, %dma_wait3A_148] : memref<10x80x32xf32, #tpu.memory_space<vmem>> -> memref<1x80x32xf32, #tpu.memory_space<vmem>>
    %dma_wait3A_150 = tpu.memref_squeeze %dma_wait3A_149 : memref<1x80x32xf32, #tpu.memory_space<vmem>> -> memref<80x32xf32, #tpu.memory_space<vmem>>
    %dma_wait3A_151 = arith.constant 0 : i32
    %dma_wait3A_152 = tpu.memref_slice %arg6[%dma_wait3A_144, %dma_wait3A_151] : memref<125x80xi32, #tpu.memory_space<vmem>> -> memref<1x80xi32, #tpu.memory_space<vmem>>
    %dma_wait3A_153 = tpu.memref_squeeze %dma_wait3A_152 : memref<1x80xi32, #tpu.memory_space<vmem>> -> memref<80xi32, #tpu.memory_space<vmem>>
    %dma_wait3A_154 = arith.constant 0 : i32
    %dma_wait3A_155 = arith.constant 0 : i32
    %dma_wait3A_156 = tpu.memref_slice %arg2[%dma_wait3A_154, %dma_wait3A_155] : memref<10000x32xf32, #tpu.memory_space<hbm>> -> memref<10000x32xf32, #tpu.memory_space<hbm>>
    %dma_wait3A_157 = tpu.memref_slice %arg10[%dma_wait3A_146] : memref<10x!tpu.dma_semaphore, #tpu.memory_space<semaphore_mem>> -> memref<1x!tpu.dma_semaphore, #tpu.memory_space<semaphore_mem>>
    %dma_wait3A_158 = tpu.memref_squeeze %dma_wait3A_157 : memref<1x!tpu.dma_semaphore, #tpu.memory_space<semaphore_mem>> -> memref<!tpu.dma_semaphore, #tpu.memory_space<semaphore_mem>>
    tpu.wait_indirect_dma semaphore(%dma_wait3A_158 : memref<!tpu.dma_semaphore, #tpu.memory_space<semaphore_mem>>) src(%dma_wait3A_156 : memref<10000x32xf32, #tpu.memory_space<hbm>>) dst(%dma_wait3A_150 : memref<80x32xf32, #tpu.memory_space<vmem>>)
    %dma_start3A_159 = arith.constant 1 : i32
    %dma_start3A_160 = arith.constant 121 : i32
    %dma_start3A_161 = arith.constant 1 : i32
    %dma_start3A_162 = arith.constant 0 : i32
    %dma_start3A_163 = arith.constant 0 : i32
    %dma_start3A_164 = tpu.memref_slice %arg8[%dma_start3A_159, %dma_start3A_162, %dma_start3A_163] : memref<10x80x32xf32, #tpu.memory_space<vmem>> -> memref<1x80x32xf32, #tpu.memory_space<vmem>>
    %dma_start3A_165 = tpu.memref_squeeze %dma_start3A_164 : memref<1x80x32xf32, #tpu.memory_space<vmem>> -> memref<80x32xf32, #tpu.memory_space<vmem>>
    %dma_start3A_166 = arith.constant 0 : i32
    %dma_start3A_167 = tpu.memref_slice %arg7[%dma_start3A_160, %dma_start3A_166] : memref<125x80xi32, #tpu.memory_space<vmem>> -> memref<1x80xi32, #tpu.memory_space<vmem>>
    %dma_start3A_168 = tpu.memref_squeeze %dma_start3A_167 : memref<1x80xi32, #tpu.memory_space<vmem>> -> memref<80xi32, #tpu.memory_space<vmem>>
    %dma_start3A_169 = arith.constant 0 : i32
    %dma_start3A_170 = arith.constant 0 : i32
    %dma_start3A_171 = tpu.memref_slice %arg9[%dma_start3A_169, %dma_start3A_170] : memref<10000x32xf32, #tpu.memory_space<vmem_shared>> -> memref<10000x32xf32, #tpu.memory_space<vmem_shared>>
    %dma_start3A_172 = tpu.memref_slice %arg11[%dma_start3A_161] : memref<10x!tpu.dma_semaphore, #tpu.memory_space<semaphore_mem>> -> memref<1x!tpu.dma_semaphore, #tpu.memory_space<semaphore_mem>>
    %dma_start3A_173 = tpu.memref_squeeze %dma_start3A_172 : memref<1x!tpu.dma_semaphore, #tpu.memory_space<semaphore_mem>> -> memref<!tpu.dma_semaphore, #tpu.memory_space<semaphore_mem>>
    tpu.enqueue_indirect_dma source(%dma_start3A_165 : memref<80x32xf32, #tpu.memory_space<vmem>>) target(%dma_start3A_171 : memref<10000x32xf32, #tpu.memory_space<vmem_shared>>) offsets(%dma_start3A_168 : memref<80xi32, #tpu.memory_space<vmem>>) semaphore(%dma_start3A_173 : memref<!tpu.dma_semaphore, #tpu.memory_space<semaphore_mem>>) {add = true}
    %dma_wait3A_174 = arith.constant 7 : i32
    %dma_wait3A_175 = arith.constant 117 : i32
    %dma_wait3A_176 = arith.constant 7 : i32
    %dma_wait3A_177 = arith.constant 0 : i32
    %dma_wait3A_178 = arith.constant 0 : i32
    %dma_wait3A_179 = tpu.memref_slice %arg8[%dma_wait3A_174, %dma_wait3A_177, %dma_wait3A_178] : memref<10x80x32xf32, #tpu.memory_space<vmem>> -> memref<1x80x32xf32, #tpu.memory_space<vmem>>
    %dma_wait3A_180 = tpu.memref_squeeze %dma_wait3A_179 : memref<1x80x32xf32, #tpu.memory_space<vmem>> -> memref<80x32xf32, #tpu.memory_space<vmem>>
    %dma_wait3A_181 = arith.constant 0 : i32
    %dma_wait3A_182 = tpu.memref_slice %arg7[%dma_wait3A_175, %dma_wait3A_181] : memref<125x80xi32, #tpu.memory_space<vmem>> -> memref<1x80xi32, #tpu.memory_space<vmem>>
    %dma_wait3A_183 = tpu.memref_squeeze %dma_wait3A_182 : memref<1x80xi32, #tpu.memory_space<vmem>> -> memref<80xi32, #tpu.memory_space<vmem>>
    %dma_wait3A_184 = arith.constant 0 : i32
    %dma_wait3A_185 = arith.constant 0 : i32
    %dma_wait3A_186 = tpu.memref_slice %arg9[%dma_wait3A_184, %dma_wait3A_185] : memref<10000x32xf32, #tpu.memory_space<vmem_shared>> -> memref<10000x32xf32, #tpu.memory_space<vmem_shared>>
    %dma_wait3A_187 = tpu.memref_slice %arg11[%dma_wait3A_176] : memref<10x!tpu.dma_semaphore, #tpu.memory_space<semaphore_mem>> -> memref<1x!tpu.dma_semaphore, #tpu.memory_space<semaphore_mem>>
    %dma_wait3A_188 = tpu.memref_squeeze %dma_wait3A_187 : memref<1x!tpu.dma_semaphore, #tpu.memory_space<semaphore_mem>> -> memref<!tpu.dma_semaphore, #tpu.memory_space<semaphore_mem>>
    tpu.wait_indirect_dma semaphore(%dma_wait3A_188 : memref<!tpu.dma_semaphore, #tpu.memory_space<semaphore_mem>>) src(%dma_wait3A_180 : memref<80x32xf32, #tpu.memory_space<vmem>>) dst(%dma_wait3A_186 : memref<10000x32xf32, #tpu.memory_space<vmem_shared>>)
    %dma_wait3A_189 = arith.constant 122 : i32
    %dma_wait3A_190 = arith.constant 2 : i32
    %dma_wait3A_191 = arith.constant 2 : i32
    %dma_wait3A_192 = arith.constant 0 : i32
    %dma_wait3A_193 = arith.constant 0 : i32
    %dma_wait3A_194 = tpu.memref_slice %arg8[%dma_wait3A_190, %dma_wait3A_192, %dma_wait3A_193] : memref<10x80x32xf32, #tpu.memory_space<vmem>> -> memref<1x80x32xf32, #tpu.memory_space<vmem>>
    %dma_wait3A_195 = tpu.memref_squeeze %dma_wait3A_194 : memref<1x80x32xf32, #tpu.memory_space<vmem>> -> memref<80x32xf32, #tpu.memory_space<vmem>>
    %dma_wait3A_196 = arith.constant 0 : i32
    %dma_wait3A_197 = tpu.memref_slice %arg6[%dma_wait3A_189, %dma_wait3A_196] : memref<125x80xi32, #tpu.memory_space<vmem>> -> memref<1x80xi32, #tpu.memory_space<vmem>>
    %dma_wait3A_198 = tpu.memref_squeeze %dma_wait3A_197 : memref<1x80xi32, #tpu.memory_space<vmem>> -> memref<80xi32, #tpu.memory_space<vmem>>
    %dma_wait3A_199 = arith.constant 0 : i32
    %dma_wait3A_200 = arith.constant 0 : i32
    %dma_wait3A_201 = tpu.memref_slice %arg2[%dma_wait3A_199, %dma_wait3A_200] : memref<10000x32xf32, #tpu.memory_space<hbm>> -> memref<10000x32xf32, #tpu.memory_space<hbm>>
    %dma_wait3A_202 = tpu.memref_slice %arg10[%dma_wait3A_191] : memref<10x!tpu.dma_semaphore, #tpu.memory_space<semaphore_mem>> -> memref<1x!tpu.dma_semaphore, #tpu.memory_space<semaphore_mem>>
    %dma_wait3A_203 = tpu.memref_squeeze %dma_wait3A_202 : memref<1x!tpu.dma_semaphore, #tpu.memory_space<semaphore_mem>> -> memref<!tpu.dma_semaphore, #tpu.memory_space<semaphore_mem>>
    tpu.wait_indirect_dma semaphore(%dma_wait3A_203 : memref<!tpu.dma_semaphore, #tpu.memory_space<semaphore_mem>>) src(%dma_wait3A_201 : memref<10000x32xf32, #tpu.memory_space<hbm>>) dst(%dma_wait3A_195 : memref<80x32xf32, #tpu.memory_space<vmem>>)
    %dma_start3A_204 = arith.constant 2 : i32
    %dma_start3A_205 = arith.constant 122 : i32
    %dma_start3A_206 = arith.constant 2 : i32
    %dma_start3A_207 = arith.constant 0 : i32
    %dma_start3A_208 = arith.constant 0 : i32
    %dma_start3A_209 = tpu.memref_slice %arg8[%dma_start3A_204, %dma_start3A_207, %dma_start3A_208] : memref<10x80x32xf32, #tpu.memory_space<vmem>> -> memref<1x80x32xf32, #tpu.memory_space<vmem>>
    %dma_start3A_210 = tpu.memref_squeeze %dma_start3A_209 : memref<1x80x32xf32, #tpu.memory_space<vmem>> -> memref<80x32xf32, #tpu.memory_space<vmem>>
    %dma_start3A_211 = arith.constant 0 : i32
    %dma_start3A_212 = tpu.memref_slice %arg7[%dma_start3A_205, %dma_start3A_211] : memref<125x80xi32, #tpu.memory_space<vmem>> -> memref<1x80xi32, #tpu.memory_space<vmem>>
    %dma_start3A_213 = tpu.memref_squeeze %dma_start3A_212 : memref<1x80xi32, #tpu.memory_space<vmem>> -> memref<80xi32, #tpu.memory_space<vmem>>
    %dma_start3A_214 = arith.constant 0 : i32
    %dma_start3A_215 = arith.constant 0 : i32
    %dma_start3A_216 = tpu.memref_slice %arg9[%dma_start3A_214, %dma_start3A_215] : memref<10000x32xf32, #tpu.memory_space<vmem_shared>> -> memref<10000x32xf32, #tpu.memory_space<vmem_shared>>
    %dma_start3A_217 = tpu.memref_slice %arg11[%dma_start3A_206] : memref<10x!tpu.dma_semaphore, #tpu.memory_space<semaphore_mem>> -> memref<1x!tpu.dma_semaphore, #tpu.memory_space<semaphore_mem>>
    %dma_start3A_218 = tpu.memref_squeeze %dma_start3A_217 : memref<1x!tpu.dma_semaphore, #tpu.memory_space<semaphore_mem>> -> memref<!tpu.dma_semaphore, #tpu.memory_space<semaphore_mem>>
    tpu.enqueue_indirect_dma source(%dma_start3A_210 : memref<80x32xf32, #tpu.memory_space<vmem>>) target(%dma_start3A_216 : memref<10000x32xf32, #tpu.memory_space<vmem_shared>>) offsets(%dma_start3A_213 : memref<80xi32, #tpu.memory_space<vmem>>) semaphore(%dma_start3A_218 : memref<!tpu.dma_semaphore, #tpu.memory_space<semaphore_mem>>) {add = true}
    %dma_wait3A_219 = arith.constant 8 : i32
    %dma_wait3A_220 = arith.constant 118 : i32
    %dma_wait3A_221 = arith.constant 8 : i32
    %dma_wait3A_222 = arith.constant 0 : i32
    %dma_wait3A_223 = arith.constant 0 : i32
    %dma_wait3A_224 = tpu.memref_slice %arg8[%dma_wait3A_219, %dma_wait3A_222, %dma_wait3A_223] : memref<10x80x32xf32, #tpu.memory_space<vmem>> -> memref<1x80x32xf32, #tpu.memory_space<vmem>>
    %dma_wait3A_225 = tpu.memref_squeeze %dma_wait3A_224 : memref<1x80x32xf32, #tpu.memory_space<vmem>> -> memref<80x32xf32, #tpu.memory_space<vmem>>
    %dma_wait3A_226 = arith.constant 0 : i32
    %dma_wait3A_227 = tpu.memref_slice %arg7[%dma_wait3A_220, %dma_wait3A_226] : memref<125x80xi32, #tpu.memory_space<vmem>> -> memref<1x80xi32, #tpu.memory_space<vmem>>
    %dma_wait3A_228 = tpu.memref_squeeze %dma_wait3A_227 : memref<1x80xi32, #tpu.memory_space<vmem>> -> memref<80xi32, #tpu.memory_space<vmem>>
    %dma_wait3A_229 = arith.constant 0 : i32
    %dma_wait3A_230 = arith.constant 0 : i32
    %dma_wait3A_231 = tpu.memref_slice %arg9[%dma_wait3A_229, %dma_wait3A_230] : memref<10000x32xf32, #tpu.memory_space<vmem_shared>> -> memref<10000x32xf32, #tpu.memory_space<vmem_shared>>
    %dma_wait3A_232 = tpu.memref_slice %arg11[%dma_wait3A_221] : memref<10x!tpu.dma_semaphore, #tpu.memory_space<semaphore_mem>> -> memref<1x!tpu.dma_semaphore, #tpu.memory_space<semaphore_mem>>
    %dma_wait3A_233 = tpu.memref_squeeze %dma_wait3A_232 : memref<1x!tpu.dma_semaphore, #tpu.memory_space<semaphore_mem>> -> memref<!tpu.dma_semaphore, #tpu.memory_space<semaphore_mem>>
    tpu.wait_indirect_dma semaphore(%dma_wait3A_233 : memref<!tpu.dma_semaphore, #tpu.memory_space<semaphore_mem>>) src(%dma_wait3A_225 : memref<80x32xf32, #tpu.memory_space<vmem>>) dst(%dma_wait3A_231 : memref<10000x32xf32, #tpu.memory_space<vmem_shared>>)
    %dma_wait3A_234 = arith.constant 123 : i32
    %dma_wait3A_235 = arith.constant 3 : i32
    %dma_wait3A_236 = arith.constant 3 : i32
    %dma_wait3A_237 = arith.constant 0 : i32
    %dma_wait3A_238 = arith.constant 0 : i32
    %dma_wait3A_239 = tpu.memref_slice %arg8[%dma_wait3A_235, %dma_wait3A_237, %dma_wait3A_238] : memref<10x80x32xf32, #tpu.memory_space<vmem>> -> memref<1x80x32xf32, #tpu.memory_space<vmem>>
    %dma_wait3A_240 = tpu.memref_squeeze %dma_wait3A_239 : memref<1x80x32xf32, #tpu.memory_space<vmem>> -> memref<80x32xf32, #tpu.memory_space<vmem>>
    %dma_wait3A_241 = arith.constant 0 : i32
    %dma_wait3A_242 = tpu.memref_slice %arg6[%dma_wait3A_234, %dma_wait3A_241] : memref<125x80xi32, #tpu.memory_space<vmem>> -> memref<1x80xi32, #tpu.memory_space<vmem>>
    %dma_wait3A_243 = tpu.memref_squeeze %dma_wait3A_242 : memref<1x80xi32, #tpu.memory_space<vmem>> -> memref<80xi32, #tpu.memory_space<vmem>>
    %dma_wait3A_244 = arith.constant 0 : i32
    %dma_wait3A_245 = arith.constant 0 : i32
    %dma_wait3A_246 = tpu.memref_slice %arg2[%dma_wait3A_244, %dma_wait3A_245] : memref<10000x32xf32, #tpu.memory_space<hbm>> -> memref<10000x32xf32, #tpu.memory_space<hbm>>
    %dma_wait3A_247 = tpu.memref_slice %arg10[%dma_wait3A_236] : memref<10x!tpu.dma_semaphore, #tpu.memory_space<semaphore_mem>> -> memref<1x!tpu.dma_semaphore, #tpu.memory_space<semaphore_mem>>
    %dma_wait3A_248 = tpu.memref_squeeze %dma_wait3A_247 : memref<1x!tpu.dma_semaphore, #tpu.memory_space<semaphore_mem>> -> memref<!tpu.dma_semaphore, #tpu.memory_space<semaphore_mem>>
    tpu.wait_indirect_dma semaphore(%dma_wait3A_248 : memref<!tpu.dma_semaphore, #tpu.memory_space<semaphore_mem>>) src(%dma_wait3A_246 : memref<10000x32xf32, #tpu.memory_space<hbm>>) dst(%dma_wait3A_240 : memref<80x32xf32, #tpu.memory_space<vmem>>)
    %dma_start3A_249 = arith.constant 3 : i32
    %dma_start3A_250 = arith.constant 123 : i32
    %dma_start3A_251 = arith.constant 3 : i32
    %dma_start3A_252 = arith.constant 0 : i32
    %dma_start3A_253 = arith.constant 0 : i32
    %dma_start3A_254 = tpu.memref_slice %arg8[%dma_start3A_249, %dma_start3A_252, %dma_start3A_253] : memref<10x80x32xf32, #tpu.memory_space<vmem>> -> memref<1x80x32xf32, #tpu.memory_space<vmem>>
    %dma_start3A_255 = tpu.memref_squeeze %dma_start3A_254 : memref<1x80x32xf32, #tpu.memory_space<vmem>> -> memref<80x32xf32, #tpu.memory_space<vmem>>
    %dma_start3A_256 = arith.constant 0 : i32
    %dma_start3A_257 = tpu.memref_slice %arg7[%dma_start3A_250, %dma_start3A_256] : memref<125x80xi32, #tpu.memory_space<vmem>> -> memref<1x80xi32, #tpu.memory_space<vmem>>
    %dma_start3A_258 = tpu.memref_squeeze %dma_start3A_257 : memref<1x80xi32, #tpu.memory_space<vmem>> -> memref<80xi32, #tpu.memory_space<vmem>>
    %dma_start3A_259 = arith.constant 0 : i32
    %dma_start3A_260 = arith.constant 0 : i32
    %dma_start3A_261 = tpu.memref_slice %arg9[%dma_start3A_259, %dma_start3A_260] : memref<10000x32xf32, #tpu.memory_space<vmem_shared>> -> memref<10000x32xf32, #tpu.memory_space<vmem_shared>>
    %dma_start3A_262 = tpu.memref_slice %arg11[%dma_start3A_251] : memref<10x!tpu.dma_semaphore, #tpu.memory_space<semaphore_mem>> -> memref<1x!tpu.dma_semaphore, #tpu.memory_space<semaphore_mem>>
    %dma_start3A_263 = tpu.memref_squeeze %dma_start3A_262 : memref<1x!tpu.dma_semaphore, #tpu.memory_space<semaphore_mem>> -> memref<!tpu.dma_semaphore, #tpu.memory_space<semaphore_mem>>
    tpu.enqueue_indirect_dma source(%dma_start3A_255 : memref<80x32xf32, #tpu.memory_space<vmem>>) target(%dma_start3A_261 : memref<10000x32xf32, #tpu.memory_space<vmem_shared>>) offsets(%dma_start3A_258 : memref<80xi32, #tpu.memory_space<vmem>>) semaphore(%dma_start3A_263 : memref<!tpu.dma_semaphore, #tpu.memory_space<semaphore_mem>>) {add = true}
    %dma_wait3A_264 = arith.constant 9 : i32
    %dma_wait3A_265 = arith.constant 119 : i32
    %dma_wait3A_266 = arith.constant 9 : i32
    %dma_wait3A_267 = arith.constant 0 : i32
    %dma_wait3A_268 = arith.constant 0 : i32
    %dma_wait3A_269 = tpu.memref_slice %arg8[%dma_wait3A_264, %dma_wait3A_267, %dma_wait3A_268] : memref<10x80x32xf32, #tpu.memory_space<vmem>> -> memref<1x80x32xf32, #tpu.memory_space<vmem>>
    %dma_wait3A_270 = tpu.memref_squeeze %dma_wait3A_269 : memref<1x80x32xf32, #tpu.memory_space<vmem>> -> memref<80x32xf32, #tpu.memory_space<vmem>>
    %dma_wait3A_271 = arith.constant 0 : i32
    %dma_wait3A_272 = tpu.memref_slice %arg7[%dma_wait3A_265, %dma_wait3A_271] : memref<125x80xi32, #tpu.memory_space<vmem>> -> memref<1x80xi32, #tpu.memory_space<vmem>>
    %dma_wait3A_273 = tpu.memref_squeeze %dma_wait3A_272 : memref<1x80xi32, #tpu.memory_space<vmem>> -> memref<80xi32, #tpu.memory_space<vmem>>
    %dma_wait3A_274 = arith.constant 0 : i32
    %dma_wait3A_275 = arith.constant 0 : i32
    %dma_wait3A_276 = tpu.memref_slice %arg9[%dma_wait3A_274, %dma_wait3A_275] : memref<10000x32xf32, #tpu.memory_space<vmem_shared>> -> memref<10000x32xf32, #tpu.memory_space<vmem_shared>>
    %dma_wait3A_277 = tpu.memref_slice %arg11[%dma_wait3A_266] : memref<10x!tpu.dma_semaphore, #tpu.memory_space<semaphore_mem>> -> memref<1x!tpu.dma_semaphore, #tpu.memory_space<semaphore_mem>>
    %dma_wait3A_278 = tpu.memref_squeeze %dma_wait3A_277 : memref<1x!tpu.dma_semaphore, #tpu.memory_space<semaphore_mem>> -> memref<!tpu.dma_semaphore, #tpu.memory_space<semaphore_mem>>
    tpu.wait_indirect_dma semaphore(%dma_wait3A_278 : memref<!tpu.dma_semaphore, #tpu.memory_space<semaphore_mem>>) src(%dma_wait3A_270 : memref<80x32xf32, #tpu.memory_space<vmem>>) dst(%dma_wait3A_276 : memref<10000x32xf32, #tpu.memory_space<vmem_shared>>)
    %dma_wait3A_279 = arith.constant 124 : i32
    %dma_wait3A_280 = arith.constant 4 : i32
    %dma_wait3A_281 = arith.constant 4 : i32
    %dma_wait3A_282 = arith.constant 0 : i32
    %dma_wait3A_283 = arith.constant 0 : i32
    %dma_wait3A_284 = tpu.memref_slice %arg8[%dma_wait3A_280, %dma_wait3A_282, %dma_wait3A_283] : memref<10x80x32xf32, #tpu.memory_space<vmem>> -> memref<1x80x32xf32, #tpu.memory_space<vmem>>
    %dma_wait3A_285 = tpu.memref_squeeze %dma_wait3A_284 : memref<1x80x32xf32, #tpu.memory_space<vmem>> -> memref<80x32xf32, #tpu.memory_space<vmem>>
    %dma_wait3A_286 = arith.constant 0 : i32
    %dma_wait3A_287 = tpu.memref_slice %arg6[%dma_wait3A_279, %dma_wait3A_286] : memref<125x80xi32, #tpu.memory_space<vmem>> -> memref<1x80xi32, #tpu.memory_space<vmem>>
    %dma_wait3A_288 = tpu.memref_squeeze %dma_wait3A_287 : memref<1x80xi32, #tpu.memory_space<vmem>> -> memref<80xi32, #tpu.memory_space<vmem>>
    %dma_wait3A_289 = arith.constant 0 : i32
    %dma_wait3A_290 = arith.constant 0 : i32
    %dma_wait3A_291 = tpu.memref_slice %arg2[%dma_wait3A_289, %dma_wait3A_290] : memref<10000x32xf32, #tpu.memory_space<hbm>> -> memref<10000x32xf32, #tpu.memory_space<hbm>>
    %dma_wait3A_292 = tpu.memref_slice %arg10[%dma_wait3A_281] : memref<10x!tpu.dma_semaphore, #tpu.memory_space<semaphore_mem>> -> memref<1x!tpu.dma_semaphore, #tpu.memory_space<semaphore_mem>>
    %dma_wait3A_293 = tpu.memref_squeeze %dma_wait3A_292 : memref<1x!tpu.dma_semaphore, #tpu.memory_space<semaphore_mem>> -> memref<!tpu.dma_semaphore, #tpu.memory_space<semaphore_mem>>
    tpu.wait_indirect_dma semaphore(%dma_wait3A_293 : memref<!tpu.dma_semaphore, #tpu.memory_space<semaphore_mem>>) src(%dma_wait3A_291 : memref<10000x32xf32, #tpu.memory_space<hbm>>) dst(%dma_wait3A_285 : memref<80x32xf32, #tpu.memory_space<vmem>>)
    %dma_start3A_294 = arith.constant 4 : i32
    %dma_start3A_295 = arith.constant 124 : i32
    %dma_start3A_296 = arith.constant 4 : i32
    %dma_start3A_297 = arith.constant 0 : i32
    %dma_start3A_298 = arith.constant 0 : i32
    %dma_start3A_299 = tpu.memref_slice %arg8[%dma_start3A_294, %dma_start3A_297, %dma_start3A_298] : memref<10x80x32xf32, #tpu.memory_space<vmem>> -> memref<1x80x32xf32, #tpu.memory_space<vmem>>
    %dma_start3A_300 = tpu.memref_squeeze %dma_start3A_299 : memref<1x80x32xf32, #tpu.memory_space<vmem>> -> memref<80x32xf32, #tpu.memory_space<vmem>>
    %dma_start3A_301 = arith.constant 0 : i32
    %dma_start3A_302 = tpu.memref_slice %arg7[%dma_start3A_295, %dma_start3A_301] : memref<125x80xi32, #tpu.memory_space<vmem>> -> memref<1x80xi32, #tpu.memory_space<vmem>>
    %dma_start3A_303 = tpu.memref_squeeze %dma_start3A_302 : memref<1x80xi32, #tpu.memory_space<vmem>> -> memref<80xi32, #tpu.memory_space<vmem>>
    %dma_start3A_304 = arith.constant 0 : i32
    %dma_start3A_305 = arith.constant 0 : i32
    %dma_start3A_306 = tpu.memref_slice %arg9[%dma_start3A_304, %dma_start3A_305] : memref<10000x32xf32, #tpu.memory_space<vmem_shared>> -> memref<10000x32xf32, #tpu.memory_space<vmem_shared>>
    %dma_start3A_307 = tpu.memref_slice %arg11[%dma_start3A_296] : memref<10x!tpu.dma_semaphore, #tpu.memory_space<semaphore_mem>> -> memref<1x!tpu.dma_semaphore, #tpu.memory_space<semaphore_mem>>
    %dma_start3A_308 = tpu.memref_squeeze %dma_start3A_307 : memref<1x!tpu.dma_semaphore, #tpu.memory_space<semaphore_mem>> -> memref<!tpu.dma_semaphore, #tpu.memory_space<semaphore_mem>>
    tpu.enqueue_indirect_dma source(%dma_start3A_300 : memref<80x32xf32, #tpu.memory_space<vmem>>) target(%dma_start3A_306 : memref<10000x32xf32, #tpu.memory_space<vmem_shared>>) offsets(%dma_start3A_303 : memref<80xi32, #tpu.memory_space<vmem>>) semaphore(%dma_start3A_308 : memref<!tpu.dma_semaphore, #tpu.memory_space<semaphore_mem>>) {add = true}
    %dma_wait3A_309 = arith.constant 0 : i32
    %dma_wait3A_310 = arith.constant 120 : i32
    %dma_wait3A_311 = arith.constant 0 : i32
    %dma_wait3A_312 = arith.constant 0 : i32
    %dma_wait3A_313 = arith.constant 0 : i32
    %dma_wait3A_314 = tpu.memref_slice %arg8[%dma_wait3A_309, %dma_wait3A_312, %dma_wait3A_313] : memref<10x80x32xf32, #tpu.memory_space<vmem>> -> memref<1x80x32xf32, #tpu.memory_space<vmem>>
    %dma_wait3A_315 = tpu.memref_squeeze %dma_wait3A_314 : memref<1x80x32xf32, #tpu.memory_space<vmem>> -> memref<80x32xf32, #tpu.memory_space<vmem>>
    %dma_wait3A_316 = arith.constant 0 : i32
    %dma_wait3A_317 = tpu.memref_slice %arg7[%dma_wait3A_310, %dma_wait3A_316] : memref<125x80xi32, #tpu.memory_space<vmem>> -> memref<1x80xi32, #tpu.memory_space<vmem>>
    %dma_wait3A_318 = tpu.memref_squeeze %dma_wait3A_317 : memref<1x80xi32, #tpu.memory_space<vmem>> -> memref<80xi32, #tpu.memory_space<vmem>>
    %dma_wait3A_319 = arith.constant 0 : i32
    %dma_wait3A_320 = arith.constant 0 : i32
    %dma_wait3A_321 = tpu.memref_slice %arg9[%dma_wait3A_319, %dma_wait3A_320] : memref<10000x32xf32, #tpu.memory_space<vmem_shared>> -> memref<10000x32xf32, #tpu.memory_space<vmem_shared>>
    %dma_wait3A_322 = tpu.memref_slice %arg11[%dma_wait3A_311] : memref<10x!tpu.dma_semaphore, #tpu.memory_space<semaphore_mem>> -> memref<1x!tpu.dma_semaphore, #tpu.memory_space<semaphore_mem>>
    %dma_wait3A_323 = tpu.memref_squeeze %dma_wait3A_322 : memref<1x!tpu.dma_semaphore, #tpu.memory_space<semaphore_mem>> -> memref<!tpu.dma_semaphore, #tpu.memory_space<semaphore_mem>>
    tpu.wait_indirect_dma semaphore(%dma_wait3A_323 : memref<!tpu.dma_semaphore, #tpu.memory_space<semaphore_mem>>) src(%dma_wait3A_315 : memref<80x32xf32, #tpu.memory_space<vmem>>) dst(%dma_wait3A_321 : memref<10000x32xf32, #tpu.memory_space<vmem_shared>>)
    %dma_wait3A_324 = arith.constant 1 : i32
    %dma_wait3A_325 = arith.constant 121 : i32
    %dma_wait3A_326 = arith.constant 1 : i32
    %dma_wait3A_327 = arith.constant 0 : i32
    %dma_wait3A_328 = arith.constant 0 : i32
    %dma_wait3A_329 = tpu.memref_slice %arg8[%dma_wait3A_324, %dma_wait3A_327, %dma_wait3A_328] : memref<10x80x32xf32, #tpu.memory_space<vmem>> -> memref<1x80x32xf32, #tpu.memory_space<vmem>>
    %dma_wait3A_330 = tpu.memref_squeeze %dma_wait3A_329 : memref<1x80x32xf32, #tpu.memory_space<vmem>> -> memref<80x32xf32, #tpu.memory_space<vmem>>
    %dma_wait3A_331 = arith.constant 0 : i32
    %dma_wait3A_332 = tpu.memref_slice %arg7[%dma_wait3A_325, %dma_wait3A_331] : memref<125x80xi32, #tpu.memory_space<vmem>> -> memref<1x80xi32, #tpu.memory_space<vmem>>
    %dma_wait3A_333 = tpu.memref_squeeze %dma_wait3A_332 : memref<1x80xi32, #tpu.memory_space<vmem>> -> memref<80xi32, #tpu.memory_space<vmem>>
    %dma_wait3A_334 = arith.constant 0 : i32
    %dma_wait3A_335 = arith.constant 0 : i32
    %dma_wait3A_336 = tpu.memref_slice %arg9[%dma_wait3A_334, %dma_wait3A_335] : memref<10000x32xf32, #tpu.memory_space<vmem_shared>> -> memref<10000x32xf32, #tpu.memory_space<vmem_shared>>
    %dma_wait3A_337 = tpu.memref_slice %arg11[%dma_wait3A_326] : memref<10x!tpu.dma_semaphore, #tpu.memory_space<semaphore_mem>> -> memref<1x!tpu.dma_semaphore, #tpu.memory_space<semaphore_mem>>
    %dma_wait3A_338 = tpu.memref_squeeze %dma_wait3A_337 : memref<1x!tpu.dma_semaphore, #tpu.memory_space<semaphore_mem>> -> memref<!tpu.dma_semaphore, #tpu.memory_space<semaphore_mem>>
    tpu.wait_indirect_dma semaphore(%dma_wait3A_338 : memref<!tpu.dma_semaphore, #tpu.memory_space<semaphore_mem>>) src(%dma_wait3A_330 : memref<80x32xf32, #tpu.memory_space<vmem>>) dst(%dma_wait3A_336 : memref<10000x32xf32, #tpu.memory_space<vmem_shared>>)
    %dma_wait3A_339 = arith.constant 2 : i32
    %dma_wait3A_340 = arith.constant 122 : i32
    %dma_wait3A_341 = arith.constant 2 : i32
    %dma_wait3A_342 = arith.constant 0 : i32
    %dma_wait3A_343 = arith.constant 0 : i32
    %dma_wait3A_344 = tpu.memref_slice %arg8[%dma_wait3A_339, %dma_wait3A_342, %dma_wait3A_343] : memref<10x80x32xf32, #tpu.memory_space<vmem>> -> memref<1x80x32xf32, #tpu.memory_space<vmem>>
    %dma_wait3A_345 = tpu.memref_squeeze %dma_wait3A_344 : memref<1x80x32xf32, #tpu.memory_space<vmem>> -> memref<80x32xf32, #tpu.memory_space<vmem>>
    %dma_wait3A_346 = arith.constant 0 : i32
    %dma_wait3A_347 = tpu.memref_slice %arg7[%dma_wait3A_340, %dma_wait3A_346] : memref<125x80xi32, #tpu.memory_space<vmem>> -> memref<1x80xi32, #tpu.memory_space<vmem>>
    %dma_wait3A_348 = tpu.memref_squeeze %dma_wait3A_347 : memref<1x80xi32, #tpu.memory_space<vmem>> -> memref<80xi32, #tpu.memory_space<vmem>>
    %dma_wait3A_349 = arith.constant 0 : i32
    %dma_wait3A_350 = arith.constant 0 : i32
    %dma_wait3A_351 = tpu.memref_slice %arg9[%dma_wait3A_349, %dma_wait3A_350] : memref<10000x32xf32, #tpu.memory_space<vmem_shared>> -> memref<10000x32xf32, #tpu.memory_space<vmem_shared>>
    %dma_wait3A_352 = tpu.memref_slice %arg11[%dma_wait3A_341] : memref<10x!tpu.dma_semaphore, #tpu.memory_space<semaphore_mem>> -> memref<1x!tpu.dma_semaphore, #tpu.memory_space<semaphore_mem>>
    %dma_wait3A_353 = tpu.memref_squeeze %dma_wait3A_352 : memref<1x!tpu.dma_semaphore, #tpu.memory_space<semaphore_mem>> -> memref<!tpu.dma_semaphore, #tpu.memory_space<semaphore_mem>>
    tpu.wait_indirect_dma semaphore(%dma_wait3A_353 : memref<!tpu.dma_semaphore, #tpu.memory_space<semaphore_mem>>) src(%dma_wait3A_345 : memref<80x32xf32, #tpu.memory_space<vmem>>) dst(%dma_wait3A_351 : memref<10000x32xf32, #tpu.memory_space<vmem_shared>>)
    %dma_wait3A_354 = arith.constant 3 : i32
    %dma_wait3A_355 = arith.constant 123 : i32
    %dma_wait3A_356 = arith.constant 3 : i32
    %dma_wait3A_357 = arith.constant 0 : i32
    %dma_wait3A_358 = arith.constant 0 : i32
    %dma_wait3A_359 = tpu.memref_slice %arg8[%dma_wait3A_354, %dma_wait3A_357, %dma_wait3A_358] : memref<10x80x32xf32, #tpu.memory_space<vmem>> -> memref<1x80x32xf32, #tpu.memory_space<vmem>>
    %dma_wait3A_360 = tpu.memref_squeeze %dma_wait3A_359 : memref<1x80x32xf32, #tpu.memory_space<vmem>> -> memref<80x32xf32, #tpu.memory_space<vmem>>
    %dma_wait3A_361 = arith.constant 0 : i32
    %dma_wait3A_362 = tpu.memref_slice %arg7[%dma_wait3A_355, %dma_wait3A_361] : memref<125x80xi32, #tpu.memory_space<vmem>> -> memref<1x80xi32, #tpu.memory_space<vmem>>
    %dma_wait3A_363 = tpu.memref_squeeze %dma_wait3A_362 : memref<1x80xi32, #tpu.memory_space<vmem>> -> memref<80xi32, #tpu.memory_space<vmem>>
    %dma_wait3A_364 = arith.constant 0 : i32
    %dma_wait3A_365 = arith.constant 0 : i32
    %dma_wait3A_366 = tpu.memref_slice %arg9[%dma_wait3A_364, %dma_wait3A_365] : memref<10000x32xf32, #tpu.memory_space<vmem_shared>> -> memref<10000x32xf32, #tpu.memory_space<vmem_shared>>
    %dma_wait3A_367 = tpu.memref_slice %arg11[%dma_wait3A_356] : memref<10x!tpu.dma_semaphore, #tpu.memory_space<semaphore_mem>> -> memref<1x!tpu.dma_semaphore, #tpu.memory_space<semaphore_mem>>
    %dma_wait3A_368 = tpu.memref_squeeze %dma_wait3A_367 : memref<1x!tpu.dma_semaphore, #tpu.memory_space<semaphore_mem>> -> memref<!tpu.dma_semaphore, #tpu.memory_space<semaphore_mem>>
    tpu.wait_indirect_dma semaphore(%dma_wait3A_368 : memref<!tpu.dma_semaphore, #tpu.memory_space<semaphore_mem>>) src(%dma_wait3A_360 : memref<80x32xf32, #tpu.memory_space<vmem>>) dst(%dma_wait3A_366 : memref<10000x32xf32, #tpu.memory_space<vmem_shared>>)
    %dma_wait3A_369 = arith.constant 4 : i32
    %dma_wait3A_370 = arith.constant 124 : i32
    %dma_wait3A_371 = arith.constant 4 : i32
    %dma_wait3A_372 = arith.constant 0 : i32
    %dma_wait3A_373 = arith.constant 0 : i32
    %dma_wait3A_374 = tpu.memref_slice %arg8[%dma_wait3A_369, %dma_wait3A_372, %dma_wait3A_373] : memref<10x80x32xf32, #tpu.memory_space<vmem>> -> memref<1x80x32xf32, #tpu.memory_space<vmem>>
    %dma_wait3A_375 = tpu.memref_squeeze %dma_wait3A_374 : memref<1x80x32xf32, #tpu.memory_space<vmem>> -> memref<80x32xf32, #tpu.memory_space<vmem>>
    %dma_wait3A_376 = arith.constant 0 : i32
    %dma_wait3A_377 = tpu.memref_slice %arg7[%dma_wait3A_370, %dma_wait3A_376] : memref<125x80xi32, #tpu.memory_space<vmem>> -> memref<1x80xi32, #tpu.memory_space<vmem>>
    %dma_wait3A_378 = tpu.memref_squeeze %dma_wait3A_377 : memref<1x80xi32, #tpu.memory_space<vmem>> -> memref<80xi32, #tpu.memory_space<vmem>>
    %dma_wait3A_379 = arith.constant 0 : i32
    %dma_wait3A_380 = arith.constant 0 : i32
    %dma_wait3A_381 = tpu.memref_slice %arg9[%dma_wait3A_379, %dma_wait3A_380] : memref<10000x32xf32, #tpu.memory_space<vmem_shared>> -> memref<10000x32xf32, #tpu.memory_space<vmem_shared>>
    %dma_wait3A_382 = tpu.memref_slice %arg11[%dma_wait3A_371] : memref<10x!tpu.dma_semaphore, #tpu.memory_space<semaphore_mem>> -> memref<1x!tpu.dma_semaphore, #tpu.memory_space<semaphore_mem>>
    %dma_wait3A_383 = tpu.memref_squeeze %dma_wait3A_382 : memref<1x!tpu.dma_semaphore, #tpu.memory_space<semaphore_mem>> -> memref<!tpu.dma_semaphore, #tpu.memory_space<semaphore_mem>>
    tpu.wait_indirect_dma semaphore(%dma_wait3A_383 : memref<!tpu.dma_semaphore, #tpu.memory_space<semaphore_mem>>) src(%dma_wait3A_375 : memref<80x32xf32, #tpu.memory_space<vmem>>) dst(%dma_wait3A_381 : memref<10000x32xf32, #tpu.memory_space<vmem_shared>>)
    %barrier3A_384 = arith.constant 0 : index
    tpu.barrier barrier_id(%barrier3A_384)
    "tpu.region"() ({
      %run_scoped3A_390 = tpu.sem_alloc : memref<!tpu.dma_semaphore, #tpu.memory_space<semaphore_mem>>
      %dma_start3A_391 = arith.constant 0 : i32
      %dma_start3A_392 = tpu.memref_slice %arg5[%arg0, %mul3A_77, %dma_start3A_391] : memref<2x10000x32xf32, #tpu.memory_space<hbm>> -> memref<1x624x32xf32, #tpu.memory_space<hbm>>
      %dma_start3A_393 = tpu.memref_squeeze %dma_start3A_392 : memref<1x624x32xf32, #tpu.memory_space<hbm>> -> memref<624x32xf32, #tpu.memory_space<hbm>>
      %dma_start3A_394 = arith.constant 0 : i32
      %dma_start3A_395 = tpu.memref_slice %arg9[%mul3A_77, %dma_start3A_394] : memref<10000x32xf32, #tpu.memory_space<vmem_shared>> -> memref<624x32xf32, #tpu.memory_space<vmem_shared>>
      tpu.enqueue_dma source(%dma_start3A_395 : memref<624x32xf32, #tpu.memory_space<vmem_shared>>) target(%dma_start3A_393 : memref<624x32xf32, #tpu.memory_space<hbm>>) target_semaphore(%run_scoped3A_390 : memref<!tpu.dma_semaphore, #tpu.memory_space<semaphore_mem>>)
      %dma_wait3A_396 = arith.constant 0 : i32
      %dma_wait3A_397 = tpu.memref_slice %arg5[%arg0, %mul3A_77, %dma_wait3A_396] : memref<2x10000x32xf32, #tpu.memory_space<hbm>> -> memref<1x624x32xf32, #tpu.memory_space<hbm>>
      %dma_wait3A_398 = tpu.memref_squeeze %dma_wait3A_397 : memref<1x624x32xf32, #tpu.memory_space<hbm>> -> memref<624x32xf32, #tpu.memory_space<hbm>>
      %dma_wait3A_399 = arith.constant 0 : i32
      %dma_wait3A_400 = tpu.memref_slice %arg9[%mul3A_77, %dma_wait3A_399] : memref<10000x32xf32, #tpu.memory_space<vmem_shared>> -> memref<624x32xf32, #tpu.memory_space<vmem_shared>>
      tpu.wait_dma2 semaphore(%run_scoped3A_390 : memref<!tpu.dma_semaphore, #tpu.memory_space<semaphore_mem>>) src(%dma_wait3A_400 : memref<624x32xf32, #tpu.memory_space<vmem_shared>>) dst(%dma_wait3A_398 : memref<624x32xf32, #tpu.memory_space<hbm>>)
      tpu.yield
    }) : () -> ()
    %eq3A_385 = arith.constant 15 : i32
    %eq3A_386 = arith.cmpi eq, %arg1, %eq3A_385 : i32
    %convert_element_type3A_387 = arith.extui %eq3A_386 : i1 to i32
    %cond3A_388 = arith.constant 0 : i32
    %cond3A_389 = arith.cmpi ne, %convert_element_type3A_387, %cond3A_388 : i32
    scf.if %cond3A_389 {
      "tpu.region"() ({
        %run_scoped3A_390 = tpu.sem_alloc : memref<!tpu.dma_semaphore, #tpu.memory_space<semaphore_mem>>
        %dma_start3A_391 = arith.constant 9984 : i32
        %dma_start3A_392 = arith.constant 0 : i32
        %dma_start3A_393 = tpu.memref_slice %arg5[%arg0, %dma_start3A_391, %dma_start3A_392] : memref<2x10000x32xf32, #tpu.memory_space<hbm>> -> memref<1x16x32xf32, #tpu.memory_space<hbm>>
        %dma_start3A_394 = tpu.memref_squeeze %dma_start3A_393 : memref<1x16x32xf32, #tpu.memory_space<hbm>> -> memref<16x32xf32, #tpu.memory_space<hbm>>
        %dma_start3A_395 = arith.constant 9984 : i32
        %dma_start3A_396 = arith.constant 0 : i32
        %dma_start3A_397 = tpu.memref_slice %arg9[%dma_start3A_395, %dma_start3A_396] : memref<10000x32xf32, #tpu.memory_space<vmem_shared>> -> memref<16x32xf32, #tpu.memory_space<vmem_shared>>
        tpu.enqueue_dma source(%dma_start3A_397 : memref<16x32xf32, #tpu.memory_space<vmem_shared>>) target(%dma_start3A_394 : memref<16x32xf32, #tpu.memory_space<hbm>>) target_semaphore(%run_scoped3A_390 : memref<!tpu.dma_semaphore, #tpu.memory_space<semaphore_mem>>)
        %dma_wait3A_398 = arith.constant 9984 : i32
        %dma_wait3A_399 = arith.constant 0 : i32
        %dma_wait3A_400 = tpu.memref_slice %arg5[%arg0, %dma_wait3A_398, %dma_wait3A_399] : memref<2x10000x32xf32, #tpu.memory_space<hbm>> -> memref<1x16x32xf32, #tpu.memory_space<hbm>>
        %dma_wait3A_401 = tpu.memref_squeeze %dma_wait3A_400 : memref<1x16x32xf32, #tpu.memory_space<hbm>> -> memref<16x32xf32, #tpu.memory_space<hbm>>
        %dma_wait3A_402 = arith.constant 9984 : i32
        %dma_wait3A_403 = arith.constant 0 : i32
        %dma_wait3A_404 = tpu.memref_slice %arg9[%dma_wait3A_402, %dma_wait3A_403] : memref<10000x32xf32, #tpu.memory_space<vmem_shared>> -> memref<16x32xf32, #tpu.memory_space<vmem_shared>>
        tpu.wait_dma2 semaphore(%run_scoped3A_390 : memref<!tpu.dma_semaphore, #tpu.memory_space<semaphore_mem>>) src(%dma_wait3A_404 : memref<16x32xf32, #tpu.memory_space<vmem_shared>>) dst(%dma_wait3A_401 : memref<16x32xf32, #tpu.memory_space<hbm>>)
        tpu.yield
      }) : () -> ()
    } else {
    }
    return
  }
}

module attributes {stable_mosaic.version = 14 : i64} {
  func.func @_mm1_body(%arg0: memref<2500x512xf32, #tpu.memory_space<vmem>>, %arg1: memref<512x128xf32, #tpu.memory_space<vmem>>, %arg2: memref<2500x128xf32, #tpu.memory_space<vmem>>) attributes {dimension_semantics = [], scalar_prefetch = 0 : i64, scratch_operands = 0 : i64, tpu.core_type = #tpu.core_type<tc>} {
    %get3A = arith.constant 0 : index
    %get3A_0 = arith.constant 0 : index
    %get3A_1 = vector.load %arg0[%get3A, %get3A_0] : memref<2500x512xf32, #tpu.memory_space<vmem>>, vector<2500x512xf32>
    %get3A_2 = arith.constant 0 : index
    %get3A_3 = arith.constant 0 : index
    %get3A_4 = vector.load %arg1[%get3A_2, %get3A_3] : memref<512x128xf32, #tpu.memory_space<vmem>>, vector<512x128xf32>
    %dot_general3A = arith.constant dense<0.000000e+00> : vector<2500x128xf32>
    %dot_general3A_5 = tpu.matmul %get3A_1, %get3A_4, %dot_general3A {dimension_numbers = #tpu.dot_dimension_numbers<[1], [0], [0], [1], [0, 0, 1, 1], [], []>, transpose_lhs_hint = false} : vector<2500x512xf32>, vector<512x128xf32>, vector<2500x128xf32> -> vector<2500x128xf32>
    %swap3A = arith.constant 0 : index
    %swap3A_6 = arith.constant 0 : index
    %swap3A_7 = vector.load %arg2[%swap3A, %swap3A_6] : memref<2500x128xf32, #tpu.memory_space<vmem>>, vector<2500x128xf32>
    tpu.vector_store %arg2[%swap3A, %swap3A_6], %dot_general3A_5 {strides = array<i32>} : memref<2500x128xf32, #tpu.memory_space<vmem>>, vector<2500x128xf32>,
    return
  }
}

module attributes {stable_mosaic.version = 14 : i64} {
  func.func @_norm1_body(%arg0: memref<2x1250x128xf32, #tpu.memory_space<vmem>>, %arg1: memref<2x1250x128xf32, #tpu.memory_space<vmem>>, %arg2: memref<2500x128xf32, #tpu.memory_space<vmem>>, %arg3: memref<2500x128xf32, #tpu.memory_space<vmem>>, %arg4: memref<2500x128xf32, #tpu.memory_space<vmem>>, %arg5: memref<2500x128xf32, #tpu.memory_space<vmem>>) attributes {dimension_semantics = [], scalar_prefetch = 0 : i64, scratch_operands = 0 : i64, tpu.core_type = #tpu.core_type<tc>} {
    %get3A = arith.constant 0 : index
    %get3A_0 = arith.constant 0 : index
    %get3A_1 = arith.constant 0 : index
    %get3A_2 = vector.load %arg0[%get3A, %get3A_0, %get3A_1] : memref<2x1250x128xf32, #tpu.memory_space<vmem>>, vector<1x1250x128xf32>
    %get3A_3 = vector.shape_cast %get3A_2 : vector<1x1250x128xf32> to vector<1250x128xf32>
    %get3A_4 = arith.constant 1 : index
    %get3A_5 = arith.constant 0 : index
    %get3A_6 = arith.constant 0 : index
    %get3A_7 = vector.load %arg0[%get3A_4, %get3A_5, %get3A_6] : memref<2x1250x128xf32, #tpu.memory_space<vmem>>, vector<1x1250x128xf32>
    %get3A_8 = vector.shape_cast %get3A_7 : vector<1x1250x128xf32> to vector<1250x128xf32>
    %add3A = arith.addf %get3A_3, %get3A_8 : vector<1250x128xf32>
    %max3A = arith.constant 1.000000e+00 : f32
    %max3A_9 = vector.broadcast %max3A : f32 to vector<1250x128xf32>
    %max3A_10 = arith.maximumf %add3A, %max3A_9 : vector<1250x128xf32>
    %rsqrt3A = math.rsqrt %max3A_10 : vector<1250x128xf32>
    %get3A_11 = arith.constant 0 : index
    %get3A_12 = arith.constant 0 : index
    %get3A_13 = arith.constant 0 : index
    %get3A_14 = vector.load %arg1[%get3A_11, %get3A_12, %get3A_13] : memref<2x1250x128xf32, #tpu.memory_space<vmem>>, vector<1x1250x128xf32>
    %get3A_15 = vector.shape_cast %get3A_14 : vector<1x1250x128xf32> to vector<1250x128xf32>
    %get3A_16 = arith.constant 1 : index
    %get3A_17 = arith.constant 0 : index
    %get3A_18 = arith.constant 0 : index
    %get3A_19 = vector.load %arg1[%get3A_16, %get3A_17, %get3A_18] : memref<2x1250x128xf32, #tpu.memory_space<vmem>>, vector<1x1250x128xf32>
    %get3A_20 = vector.shape_cast %get3A_19 : vector<1x1250x128xf32> to vector<1250x128xf32>
    %add3A_21 = arith.addf %get3A_15, %get3A_20 : vector<1250x128xf32>
    %max3A_22 = arith.constant 1.000000e+00 : f32
    %max3A_23 = vector.broadcast %max3A_22 : f32 to vector<1250x128xf32>
    %max3A_24 = arith.maximumf %add3A_21, %max3A_23 : vector<1250x128xf32>
    %rsqrt3A_25 = math.rsqrt %max3A_24 : vector<1250x128xf32>
    %broadcast_in_dim3A = vector.shape_cast %rsqrt3A : vector<1250x128xf32> to vector<1250x1x128xf32>
    %broadcast_in_dim3A_26 = vector.shape_cast %broadcast_in_dim3A : vector<1250x1x128xf32> to vector<1250x1x128xf32>
    %broadcast_in_dim3A_27 = vector.broadcast %broadcast_in_dim3A_26 : vector<1250x1x128xf32> to vector<1250x2x128xf32>
    %reshape3A = vector.shape_cast %broadcast_in_dim3A_27 : vector<1250x2x128xf32> to vector<2500x128xf32>
    %iota3A = tpu.iota {dimensions = array<i32: 0>} : vector<128x128xi32>
    %iota3A_28 = tpu.iota {dimensions = array<i32: 1>} : vector<128x128xi32>
    %jit3A = arith.constant 32 : i32
    %div3A = vector.broadcast %jit3A : i32 to vector<128x128xi32>
    %div3A_29 = arith.divsi %iota3A_28, %div3A : vector<128x128xi32>
    %sign3A = arith.constant 0 : i32
    %sign3A_30 = vector.broadcast %sign3A : i32 to vector<128x128xi32>
    %sign3A_31 = arith.cmpi sgt, %iota3A_28, %sign3A_30 : vector<128x128xi32>
    %sign3A_32 = arith.extui %sign3A_31 : vector<128x128xi1> to vector<128x128xi32>
    %sign3A_33 = arith.constant 0 : i32
    %sign3A_34 = vector.broadcast %sign3A_33 : i32 to vector<128x128xi32>
    %sign3A_35 = arith.cmpi slt, %iota3A_28, %sign3A_34 : vector<128x128xi32>
    %sign3A_36 = arith.extui %sign3A_35 : vector<128x128xi1> to vector<128x128xi32>
    %sign3A_37 = arith.subi %sign3A_32, %sign3A_36 : vector<128x128xi32>
    %sign3A_38 = arith.constant 0 : i32
    %sign3A_39 = arith.cmpi sgt, %jit3A, %sign3A_38 : i32
    %sign3A_40 = arith.extui %sign3A_39 : i1 to i32
    %sign3A_41 = arith.constant 0 : i32
    %sign3A_42 = arith.cmpi slt, %jit3A, %sign3A_41 : i32
    %sign3A_43 = arith.extui %sign3A_42 : i1 to i32
    %sign3A_44 = arith.subi %sign3A_40, %sign3A_43 : i32
    %ne3A = vector.broadcast %sign3A_44 : i32 to vector<128x128xi32>
    %ne3A_45 = arith.cmpi ne, %sign3A_37, %ne3A : vector<128x128xi32>
    %rem3A = vector.broadcast %jit3A : i32 to vector<128x128xi32>
    %rem3A_46 = arith.remsi %iota3A_28, %rem3A : vector<128x128xi32>
    %ne3A_47 = arith.constant 0 : i32
    %ne3A_48 = vector.broadcast %ne3A_47 : i32 to vector<128x128xi32>
    %ne3A_49 = arith.cmpi ne, %rem3A_46, %ne3A_48 : vector<128x128xi32>
    %and3A = arith.andi %ne3A_45, %ne3A_49 : vector<128x128xi1>
    %sub3A = arith.constant 1 : i32
    %sub3A_50 = vector.broadcast %sub3A : i32 to vector<128x128xi32>
    %sub3A_51 = arith.subi %div3A_29, %sub3A_50 : vector<128x128xi32>
    %select_n3A = arith.select %and3A, %sub3A_51, %div3A_29 : vector<128x128xi1>, vector<128x128xi32>
    %mul3A = arith.constant 16 : i32
    %mul3A_52 = vector.broadcast %mul3A : i32 to vector<128x128xi32>
    %mul3A_53 = arith.muli %mul3A_52, %select_n3A : vector<128x128xi32>
    %eq3A = arith.cmpi eq, %iota3A, %mul3A_53 : vector<128x128xi32>
    %convert_element_type3A = arith.extui %eq3A : vector<128x128xi1> to vector<128x128xi32>
    %convert_element_type3A_54 = arith.sitofp %convert_element_type3A : vector<128x128xi32> to vector<128x128xf32>
    %jit3A_55 = arith.constant 32 : i32
    %div3A_56 = vector.broadcast %jit3A_55 : i32 to vector<128x128xi32>
    %div3A_57 = arith.divsi %iota3A_28, %div3A_56 : vector<128x128xi32>
    %sign3A_58 = arith.constant 0 : i32
    %sign3A_59 = vector.broadcast %sign3A_58 : i32 to vector<128x128xi32>
    %sign3A_60 = arith.cmpi sgt, %iota3A_28, %sign3A_59 : vector<128x128xi32>
    %sign3A_61 = arith.extui %sign3A_60 : vector<128x128xi1> to vector<128x128xi32>
    %sign3A_62 = arith.constant 0 : i32
    %sign3A_63 = vector.broadcast %sign3A_62 : i32 to vector<128x128xi32>
    %sign3A_64 = arith.cmpi slt, %iota3A_28, %sign3A_63 : vector<128x128xi32>
    %sign3A_65 = arith.extui %sign3A_64 : vector<128x128xi1> to vector<128x128xi32>
    %sign3A_66 = arith.subi %sign3A_61, %sign3A_65 : vector<128x128xi32>
    %sign3A_67 = arith.constant 0 : i32
    %sign3A_68 = arith.cmpi sgt, %jit3A_55, %sign3A_67 : i32
    %sign3A_69 = arith.extui %sign3A_68 : i1 to i32
    %sign3A_70 = arith.constant 0 : i32
    %sign3A_71 = arith.cmpi slt, %jit3A_55, %sign3A_70 : i32
    %sign3A_72 = arith.extui %sign3A_71 : i1 to i32
    %sign3A_73 = arith.subi %sign3A_69, %sign3A_72 : i32
    %ne3A_74 = vector.broadcast %sign3A_73 : i32 to vector<128x128xi32>
    %ne3A_75 = arith.cmpi ne, %sign3A_66, %ne3A_74 : vector<128x128xi32>
    %rem3A_76 = vector.broadcast %jit3A_55 : i32 to vector<128x128xi32>
    %rem3A_77 = arith.remsi %iota3A_28, %rem3A_76 : vector<128x128xi32>
    %ne3A_78 = arith.constant 0 : i32
    %ne3A_79 = vector.broadcast %ne3A_78 : i32 to vector<128x128xi32>
    %ne3A_80 = arith.cmpi ne, %rem3A_77, %ne3A_79 : vector<128x128xi32>
    %and3A_81 = arith.andi %ne3A_75, %ne3A_80 : vector<128x128xi1>
    %sub3A_82 = arith.constant 1 : i32
    %sub3A_83 = vector.broadcast %sub3A_82 : i32 to vector<128x128xi32>
    %sub3A_84 = arith.subi %div3A_57, %sub3A_83 : vector<128x128xi32>
    %select_n3A_85 = arith.select %and3A_81, %sub3A_84, %div3A_57 : vector<128x128xi1>, vector<128x128xi32>
    %add3A_86 = arith.constant 4 : i32
    %add3A_87 = vector.broadcast %add3A_86 : i32 to vector<128x128xi32>
    %add3A_88 = arith.addi %add3A_87, %select_n3A_85 : vector<128x128xi32>
    %mul3A_89 = arith.constant 16 : i32
    %mul3A_90 = vector.broadcast %mul3A_89 : i32 to vector<128x128xi32>
    %mul3A_91 = arith.muli %mul3A_90, %add3A_88 : vector<128x128xi32>
    %eq3A_92 = arith.cmpi eq, %iota3A, %mul3A_91 : vector<128x128xi32>
    %convert_element_type3A_93 = arith.extui %eq3A_92 : vector<128x128xi1> to vector<128x128xi32>
    %convert_element_type3A_94 = arith.sitofp %convert_element_type3A_93 : vector<128x128xi32> to vector<128x128xf32>
    %dot_general3A = arith.constant dense<0.000000e+00> : vector<2500x128xf32>
    %dot_general3A_95 = tpu.matmul %reshape3A, %convert_element_type3A_54, %dot_general3A {dimension_numbers = #tpu.dot_dimension_numbers<[1], [0], [0], [1], [0, 0, 1, 1], [], []>, transpose_lhs_hint = false} : vector<2500x128xf32>, vector<128x128xf32>, vector<2500x128xf32> -> vector<2500x128xf32>
    %dot_general3A_96 = arith.constant dense<0.000000e+00> : vector<2500x128xf32>
    %dot_general3A_97 = tpu.matmul %reshape3A, %convert_element_type3A_94, %dot_general3A_96 {dimension_numbers = #tpu.dot_dimension_numbers<[1], [0], [0], [1], [0, 0, 1, 1], [], []>, transpose_lhs_hint = false} : vector<2500x128xf32>, vector<128x128xf32>, vector<2500x128xf32> -> vector<2500x128xf32>
    %iota3A_98 = tpu.iota {dimensions = array<i32: 0>} : vector<2500x1xi32>
    %jit3A_99 = arith.constant 2 : i32
    %eq3A_100 = arith.constant 0 : i32
    %eq3A_101 = arith.cmpi eq, %jit3A_99, %eq3A_100 : i32
    %jit3A_102 = arith.constant 1 : i32
    %select_n3A_103 = arith.select %eq3A_101, %jit3A_102, %jit3A_99 : i32
    %rem3A_104 = vector.broadcast %select_n3A_103 : i32 to vector<2500x1xi32>
    %rem3A_105 = arith.remsi %iota3A_98, %rem3A_104 : vector<2500x1xi32>
    %ne3A_106 = arith.constant 0 : i32
    %ne3A_107 = vector.broadcast %ne3A_106 : i32 to vector<2500x1xi32>
    %ne3A_108 = arith.cmpi ne, %rem3A_105, %ne3A_107 : vector<2500x1xi32>
    %lt3A = arith.constant 0 : i32
    %lt3A_109 = vector.broadcast %lt3A : i32 to vector<2500x1xi32>
    %lt3A_110 = arith.cmpi slt, %rem3A_105, %lt3A_109 : vector<2500x1xi32>
    %lt3A_111 = arith.constant 0 : i32
    %lt3A_112 = arith.cmpi slt, %select_n3A_103, %lt3A_111 : i32
    %ne3A_113 = vector.broadcast %lt3A_112 : i1 to vector<2500x1xi1>
    %ne3A_114 = vector.broadcast %ne3A_113 : vector<2500x1xi1> to vector<2500x1xi1>
    %ne3A_115 = arith.xori %lt3A_110, %ne3A_114 : vector<2500x1xi1>
    %and3A_116 = arith.andi %ne3A_115, %ne3A_108 : vector<2500x1xi1>
    %add3A_117 = vector.broadcast %select_n3A_103 : i32 to vector<2500x1xi32>
    %add3A_118 = arith.addi %rem3A_105, %add3A_117 : vector<2500x1xi32>
    %select_n3A_119 = arith.select %and3A_116, %add3A_118, %rem3A_105 : vector<2500x1xi1>, vector<2500x1xi32>
    %eq3A_120 = arith.constant 0 : i32
    %eq3A_121 = vector.broadcast %eq3A_120 : i32 to vector<2500x1xi32>
    %eq3A_122 = arith.cmpi eq, %select_n3A_119, %eq3A_121 : vector<2500x1xi32>
    %broadcast_in_dim3A_123 = vector.shape_cast %eq3A_122 : vector<2500x1xi1> to vector<2500x1xi1>
    %broadcast_in_dim3A_124 = vector.broadcast %broadcast_in_dim3A_123 : vector<2500x1xi1> to vector<2500x128xi1>
    %select_n3A_125 = arith.select %broadcast_in_dim3A_124, %dot_general3A_95, %dot_general3A_97 : vector<2500x128xi1>, vector<2500x128xf32>
    %broadcast_in_dim3A_126 = vector.shape_cast %rsqrt3A_25 : vector<1250x128xf32> to vector<1250x1x128xf32>
    %broadcast_in_dim3A_127 = vector.shape_cast %broadcast_in_dim3A_126 : vector<1250x1x128xf32> to vector<1250x1x128xf32>
    %broadcast_in_dim3A_128 = vector.broadcast %broadcast_in_dim3A_127 : vector<1250x1x128xf32> to vector<1250x2x128xf32>
    %reshape3A_129 = vector.shape_cast %broadcast_in_dim3A_128 : vector<1250x2x128xf32> to vector<2500x128xf32>
    %iota3A_130 = tpu.iota {dimensions = array<i32: 0>} : vector<128x128xi32>
    %iota3A_131 = tpu.iota {dimensions = array<i32: 1>} : vector<128x128xi32>
    %jit3A_132 = arith.constant 32 : i32
    %div3A_133 = vector.broadcast %jit3A_132 : i32 to vector<128x128xi32>
    %div3A_134 = arith.divsi %iota3A_131, %div3A_133 : vector<128x128xi32>
    %sign3A_135 = arith.constant 0 : i32
    %sign3A_136 = vector.broadcast %sign3A_135 : i32 to vector<128x128xi32>
    %sign3A_137 = arith.cmpi sgt, %iota3A_131, %sign3A_136 : vector<128x128xi32>
    %sign3A_138 = arith.extui %sign3A_137 : vector<128x128xi1> to vector<128x128xi32>
    %sign3A_139 = arith.constant 0 : i32
    %sign3A_140 = vector.broadcast %sign3A_139 : i32 to vector<128x128xi32>
    %sign3A_141 = arith.cmpi slt, %iota3A_131, %sign3A_140 : vector<128x128xi32>
    %sign3A_142 = arith.extui %sign3A_141 : vector<128x128xi1> to vector<128x128xi32>
    %sign3A_143 = arith.subi %sign3A_138, %sign3A_142 : vector<128x128xi32>
    %sign3A_144 = arith.constant 0 : i32
    %sign3A_145 = arith.cmpi sgt, %jit3A_132, %sign3A_144 : i32
    %sign3A_146 = arith.extui %sign3A_145 : i1 to i32
    %sign3A_147 = arith.constant 0 : i32
    %sign3A_148 = arith.cmpi slt, %jit3A_132, %sign3A_147 : i32
    %sign3A_149 = arith.extui %sign3A_148 : i1 to i32
    %sign3A_150 = arith.subi %sign3A_146, %sign3A_149 : i32
    %ne3A_151 = vector.broadcast %sign3A_150 : i32 to vector<128x128xi32>
    %ne3A_152 = arith.cmpi ne, %sign3A_143, %ne3A_151 : vector<128x128xi32>
    %rem3A_153 = vector.broadcast %jit3A_132 : i32 to vector<128x128xi32>
    %rem3A_154 = arith.remsi %iota3A_131, %rem3A_153 : vector<128x128xi32>
    %ne3A_155 = arith.constant 0 : i32
    %ne3A_156 = vector.broadcast %ne3A_155 : i32 to vector<128x128xi32>
    %ne3A_157 = arith.cmpi ne, %rem3A_154, %ne3A_156 : vector<128x128xi32>
    %and3A_158 = arith.andi %ne3A_152, %ne3A_157 : vector<128x128xi1>
    %sub3A_159 = arith.constant 1 : i32
    %sub3A_160 = vector.broadcast %sub3A_159 : i32 to vector<128x128xi32>
    %sub3A_161 = arith.subi %div3A_134, %sub3A_160 : vector<128x128xi32>
    %select_n3A_162 = arith.select %and3A_158, %sub3A_161, %div3A_134 : vector<128x128xi1>, vector<128x128xi32>
    %mul3A_163 = arith.constant 16 : i32
    %mul3A_164 = vector.broadcast %mul3A_163 : i32 to vector<128x128xi32>
    %mul3A_165 = arith.muli %mul3A_164, %select_n3A_162 : vector<128x128xi32>
    %eq3A_166 = arith.cmpi eq, %iota3A_130, %mul3A_165 : vector<128x128xi32>
    %convert_element_type3A_167 = arith.extui %eq3A_166 : vector<128x128xi1> to vector<128x128xi32>
    %convert_element_type3A_168 = arith.sitofp %convert_element_type3A_167 : vector<128x128xi32> to vector<128x128xf32>
    %jit3A_169 = arith.constant 32 : i32
    %div3A_170 = vector.broadcast %jit3A_169 : i32 to vector<128x128xi32>
    %div3A_171 = arith.divsi %iota3A_131, %div3A_170 : vector<128x128xi32>
    %sign3A_172 = arith.constant 0 : i32
    %sign3A_173 = vector.broadcast %sign3A_172 : i32 to vector<128x128xi32>
    %sign3A_174 = arith.cmpi sgt, %iota3A_131, %sign3A_173 : vector<128x128xi32>
    %sign3A_175 = arith.extui %sign3A_174 : vector<128x128xi1> to vector<128x128xi32>
    %sign3A_176 = arith.constant 0 : i32
    %sign3A_177 = vector.broadcast %sign3A_176 : i32 to vector<128x128xi32>
    %sign3A_178 = arith.cmpi slt, %iota3A_131, %sign3A_177 : vector<128x128xi32>
    %sign3A_179 = arith.extui %sign3A_178 : vector<128x128xi1> to vector<128x128xi32>
    %sign3A_180 = arith.subi %sign3A_175, %sign3A_179 : vector<128x128xi32>
    %sign3A_181 = arith.constant 0 : i32
    %sign3A_182 = arith.cmpi sgt, %jit3A_169, %sign3A_181 : i32
    %sign3A_183 = arith.extui %sign3A_182 : i1 to i32
    %sign3A_184 = arith.constant 0 : i32
    %sign3A_185 = arith.cmpi slt, %jit3A_169, %sign3A_184 : i32
    %sign3A_186 = arith.extui %sign3A_185 : i1 to i32
    %sign3A_187 = arith.subi %sign3A_183, %sign3A_186 : i32
    %ne3A_188 = vector.broadcast %sign3A_187 : i32 to vector<128x128xi32>
    %ne3A_189 = arith.cmpi ne, %sign3A_180, %ne3A_188 : vector<128x128xi32>
    %rem3A_190 = vector.broadcast %jit3A_169 : i32 to vector<128x128xi32>
    %rem3A_191 = arith.remsi %iota3A_131, %rem3A_190 : vector<128x128xi32>
    %ne3A_192 = arith.constant 0 : i32
    %ne3A_193 = vector.broadcast %ne3A_192 : i32 to vector<128x128xi32>
    %ne3A_194 = arith.cmpi ne, %rem3A_191, %ne3A_193 : vector<128x128xi32>
    %and3A_195 = arith.andi %ne3A_189, %ne3A_194 : vector<128x128xi1>
    %sub3A_196 = arith.constant 1 : i32
    %sub3A_197 = vector.broadcast %sub3A_196 : i32 to vector<128x128xi32>
    %sub3A_198 = arith.subi %div3A_171, %sub3A_197 : vector<128x128xi32>
    %select_n3A_199 = arith.select %and3A_195, %sub3A_198, %div3A_171 : vector<128x128xi1>, vector<128x128xi32>
    %add3A_200 = arith.constant 4 : i32
    %add3A_201 = vector.broadcast %add3A_200 : i32 to vector<128x128xi32>
    %add3A_202 = arith.addi %add3A_201, %select_n3A_199 : vector<128x128xi32>
    %mul3A_203 = arith.constant 16 : i32
    %mul3A_204 = vector.broadcast %mul3A_203 : i32 to vector<128x128xi32>
    %mul3A_205 = arith.muli %mul3A_204, %add3A_202 : vector<128x128xi32>
    %eq3A_206 = arith.cmpi eq, %iota3A_130, %mul3A_205 : vector<128x128xi32>
    %convert_element_type3A_207 = arith.extui %eq3A_206 : vector<128x128xi1> to vector<128x128xi32>
    %convert_element_type3A_208 = arith.sitofp %convert_element_type3A_207 : vector<128x128xi32> to vector<128x128xf32>
    %dot_general3A_209 = arith.constant dense<0.000000e+00> : vector<2500x128xf32>
    %dot_general3A_210 = tpu.matmul %reshape3A_129, %convert_element_type3A_168, %dot_general3A_209 {dimension_numbers = #tpu.dot_dimension_numbers<[1], [0], [0], [1], [0, 0, 1, 1], [], []>, transpose_lhs_hint = false} : vector<2500x128xf32>, vector<128x128xf32>, vector<2500x128xf32> -> vector<2500x128xf32>
    %dot_general3A_211 = arith.constant dense<0.000000e+00> : vector<2500x128xf32>
    %dot_general3A_212 = tpu.matmul %reshape3A_129, %convert_element_type3A_208, %dot_general3A_211 {dimension_numbers = #tpu.dot_dimension_numbers<[1], [0], [0], [1], [0, 0, 1, 1], [], []>, transpose_lhs_hint = false} : vector<2500x128xf32>, vector<128x128xf32>, vector<2500x128xf32> -> vector<2500x128xf32>
    %iota3A_213 = tpu.iota {dimensions = array<i32: 0>} : vector<2500x1xi32>
    %jit3A_214 = arith.constant 2 : i32
    %eq3A_215 = arith.constant 0 : i32
    %eq3A_216 = arith.cmpi eq, %jit3A_214, %eq3A_215 : i32
    %jit3A_217 = arith.constant 1 : i32
    %select_n3A_218 = arith.select %eq3A_216, %jit3A_217, %jit3A_214 : i32
    %rem3A_219 = vector.broadcast %select_n3A_218 : i32 to vector<2500x1xi32>
    %rem3A_220 = arith.remsi %iota3A_213, %rem3A_219 : vector<2500x1xi32>
    %ne3A_221 = arith.constant 0 : i32
    %ne3A_222 = vector.broadcast %ne3A_221 : i32 to vector<2500x1xi32>
    %ne3A_223 = arith.cmpi ne, %rem3A_220, %ne3A_222 : vector<2500x1xi32>
    %lt3A_224 = arith.constant 0 : i32
    %lt3A_225 = vector.broadcast %lt3A_224 : i32 to vector<2500x1xi32>
    %lt3A_226 = arith.cmpi slt, %rem3A_220, %lt3A_225 : vector<2500x1xi32>
    %lt3A_227 = arith.constant 0 : i32
    %lt3A_228 = arith.cmpi slt, %select_n3A_218, %lt3A_227 : i32
    %ne3A_229 = vector.broadcast %lt3A_228 : i1 to vector<2500x1xi1>
    %ne3A_230 = vector.broadcast %ne3A_229 : vector<2500x1xi1> to vector<2500x1xi1>
    %ne3A_231 = arith.xori %lt3A_226, %ne3A_230 : vector<2500x1xi1>
    %and3A_232 = arith.andi %ne3A_231, %ne3A_223 : vector<2500x1xi1>
    %add3A_233 = vector.broadcast %select_n3A_218 : i32 to vector<2500x1xi32>
    %add3A_234 = arith.addi %rem3A_220, %add3A_233 : vector<2500x1xi32>
    %select_n3A_235 = arith.select %and3A_232, %add3A_234, %rem3A_220 : vector<2500x1xi1>, vector<2500x1xi32>
    %eq3A_236 = arith.constant 0 : i32
    %eq3A_237 = vector.broadcast %eq3A_236 : i32 to vector<2500x1xi32>
    %eq3A_238 = arith.cmpi eq, %select_n3A_235, %eq3A_237 : vector<2500x1xi32>
    %broadcast_in_dim3A_239 = vector.shape_cast %eq3A_238 : vector<2500x1xi1> to vector<2500x1xi1>
    %broadcast_in_dim3A_240 = vector.broadcast %broadcast_in_dim3A_239 : vector<2500x1xi1> to vector<2500x128xi1>
    %select_n3A_241 = arith.select %broadcast_in_dim3A_240, %dot_general3A_210, %dot_general3A_212 : vector<2500x128xi1>, vector<2500x128xf32>
    %swap3A = arith.constant 0 : index
    %swap3A_242 = arith.constant 0 : index
    %swap3A_243 = vector.load %arg4[%swap3A, %swap3A_242] : memref<2500x128xf32, #tpu.memory_space<vmem>>, vector<2500x128xf32>
    tpu.vector_store %arg4[%swap3A, %swap3A_242], %select_n3A_125 {strides = array<i32>} : memref<2500x128xf32, #tpu.memory_space<vmem>>, vector<2500x128xf32>,
    %swap3A_244 = arith.constant 0 : index
    %swap3A_245 = arith.constant 0 : index
    %swap3A_246 = vector.load %arg5[%swap3A_244, %swap3A_245] : memref<2500x128xf32, #tpu.memory_space<vmem>>, vector<2500x128xf32>
    tpu.vector_store %arg5[%swap3A_244, %swap3A_245], %select_n3A_241 {strides = array<i32>} : memref<2500x128xf32, #tpu.memory_space<vmem>>, vector<2500x128xf32>,
    %get3A_247 = arith.constant 0 : index
    %get3A_248 = arith.constant 0 : index
    %get3A_249 = vector.load %arg2[%get3A_247, %get3A_248] : memref<2500x128xf32, #tpu.memory_space<vmem>>, vector<2500x128xf32>
    %mul3A_250 = arith.mulf %get3A_249, %select_n3A_125 : vector<2500x128xf32>
    %swap3A_251 = arith.constant 0 : index
    %swap3A_252 = arith.constant 0 : index
    %swap3A_253 = vector.load %arg3[%swap3A_251, %swap3A_252] : memref<2500x128xf32, #tpu.memory_space<vmem>>, vector<2500x128xf32>
    tpu.vector_store %arg3[%swap3A_251, %swap3A_252], %mul3A_250 {strides = array<i32>} : memref<2500x128xf32, #tpu.memory_space<vmem>>, vector<2500x128xf32>,
    return
  }
}

module attributes {stable_mosaic.version = 14 : i64} {
  func.func @_layer2_body(%arg0: memref<2x2500x128xf32, #tpu.memory_space<vmem>>, %arg1: memref<2500x128xf32, #tpu.memory_space<vmem>>, %arg2: memref<2500x128xf32, #tpu.memory_space<vmem>>, %arg3: memref<1x128xf32, #tpu.memory_space<vmem>>, %arg4: memref<128x128xf32, #tpu.memory_space<vmem>>, %arg5: memref<2500x128xf32, #tpu.memory_space<vmem>>) attributes {dimension_semantics = [], scalar_prefetch = 0 : i64, scratch_operands = 0 : i64, tpu.core_type = #tpu.core_type<tc>} {
    %get3A = arith.constant 0 : index
    %get3A_0 = arith.constant 0 : index
    %get3A_1 = arith.constant 0 : index
    %get3A_2 = vector.load %arg0[%get3A, %get3A_0, %get3A_1] : memref<2x2500x128xf32, #tpu.memory_space<vmem>>, vector<1x2500x128xf32>
    %get3A_3 = vector.shape_cast %get3A_2 : vector<1x2500x128xf32> to vector<2500x128xf32>
    %get3A_4 = arith.constant 1 : index
    %get3A_5 = arith.constant 0 : index
    %get3A_6 = arith.constant 0 : index
    %get3A_7 = vector.load %arg0[%get3A_4, %get3A_5, %get3A_6] : memref<2x2500x128xf32, #tpu.memory_space<vmem>>, vector<1x2500x128xf32>
    %get3A_8 = vector.shape_cast %get3A_7 : vector<1x2500x128xf32> to vector<2500x128xf32>
    %add3A = arith.addf %get3A_3, %get3A_8 : vector<2500x128xf32>
    %get3A_9 = arith.constant 0 : index
    %get3A_10 = arith.constant 0 : index
    %get3A_11 = vector.load %arg1[%get3A_9, %get3A_10] : memref<2500x128xf32, #tpu.memory_space<vmem>>, vector<2500x128xf32>
    %mul3A = arith.mulf %add3A, %get3A_11 : vector<2500x128xf32>
    %get3A_12 = arith.constant 0 : index
    %get3A_13 = arith.constant 0 : index
    %get3A_14 = vector.load %arg3[%get3A_12, %get3A_13] : memref<1x128xf32, #tpu.memory_space<vmem>>, vector<1x128xf32>
    %add3A_15 = vector.broadcast %get3A_14 : vector<1x128xf32> to vector<2500x128xf32>
    %add3A_16 = arith.addf %mul3A, %add3A_15 : vector<2500x128xf32>
    %max3A = arith.constant 0.000000e+00 : f32
    %max3A_17 = vector.broadcast %max3A : f32 to vector<2500x128xf32>
    %max3A_18 = arith.maximumf %add3A_16, %max3A_17 : vector<2500x128xf32>
    %get3A_19 = arith.constant 0 : index
    %get3A_20 = arith.constant 0 : index
    %get3A_21 = vector.load %arg4[%get3A_19, %get3A_20] : memref<128x128xf32, #tpu.memory_space<vmem>>, vector<128x128xf32>
    %dot_general3A = arith.constant dense<0.000000e+00> : vector<2500x128xf32>
    %dot_general3A_22 = tpu.matmul %max3A_18, %get3A_21, %dot_general3A {dimension_numbers = #tpu.dot_dimension_numbers<[1], [0], [0], [1], [0, 0, 1, 1], [], []>, transpose_lhs_hint = false} : vector<2500x128xf32>, vector<128x128xf32>, vector<2500x128xf32> -> vector<2500x128xf32>
    %get3A_23 = arith.constant 0 : index
    %get3A_24 = arith.constant 0 : index
    %get3A_25 = vector.load %arg2[%get3A_23, %get3A_24] : memref<2500x128xf32, #tpu.memory_space<vmem>>, vector<2500x128xf32>
    %mul3A_26 = arith.mulf %dot_general3A_22, %get3A_25 : vector<2500x128xf32>
    %swap3A = arith.constant 0 : index
    %swap3A_27 = arith.constant 0 : index
    %swap3A_28 = vector.load %arg5[%swap3A, %swap3A_27] : memref<2500x128xf32, #tpu.memory_space<vmem>>, vector<2500x128xf32>
    tpu.vector_store %arg5[%swap3A, %swap3A_27], %mul3A_26 {strides = array<i32>} : memref<2500x128xf32, #tpu.memory_space<vmem>>, vector<2500x128xf32>,
    return
  }
}

module attributes {stable_mosaic.version = 14 : i64} {
  func.func @_head_body(%arg0: memref<2x2500x128xf32, #tpu.memory_space<vmem>>, %arg1: memref<2500x128xf32, #tpu.memory_space<vmem>>, %arg2: memref<1x128xf32, #tpu.memory_space<vmem>>, %arg3: memref<128x128xf32, #tpu.memory_space<vmem>>, %arg4: memref<1x128xf32, #tpu.memory_space<vmem>>, %arg5: memref<128x8xf32, #tpu.memory_space<vmem>>, %arg6: memref<1x8xf32, #tpu.memory_space<vmem>>, %arg7: memref<2500x8xf32, #tpu.memory_space<vmem>>) attributes {dimension_semantics = [], scalar_prefetch = 0 : i64, scratch_operands = 0 : i64, tpu.core_type = #tpu.core_type<tc>} {
    %get3A = arith.constant 0 : index
    %get3A_0 = arith.constant 0 : index
    %get3A_1 = arith.constant 0 : index
    %get3A_2 = vector.load %arg0[%get3A, %get3A_0, %get3A_1] : memref<2x2500x128xf32, #tpu.memory_space<vmem>>, vector<1x2500x128xf32>
    %get3A_3 = vector.shape_cast %get3A_2 : vector<1x2500x128xf32> to vector<2500x128xf32>
    %get3A_4 = arith.constant 1 : index
    %get3A_5 = arith.constant 0 : index
    %get3A_6 = arith.constant 0 : index
    %get3A_7 = vector.load %arg0[%get3A_4, %get3A_5, %get3A_6] : memref<2x2500x128xf32, #tpu.memory_space<vmem>>, vector<1x2500x128xf32>
    %get3A_8 = vector.shape_cast %get3A_7 : vector<1x2500x128xf32> to vector<2500x128xf32>
    %add3A = arith.addf %get3A_3, %get3A_8 : vector<2500x128xf32>
    %get3A_9 = arith.constant 0 : index
    %get3A_10 = arith.constant 0 : index
    %get3A_11 = vector.load %arg1[%get3A_9, %get3A_10] : memref<2500x128xf32, #tpu.memory_space<vmem>>, vector<2500x128xf32>
    %mul3A = arith.mulf %add3A, %get3A_11 : vector<2500x128xf32>
    %get3A_12 = arith.constant 0 : index
    %get3A_13 = arith.constant 0 : index
    %get3A_14 = vector.load %arg2[%get3A_12, %get3A_13] : memref<1x128xf32, #tpu.memory_space<vmem>>, vector<1x128xf32>
    %add3A_15 = vector.broadcast %get3A_14 : vector<1x128xf32> to vector<2500x128xf32>
    %add3A_16 = arith.addf %mul3A, %add3A_15 : vector<2500x128xf32>
    %max3A = arith.constant 0.000000e+00 : f32
    %max3A_17 = vector.broadcast %max3A : f32 to vector<2500x128xf32>
    %max3A_18 = arith.maximumf %add3A_16, %max3A_17 : vector<2500x128xf32>
    %get3A_19 = arith.constant 0 : index
    %get3A_20 = arith.constant 0 : index
    %get3A_21 = vector.load %arg3[%get3A_19, %get3A_20] : memref<128x128xf32, #tpu.memory_space<vmem>>, vector<128x128xf32>
    %dot_general3A = arith.constant dense<0.000000e+00> : vector<2500x128xf32>
    %dot_general3A_22 = tpu.matmul %max3A_18, %get3A_21, %dot_general3A {dimension_numbers = #tpu.dot_dimension_numbers<[1], [0], [0], [1], [0, 0, 1, 1], [], []>, transpose_lhs_hint = false} : vector<2500x128xf32>, vector<128x128xf32>, vector<2500x128xf32> -> vector<2500x128xf32>
    %get3A_23 = arith.constant 0 : index
    %get3A_24 = arith.constant 0 : index
    %get3A_25 = vector.load %arg4[%get3A_23, %get3A_24] : memref<1x128xf32, #tpu.memory_space<vmem>>, vector<1x128xf32>
    %add3A_26 = vector.broadcast %get3A_25 : vector<1x128xf32> to vector<2500x128xf32>
    %add3A_27 = arith.addf %dot_general3A_22, %add3A_26 : vector<2500x128xf32>
    %max3A_28 = arith.constant 0.000000e+00 : f32
    %max3A_29 = vector.broadcast %max3A_28 : f32 to vector<2500x128xf32>
    %max3A_30 = arith.maximumf %add3A_27, %max3A_29 : vector<2500x128xf32>
    %get3A_31 = arith.constant 0 : index
    %get3A_32 = arith.constant 0 : index
    %get3A_33 = vector.load %arg5[%get3A_31, %get3A_32] : memref<128x8xf32, #tpu.memory_space<vmem>>, vector<128x8xf32>
    %dot_general3A_34 = arith.constant dense<0.000000e+00> : vector<2500x8xf32>
    %dot_general3A_35 = tpu.matmul %max3A_30, %get3A_33, %dot_general3A_34 {dimension_numbers = #tpu.dot_dimension_numbers<[1], [0], [0], [1], [0, 0, 1, 1], [], []>, transpose_lhs_hint = false} : vector<2500x128xf32>, vector<128x8xf32>, vector<2500x8xf32> -> vector<2500x8xf32>
    %get3A_36 = arith.constant 0 : index
    %get3A_37 = arith.constant 0 : index
    %get3A_38 = vector.load %arg6[%get3A_36, %get3A_37] : memref<1x8xf32, #tpu.memory_space<vmem>>, vector<1x8xf32>
    %add3A_39 = vector.broadcast %get3A_38 : vector<1x8xf32> to vector<2500x8xf32>
    %add3A_40 = arith.addf %dot_general3A_35, %add3A_39 : vector<2500x8xf32>
    %swap3A = arith.constant 0 : index
    %swap3A_41 = arith.constant 0 : index
    %swap3A_42 = vector.load %arg7[%swap3A, %swap3A_41] : memref<2500x8xf32, #tpu.memory_space<vmem>>, vector<2500x8xf32>
    tpu.vector_store %arg7[%swap3A, %swap3A_41], %add3A_40 {strides = array<i32>} : memref<2500x8xf32, #tpu.memory_space<vmem>>, vector<2500x8xf32>,
    return
  }
}

</mosaic_0001>

<sc_bundles>
// kernel: kernel.12.cloned.1.call-start
scs
__scs_entry_jumppad:
0x0: {  	(pc) =	sbr.rel $0x88, $3  }
0x1: {  	(tag) =	ssettag $0x0;
	lr =	simm.s32 $0x1  }
0x2: {  	[smem:$0x3F97] =	sst lr;
	_ =	strace $0xD0000000  }
0x3: {  	_ = 	snop  }
0x4: {  	_ = 	snop  }
0x5: {  	_ = 	snop  }
0x6: {  	_ = 	snop  }
0x7: {  	_ = 	snop  }
__scs_overlays_trampoline_lowered:
0x8: {  	[smem:$0x3FA6] =	sst s0  }
0x9: {  	[smem:$0x3FA7] =	sst s1  }
0xa: {  	[smem:$0x3FA8] =	sst s2  }
0xb: {  	[smem:$0x3FA9] =	sst s3  }
0xc: {  	[smem:$0x3FAA] =	sst s4  }
0xd: {  	[smem:$0x3FAB] =	sst s5  }
0xe: {  	[smem:$0x3FAC] =	sst s6  }
0xf: {  	[smem:$0x3FAD] =	sst s7  }
0x10: {  	[smem:$0x3FAE] =	sst s8  }
0x11: {  	[smem:$0x3FAF] =	sst s9;
	s0 =	simm.s32 @!p0 $0x0  }
0x12: {  	s1 =	sld [smem:$0x3F95];
	s0 =	simm.s32 @p0 $0x1  }
0x13: {  	[smem:$0x3FB0] =	sst s0;
	s0 =	simm.s32 @!p1 $0x0  }
0x14: {  	s2 =	sld [smem:$0x3F94];
	s0 =	simm.s32 @p1 $0x1  }
0x15: {  	[smem:$0x3FB1] =	sst s0;
	s0 =	simm.s32 @!p2 $0x0  }
0x16: {  	s3 =	sld [smem:$0x3FDB];
	s0 =	simm.s32 @p2 $0x1  }
0x17: {  	s4 =	simm.s32 $0x1BF5;
	[smem:$0x3FB3] =	sst s0  }
0x18: {  	s0 =	sld [smem:$0x3F96];
	_ =	swait.ge [sflag:s4], $0x0  }
0x19: {  	s7 =	sld [smem:$0x3F97]  }
0x1a: {  	s8 =	sadd.s32 $0xFFFFE003, lr  }
0x1b: {  	s9 =	sadd.s32 $0xFFFFFEF7, lr;
	s5 =	simm.s32 $0xFFFFFFFF;
	p2 =	slt.u32 s8, $0xFFFFF086  }
0x1c: {  	p1 =	slt.u32 s9, $0xF7A;
	s5 =	simm.s32 @!p2 $0x0  }
0x1d: {  	s5 =	simm.s32 @p1 $0x1;
	p0 =	seq.s32 s7, s2  }
0x1e: {  	s7 =	smul.u32 @!p0 $0xF7A, s2;
	p2 =	seq.s32 @!p0 s5, $0x0  }
0x1f: {  	s9 =	smul.u32 $0xF7A, s1;
	s8 =	simm.s32 @!p0 $0x1BF5;
	p2 =	por !p2, p0  }
0x20: {  	[sflag:s8] =	ssyncset.s32 @!p0 $0xFFFFF086;
	s6 =	sadd.s32 @!p0 s3, s7;
	s7 =	simm.s32 @!p0 $0x108  }
0x21: {  	s3 =	sadd.s32 s3, s9;
	s6 =	sadd.s32 @!p0 $0x88, s6;
	s7 =	simm.s32 @p2 $0x1082  }
0x22: {  	[simem:s7], [sflag:s8] =	dma.local @!p0 [hbm:s6], $0xF7A  }
0x23: {  	s9 =	sor.u32 $0xD0000000, s2;
	s6 =	simm.s32 $0x108;
	_ =	swait.ge @!p0 [sflag:s8], $0x0  }
0x24: {  	s3 =	sadd.s32 $0x88, s3;
	s6 =	simm.s32 @!p1 $0x1082;
	[sflag:s4] =	ssyncset.s32 $0xFFFFF086  }
0x25: {  	[simem:s6], [sflag:s4] =	dma.local [hbm:s3], $0xF7A  }
0x26: {  	[smem:$0x3F97] =	sst s1;
	(tag) =	ssettag s2;
	_ =	strace s9  }
0x27: {  	s1 =	sld [smem:$0x3FA7]  }
0x28: {  	s2 =	sld [smem:$0x3FA8]  }
0x29: {  	s4 =	sld [smem:$0x3FAA]  }
0x2a: {  	p0 =	seq.s32 s5, $0x0;
	s5 =	sld [smem:$0x3FAB]  }
0x2b: {  	s6 =	sld [smem:$0x3FAC]  }
0x2c: {  	s7 =	sld [smem:$0x3FAD]  }
0x2d: {  	s3 =	simm.s32 $0x108;
	s8 =	sld [smem:$0x3FAE]  }
0x2e: {  	s3 =	simm.s32 @!p0 $0x1082;
	s9 =	sld [smem:$0x3FAF]  }
0x2f: {  	lr =	sadd.s32 s0, s3;
	s0 =	sld [smem:$0x3FA6]  }
0x30: {  	s3 =	sld [smem:$0x3FA9]  }
0x31: {  	[smem:$0x3FB2] =	sst s10  }
0x32: {  	s10 =	sld [smem:$0x3FB0];
	_ =	sdelay $0x3  }
0x33: {  	p0 =	seq.s32 s10, $0x1;
	s10 =	sld [smem:$0x3FB2];
	_ =	sdelay $0x3  }
0x34: {  	[smem:$0x3FB2] =	sst s10  }
0x35: {  	s10 =	sld [smem:$0x3FB1];
	_ =	sdelay $0x3  }
0x36: {  	p1 =	seq.s32 s10, $0x1;
	s10 =	sld [smem:$0x3FB2];
	_ =	sdelay $0x3  }
0x37: {  	[smem:$0x3FB2] =	sst s10  }
0x38: {  	s10 =	sld [smem:$0x3FB3]  }
0x39: {  	_ = 	snop;
	(pc) =	sbr.ind lr, $3  }
0x3a: {  	_ = 	snop  }
0x3b: {  	_ = 	snop  }
0x3c: {  	p2 =	seq.s32 s10, $0x1;
	s10 =	sld [smem:$0x3FB2]  }
0x3d: {  	_ =	shalt  }
0x3e: {  	_ =	shalt  }
0x3f: {  	_ =	shalt  }
0x40: {  	_ =	shalt  }
0x41: {  	_ =	shalt  }
0x42: {  	_ =	shalt  }
0x43: {  	_ =	shalt  }
0x44: {  	_ =	shalt  }
0x45: {  	_ =	shalt  }
0x46: {  	_ =	shalt  }
0x47: {  	_ =	shalt  }
0x48: {  	_ =	shalt  }
0x49: {  	_ =	shalt  }
0x4a: {  	_ =	shalt  }
0x4b: {  	_ =	shalt  }
0x4c: {  	_ =	shalt  }
0x4d: {  	_ =	shalt  }
0x4e: {  	_ =	shalt  }
0x4f: {  	_ =	shalt  }
0x50: {  	_ =	shalt  }
0x51: {  	_ =	shalt  }
0x52: {  	_ =	shalt  }
0x53: {  	_ =	shalt  }
0x54: {  	_ =	shalt  }
0x55: {  	_ =	shalt  }
0x56: {  	_ =	shalt  }
0x57: {  	_ =	shalt  }
0x58: {  	_ =	shalt  }
0x59: {  	_ =	shalt  }
0x5a: {  	_ =	shalt  }
0x5b: {  	_ =	shalt  }
0x5c: {  	_ =	shalt  }
0x5d: {  	_ =	shalt  }
0x5e: {  	_ =	shalt  }
0x5f: {  	_ =	shalt  }
0x60: {  	_ =	shalt  }
0x61: {  	_ =	shalt  }
0x62: {  	_ =	shalt  }
0x63: {  	_ =	shalt  }
0x64: {  	_ =	shalt  }
0x65: {  	_ =	shalt  }
0x66: {  	_ =	shalt  }
0x67: {  	_ =	shalt  }
0x68: {  	_ =	shalt  }
0x69: {  	_ =	shalt  }
0x6a: {  	_ =	shalt  }
0x6b: {  	_ =	shalt  }
0x6c: {  	_ =	shalt  }
0x6d: {  	_ =	shalt  }
0x6e: {  	_ =	shalt  }
0x6f: {  	_ =	shalt  }
0x70: {  	_ =	shalt  }
0x71: {  	_ =	shalt  }
0x72: {  	_ =	shalt  }
0x73: {  	_ =	shalt  }
0x74: {  	_ =	shalt  }
0x75: {  	_ =	shalt  }
0x76: {  	_ =	shalt  }
0x77: {  	_ =	shalt  }
0x78: {  	_ =	shalt  }
0x79: {  	_ =	shalt  }
0x7a: {  	_ =	shalt  }
0x7b: {  	_ =	shalt  }
0x7c: {  	_ =	shalt  }
0x7d: {  	_ =	shalt  }
0x7e: {  	_ =	shalt  }
0x7f: {  	_ =	shalt  }
0x80: {  	_ =	shalt  }
0x81: {  	_ =	shalt  }
0x82: {  	_ =	shalt  }
0x83: {  	_ =	shalt  }
0x84: {  	_ =	shalt  }
0x85: {  	_ =	shalt  }
0x86: {  	_ =	shalt  }
0x87: {  	_ =	shalt  }
.Lfunc_end0:
.L_simem_size_0:
called_computation.1_lowered:
.L_overlay_start_0:
0x88: {  	s2 =	sld [smem:$0x3FD9]  }
0x89: {  	s3 =	sld [smem:$0x3FFE];
	_ =	sdelay $0x1  }
0x8a: {  	s1 =	srdreg.scid  }
0x8b: {  	s0 =	sand.u32 $0x1, s1  }
0x8c: {  	s16 =	sshll.u32 s0, $0xA;
	s2 =	sadd.s32 s3, s2  }
0x8d: {  	s2 =	sadd.s32 s2, s16  }
0x8e: {  	[smem:$0x3FBE] =	sst s2  }
0x8f: {  	_ = 	snop  }
0x90: {  	(tm) =	ssettm $0x1  }
0x91: {  	s17 =	sld [smem:$0x3FFB];
	_ =	sdelay $0x3  }
0x92: {  	_ =	strace s17  }
0x93: {  	s2 =	sld [smem:$0x3FFC];
	_ =	sdelay $0x3  }
0x94: {  	_ =	strace s2  }
0x95: {  	s2 =	sld [smem:$0x3FFD];
	_ =	sdelay $0x3  }
0x96: {  	_ =	strace s2  }
0x97: {  	_ =	strace $0x8FFFFFFF  }
0x98: {  	s18 =	sld [smem:$0x3FDB];
	_ =	sdelay $0x1  }
0x99: {  	s19 =	simm.s32 $_scs_section_size  }
0x9a: {  	s4 =	simm.s32 $_size__tile_overlayer_lowered;
	s5 =	simm.s32 $_tile_overlayer_lowered  }
0x9b: {  	s22 =	simm.s32 $0x1BFF;
	s21 =	sshll.u32 s5, $0x1;
	s2 =	sadd.s32 s19, s18  }
0x9c: {  	s6 =	simm.s32 $0x0;
	s20 =	sshll.u32 s4, $0x1;
	s4 =	sadd.s32 s21, s2  }
0x9d: {  	[timem:s6], [sflag:s22] =	dma.local [hbm:s4], s20  }
0x9e: {  	_ =	swait.ge [sflag:s22], s20  }
0x9f: {  	s3 =	ssub.s32 $0x0, s20;
	[sflag:s22] =	ssyncset.done $0x0  }
0xa0: {  	[sflag:s22] =	ssyncadd.s32 s3;
	_ =	sdelay $0x1  }
0xa1: {  	s23 =	simm.s32 $0x1B8B  }
0xa2: {  	_ =	swait.ge [sflag:s23], $0x1  }
0xa3: {  	[sflag:s23] =	ssyncset.done $0x0  }
0xa4: {  	s25 =	simm.s32 $0x1B8E;
	s24 =	sld [smem:$0x3FFE];
	[sflag:s23] =	ssyncadd.s32 $0xFFFFFFFF  }
0xa5: {  	s26 =	simm.s32 $execute0_lowered;
	[smem:$0x3FD2] =	sst s25  }
0xa6: {  	s4 =	sshll.u32 s26, $0x1;
	_ =	strace $0x80000049;
	[dreg:$0x1] =	wrdreg $0xFFFFFFFF  }
0xa7: {  	s28 =	simm.s32 $_size_execute0_lowered;
	s2 =	sadd.s32 s2, s4;
	[dreg:$0x0] =	wrdreg $0x0  }
0xa8: {  	s4 =	sshll.u32 s28, $0x1;
	[dreg:$0x2] =	wrdreg s2  }
0xa9: {  	[dreg:$0x3] =	wrdreg s4  }
0xaa: {  	[dreg:$0x4] =	wrdreg $0xC0  }
0xab: {  	_ =	task [dreg:s6], $0x5FFFF  }
0xac: {  	[dreg:$0x1] =	wrdreg $0xFFFFFFFF  }
0xad: {  	[dreg:$0x0] =	wrdreg $0x60  }
0xae: {  	[dreg:$0x2] =	wrdreg s24  }
0xaf: {  	[dreg:$0x3] =	wrdreg $0xB2200  }
0xb0: {  	[dreg:$0x4] =	wrdreg $0x9  }
0xb1: {  	_ =	task.clear_ibuf [dreg:s6], $0x5FFFF;
	_ =	strace $0x90000049  }
0xb2: {  	s29 =	simm.s32 $0x9;
	_ =	strace $0x8000004B  }
0xb3: {  	_ =	swait.ge [sflag:s29], $0x1  }
0xb4: {  	[sflag:s29] =	ssyncadd.s32 $0xFFFFFFFF  }
0xb5: {  	_ =	strace $0x9000004B  }
0xb6: {  	_ =	sfence  }
0xb7: {  	s30 =	sld [smem:$0x0];
	_ =	sdelay $0x2  }
0xb8: {  	s31 =	sshll.u32 s1, $0xD;
	s1 =	sshrl.u32 s1, $0x2  }
0xb9: {  	s3 =	sand.u32 $0x4000, s31;
	s1 =	sadd.s32 s1, s30  }
0xba: {  	s0 =	sor.u32 s3, s0;
	s1 =	sshll.u32 s1, $0x11  }
0xbb: {  	s0 =	sor.u32 s1, s0  }
0xbc: {  	s0 =	sadd.s32 $0x8F2B, s0  }
0xbd: {  	[sflag:s0] =	ssyncadd.remote.s32 $0x1  }
0xbe: {  	_ =	sfence.sel $0xFFFF  }
0xbf: {  	[dreg:$0x0] =	wrdreg $0xFFFFFFFF;
	(pc) =	sbr.abs _section_cstart, $3  }
0xc0: {  	[dreg:$0x1] =	wrdreg $0xFFFFFFFF  }
0xc1: {  	_ =	task.clear_ibuf [dreg:s6], $0x2FFFF;
	_ =	strace $0x9FFFFFFF  }
0xc2: {  	(tm) =	ssettm $0x7FFFFFFF  }
0xc3: {  	_ =	shalt  }
tec
execute0_lowered:
.L_overlay_start_1:
0x0: {  	(tag) =	ssettag $0x1  }
0x1: {  	s0 =	srdreg.scid;
	s1 =	rddreg [dreg:$0x0]  }
0x2: {  	s2 =	rddreg [dreg:$0x1];
	s8 =	stileid.u32;
	s4 =	simm.s32 $0x0  }
0x3: {  	s13 =	simm.s32 $0x15;
	s15 =	simm.s32 $0x50;
	s28 =	simm.s32 $0x2  }
0x4: {  	s30 =	simm.s32 $0x3;
	s29 =	simm.s32 $0xA820;
	s18 =	simm.s32 $0x5  }
0x5: {  	s20 =	simm.s32 $0xB;
	s22 =	simm.s32 $0x6;
	s10 =	simm.s32 $0x9  }
0x6: {  	s11 =	simm.s32 $0xF;
	s12 =	simm.s32 $0xA;
	s14 =	simm.s32 $0x0  }
0x7: {  	s0 =	sand.u32 $0x1, s0;
	[smem:$0x7FF] =	sst s4;
	s4 =	sadd.s32 $0x16A00, s1  }
0x8: {  	s6 =	smul.u32 $0x4E00, s8;
	s9 =	sadd.s32 $0x20800, s1;
	s26 =	sadd.s32 $0x4E000, s2  }
0x9: {  	p0 =	sne.s32 s8, $0xF;
	s3 =	sshll.u32 s0, $0x4;
	_ =	strace $0x8000004A  }
0xa: {  	s5 =	ssub.s32 $0x2, s0;
	s0 =	smul.u32 $0x4E200, s0;
	[dreg:$0x3] =	wrdreg s9  }
0xb: {  	[dreg:$0x7] =	wrdreg s26;
	s9 =	simm.s32 $0xE;
	s3 =	sor.u32 s8, s3  }
0xc: {  	s7 =	sshrl.u32 s5, $0x1;
	s8 =	simm.s32 $0x8;
	s3 =	smul.u32 $0x2710, s3  }
0xd: {  	s5 =	ssub.s32 s5, s7;
	s25 =	sadd.s32 s6, s0;
	s6 =	sadd.s32 s6, s2  }
0xe: {  	s0 =	sshrl.u32 s0, $0x3;
	s7 =	simm.s32 $0xD;
	s3 =	sshrl.u32 s3, $0x3  }
0xf: {  	[dreg:$0x6] =	wrdreg s6;
	s31 =	smax.u32 s5, $0x1;
	s3 =	sadd.s32 s3, s1  }
0x10: {  	[dreg:$0xa] =	wrdreg s31;
	s1 =	sadd.s32 $0x21200, s1;
	s24 =	sadd.s32 $0x3000, s3  }
0x11: {  	s3 =	sadd.s32 $0xCC40, s3;
	s0 =	sadd.s32 s1, s0;
	[dreg:$0x4] =	wrdreg s24  }
0x12: {  	[dreg:$0x5] =	wrdreg s3;
	s3 =	sshrl.u32 s25, $0x3;
	s0 =	sadd.s32 $0x9C00, s0  }
0x13: {  	s6 =	simm.s32 $0x7;
	s3 =	sadd.s32 s1, s3;
	[dreg:$0x9] =	wrdreg s0  }
0x14: {  	s0 =	simm.s32 $0x4;
	s1 =	simm.s32 $0xC;
	[dreg:$0x8] =	wrdreg s3  }
.LBB2_1:
0x15: {  	[dreg:$0xb] =	wrdreg s14  }
0x16: {  	s3 =	simm.s32 $0x0;
	s5 =	rddreg [dreg:$0x4]  }
0x17: {  	[tilespmem:s3], [sflag:$0x15] =	stream.linear.gather [hbm4b:s5+s3], $0x2710, $0x38;
	[tilespmem:$0x10040] =	vst v63  }
0x18: {  	_ =	swait.ge [sflag:s13], $0x2710  }
0x19: {  	[sflag:s13] =	ssyncset.done $0x0  }
0x1a: {  	s16 =	simm.s32 $0x2710;
	s19 =	rddreg [dreg:$0x5];
	[sflag:s13] =	ssyncadd.s32 $0xFFFFD8F0  }
0x1b: {  	[tilespmem:s16], [sflag:$0x15] =	stream.linear.gather [hbm4b:s19+s3], $0x2710, $0x38;
	[tilespmem:$0x10040] =	vst v63  }
0x1c: {  	_ =	swait.ge [sflag:s13], $0x2710  }
0x1d: {  	s17 =	simm.s32 $0x5820;
	[sflag:s13] =	ssyncset.done $0x0  }
0x1e: {  	s21 =	simm.s32 $0xA0;
	s16 =	simm.s32 $0x4E20;
	[sflag:s13] =	ssyncadd.s32 $0xFFFFD8F0  }
0x1f: {  	[tilespmem:s16], [sflag:$0x1] =	stream.indirect.gather [hbm4b:s4+s15], $0x20, s3, s15, $0xb8;
	[tilespmem:$0x10040] =	vst v63  }
0x20: {  	s23 =	simm.s32 $0xF0;
	s24 =	simm.s32 $0x140;
	s26 =	rddreg [dreg:$0x6]  }
0x21: {  	[tilespmem:s17], [sflag:$0x2] =	stream.indirect.gather [hbm4b:s4+s15], $0x20, s15, s15, $0xb8;
	[tilespmem:$0x10040] =	vst v63  }
0x22: {  	s25 =	stileid.u32;
	s19 =	simm.s32 $0x6220;
	s31 =	sshrl.u32 s26, $0x3  }
0x23: {  	[tilespmem:s19], [sflag:$0x3] =	stream.indirect.gather [hbm4b:s4+s15], $0x20, s21, s15, $0xb8;
	[tilespmem:$0x10040] =	vst v63  }
0x24: {  	s3 =	sshll.u32 s25, $0x6;
	[dreg:$0xd] =	wrdreg s31;
	s21 =	simm.s32 $0x6C20  }
0x25: {  	[tilespmem:s21], [sflag:$0x4] =	stream.indirect.gather [hbm4b:s4+s15], $0x20, s23, s15, $0xb8;
	[tilespmem:$0x10040] =	vst v63  }
0x26: {  	s14 =	sor.u32 $0x1C15, s3;
	s3 =	rddreg [dreg:$0x3];
	s23 =	simm.s32 $0x7620  }
0x27: {  	[tilespmem:s23], [sflag:$0x5] =	stream.indirect.gather [hbm4b:s4+s15], $0x20, s24, s15, $0xb8;
	[tilespmem:$0x10040] =	vst v63  }
0x28: {  	[spmem:s31], [sflag:s14] =	dma.local [hbm:s3], $0x9C0  }
0x29: {  	_ =	swait.ge [sflag:s13], $0x9C0  }
0x2a: {  	s5 =	rddreg [dreg:$0x7]  }
0x2b: {  	[dreg:$0xc] =	wrdreg s14;
	[sflag:s13] =	ssyncset.done $0x0;
	s5 =	sshrl.u32 @!p0 s5, $0x3  }
0x2c: {  	[sflag:s13] =	ssyncadd.s32 $0xFFFFF640;
	[dreg:$0xe] =	wrdreg s5  }
0x2d: {  	[spmem:s5], [sflag:s14] =	dma.local @!p0 [hbm:s3], $0x40  }
0x2e: {  	s3 =	simm.s32 @!p0 $0x15  }
0x2f: {  	_ =	swait.ge @!p0 [sflag:s3], $0x40  }
0x30: {  	[sflag:s3] =	ssyncset.done @!p0 $0x0  }
0x31: {  	p1 =	por $0x1, $0x1;
	[sflag:s3] =	ssyncadd.s32 @!p0 $0xFFFFFFC0  }
0x32: {  	s3 =	simm.s32 @!p1 $0x10;
	[bflag:$0x0] =	sbarrier.arrive $0xFFFF  }
0x33: {  	_ =	swait.ge @!p1 [sflag:s3], $0xA00  }
0x34: {  	s24 =	simm.s32 $0x1;
	[sflag:s3] =	ssyncset.done @!p1 $0x0  }
0x35: {  	s13 =	simm.s32 $0x8020;
	s14 =	simm.s32 $0x190;
	[sflag:s3] =	ssyncadd.s32 @!p1 $0xFFFFF600  }
0x36: {  	[tilespmem:s13], [sflag:$0x6] =	stream.indirect.gather [hbm4b:s4+s15], $0x20, s14, s15, $0xb8;
	[tilespmem:$0x10040] =	vst v63  }
0x37: {  	_ =	swait.ge [sflag:s24], $0xA00  }
0x38: {  	[sflag:s24] =	ssyncset.done $0x0  }
0x39: {  	s25 =	simm.s32 $0x2710;
	s5 =	simm.s32 @!p1 $0x11;
	[sflag:s24] =	ssyncadd.s32 $0xFFFFF600  }
0x3a: {  	[spmem:s2] =	stream.indirect.scatter.add.f32 [tilespmem:s16], [sflag:$0xB], $0x20, s25, s15, $0xb8;
	[tilespmem:$0x10040] =	vst v63  }
0x3b: {  	_ =	swait.ge @!p1 [sflag:s5], $0xA00  }
0x3c: {  	[sflag:s5] =	ssyncset.done @!p1 $0x0  }
0x3d: {  	s26 =	simm.s32 $0x1E0;
	s24 =	simm.s32 $0x8A20;
	[sflag:s5] =	ssyncadd.s32 @!p1 $0xFFFFF600  }
0x3e: {  	[tilespmem:s24], [sflag:$0x7] =	stream.indirect.gather [hbm4b:s4+s15], $0x20, s26, s15, $0xb8;
	[tilespmem:$0x10040] =	vst v63  }
0x3f: {  	_ =	swait.ge [sflag:s28], $0xA00  }
0x40: {  	[sflag:s28] =	ssyncset.done $0x0  }
0x41: {  	s31 =	simm.s32 $0x2760;
	s5 =	simm.s32 @!p1 $0x12;
	[sflag:s28] =	ssyncadd.s32 $0xFFFFF600  }
0x42: {  	[spmem:s2] =	stream.indirect.scatter.add.f32 [tilespmem:s17], [sflag:$0xC], $0x20, s31, s15, $0xb8;
	[tilespmem:$0x10040] =	vst v63  }
0x43: {  	_ =	swait.ge @!p1 [sflag:s5], $0xA00  }
0x44: {  	[sflag:s5] =	ssyncset.done @!p1 $0x0  }
0x45: {  	s26 =	simm.s32 $0x9420;
	[sflag:s5] =	ssyncadd.s32 @!p1 $0xFFFFF600;
	s5 =	simm.s32 $0x230  }
0x46: {  	[tilespmem:s26], [sflag:$0x8] =	stream.indirect.gather [hbm4b:s4+s15], $0x20, s5, s15, $0xb8;
	[tilespmem:$0x10040] =	vst v63  }
0x47: {  	_ =	swait.ge [sflag:s30], $0xA00  }
0x48: {  	[sflag:s30] =	ssyncset.done $0x0  }
0x49: {  	s14 =	simm.s32 $0x27B0;
	s5 =	simm.s32 @!p1 $0x13;
	[sflag:s30] =	ssyncadd.s32 $0xFFFFF600  }
0x4a: {  	[spmem:s2] =	stream.indirect.scatter.add.f32 [tilespmem:s19], [sflag:$0xD], $0x20, s14, s15, $0xb8;
	[tilespmem:$0x10040] =	vst v63  }
0x4b: {  	_ =	swait.ge @!p1 [sflag:s5], $0xA00  }
0x4c: {  	[sflag:s5] =	ssyncset.done @!p1 $0x0  }
0x4d: {  	s25 =	simm.s32 $0x280;
	s14 =	simm.s32 $0x9E20;
	[sflag:s5] =	ssyncadd.s32 @!p1 $0xFFFFF600  }
0x4e: {  	[tilespmem:s14], [sflag:$0x9] =	stream.indirect.gather [hbm4b:s4+s15], $0x20, s25, s15, $0xb8;
	[tilespmem:$0x10040] =	vst v63  }
0x4f: {  	_ =	swait.ge [sflag:s0], $0xA00  }
0x50: {  	[sflag:s0] =	ssyncset.done $0x0  }
0x51: {  	s31 =	simm.s32 $0x2800;
	s5 =	simm.s32 @!p1 $0x14;
	[sflag:s0] =	ssyncadd.s32 $0xFFFFF600  }
0x52: {  	[spmem:s2] =	stream.indirect.scatter.add.f32 [tilespmem:s21], [sflag:$0xE], $0x20, s31, s15, $0xb8;
	[tilespmem:$0x10040] =	vst v63  }
0x53: {  	_ =	swait.ge @!p1 [sflag:s5], $0xA00  }
0x54: {  	[sflag:s5] =	ssyncset.done @!p1 $0x0  }
0x55: {  	s25 =	simm.s32 $0x2D0;
	[sflag:s5] =	ssyncadd.s32 @!p1 $0xFFFFF600  }
0x56: {  	[tilespmem:s29], [sflag:$0xA] =	stream.indirect.gather [hbm4b:s4+s15], $0x20, s25, s15, $0xb8;
	[tilespmem:$0x10040] =	vst v63  }
0x57: {  	_ =	swait.ge [sflag:s18], $0xA00  }
0x58: {  	[sflag:s18] =	ssyncset.done $0x0  }
0x59: {  	s29 =	simm.s32 $0x2850;
	[sflag:s18] =	ssyncadd.s32 $0xFFFFF600  }
0x5a: {  	[spmem:s2] =	stream.indirect.scatter.add.f32 [tilespmem:s23], [sflag:$0xF], $0x20, s29, s15, $0xb8;
	[tilespmem:$0x10040] =	vst v63  }
0x5b: {  	_ =	swait.ge [sflag:s20], $0xA00  }
0x5c: {  	[sflag:s20] =	ssyncset.done $0x0  }
0x5d: {  	s31 =	simm.s32 $0x320;
	[sflag:s20] =	ssyncadd.s32 $0xFFFFF600  }
0x5e: {  	[tilespmem:s16], [sflag:$0x1] =	stream.indirect.gather [hbm4b:s4+s15], $0x20, s31, s15, $0xb8;
	[tilespmem:$0x10040] =	vst v63  }
0x5f: {  	_ =	swait.ge [sflag:s22], $0xA00  }
0x60: {  	[sflag:s22] =	ssyncset.done $0x0  }
0x61: {  	s5 =	simm.s32 $0x28A0;
	[sflag:s22] =	ssyncadd.s32 $0xFFFFF600  }
0x62: {  	[spmem:s2] =	stream.indirect.scatter.add.f32 [tilespmem:s13], [sflag:$0x10], $0x20, s5, s15, $0xb8;
	[tilespmem:$0x10040] =	vst v63  }
0x63: {  	_ =	swait.ge [sflag:s1], $0xA00  }
0x64: {  	[sflag:s1] =	ssyncset.done $0x0  }
0x65: {  	s16 =	simm.s32 $0x370;
	[sflag:s1] =	ssyncadd.s32 $0xFFFFF600  }
0x66: {  	[tilespmem:s17], [sflag:$0x2] =	stream.indirect.gather [hbm4b:s4+s15], $0x20, s16, s15, $0xb8;
	[tilespmem:$0x10040] =	vst v63  }
0x67: {  	_ =	swait.ge [sflag:s6], $0xA00  }
0x68: {  	[sflag:s6] =	ssyncset.done $0x0  }
0x69: {  	s17 =	simm.s32 $0x28F0;
	[sflag:s6] =	ssyncadd.s32 $0xFFFFF600  }
0x6a: {  	[spmem:s2] =	stream.indirect.scatter.add.f32 [tilespmem:s24], [sflag:$0x11], $0x20, s17, s15, $0xb8;
	[tilespmem:$0x10040] =	vst v63  }
0x6b: {  	_ =	swait.ge [sflag:s7], $0xA00  }
0x6c: {  	[sflag:s7] =	ssyncset.done $0x0  }
0x6d: {  	s24 =	simm.s32 $0x3C0;
	[sflag:s7] =	ssyncadd.s32 $0xFFFFF600  }
0x6e: {  	[tilespmem:s19], [sflag:$0x3] =	stream.indirect.gather [hbm4b:s4+s15], $0x20, s24, s15, $0xb8;
	[tilespmem:$0x10040] =	vst v63  }
0x6f: {  	_ =	swait.ge [sflag:s8], $0xA00  }
0x70: {  	[sflag:s8] =	ssyncset.done $0x0  }
0x71: {  	s25 =	simm.s32 $0x2940;
	[sflag:s8] =	ssyncadd.s32 $0xFFFFF600  }
0x72: {  	[spmem:s2] =	stream.indirect.scatter.add.f32 [tilespmem:s26], [sflag:$0x12], $0x20, s25, s15, $0xb8;
	[tilespmem:$0x10040] =	vst v63  }
0x73: {  	_ =	swait.ge [sflag:s9], $0xA00  }
0x74: {  	[sflag:s9] =	ssyncset.done $0x0  }
0x75: {  	s26 =	simm.s32 $0x410;
	[sflag:s9] =	ssyncadd.s32 $0xFFFFF600  }
0x76: {  	[tilespmem:s21], [sflag:$0x4] =	stream.indirect.gather [hbm4b:s4+s15], $0x20, s26, s15, $0xb8;
	[tilespmem:$0x10040] =	vst v63  }
0x77: {  	_ =	swait.ge [sflag:s10], $0xA00  }
0x78: {  	[sflag:s10] =	ssyncset.done $0x0  }
0x79: {  	s29 =	simm.s32 $0x2990;
	[sflag:s10] =	ssyncadd.s32 $0xFFFFF600  }
0x7a: {  	[spmem:s2] =	stream.indirect.scatter.add.f32 [tilespmem:s14], [sflag:$0x13], $0x20, s29, s15, $0xb8;
	[tilespmem:$0x10040] =	vst v63  }
0x7b: {  	_ =	swait.ge [sflag:s11], $0xA00  }
0x7c: {  	[sflag:s11] =	ssyncset.done $0x0  }
0x7d: {  	s31 =	simm.s32 $0x460;
	[sflag:s11] =	ssyncadd.s32 $0xFFFFF600  }
0x7e: {  	[tilespmem:s23], [sflag:$0x5] =	stream.indirect.gather [hbm4b:s4+s15], $0x20, s31, s15, $0xb8;
	[tilespmem:$0x10040] =	vst v63  }
0x7f: {  	p2 =	por $0x0, $0x0;
	s3 =	simm.s32 $0x29E0;
	_ =	swait.ge [sflag:s12], $0xA00  }
0x80: {  	s5 =	simm.s32 $0xC80;
	s13 =	simm.s32 $0x1900;
	[sflag:s12] =	ssyncset.done $0x0  }
.LBB2_2:
0x81: {  	s16 =	simm.s32 @!p2 $0x10;
	[sflag:s12] =	ssyncadd.s32 $0xFFFFF600  }
0x82: {  	s17 =	smov.u32 s13;
	s13 =	sadd.s32 $0xC80, s13;
	s25 =	simm.s32 $0xA820  }
0x83: {  	[spmem:s2] =	stream.indirect.scatter.add.f32 [tilespmem:s25], [sflag:$0x14], $0x20, s3, s15, $0xb8;
	[tilespmem:$0x10040] =	vst v63  }
0x84: {  	s26 =	simm.s32 $0x8020;
	p1 =	sne.s32 s13, $0x9600;
	_ =	swait.ge @!p2 [sflag:s16], $0xA00  }
0x85: {  	s3 =	sshra.s32 s5, $0x2;
	s5 =	smov.u32 s17;
	[sflag:s16] =	ssyncset.done @!p2 $0x0  }
0x86: {  	s14 =	simm.s32 $0x1;
	[sflag:s16] =	ssyncadd.s32 @!p2 $0xFFFFF600;
	s16 =	sadd.s32 $0x190, s3  }
0x87: {  	[tilespmem:s26], [sflag:$0x6] =	stream.indirect.gather [hbm4b:s4+s15], $0x20, s16, s15, $0xb8;
	[tilespmem:$0x10040] =	vst v63  }
0x88: {  	_ =	swait.ge [sflag:s14], $0xA00  }
0x89: {  	s19 =	simm.s32 $0x4E20;
	[sflag:s14] =	ssyncset.done $0x0  }
0x8a: {  	s17 =	simm.s32 @!p2 $0x11;
	s16 =	sadd.s32 $0x2710, s3;
	[sflag:s14] =	ssyncadd.s32 $0xFFFFF600  }
0x8b: {  	[spmem:s2] =	stream.indirect.scatter.add.f32 [tilespmem:s19], [sflag:$0xB], $0x20, s16, s15, $0xb8;
	[tilespmem:$0x10040] =	vst v63  }
0x8c: {  	_ =	swait.ge @!p2 [sflag:s17], $0xA00  }
0x8d: {  	[sflag:s17] =	ssyncset.done @!p2 $0x0  }
0x8e: {  	s29 =	simm.s32 $0x8A20;
	s16 =	sadd.s32 $0x1E0, s3;
	[sflag:s17] =	ssyncadd.s32 @!p2 $0xFFFFF600  }
0x8f: {  	[tilespmem:s29], [sflag:$0x7] =	stream.indirect.gather [hbm4b:s4+s15], $0x20, s16, s15, $0xb8;
	[tilespmem:$0x10040] =	vst v63  }
0x90: {  	_ =	swait.ge [sflag:s28], $0xA00  }
0x91: {  	s21 =	simm.s32 $0x5820;
	[sflag:s28] =	ssyncset.done $0x0  }
0x92: {  	s17 =	simm.s32 @!p2 $0x12;
	s16 =	sadd.s32 $0x2760, s3;
	[sflag:s28] =	ssyncadd.s32 $0xFFFFF600  }
0x93: {  	[spmem:s2] =	stream.indirect.scatter.add.f32 [tilespmem:s21], [sflag:$0xC], $0x20, s16, s15, $0xb8;
	[tilespmem:$0x10040] =	vst v63  }
0x94: {  	_ =	swait.ge @!p2 [sflag:s17], $0xA00  }
0x95: {  	[sflag:s17] =	ssyncset.done @!p2 $0x0  }
0x96: {  	s31 =	simm.s32 $0x9420;
	s16 =	sadd.s32 $0x230, s3;
	[sflag:s17] =	ssyncadd.s32 @!p2 $0xFFFFF600  }
0x97: {  	[tilespmem:s31], [sflag:$0x8] =	stream.indirect.gather [hbm4b:s4+s15], $0x20, s16, s15, $0xb8;
	[tilespmem:$0x10040] =	vst v63  }
0x98: {  	_ =	swait.ge [sflag:s30], $0xA00  }
0x99: {  	s23 =	simm.s32 $0x6220;
	[sflag:s30] =	ssyncset.done $0x0  }
0x9a: {  	s17 =	simm.s32 @!p2 $0x13;
	s16 =	sadd.s32 $0x27B0, s3;
	[sflag:s30] =	ssyncadd.s32 $0xFFFFF600  }
0x9b: {  	[spmem:s2] =	stream.indirect.scatter.add.f32 [tilespmem:s23], [sflag:$0xD], $0x20, s16, s15, $0xb8;
	[tilespmem:$0x10040] =	vst v63  }
0x9c: {  	_ =	swait.ge @!p2 [sflag:s17], $0xA00  }
0x9d: {  	[sflag:s17] =	ssyncset.done @!p2 $0x0  }
0x9e: {  	s14 =	simm.s32 $0x9E20;
	s16 =	sadd.s32 $0x280, s3;
	[sflag:s17] =	ssyncadd.s32 @!p2 $0xFFFFF600  }
0x9f: {  	[tilespmem:s14], [sflag:$0x9] =	stream.indirect.gather [hbm4b:s4+s15], $0x20, s16, s15, $0xb8;
	[tilespmem:$0x10040] =	vst v63  }
0xa0: {  	_ =	swait.ge [sflag:s0], $0xA00  }
0xa1: {  	s24 =	simm.s32 $0x6C20;
	[sflag:s0] =	ssyncset.done $0x0  }
0xa2: {  	s17 =	simm.s32 @!p2 $0x14;
	s16 =	sadd.s32 $0x2800, s3;
	[sflag:s0] =	ssyncadd.s32 $0xFFFFF600  }
0xa3: {  	[spmem:s2] =	stream.indirect.scatter.add.f32 [tilespmem:s24], [sflag:$0xE], $0x20, s16, s15, $0xb8;
	[tilespmem:$0x10040] =	vst v63  }
0xa4: {  	_ =	swait.ge @!p2 [sflag:s17], $0xA00  }
0xa5: {  	[sflag:s17] =	ssyncset.done @!p2 $0x0  }
0xa6: {  	s16 =	sadd.s32 $0x2D0, s3;
	[sflag:s17] =	ssyncadd.s32 @!p2 $0xFFFFF600  }
0xa7: {  	[tilespmem:s25], [sflag:$0xA] =	stream.indirect.gather [hbm4b:s4+s15], $0x20, s16, s15, $0xb8;
	[tilespmem:$0x10040] =	vst v63  }
0xa8: {  	_ =	swait.ge [sflag:s18], $0xA00  }
0xa9: {  	[sflag:s18] =	ssyncset.done $0x0  }
0xaa: {  	s17 =	simm.s32 $0x7620;
	s16 =	sadd.s32 $0x2850, s3;
	[sflag:s18] =	ssyncadd.s32 $0xFFFFF600  }
0xab: {  	[spmem:s2] =	stream.indirect.scatter.add.f32 [tilespmem:s17], [sflag:$0xF], $0x20, s16, s15, $0xb8;
	[tilespmem:$0x10040] =	vst v63  }
0xac: {  	_ =	swait.ge [sflag:s20], $0xA00  }
0xad: {  	[sflag:s20] =	ssyncset.done $0x0  }
0xae: {  	s16 =	sadd.s32 $0x320, s3;
	[sflag:s20] =	ssyncadd.s32 $0xFFFFF600  }
0xaf: {  	[tilespmem:s19], [sflag:$0x1] =	stream.indirect.gather [hbm4b:s4+s15], $0x20, s16, s15, $0xb8;
	[tilespmem:$0x10040] =	vst v63  }
0xb0: {  	_ =	swait.ge [sflag:s22], $0xA00  }
0xb1: {  	[sflag:s22] =	ssyncset.done $0x0  }
0xb2: {  	s16 =	sadd.s32 $0x28A0, s3;
	[sflag:s22] =	ssyncadd.s32 $0xFFFFF600  }
0xb3: {  	[spmem:s2] =	stream.indirect.scatter.add.f32 [tilespmem:s26], [sflag:$0x10], $0x20, s16, s15, $0xb8;
	[tilespmem:$0x10040] =	vst v63  }
0xb4: {  	_ =	swait.ge [sflag:s1], $0xA00  }
0xb5: {  	[sflag:s1] =	ssyncset.done $0x0  }
0xb6: {  	s16 =	sadd.s32 $0x370, s3;
	[sflag:s1] =	ssyncadd.s32 $0xFFFFF600  }
0xb7: {  	[tilespmem:s21], [sflag:$0x2] =	stream.indirect.gather [hbm4b:s4+s15], $0x20, s16, s15, $0xb8;
	[tilespmem:$0x10040] =	vst v63  }
0xb8: {  	_ =	swait.ge [sflag:s6], $0xA00  }
0xb9: {  	[sflag:s6] =	ssyncset.done $0x0  }
0xba: {  	s16 =	sadd.s32 $0x28F0, s3;
	[sflag:s6] =	ssyncadd.s32 $0xFFFFF600  }
0xbb: {  	[spmem:s2] =	stream.indirect.scatter.add.f32 [tilespmem:s29], [sflag:$0x11], $0x20, s16, s15, $0xb8;
	[tilespmem:$0x10040] =	vst v63  }
0xbc: {  	_ =	swait.ge [sflag:s7], $0xA00  }
0xbd: {  	[sflag:s7] =	ssyncset.done $0x0  }
0xbe: {  	s16 =	sadd.s32 $0x3C0, s3;
	[sflag:s7] =	ssyncadd.s32 $0xFFFFF600  }
0xbf: {  	[tilespmem:s23], [sflag:$0x3] =	stream.indirect.gather [hbm4b:s4+s15], $0x20, s16, s15, $0xb8;
	[tilespmem:$0x10040] =	vst v63  }
0xc0: {  	_ =	swait.ge [sflag:s8], $0xA00  }
0xc1: {  	[sflag:s8] =	ssyncset.done $0x0  }
0xc2: {  	s16 =	sadd.s32 $0x2940, s3;
	[sflag:s8] =	ssyncadd.s32 $0xFFFFF600  }
0xc3: {  	[spmem:s2] =	stream.indirect.scatter.add.f32 [tilespmem:s31], [sflag:$0x12], $0x20, s16, s15, $0xb8;
	[tilespmem:$0x10040] =	vst v63  }
0xc4: {  	_ =	swait.ge [sflag:s9], $0xA00  }
0xc5: {  	[sflag:s9] =	ssyncset.done $0x0  }
0xc6: {  	s16 =	sadd.s32 $0x410, s3;
	[sflag:s9] =	ssyncadd.s32 $0xFFFFF600  }
0xc7: {  	[tilespmem:s24], [sflag:$0x4] =	stream.indirect.gather [hbm4b:s4+s15], $0x20, s16, s15, $0xb8;
	[tilespmem:$0x10040] =	vst v63  }
0xc8: {  	_ =	swait.ge [sflag:s10], $0xA00  }
0xc9: {  	[sflag:s10] =	ssyncset.done $0x0  }
0xca: {  	s16 =	sadd.s32 $0x2990, s3;
	[sflag:s10] =	ssyncadd.s32 $0xFFFFF600  }
0xcb: {  	[spmem:s2] =	stream.indirect.scatter.add.f32 [tilespmem:s14], [sflag:$0x13], $0x20, s16, s15, $0xb8;
	[tilespmem:$0x10040] =	vst v63  }
0xcc: {  	_ =	swait.ge [sflag:s11], $0xA00  }
.Ltmp0:
0xcd: {  	[sflag:s11] =	ssyncset.done $0x0;
	(pc) =	sbr.rel @p1 .LBB2_2-.Ltmp0, $4  }
0xce: {  	s16 =	sadd.s32 $0x460, s3;
	[sflag:s11] =	ssyncadd.s32 $0xFFFFF600  }
0xcf: {  	[tilespmem:s17], [sflag:$0x5] =	stream.indirect.gather [hbm4b:s4+s15], $0x20, s16, s15, $0xb8;
	[tilespmem:$0x10040] =	vst v63  }
0xd0: {  	_ =	swait.ge [sflag:s12], $0xA00  }
0xd1: {  	p2 =	seq.s32 s5, $0x0;
	s3 =	sadd.s32 $0x29E0, s3;
	[sflag:s12] =	ssyncset.done $0x0  }
0xd2: {  	[sflag:s12] =	ssyncadd.s32 $0xFFFFF600;
	s31 =	simm.s32 $0xA820;
	s13 =	simm.s32 @!p2 $0x10  }
0xd3: {  	[spmem:s2] =	stream.indirect.scatter.add.f32 [tilespmem:s31], [sflag:$0x14], $0x20, s3, s15, $0xb8;
	[tilespmem:$0x10040] =	vst v63  }
0xd4: {  	_ =	swait.ge @!p2 [sflag:s13], $0xA00  }
0xd5: {  	s23 =	simm.s32 $0x8020;
	s3 =	sshra.s32 s5, $0x2;
	[sflag:s13] =	ssyncset.done @!p2 $0x0  }
0xd6: {  	s25 =	simm.s32 $0x1;
	s5 =	sadd.s32 $0x190, s3;
	[sflag:s13] =	ssyncadd.s32 @!p2 $0xFFFFF600  }
0xd7: {  	[tilespmem:s23], [sflag:$0x6] =	stream.indirect.gather [hbm4b:s4+s15], $0x20, s5, s15, $0xb8;
	[tilespmem:$0x10040] =	vst v63  }
0xd8: {  	_ =	swait.ge [sflag:s25], $0xA00  }
0xd9: {  	s16 =	sadd.s32 $0x2710, s3;
	[sflag:s25] =	ssyncset.done $0x0  }
0xda: {  	s13 =	simm.s32 $0x4E20;
	s5 =	simm.s32 @!p2 $0x11;
	[sflag:s25] =	ssyncadd.s32 $0xFFFFF600  }
0xdb: {  	[spmem:s2] =	stream.indirect.scatter.add.f32 [tilespmem:s13], [sflag:$0xB], $0x20, s16, s15, $0xb8;
	[tilespmem:$0x10040] =	vst v63  }
0xdc: {  	_ =	swait.ge @!p2 [sflag:s5], $0xA00  }
0xdd: {  	[sflag:s5] =	ssyncset.done @!p2 $0x0  }
0xde: {  	s24 =	simm.s32 $0x8A20;
	s17 =	sadd.s32 $0x1E0, s3;
	[sflag:s5] =	ssyncadd.s32 @!p2 $0xFFFFF600  }
0xdf: {  	[tilespmem:s24], [sflag:$0x7] =	stream.indirect.gather [hbm4b:s4+s15], $0x20, s17, s15, $0xb8;
	[tilespmem:$0x10040] =	vst v63  }
0xe0: {  	_ =	swait.ge [sflag:s28], $0xA00  }
0xe1: {  	s19 =	sadd.s32 $0x2760, s3;
	[sflag:s28] =	ssyncset.done $0x0  }
0xe2: {  	s16 =	simm.s32 $0x5820;
	s5 =	simm.s32 @!p2 $0x12;
	[sflag:s28] =	ssyncadd.s32 $0xFFFFF600  }
0xe3: {  	[spmem:s2] =	stream.indirect.scatter.add.f32 [tilespmem:s16], [sflag:$0xC], $0x20, s19, s15, $0xb8;
	[tilespmem:$0x10040] =	vst v63  }
0xe4: {  	_ =	swait.ge @!p2 [sflag:s5], $0xA00  }
0xe5: {  	[sflag:s5] =	ssyncset.done @!p2 $0x0  }
0xe6: {  	s26 =	simm.s32 $0x9420;
	s21 =	sadd.s32 $0x230, s3;
	[sflag:s5] =	ssyncadd.s32 @!p2 $0xFFFFF600  }
0xe7: {  	[tilespmem:s26], [sflag:$0x8] =	stream.indirect.gather [hbm4b:s4+s15], $0x20, s21, s15, $0xb8;
	[tilespmem:$0x10040] =	vst v63  }
0xe8: {  	_ =	swait.ge [sflag:s30], $0xA00  }
0xe9: {  	s14 =	sadd.s32 $0x27B0, s3;
	[sflag:s30] =	ssyncset.done $0x0  }
0xea: {  	s17 =	simm.s32 $0x6220;
	s5 =	simm.s32 @!p2 $0x13;
	[sflag:s30] =	ssyncadd.s32 $0xFFFFF600  }
0xeb: {  	[spmem:s2] =	stream.indirect.scatter.add.f32 [tilespmem:s17], [sflag:$0xD], $0x20, s14, s15, $0xb8;
	[tilespmem:$0x10040] =	vst v63  }
0xec: {  	_ =	swait.ge @!p2 [sflag:s5], $0xA00  }
0xed: {  	[sflag:s5] =	ssyncset.done @!p2 $0x0  }
0xee: {  	s19 =	sadd.s32 $0x280, s3;
	s14 =	simm.s32 $0x9E20;
	[sflag:s5] =	ssyncadd.s32 @!p2 $0xFFFFF600  }
0xef: {  	[tilespmem:s14], [sflag:$0x9] =	stream.indirect.gather [hbm4b:s4+s15], $0x20, s19, s15, $0xb8;
	[tilespmem:$0x10040] =	vst v63  }
0xf0: {  	_ =	swait.ge [sflag:s0], $0xA00  }
0xf1: {  	s21 =	sadd.s32 $0x2800, s3;
	[sflag:s0] =	ssyncset.done $0x0  }
0xf2: {  	s5 =	simm.s32 @!p2 $0x14;
	s19 =	simm.s32 $0x6C20;
	[sflag:s0] =	ssyncadd.s32 $0xFFFFF600  }
0xf3: {  	[spmem:s2] =	stream.indirect.scatter.add.f32 [tilespmem:s19], [sflag:$0xE], $0x20, s21, s15, $0xb8;
	[tilespmem:$0x10040] =	vst v63  }
0xf4: {  	_ =	swait.ge @!p2 [sflag:s5], $0xA00  }
0xf5: {  	[sflag:s5] =	ssyncset.done @!p2 $0x0  }
0xf6: {  	s21 =	sadd.s32 $0x2D0, s3;
	[sflag:s5] =	ssyncadd.s32 @!p2 $0xFFFFF600  }
0xf7: {  	[tilespmem:s31], [sflag:$0xA] =	stream.indirect.gather [hbm4b:s4+s15], $0x20, s21, s15, $0xb8;
	[tilespmem:$0x10040] =	vst v63  }
0xf8: {  	_ =	swait.ge [sflag:s18], $0xA00  }
0xf9: {  	[sflag:s18] =	ssyncset.done $0x0  }
0xfa: {  	s5 =	sadd.s32 $0x2850, s3;
	s21 =	simm.s32 $0x7620;
	[sflag:s18] =	ssyncadd.s32 $0xFFFFF600  }
0xfb: {  	[spmem:s2] =	stream.indirect.scatter.add.f32 [tilespmem:s21], [sflag:$0xF], $0x20, s5, s15, $0xb8;
	[tilespmem:$0x10040] =	vst v63  }
0xfc: {  	_ =	swait.ge [sflag:s20], $0xA00  }
0xfd: {  	[sflag:s20] =	ssyncset.done $0x0  }
0xfe: {  	s5 =	sadd.s32 $0x320, s3;
	[sflag:s20] =	ssyncadd.s32 $0xFFFFF600  }
0xff: {  	[tilespmem:s13], [sflag:$0x1] =	stream.indirect.gather [hbm4b:s4+s15], $0x20, s5, s15, $0xb8;
	[tilespmem:$0x10040] =	vst v63  }
0x100: {  	_ =	swait.ge [sflag:s22], $0xA00  }
0x101: {  	[sflag:s22] =	ssyncset.done $0x0  }
0x102: {  	s5 =	sadd.s32 $0x28A0, s3;
	[sflag:s22] =	ssyncadd.s32 $0xFFFFF600  }
0x103: {  	[spmem:s2] =	stream.indirect.scatter.add.f32 [tilespmem:s23], [sflag:$0x10], $0x20, s5, s15, $0xb8;
	[tilespmem:$0x10040] =	vst v63  }
0x104: {  	_ =	swait.ge [sflag:s1], $0xA00  }
0x105: {  	[sflag:s1] =	ssyncset.done $0x0  }
0x106: {  	s23 =	sadd.s32 $0x370, s3;
	[sflag:s1] =	ssyncadd.s32 $0xFFFFF600  }
0x107: {  	[tilespmem:s16], [sflag:$0x2] =	stream.indirect.gather [hbm4b:s4+s15], $0x20, s23, s15, $0xb8;
	[tilespmem:$0x10040] =	vst v63  }
0x108: {  	_ =	swait.ge [sflag:s6], $0xA00  }
0x109: {  	[sflag:s6] =	ssyncset.done $0x0  }
0x10a: {  	s23 =	sadd.s32 $0x28F0, s3;
	[sflag:s6] =	ssyncadd.s32 $0xFFFFF600  }
0x10b: {  	[spmem:s2] =	stream.indirect.scatter.add.f32 [tilespmem:s24], [sflag:$0x11], $0x20, s23, s15, $0xb8;
	[tilespmem:$0x10040] =	vst v63  }
0x10c: {  	_ =	swait.ge [sflag:s7], $0xA00  }
0x10d: {  	[sflag:s7] =	ssyncset.done $0x0  }
0x10e: {  	s24 =	sadd.s32 $0x3C0, s3;
	[sflag:s7] =	ssyncadd.s32 $0xFFFFF600  }
0x10f: {  	[tilespmem:s17], [sflag:$0x3] =	stream.indirect.gather [hbm4b:s4+s15], $0x20, s24, s15, $0xb8;
	[tilespmem:$0x10040] =	vst v63  }
0x110: {  	_ =	swait.ge [sflag:s8], $0xA00  }
0x111: {  	[sflag:s8] =	ssyncset.done $0x0  }
0x112: {  	s23 =	sadd.s32 $0x2940, s3;
	[sflag:s8] =	ssyncadd.s32 $0xFFFFF600  }
0x113: {  	[spmem:s2] =	stream.indirect.scatter.add.f32 [tilespmem:s26], [sflag:$0x12], $0x20, s23, s15, $0xb8;
	[tilespmem:$0x10040] =	vst v63  }
0x114: {  	_ =	swait.ge [sflag:s9], $0xA00  }
0x115: {  	[sflag:s9] =	ssyncset.done $0x0  }
0x116: {  	s24 =	sadd.s32 $0x410, s3;
	[sflag:s9] =	ssyncadd.s32 $0xFFFFF600  }
0x117: {  	[tilespmem:s19], [sflag:$0x4] =	stream.indirect.gather [hbm4b:s4+s15], $0x20, s24, s15, $0xb8;
	[tilespmem:$0x10040] =	vst v63  }
0x118: {  	_ =	swait.ge [sflag:s10], $0xA00  }
0x119: {  	[sflag:s10] =	ssyncset.done $0x0  }
0x11a: {  	s26 =	sadd.s32 $0x2990, s3;
	[sflag:s10] =	ssyncadd.s32 $0xFFFFF600  }
0x11b: {  	[spmem:s2] =	stream.indirect.scatter.add.f32 [tilespmem:s14], [sflag:$0x13], $0x20, s26, s15, $0xb8;
	[tilespmem:$0x10040] =	vst v63  }
0x11c: {  	_ =	swait.ge [sflag:s11], $0xA00  }
0x11d: {  	[sflag:s11] =	ssyncset.done $0x0  }
0x11e: {  	s23 =	sadd.s32 $0x460, s3;
	[sflag:s11] =	ssyncadd.s32 $0xFFFFF600  }
0x11f: {  	[tilespmem:s21], [sflag:$0x5] =	stream.indirect.gather [hbm4b:s4+s15], $0x20, s23, s15, $0xb8;
	[tilespmem:$0x10040] =	vst v63  }
0x120: {  	_ =	swait.ge [sflag:s12], $0xA00  }
0x121: {  	[sflag:s12] =	ssyncset.done $0x0  }
0x122: {  	s3 =	sadd.s32 $0x29E0, s3;
	s24 =	simm.s32 $0x10;
	[sflag:s12] =	ssyncadd.s32 $0xFFFFF600  }
0x123: {  	[spmem:s2] =	stream.indirect.scatter.add.f32 [tilespmem:s31], [sflag:$0x14], $0x20, s3, s15, $0xb8;
	[tilespmem:$0x10040] =	vst v63  }
0x124: {  	_ =	swait.ge [sflag:s24], $0xA00  }
0x125: {  	[sflag:s24] =	ssyncset.done $0x0  }
0x126: {  	[sflag:s24] =	ssyncadd.s32 $0xFFFFF600  }
0x127: {  	_ =	swait.ge [sflag:s25], $0xA00  }
0x128: {  	[sflag:s25] =	ssyncset.done $0x0  }
0x129: {  	s26 =	simm.s32 $0x4C90;
	s31 =	simm.s32 $0x11;
	[sflag:s25] =	ssyncadd.s32 $0xFFFFF600  }
0x12a: {  	[spmem:s2] =	stream.indirect.scatter.add.f32 [tilespmem:s13], [sflag:$0xB], $0x20, s26, s15, $0xb8;
	[tilespmem:$0x10040] =	vst v63  }
0x12b: {  	_ =	swait.ge [sflag:s31], $0xA00  }
0x12c: {  	[sflag:s31] =	ssyncset.done $0x0  }
0x12d: {  	[sflag:s31] =	ssyncadd.s32 $0xFFFFF600  }
0x12e: {  	_ =	swait.ge [sflag:s28], $0xA00  }
0x12f: {  	[sflag:s28] =	ssyncset.done $0x0  }
0x130: {  	s5 =	simm.s32 $0x4CE0;
	s13 =	simm.s32 $0x12;
	[sflag:s28] =	ssyncadd.s32 $0xFFFFF600  }
0x131: {  	[spmem:s2] =	stream.indirect.scatter.add.f32 [tilespmem:s16], [sflag:$0xC], $0x20, s5, s15, $0xb8;
	[tilespmem:$0x10040] =	vst v63  }
0x132: {  	_ =	swait.ge [sflag:s13], $0xA00  }
0x133: {  	[sflag:s13] =	ssyncset.done $0x0  }
0x134: {  	[sflag:s13] =	ssyncadd.s32 $0xFFFFF600  }
0x135: {  	_ =	swait.ge [sflag:s30], $0xA00  }
0x136: {  	[sflag:s30] =	ssyncset.done $0x0  }
0x137: {  	s14 =	simm.s32 $0x4D30;
	s16 =	simm.s32 $0x13;
	[sflag:s30] =	ssyncadd.s32 $0xFFFFF600  }
0x138: {  	[spmem:s2] =	stream.indirect.scatter.add.f32 [tilespmem:s17], [sflag:$0xD], $0x20, s14, s15, $0xb8;
	[tilespmem:$0x10040] =	vst v63  }
0x139: {  	_ =	swait.ge [sflag:s16], $0xA00  }
0x13a: {  	[sflag:s16] =	ssyncset.done $0x0  }
0x13b: {  	[sflag:s16] =	ssyncadd.s32 $0xFFFFF600  }
0x13c: {  	_ =	swait.ge [sflag:s0], $0xA00  }
0x13d: {  	[sflag:s0] =	ssyncset.done $0x0  }
0x13e: {  	s17 =	simm.s32 $0x4D80;
	[sflag:s0] =	ssyncadd.s32 $0xFFFFF600  }
0x13f: {  	[spmem:s2] =	stream.indirect.scatter.add.f32 [tilespmem:s19], [sflag:$0xE], $0x20, s17, s15, $0xb8;
	[tilespmem:$0x10040] =	vst v63  }
0x140: {  	s19 =	simm.s32 $0x14  }
0x141: {  	_ =	swait.ge [sflag:s19], $0xA00  }
0x142: {  	[sflag:s19] =	ssyncset.done $0x0  }
0x143: {  	[sflag:s19] =	ssyncadd.s32 $0xFFFFF600  }
0x144: {  	_ =	swait.ge [sflag:s18], $0xA00  }
0x145: {  	[sflag:s18] =	ssyncset.done $0x0  }
0x146: {  	s23 =	simm.s32 $0x4DD0;
	[sflag:s18] =	ssyncadd.s32 $0xFFFFF600  }
0x147: {  	[spmem:s2] =	stream.indirect.scatter.add.f32 [tilespmem:s21], [sflag:$0xF], $0x20, s23, s15, $0xb8;
	[tilespmem:$0x10040] =	vst v63  }
0x148: {  	_ =	swait.ge [sflag:s20], $0xA00  }
0x149: {  	[sflag:s20] =	ssyncset.done $0x0  }
0x14a: {  	[sflag:s20] =	ssyncadd.s32 $0xFFFFF600  }
0x14b: {  	_ =	swait.ge [sflag:s1], $0xA00  }
0x14c: {  	[sflag:s1] =	ssyncset.done $0x0  }
0x14d: {  	[sflag:s1] =	ssyncadd.s32 $0xFFFFF600  }
0x14e: {  	_ =	swait.ge [sflag:s7], $0xA00  }
0x14f: {  	[sflag:s7] =	ssyncset.done $0x0  }
0x150: {  	[sflag:s7] =	ssyncadd.s32 $0xFFFFF600  }
0x151: {  	_ =	swait.ge [sflag:s9], $0xA00  }
0x152: {  	[sflag:s9] =	ssyncset.done $0x0  }
0x153: {  	[sflag:s9] =	ssyncadd.s32 $0xFFFFF600  }
0x154: {  	_ =	swait.ge [sflag:s11], $0xA00  }
0x155: {  	[sflag:s11] =	ssyncset.done $0x0  }
0x156: {  	[sflag:s11] =	ssyncadd.s32 $0xFFFFF600  }
0x157: {  	[bflag:$0x0] =	sbarrier.arrive $0xFFFF  }
0x158: {  	s24 =	rddreg [dreg:$0x8]  }
0x159: {  	s5 =	rddreg [dreg:$0xc]  }
0x15a: {  	s13 =	simm.s32 $0x15;
	s25 =	rddreg [dreg:$0xd]  }
0x15b: {  	[hbm:s24], [sflag:s5] =	dma.local [spmem:s25], $0x9C0  }
0x15c: {  	_ =	swait.ge [sflag:s13], $0x9C0  }
0x15d: {  	[sflag:s13] =	ssyncset.done $0x0;
	s3 =	rddreg [dreg:$0x9]  }
0x15e: {  	s14 =	rddreg [dreg:$0xe];
	[sflag:s13] =	ssyncadd.s32 $0xFFFFF640  }
0x15f: {  	[hbm:s3], [sflag:s5] =	dma.local @!p0 [spmem:s14], $0x40  }
0x160: {  	s3 =	simm.s32 @!p0 $0x15  }
0x161: {  	_ =	swait.ge @!p0 [sflag:s3], $0x40  }
0x162: {  	s26 =	rddreg [dreg:$0xb]  }
0x163: {  	s31 =	rddreg [dreg:$0xa];
	s14 =	sadd.s32 $0x1, s26  }
0x164: {  	p1 =	sne.s32 s14, s31  }
.Ltmp1:
0x165: {  	_ = 	snop;
	(pc) =	sbr.rel @p1 .LBB2_1-.Ltmp1, $3  }
0x166: {  	_ =	sdelay $0x1  }
0x167: {  	[sflag:s3] =	ssyncset.done @!p0 $0x0  }
0x168: {  	s29 =	simm.s32 $0xA820;
	[sflag:s3] =	ssyncadd.s32 @!p0 $0xFFFFFFC0  }
0x169: {  	_ =	sfence.sel $0x180000  }
0x16a: {  	[bflag:$0x0] =	sbarrier.arrive $0xFFFF  }
0x16b: {  	_ =	strace $0x9000004A  }
0x16c: {  	s0 =	stileid.u32;
	[bflag:$0x2] =	sbarrier.arrive $0xFFFF  }
0x16d: {  	p0 =	sne.s32 s0, $0x0;
	s0 =	rddreg [dreg:$0x2]  }
0x16e: {  	s0 =	sadd.s32 @!p0 $0x100000, s0  }
0x16f: {  	[sflag:s0] =	ssyncadd.tile.s32 @!p0 $0x1;
	_ =	shalt  }
.Lfunc_end2:
_tile_overlayer_lowered:
.L_overlay_start_2:
0x170: {  	(tag) =	ssettag $0x2  }
0x171: {  	s0 =	rddreg [dreg:$0x0];
	s2 =	stileid.u32  }
0x172: {  	s1 =	rddreg [dreg:$0x1];
	p0 =	sne.s32 s2, $0x0  }
0x173: {  	s3 =	rddreg [dreg:$0x2];
	[bflag:$0x3] =	sbarrier.arrive $0xFFFF;
	s2 =	simm.s32 @!p0 $0x1C15  }
0x174: {  	[timem:s3], [sflag:s2] =	dma.local @!p0 [hbm:s0], s1  }
0x175: {  	s0 =	simm.s32 @!p0 $0x15  }
0x176: {  	_ =	swait.ge @!p0 [sflag:s0], s1  }
0x177: {  	s1 =	ssub.s32 @!p0 $0x0, s1;
	[sflag:s0] =	ssyncset.done @!p0 $0x0  }
0x178: {  	[sflag:s0] =	ssyncadd.s32 @!p0 s1  }
0x179: {  	[bflag:$0x3] =	sbarrier.arrive $0xFFFF  }
0x17a: {  	_ =	shalt  }

// kernel: kernel.15.cloned.1.call-start
scs
__scs_entry_jumppad:
0x0: {  	(pc) =	sbr.rel $0x88, $3  }
0x1: {  	(tag) =	ssettag $0x0;
	lr =	simm.s32 $0x1  }
0x2: {  	[smem:$0x3F97] =	sst lr;
	_ =	strace $0xD0000000  }
0x3: {  	_ = 	snop  }
0x4: {  	_ = 	snop  }
0x5: {  	_ = 	snop  }
0x6: {  	_ = 	snop  }
0x7: {  	_ = 	snop  }
__scs_overlays_trampoline_lowered:
0x8: {  	[smem:$0x3FA6] =	sst s0  }
0x9: {  	[smem:$0x3FA7] =	sst s1  }
0xa: {  	[smem:$0x3FA8] =	sst s2  }
0xb: {  	[smem:$0x3FA9] =	sst s3  }
0xc: {  	[smem:$0x3FAA] =	sst s4  }
0xd: {  	[smem:$0x3FAB] =	sst s5  }
0xe: {  	[smem:$0x3FAC] =	sst s6  }
0xf: {  	[smem:$0x3FAD] =	sst s7  }
0x10: {  	[smem:$0x3FAE] =	sst s8  }
0x11: {  	[smem:$0x3FAF] =	sst s9;
	s0 =	simm.s32 @!p0 $0x0  }
0x12: {  	s1 =	sld [smem:$0x3F95];
	s0 =	simm.s32 @p0 $0x1  }
0x13: {  	[smem:$0x3FB0] =	sst s0;
	s0 =	simm.s32 @!p1 $0x0  }
0x14: {  	s2 =	sld [smem:$0x3F94];
	s0 =	simm.s32 @p1 $0x1  }
0x15: {  	[smem:$0x3FB1] =	sst s0;
	s0 =	simm.s32 @!p2 $0x0  }
0x16: {  	s3 =	sld [smem:$0x3FDB];
	s0 =	simm.s32 @p2 $0x1  }
0x17: {  	s4 =	simm.s32 $0x1BF5;
	[smem:$0x3FB3] =	sst s0  }
0x18: {  	s0 =	sld [smem:$0x3F96];
	_ =	swait.ge [sflag:s4], $0x0  }
0x19: {  	s7 =	sld [smem:$0x3F97]  }
0x1a: {  	s8 =	sadd.s32 $0xFFFFE003, lr  }
0x1b: {  	s9 =	sadd.s32 $0xFFFFFEF7, lr;
	s5 =	simm.s32 $0xFFFFFFFF;
	p2 =	slt.u32 s8, $0xFFFFF086  }
0x1c: {  	p1 =	slt.u32 s9, $0xF7A;
	s5 =	simm.s32 @!p2 $0x0  }
0x1d: {  	s5 =	simm.s32 @p1 $0x1;
	p0 =	seq.s32 s7, s2  }
0x1e: {  	s7 =	smul.u32 @!p0 $0xF7A, s2;
	p2 =	seq.s32 @!p0 s5, $0x0  }
0x1f: {  	s9 =	smul.u32 $0xF7A, s1;
	s8 =	simm.s32 @!p0 $0x1BF5;
	p2 =	por !p2, p0  }
0x20: {  	[sflag:s8] =	ssyncset.s32 @!p0 $0xFFFFF086;
	s6 =	sadd.s32 @!p0 s3, s7;
	s7 =	simm.s32 @!p0 $0x108  }
0x21: {  	s3 =	sadd.s32 s3, s9;
	s6 =	sadd.s32 @!p0 $0x88, s6;
	s7 =	simm.s32 @p2 $0x1082  }
0x22: {  	[simem:s7], [sflag:s8] =	dma.local @!p0 [hbm:s6], $0xF7A  }
0x23: {  	s9 =	sor.u32 $0xD0000000, s2;
	s6 =	simm.s32 $0x108;
	_ =	swait.ge @!p0 [sflag:s8], $0x0  }
0x24: {  	s3 =	sadd.s32 $0x88, s3;
	s6 =	simm.s32 @!p1 $0x1082;
	[sflag:s4] =	ssyncset.s32 $0xFFFFF086  }
0x25: {  	[simem:s6], [sflag:s4] =	dma.local [hbm:s3], $0xF7A  }
0x26: {  	[smem:$0x3F97] =	sst s1;
	(tag) =	ssettag s2;
	_ =	strace s9  }
0x27: {  	s1 =	sld [smem:$0x3FA7]  }
0x28: {  	s2 =	sld [smem:$0x3FA8]  }
0x29: {  	s4 =	sld [smem:$0x3FAA]  }
0x2a: {  	p0 =	seq.s32 s5, $0x0;
	s5 =	sld [smem:$0x3FAB]  }
0x2b: {  	s6 =	sld [smem:$0x3FAC]  }
0x2c: {  	s7 =	sld [smem:$0x3FAD]  }
0x2d: {  	s3 =	simm.s32 $0x108;
	s8 =	sld [smem:$0x3FAE]  }
0x2e: {  	s3 =	simm.s32 @!p0 $0x1082;
	s9 =	sld [smem:$0x3FAF]  }
0x2f: {  	lr =	sadd.s32 s0, s3;
	s0 =	sld [smem:$0x3FA6]  }
0x30: {  	s3 =	sld [smem:$0x3FA9]  }
0x31: {  	[smem:$0x3FB2] =	sst s10  }
0x32: {  	s10 =	sld [smem:$0x3FB0];
	_ =	sdelay $0x3  }
0x33: {  	p0 =	seq.s32 s10, $0x1;
	s10 =	sld [smem:$0x3FB2];
	_ =	sdelay $0x3  }
0x34: {  	[smem:$0x3FB2] =	sst s10  }
0x35: {  	s10 =	sld [smem:$0x3FB1];
	_ =	sdelay $0x3  }
0x36: {  	p1 =	seq.s32 s10, $0x1;
	s10 =	sld [smem:$0x3FB2];
	_ =	sdelay $0x3  }
0x37: {  	[smem:$0x3FB2] =	sst s10  }
0x38: {  	s10 =	sld [smem:$0x3FB3]  }
0x39: {  	_ = 	snop;
	(pc) =	sbr.ind lr, $3  }
0x3a: {  	_ = 	snop  }
0x3b: {  	_ = 	snop  }
0x3c: {  	p2 =	seq.s32 s10, $0x1;
	s10 =	sld [smem:$0x3FB2]  }
0x3d: {  	_ =	shalt  }
0x3e: {  	_ =	shalt  }
0x3f: {  	_ =	shalt  }
0x40: {  	_ =	shalt  }
0x41: {  	_ =	shalt  }
0x42: {  	_ =	shalt  }
0x43: {  	_ =	shalt  }
0x44: {  	_ =	shalt  }
0x45: {  	_ =	shalt  }
0x46: {  	_ =	shalt  }
0x47: {  	_ =	shalt  }
0x48: {  	_ =	shalt  }
0x49: {  	_ =	shalt  }
0x4a: {  	_ =	shalt  }
0x4b: {  	_ =	shalt  }
0x4c: {  	_ =	shalt  }
0x4d: {  	_ =	shalt  }
0x4e: {  	_ =	shalt  }
0x4f: {  	_ =	shalt  }
0x50: {  	_ =	shalt  }
0x51: {  	_ =	shalt  }
0x52: {  	_ =	shalt  }
0x53: {  	_ =	shalt  }
0x54: {  	_ =	shalt  }
0x55: {  	_ =	shalt  }
0x56: {  	_ =	shalt  }
0x57: {  	_ =	shalt  }
0x58: {  	_ =	shalt  }
0x59: {  	_ =	shalt  }
0x5a: {  	_ =	shalt  }
0x5b: {  	_ =	shalt  }
0x5c: {  	_ =	shalt  }
0x5d: {  	_ =	shalt  }
0x5e: {  	_ =	shalt  }
0x5f: {  	_ =	shalt  }
0x60: {  	_ =	shalt  }
0x61: {  	_ =	shalt  }
0x62: {  	_ =	shalt  }
0x63: {  	_ =	shalt  }
0x64: {  	_ =	shalt  }
0x65: {  	_ =	shalt  }
0x66: {  	_ =	shalt  }
0x67: {  	_ =	shalt  }
0x68: {  	_ =	shalt  }
0x69: {  	_ =	shalt  }
0x6a: {  	_ =	shalt  }
0x6b: {  	_ =	shalt  }
0x6c: {  	_ =	shalt  }
0x6d: {  	_ =	shalt  }
0x6e: {  	_ =	shalt  }
0x6f: {  	_ =	shalt  }
0x70: {  	_ =	shalt  }
0x71: {  	_ =	shalt  }
0x72: {  	_ =	shalt  }
0x73: {  	_ =	shalt  }
0x74: {  	_ =	shalt  }
0x75: {  	_ =	shalt  }
0x76: {  	_ =	shalt  }
0x77: {  	_ =	shalt  }
0x78: {  	_ =	shalt  }
0x79: {  	_ =	shalt  }
0x7a: {  	_ =	shalt  }
0x7b: {  	_ =	shalt  }
0x7c: {  	_ =	shalt  }
0x7d: {  	_ =	shalt  }
0x7e: {  	_ =	shalt  }
0x7f: {  	_ =	shalt  }
0x80: {  	_ =	shalt  }
0x81: {  	_ =	shalt  }
0x82: {  	_ =	shalt  }
0x83: {  	_ =	shalt  }
0x84: {  	_ =	shalt  }
0x85: {  	_ =	shalt  }
0x86: {  	_ =	shalt  }
0x87: {  	_ =	shalt  }
.Lfunc_end0:
.L_simem_size_0:
called_computation.2_lowered:
.L_overlay_start_0:
0x88: {  	s2 =	sld [smem:$0x3FD9]  }
0x89: {  	s3 =	sld [smem:$0x3FFE];
	_ =	sdelay $0x1  }
0x8a: {  	s1 =	srdreg.scid  }
0x8b: {  	s0 =	sand.u32 $0x1, s1  }
0x8c: {  	s16 =	sshll.u32 s0, $0xA;
	s2 =	sadd.s32 s3, s2  }
0x8d: {  	s2 =	sadd.s32 s2, s16  }
0x8e: {  	[smem:$0x3FBE] =	sst s2  }
0x8f: {  	_ = 	snop  }
0x90: {  	(tm) =	ssettm $0x1  }
0x91: {  	s17 =	sld [smem:$0x3FFB];
	_ =	sdelay $0x3  }
0x92: {  	_ =	strace s17  }
0x93: {  	s2 =	sld [smem:$0x3FFC];
	_ =	sdelay $0x3  }
0x94: {  	_ =	strace s2  }
0x95: {  	s2 =	sld [smem:$0x3FFD];
	_ =	sdelay $0x3  }
0x96: {  	_ =	strace s2  }
0x97: {  	_ =	strace $0x8FFFFFFF  }
0x98: {  	s18 =	sld [smem:$0x3FDB];
	_ =	sdelay $0x1  }
0x99: {  	s19 =	simm.s32 $_scs_section_size  }
0x9a: {  	s4 =	simm.s32 $_size__tile_overlayer_lowered;
	s5 =	simm.s32 $_tile_overlayer_lowered  }
0x9b: {  	s22 =	simm.s32 $0x1BFF;
	s21 =	sshll.u32 s5, $0x1;
	s2 =	sadd.s32 s19, s18  }
0x9c: {  	s6 =	simm.s32 $0x0;
	s20 =	sshll.u32 s4, $0x1;
	s4 =	sadd.s32 s21, s2  }
0x9d: {  	[timem:s6], [sflag:s22] =	dma.local [hbm:s4], s20  }
0x9e: {  	_ =	swait.ge [sflag:s22], s20  }
0x9f: {  	s3 =	ssub.s32 $0x0, s20;
	[sflag:s22] =	ssyncset.done $0x0  }
0xa0: {  	[sflag:s22] =	ssyncadd.s32 s3;
	_ =	sdelay $0x1  }
0xa1: {  	s23 =	simm.s32 $0x1B8B  }
0xa2: {  	_ =	swait.ge [sflag:s23], $0x1  }
0xa3: {  	[sflag:s23] =	ssyncset.done $0x0  }
0xa4: {  	s25 =	simm.s32 $0x1B8E;
	s24 =	sld [smem:$0x3FFE];
	[sflag:s23] =	ssyncadd.s32 $0xFFFFFFFF  }
0xa5: {  	s26 =	simm.s32 $execute0_lowered;
	[smem:$0x3FD2] =	sst s25  }
0xa6: {  	s4 =	sshll.u32 s26, $0x1;
	_ =	strace $0x8000004C;
	[dreg:$0x1] =	wrdreg $0xFFFFFFFF  }
0xa7: {  	s28 =	simm.s32 $_size_execute0_lowered;
	s2 =	sadd.s32 s2, s4;
	[dreg:$0x0] =	wrdreg $0x0  }
0xa8: {  	s4 =	sshll.u32 s28, $0x1;
	[dreg:$0x2] =	wrdreg s2  }
0xa9: {  	[dreg:$0x3] =	wrdreg s4  }
0xaa: {  	[dreg:$0x4] =	wrdreg $0xC0  }
0xab: {  	_ =	task [dreg:s6], $0x5FFFF  }
0xac: {  	[dreg:$0x1] =	wrdreg $0xFFFFFFFF  }
0xad: {  	[dreg:$0x0] =	wrdreg $0x60  }
0xae: {  	[dreg:$0x2] =	wrdreg s24  }
0xaf: {  	[dreg:$0x3] =	wrdreg $0xB2200  }
0xb0: {  	[dreg:$0x4] =	wrdreg $0x9  }
0xb1: {  	_ =	task.clear_ibuf [dreg:s6], $0x5FFFF;
	_ =	strace $0x9000004C  }
0xb2: {  	s29 =	simm.s32 $0x9;
	_ =	strace $0x8000004E  }
0xb3: {  	_ =	swait.ge [sflag:s29], $0x1  }
0xb4: {  	[sflag:s29] =	ssyncadd.s32 $0xFFFFFFFF  }
0xb5: {  	_ =	strace $0x9000004E  }
0xb6: {  	_ =	sfence  }
0xb7: {  	s30 =	sld [smem:$0x0];
	_ =	sdelay $0x2  }
0xb8: {  	s31 =	sshll.u32 s1, $0xD;
	s1 =	sshrl.u32 s1, $0x2  }
0xb9: {  	s3 =	sand.u32 $0x4000, s31;
	s1 =	sadd.s32 s1, s30  }
0xba: {  	s0 =	sor.u32 s3, s0;
	s1 =	sshll.u32 s1, $0x11  }
0xbb: {  	s0 =	sor.u32 s1, s0  }
0xbc: {  	s0 =	sadd.s32 $0x8F2B, s0  }
0xbd: {  	[sflag:s0] =	ssyncadd.remote.s32 $0x1  }
0xbe: {  	_ =	sfence.sel $0xFFFF  }
0xbf: {  	[dreg:$0x0] =	wrdreg $0xFFFFFFFF;
	(pc) =	sbr.abs _section_cstart, $3  }
0xc0: {  	[dreg:$0x1] =	wrdreg $0xFFFFFFFF  }
0xc1: {  	_ =	task.clear_ibuf [dreg:s6], $0x2FFFF;
	_ =	strace $0x9FFFFFFF  }
0xc2: {  	(tm) =	ssettm $0x7FFFFFFF  }
0xc3: {  	_ =	shalt  }
tec
execute0_lowered:
.L_overlay_start_1:
0x0: {  	(tag) =	ssettag $0x1  }
0x1: {  	s0 =	srdreg.scid;
	s1 =	rddreg [dreg:$0x0]  }
0x2: {  	s2 =	rddreg [dreg:$0x1];
	s8 =	stileid.u32;
	s4 =	simm.s32 $0x0  }
0x3: {  	s13 =	simm.s32 $0x15;
	s15 =	simm.s32 $0x50;
	s28 =	simm.s32 $0x2  }
0x4: {  	s30 =	simm.s32 $0x3;
	s29 =	simm.s32 $0xA820;
	s18 =	simm.s32 $0x5  }
0x5: {  	s20 =	simm.s32 $0xB;
	s22 =	simm.s32 $0x6;
	s10 =	simm.s32 $0x9  }
0x6: {  	s11 =	simm.s32 $0xF;
	s12 =	simm.s32 $0xA;
	s14 =	simm.s32 $0x0  }
0x7: {  	s0 =	sand.u32 $0x1, s0;
	[smem:$0x7FF] =	sst s4;
	s4 =	sadd.s32 $0x16A00, s1  }
0x8: {  	s6 =	smul.u32 $0x4E00, s8;
	s9 =	sadd.s32 $0x20800, s1;
	s26 =	sadd.s32 $0x4E000, s2  }
0x9: {  	p0 =	sne.s32 s8, $0xF;
	s3 =	sshll.u32 s0, $0x4;
	_ =	strace $0x8000004D  }
0xa: {  	s5 =	ssub.s32 $0x2, s0;
	s0 =	smul.u32 $0x4E200, s0;
	[dreg:$0x3] =	wrdreg s9  }
0xb: {  	[dreg:$0x7] =	wrdreg s26;
	s9 =	simm.s32 $0xE;
	s3 =	sor.u32 s8, s3  }
0xc: {  	s7 =	sshrl.u32 s5, $0x1;
	s8 =	simm.s32 $0x8;
	s3 =	smul.u32 $0x2710, s3  }
0xd: {  	s5 =	ssub.s32 s5, s7;
	s25 =	sadd.s32 s6, s0;
	s6 =	sadd.s32 s6, s2  }
0xe: {  	s0 =	sshrl.u32 s0, $0x3;
	s7 =	simm.s32 $0xD;
	s3 =	sshrl.u32 s3, $0x3  }
0xf: {  	[dreg:$0x6] =	wrdreg s6;
	s31 =	smax.u32 s5, $0x1;
	s3 =	sadd.s32 s3, s1  }
0x10: {  	[dreg:$0xa] =	wrdreg s31;
	s1 =	sadd.s32 $0x21200, s1;
	s24 =	sadd.s32 $0x3000, s3  }
0x11: {  	s3 =	sadd.s32 $0xCC40, s3;
	s0 =	sadd.s32 s1, s0;
	[dreg:$0x4] =	wrdreg s24  }
0x12: {  	[dreg:$0x5] =	wrdreg s3;
	s3 =	sshrl.u32 s25, $0x3;
	s0 =	sadd.s32 $0x9C00, s0  }
0x13: {  	s6 =	simm.s32 $0x7;
	s3 =	sadd.s32 s1, s3;
	[dreg:$0x9] =	wrdreg s0  }
0x14: {  	s0 =	simm.s32 $0x4;
	s1 =	simm.s32 $0xC;
	[dreg:$0x8] =	wrdreg s3  }
.LBB2_1:
0x15: {  	[dreg:$0xb] =	wrdreg s14  }
0x16: {  	s3 =	simm.s32 $0x0;
	s5 =	rddreg [dreg:$0x4]  }
0x17: {  	[tilespmem:s3], [sflag:$0x15] =	stream.linear.gather [hbm4b:s5+s3], $0x2710, $0x38;
	[tilespmem:$0x10040] =	vst v63  }
0x18: {  	_ =	swait.ge [sflag:s13], $0x2710  }
0x19: {  	[sflag:s13] =	ssyncset.done $0x0  }
0x1a: {  	s16 =	simm.s32 $0x2710;
	s19 =	rddreg [dreg:$0x5];
	[sflag:s13] =	ssyncadd.s32 $0xFFFFD8F0  }
0x1b: {  	[tilespmem:s16], [sflag:$0x15] =	stream.linear.gather [hbm4b:s19+s3], $0x2710, $0x38;
	[tilespmem:$0x10040] =	vst v63  }
0x1c: {  	_ =	swait.ge [sflag:s13], $0x2710  }
0x1d: {  	s17 =	simm.s32 $0x5820;
	[sflag:s13] =	ssyncset.done $0x0  }
0x1e: {  	s21 =	simm.s32 $0xA0;
	s16 =	simm.s32 $0x4E20;
	[sflag:s13] =	ssyncadd.s32 $0xFFFFD8F0  }
0x1f: {  	[tilespmem:s16], [sflag:$0x1] =	stream.indirect.gather [hbm4b:s4+s15], $0x20, s3, s15, $0xb8;
	[tilespmem:$0x10040] =	vst v63  }
0x20: {  	s23 =	simm.s32 $0xF0;
	s24 =	simm.s32 $0x140;
	s26 =	rddreg [dreg:$0x6]  }
0x21: {  	[tilespmem:s17], [sflag:$0x2] =	stream.indirect.gather [hbm4b:s4+s15], $0x20, s15, s15, $0xb8;
	[tilespmem:$0x10040] =	vst v63  }
0x22: {  	s25 =	stileid.u32;
	s19 =	simm.s32 $0x6220;
	s31 =	sshrl.u32 s26, $0x3  }
0x23: {  	[tilespmem:s19], [sflag:$0x3] =	stream.indirect.gather [hbm4b:s4+s15], $0x20, s21, s15, $0xb8;
	[tilespmem:$0x10040] =	vst v63  }
0x24: {  	s3 =	sshll.u32 s25, $0x6;
	[dreg:$0xd] =	wrdreg s31;
	s21 =	simm.s32 $0x6C20  }
0x25: {  	[tilespmem:s21], [sflag:$0x4] =	stream.indirect.gather [hbm4b:s4+s15], $0x20, s23, s15, $0xb8;
	[tilespmem:$0x10040] =	vst v63  }
0x26: {  	s14 =	sor.u32 $0x1C15, s3;
	s3 =	rddreg [dreg:$0x3];
	s23 =	simm.s32 $0x7620  }
0x27: {  	[tilespmem:s23], [sflag:$0x5] =	stream.indirect.gather [hbm4b:s4+s15], $0x20, s24, s15, $0xb8;
	[tilespmem:$0x10040] =	vst v63  }
0x28: {  	[spmem:s31], [sflag:s14] =	dma.local [hbm:s3], $0x9C0  }
0x29: {  	_ =	swait.ge [sflag:s13], $0x9C0  }
0x2a: {  	s5 =	rddreg [dreg:$0x7]  }
0x2b: {  	[dreg:$0xc] =	wrdreg s14;
	[sflag:s13] =	ssyncset.done $0x0;
	s5 =	sshrl.u32 @!p0 s5, $0x3  }
0x2c: {  	[sflag:s13] =	ssyncadd.s32 $0xFFFFF640;
	[dreg:$0xe] =	wrdreg s5  }
0x2d: {  	[spmem:s5], [sflag:s14] =	dma.local @!p0 [hbm:s3], $0x40  }
0x2e: {  	s3 =	simm.s32 @!p0 $0x15  }
0x2f: {  	_ =	swait.ge @!p0 [sflag:s3], $0x40  }
0x30: {  	[sflag:s3] =	ssyncset.done @!p0 $0x0  }
0x31: {  	p1 =	por $0x1, $0x1;
	[sflag:s3] =	ssyncadd.s32 @!p0 $0xFFFFFFC0  }
0x32: {  	s3 =	simm.s32 @!p1 $0x10;
	[bflag:$0x0] =	sbarrier.arrive $0xFFFF  }
0x33: {  	_ =	swait.ge @!p1 [sflag:s3], $0xA00  }
0x34: {  	s24 =	simm.s32 $0x1;
	[sflag:s3] =	ssyncset.done @!p1 $0x0  }
0x35: {  	s13 =	simm.s32 $0x8020;
	s14 =	simm.s32 $0x190;
	[sflag:s3] =	ssyncadd.s32 @!p1 $0xFFFFF600  }
0x36: {  	[tilespmem:s13], [sflag:$0x6] =	stream.indirect.gather [hbm4b:s4+s15], $0x20, s14, s15, $0xb8;
	[tilespmem:$0x10040] =	vst v63  }
0x37: {  	_ =	swait.ge [sflag:s24], $0xA00  }
0x38: {  	[sflag:s24] =	ssyncset.done $0x0  }
0x39: {  	s25 =	simm.s32 $0x2710;
	s5 =	simm.s32 @!p1 $0x11;
	[sflag:s24] =	ssyncadd.s32 $0xFFFFF600  }
0x3a: {  	[spmem:s2] =	stream.indirect.scatter.add.f32 [tilespmem:s16], [sflag:$0xB], $0x20, s25, s15, $0xb8;
	[tilespmem:$0x10040] =	vst v63  }
0x3b: {  	_ =	swait.ge @!p1 [sflag:s5], $0xA00  }
0x3c: {  	[sflag:s5] =	ssyncset.done @!p1 $0x0  }
0x3d: {  	s26 =	simm.s32 $0x1E0;
	s24 =	simm.s32 $0x8A20;
	[sflag:s5] =	ssyncadd.s32 @!p1 $0xFFFFF600  }
0x3e: {  	[tilespmem:s24], [sflag:$0x7] =	stream.indirect.gather [hbm4b:s4+s15], $0x20, s26, s15, $0xb8;
	[tilespmem:$0x10040] =	vst v63  }
0x3f: {  	_ =	swait.ge [sflag:s28], $0xA00  }
0x40: {  	[sflag:s28] =	ssyncset.done $0x0  }
0x41: {  	s31 =	simm.s32 $0x2760;
	s5 =	simm.s32 @!p1 $0x12;
	[sflag:s28] =	ssyncadd.s32 $0xFFFFF600  }
0x42: {  	[spmem:s2] =	stream.indirect.scatter.add.f32 [tilespmem:s17], [sflag:$0xC], $0x20, s31, s15, $0xb8;
	[tilespmem:$0x10040] =	vst v63  }
0x43: {  	_ =	swait.ge @!p1 [sflag:s5], $0xA00  }
0x44: {  	[sflag:s5] =	ssyncset.done @!p1 $0x0  }
0x45: {  	s26 =	simm.s32 $0x9420;
	[sflag:s5] =	ssyncadd.s32 @!p1 $0xFFFFF600;
	s5 =	simm.s32 $0x230  }
0x46: {  	[tilespmem:s26], [sflag:$0x8] =	stream.indirect.gather [hbm4b:s4+s15], $0x20, s5, s15, $0xb8;
	[tilespmem:$0x10040] =	vst v63  }
0x47: {  	_ =	swait.ge [sflag:s30], $0xA00  }
0x48: {  	[sflag:s30] =	ssyncset.done $0x0  }
0x49: {  	s14 =	simm.s32 $0x27B0;
	s5 =	simm.s32 @!p1 $0x13;
	[sflag:s30] =	ssyncadd.s32 $0xFFFFF600  }
0x4a: {  	[spmem:s2] =	stream.indirect.scatter.add.f32 [tilespmem:s19], [sflag:$0xD], $0x20, s14, s15, $0xb8;
	[tilespmem:$0x10040] =	vst v63  }
0x4b: {  	_ =	swait.ge @!p1 [sflag:s5], $0xA00  }
0x4c: {  	[sflag:s5] =	ssyncset.done @!p1 $0x0  }
0x4d: {  	s25 =	simm.s32 $0x280;
	s14 =	simm.s32 $0x9E20;
	[sflag:s5] =	ssyncadd.s32 @!p1 $0xFFFFF600  }
0x4e: {  	[tilespmem:s14], [sflag:$0x9] =	stream.indirect.gather [hbm4b:s4+s15], $0x20, s25, s15, $0xb8;
	[tilespmem:$0x10040] =	vst v63  }
0x4f: {  	_ =	swait.ge [sflag:s0], $0xA00  }
0x50: {  	[sflag:s0] =	ssyncset.done $0x0  }
0x51: {  	s31 =	simm.s32 $0x2800;
	s5 =	simm.s32 @!p1 $0x14;
	[sflag:s0] =	ssyncadd.s32 $0xFFFFF600  }
0x52: {  	[spmem:s2] =	stream.indirect.scatter.add.f32 [tilespmem:s21], [sflag:$0xE], $0x20, s31, s15, $0xb8;
	[tilespmem:$0x10040] =	vst v63  }
0x53: {  	_ =	swait.ge @!p1 [sflag:s5], $0xA00  }
0x54: {  	[sflag:s5] =	ssyncset.done @!p1 $0x0  }
0x55: {  	s25 =	simm.s32 $0x2D0;
	[sflag:s5] =	ssyncadd.s32 @!p1 $0xFFFFF600  }
0x56: {  	[tilespmem:s29], [sflag:$0xA] =	stream.indirect.gather [hbm4b:s4+s15], $0x20, s25, s15, $0xb8;
	[tilespmem:$0x10040] =	vst v63  }
0x57: {  	_ =	swait.ge [sflag:s18], $0xA00  }
0x58: {  	[sflag:s18] =	ssyncset.done $0x0  }
0x59: {  	s29 =	simm.s32 $0x2850;
	[sflag:s18] =	ssyncadd.s32 $0xFFFFF600  }
0x5a: {  	[spmem:s2] =	stream.indirect.scatter.add.f32 [tilespmem:s23], [sflag:$0xF], $0x20, s29, s15, $0xb8;
	[tilespmem:$0x10040] =	vst v63  }
0x5b: {  	_ =	swait.ge [sflag:s20], $0xA00  }
0x5c: {  	[sflag:s20] =	ssyncset.done $0x0  }
0x5d: {  	s31 =	simm.s32 $0x320;
	[sflag:s20] =	ssyncadd.s32 $0xFFFFF600  }
0x5e: {  	[tilespmem:s16], [sflag:$0x1] =	stream.indirect.gather [hbm4b:s4+s15], $0x20, s31, s15, $0xb8;
	[tilespmem:$0x10040] =	vst v63  }
0x5f: {  	_ =	swait.ge [sflag:s22], $0xA00  }
0x60: {  	[sflag:s22] =	ssyncset.done $0x0  }
0x61: {  	s5 =	simm.s32 $0x28A0;
	[sflag:s22] =	ssyncadd.s32 $0xFFFFF600  }
0x62: {  	[spmem:s2] =	stream.indirect.scatter.add.f32 [tilespmem:s13], [sflag:$0x10], $0x20, s5, s15, $0xb8;
	[tilespmem:$0x10040] =	vst v63  }
0x63: {  	_ =	swait.ge [sflag:s1], $0xA00  }
0x64: {  	[sflag:s1] =	ssyncset.done $0x0  }
0x65: {  	s16 =	simm.s32 $0x370;
	[sflag:s1] =	ssyncadd.s32 $0xFFFFF600  }
0x66: {  	[tilespmem:s17], [sflag:$0x2] =	stream.indirect.gather [hbm4b:s4+s15], $0x20, s16, s15, $0xb8;
	[tilespmem:$0x10040] =	vst v63  }
0x67: {  	_ =	swait.ge [sflag:s6], $0xA00  }
0x68: {  	[sflag:s6] =	ssyncset.done $0x0  }
0x69: {  	s17 =	simm.s32 $0x28F0;
	[sflag:s6] =	ssyncadd.s32 $0xFFFFF600  }
0x6a: {  	[spmem:s2] =	stream.indirect.scatter.add.f32 [tilespmem:s24], [sflag:$0x11], $0x20, s17, s15, $0xb8;
	[tilespmem:$0x10040] =	vst v63  }
0x6b: {  	_ =	swait.ge [sflag:s7], $0xA00  }
0x6c: {  	[sflag:s7] =	ssyncset.done $0x0  }
0x6d: {  	s24 =	simm.s32 $0x3C0;
	[sflag:s7] =	ssyncadd.s32 $0xFFFFF600  }
0x6e: {  	[tilespmem:s19], [sflag:$0x3] =	stream.indirect.gather [hbm4b:s4+s15], $0x20, s24, s15, $0xb8;
	[tilespmem:$0x10040] =	vst v63  }
0x6f: {  	_ =	swait.ge [sflag:s8], $0xA00  }
0x70: {  	[sflag:s8] =	ssyncset.done $0x0  }
0x71: {  	s25 =	simm.s32 $0x2940;
	[sflag:s8] =	ssyncadd.s32 $0xFFFFF600  }
0x72: {  	[spmem:s2] =	stream.indirect.scatter.add.f32 [tilespmem:s26], [sflag:$0x12], $0x20, s25, s15, $0xb8;
	[tilespmem:$0x10040] =	vst v63  }
0x73: {  	_ =	swait.ge [sflag:s9], $0xA00  }
0x74: {  	[sflag:s9] =	ssyncset.done $0x0  }
0x75: {  	s26 =	simm.s32 $0x410;
	[sflag:s9] =	ssyncadd.s32 $0xFFFFF600  }
0x76: {  	[tilespmem:s21], [sflag:$0x4] =	stream.indirect.gather [hbm4b:s4+s15], $0x20, s26, s15, $0xb8;
	[tilespmem:$0x10040] =	vst v63  }
0x77: {  	_ =	swait.ge [sflag:s10], $0xA00  }
0x78: {  	[sflag:s10] =	ssyncset.done $0x0  }
0x79: {  	s29 =	simm.s32 $0x2990;
	[sflag:s10] =	ssyncadd.s32 $0xFFFFF600  }
0x7a: {  	[spmem:s2] =	stream.indirect.scatter.add.f32 [tilespmem:s14], [sflag:$0x13], $0x20, s29, s15, $0xb8;
	[tilespmem:$0x10040] =	vst v63  }
0x7b: {  	_ =	swait.ge [sflag:s11], $0xA00  }
0x7c: {  	[sflag:s11] =	ssyncset.done $0x0  }
0x7d: {  	s31 =	simm.s32 $0x460;
	[sflag:s11] =	ssyncadd.s32 $0xFFFFF600  }
0x7e: {  	[tilespmem:s23], [sflag:$0x5] =	stream.indirect.gather [hbm4b:s4+s15], $0x20, s31, s15, $0xb8;
	[tilespmem:$0x10040] =	vst v63  }
0x7f: {  	p2 =	por $0x0, $0x0;
	s3 =	simm.s32 $0x29E0;
	_ =	swait.ge [sflag:s12], $0xA00  }
0x80: {  	s5 =	simm.s32 $0xC80;
	s13 =	simm.s32 $0x1900;
	[sflag:s12] =	ssyncset.done $0x0  }
.LBB2_2:
0x81: {  	s16 =	simm.s32 @!p2 $0x10;
	[sflag:s12] =	ssyncadd.s32 $0xFFFFF600  }
0x82: {  	s17 =	smov.u32 s13;
	s13 =	sadd.s32 $0xC80, s13;
	s25 =	simm.s32 $0xA820  }
0x83: {  	[spmem:s2] =	stream.indirect.scatter.add.f32 [tilespmem:s25], [sflag:$0x14], $0x20, s3, s15, $0xb8;
	[tilespmem:$0x10040] =	vst v63  }
0x84: {  	s26 =	simm.s32 $0x8020;
	p1 =	sne.s32 s13, $0x9600;
	_ =	swait.ge @!p2 [sflag:s16], $0xA00  }
0x85: {  	s3 =	sshra.s32 s5, $0x2;
	s5 =	smov.u32 s17;
	[sflag:s16] =	ssyncset.done @!p2 $0x0  }
0x86: {  	s14 =	simm.s32 $0x1;
	[sflag:s16] =	ssyncadd.s32 @!p2 $0xFFFFF600;
	s16 =	sadd.s32 $0x190, s3  }
0x87: {  	[tilespmem:s26], [sflag:$0x6] =	stream.indirect.gather [hbm4b:s4+s15], $0x20, s16, s15, $0xb8;
	[tilespmem:$0x10040] =	vst v63  }
0x88: {  	_ =	swait.ge [sflag:s14], $0xA00  }
0x89: {  	s19 =	simm.s32 $0x4E20;
	[sflag:s14] =	ssyncset.done $0x0  }
0x8a: {  	s17 =	simm.s32 @!p2 $0x11;
	s16 =	sadd.s32 $0x2710, s3;
	[sflag:s14] =	ssyncadd.s32 $0xFFFFF600  }
0x8b: {  	[spmem:s2] =	stream.indirect.scatter.add.f32 [tilespmem:s19], [sflag:$0xB], $0x20, s16, s15, $0xb8;
	[tilespmem:$0x10040] =	vst v63  }
0x8c: {  	_ =	swait.ge @!p2 [sflag:s17], $0xA00  }
0x8d: {  	[sflag:s17] =	ssyncset.done @!p2 $0x0  }
0x8e: {  	s29 =	simm.s32 $0x8A20;
	s16 =	sadd.s32 $0x1E0, s3;
	[sflag:s17] =	ssyncadd.s32 @!p2 $0xFFFFF600  }
0x8f: {  	[tilespmem:s29], [sflag:$0x7] =	stream.indirect.gather [hbm4b:s4+s15], $0x20, s16, s15, $0xb8;
	[tilespmem:$0x10040] =	vst v63  }
0x90: {  	_ =	swait.ge [sflag:s28], $0xA00  }
0x91: {  	s21 =	simm.s32 $0x5820;
	[sflag:s28] =	ssyncset.done $0x0  }
0x92: {  	s17 =	simm.s32 @!p2 $0x12;
	s16 =	sadd.s32 $0x2760, s3;
	[sflag:s28] =	ssyncadd.s32 $0xFFFFF600  }
0x93: {  	[spmem:s2] =	stream.indirect.scatter.add.f32 [tilespmem:s21], [sflag:$0xC], $0x20, s16, s15, $0xb8;
	[tilespmem:$0x10040] =	vst v63  }
0x94: {  	_ =	swait.ge @!p2 [sflag:s17], $0xA00  }
0x95: {  	[sflag:s17] =	ssyncset.done @!p2 $0x0  }
0x96: {  	s31 =	simm.s32 $0x9420;
	s16 =	sadd.s32 $0x230, s3;
	[sflag:s17] =	ssyncadd.s32 @!p2 $0xFFFFF600  }
0x97: {  	[tilespmem:s31], [sflag:$0x8] =	stream.indirect.gather [hbm4b:s4+s15], $0x20, s16, s15, $0xb8;
	[tilespmem:$0x10040] =	vst v63  }
0x98: {  	_ =	swait.ge [sflag:s30], $0xA00  }
0x99: {  	s23 =	simm.s32 $0x6220;
	[sflag:s30] =	ssyncset.done $0x0  }
0x9a: {  	s17 =	simm.s32 @!p2 $0x13;
	s16 =	sadd.s32 $0x27B0, s3;
	[sflag:s30] =	ssyncadd.s32 $0xFFFFF600  }
0x9b: {  	[spmem:s2] =	stream.indirect.scatter.add.f32 [tilespmem:s23], [sflag:$0xD], $0x20, s16, s15, $0xb8;
	[tilespmem:$0x10040] =	vst v63  }
0x9c: {  	_ =	swait.ge @!p2 [sflag:s17], $0xA00  }
0x9d: {  	[sflag:s17] =	ssyncset.done @!p2 $0x0  }
0x9e: {  	s14 =	simm.s32 $0x9E20;
	s16 =	sadd.s32 $0x280, s3;
	[sflag:s17] =	ssyncadd.s32 @!p2 $0xFFFFF600  }
0x9f: {  	[tilespmem:s14], [sflag:$0x9] =	stream.indirect.gather [hbm4b:s4+s15], $0x20, s16, s15, $0xb8;
	[tilespmem:$0x10040] =	vst v63  }
0xa0: {  	_ =	swait.ge [sflag:s0], $0xA00  }
0xa1: {  	s24 =	simm.s32 $0x6C20;
	[sflag:s0] =	ssyncset.done $0x0  }
0xa2: {  	s17 =	simm.s32 @!p2 $0x14;
	s16 =	sadd.s32 $0x2800, s3;
	[sflag:s0] =	ssyncadd.s32 $0xFFFFF600  }
0xa3: {  	[spmem:s2] =	stream.indirect.scatter.add.f32 [tilespmem:s24], [sflag:$0xE], $0x20, s16, s15, $0xb8;
	[tilespmem:$0x10040] =	vst v63  }
0xa4: {  	_ =	swait.ge @!p2 [sflag:s17], $0xA00  }
0xa5: {  	[sflag:s17] =	ssyncset.done @!p2 $0x0  }
0xa6: {  	s16 =	sadd.s32 $0x2D0, s3;
	[sflag:s17] =	ssyncadd.s32 @!p2 $0xFFFFF600  }
0xa7: {  	[tilespmem:s25], [sflag:$0xA] =	stream.indirect.gather [hbm4b:s4+s15], $0x20, s16, s15, $0xb8;
	[tilespmem:$0x10040] =	vst v63  }
0xa8: {  	_ =	swait.ge [sflag:s18], $0xA00  }
0xa9: {  	[sflag:s18] =	ssyncset.done $0x0  }
0xaa: {  	s17 =	simm.s32 $0x7620;
	s16 =	sadd.s32 $0x2850, s3;
	[sflag:s18] =	ssyncadd.s32 $0xFFFFF600  }
0xab: {  	[spmem:s2] =	stream.indirect.scatter.add.f32 [tilespmem:s17], [sflag:$0xF], $0x20, s16, s15, $0xb8;
	[tilespmem:$0x10040] =	vst v63  }
0xac: {  	_ =	swait.ge [sflag:s20], $0xA00  }
0xad: {  	[sflag:s20] =	ssyncset.done $0x0  }
0xae: {  	s16 =	sadd.s32 $0x320, s3;
	[sflag:s20] =	ssyncadd.s32 $0xFFFFF600  }
0xaf: {  	[tilespmem:s19], [sflag:$0x1] =	stream.indirect.gather [hbm4b:s4+s15], $0x20, s16, s15, $0xb8;
	[tilespmem:$0x10040] =	vst v63  }
0xb0: {  	_ =	swait.ge [sflag:s22], $0xA00  }
0xb1: {  	[sflag:s22] =	ssyncset.done $0x0  }
0xb2: {  	s16 =	sadd.s32 $0x28A0, s3;
	[sflag:s22] =	ssyncadd.s32 $0xFFFFF600  }
0xb3: {  	[spmem:s2] =	stream.indirect.scatter.add.f32 [tilespmem:s26], [sflag:$0x10], $0x20, s16, s15, $0xb8;
	[tilespmem:$0x10040] =	vst v63  }
0xb4: {  	_ =	swait.ge [sflag:s1], $0xA00  }
0xb5: {  	[sflag:s1] =	ssyncset.done $0x0  }
0xb6: {  	s16 =	sadd.s32 $0x370, s3;
	[sflag:s1] =	ssyncadd.s32 $0xFFFFF600  }
0xb7: {  	[tilespmem:s21], [sflag:$0x2] =	stream.indirect.gather [hbm4b:s4+s15], $0x20, s16, s15, $0xb8;
	[tilespmem:$0x10040] =	vst v63  }
0xb8: {  	_ =	swait.ge [sflag:s6], $0xA00  }
0xb9: {  	[sflag:s6] =	ssyncset.done $0x0  }
0xba: {  	s16 =	sadd.s32 $0x28F0, s3;
	[sflag:s6] =	ssyncadd.s32 $0xFFFFF600  }
0xbb: {  	[spmem:s2] =	stream.indirect.scatter.add.f32 [tilespmem:s29], [sflag:$0x11], $0x20, s16, s15, $0xb8;
	[tilespmem:$0x10040] =	vst v63  }
0xbc: {  	_ =	swait.ge [sflag:s7], $0xA00  }
0xbd: {  	[sflag:s7] =	ssyncset.done $0x0  }
0xbe: {  	s16 =	sadd.s32 $0x3C0, s3;
	[sflag:s7] =	ssyncadd.s32 $0xFFFFF600  }
0xbf: {  	[tilespmem:s23], [sflag:$0x3] =	stream.indirect.gather [hbm4b:s4+s15], $0x20, s16, s15, $0xb8;
	[tilespmem:$0x10040] =	vst v63  }
0xc0: {  	_ =	swait.ge [sflag:s8], $0xA00  }
0xc1: {  	[sflag:s8] =	ssyncset.done $0x0  }
0xc2: {  	s16 =	sadd.s32 $0x2940, s3;
	[sflag:s8] =	ssyncadd.s32 $0xFFFFF600  }
0xc3: {  	[spmem:s2] =	stream.indirect.scatter.add.f32 [tilespmem:s31], [sflag:$0x12], $0x20, s16, s15, $0xb8;
	[tilespmem:$0x10040] =	vst v63  }
0xc4: {  	_ =	swait.ge [sflag:s9], $0xA00  }
0xc5: {  	[sflag:s9] =	ssyncset.done $0x0  }
0xc6: {  	s16 =	sadd.s32 $0x410, s3;
	[sflag:s9] =	ssyncadd.s32 $0xFFFFF600  }
0xc7: {  	[tilespmem:s24], [sflag:$0x4] =	stream.indirect.gather [hbm4b:s4+s15], $0x20, s16, s15, $0xb8;
	[tilespmem:$0x10040] =	vst v63  }
0xc8: {  	_ =	swait.ge [sflag:s10], $0xA00  }
0xc9: {  	[sflag:s10] =	ssyncset.done $0x0  }
0xca: {  	s16 =	sadd.s32 $0x2990, s3;
	[sflag:s10] =	ssyncadd.s32 $0xFFFFF600  }
0xcb: {  	[spmem:s2] =	stream.indirect.scatter.add.f32 [tilespmem:s14], [sflag:$0x13], $0x20, s16, s15, $0xb8;
	[tilespmem:$0x10040] =	vst v63  }
0xcc: {  	_ =	swait.ge [sflag:s11], $0xA00  }
.Ltmp0:
0xcd: {  	[sflag:s11] =	ssyncset.done $0x0;
	(pc) =	sbr.rel @p1 .LBB2_2-.Ltmp0, $4  }
0xce: {  	s16 =	sadd.s32 $0x460, s3;
	[sflag:s11] =	ssyncadd.s32 $0xFFFFF600  }
0xcf: {  	[tilespmem:s17], [sflag:$0x5] =	stream.indirect.gather [hbm4b:s4+s15], $0x20, s16, s15, $0xb8;
	[tilespmem:$0x10040] =	vst v63  }
0xd0: {  	_ =	swait.ge [sflag:s12], $0xA00  }
0xd1: {  	p2 =	seq.s32 s5, $0x0;
	s3 =	sadd.s32 $0x29E0, s3;
	[sflag:s12] =	ssyncset.done $0x0  }
0xd2: {  	[sflag:s12] =	ssyncadd.s32 $0xFFFFF600;
	s31 =	simm.s32 $0xA820;
	s13 =	simm.s32 @!p2 $0x10  }
0xd3: {  	[spmem:s2] =	stream.indirect.scatter.add.f32 [tilespmem:s31], [sflag:$0x14], $0x20, s3, s15, $0xb8;
	[tilespmem:$0x10040] =	vst v63  }
0xd4: {  	_ =	swait.ge @!p2 [sflag:s13], $0xA00  }
0xd5: {  	s23 =	simm.s32 $0x8020;
	s3 =	sshra.s32 s5, $0x2;
	[sflag:s13] =	ssyncset.done @!p2 $0x0  }
0xd6: {  	s25 =	simm.s32 $0x1;
	s5 =	sadd.s32 $0x190, s3;
	[sflag:s13] =	ssyncadd.s32 @!p2 $0xFFFFF600  }
0xd7: {  	[tilespmem:s23], [sflag:$0x6] =	stream.indirect.gather [hbm4b:s4+s15], $0x20, s5, s15, $0xb8;
	[tilespmem:$0x10040] =	vst v63  }
0xd8: {  	_ =	swait.ge [sflag:s25], $0xA00  }
0xd9: {  	s16 =	sadd.s32 $0x2710, s3;
	[sflag:s25] =	ssyncset.done $0x0  }
0xda: {  	s13 =	simm.s32 $0x4E20;
	s5 =	simm.s32 @!p2 $0x11;
	[sflag:s25] =	ssyncadd.s32 $0xFFFFF600  }
0xdb: {  	[spmem:s2] =	stream.indirect.scatter.add.f32 [tilespmem:s13], [sflag:$0xB], $0x20, s16, s15, $0xb8;
	[tilespmem:$0x10040] =	vst v63  }
0xdc: {  	_ =	swait.ge @!p2 [sflag:s5], $0xA00  }
0xdd: {  	[sflag:s5] =	ssyncset.done @!p2 $0x0  }
0xde: {  	s24 =	simm.s32 $0x8A20;
	s17 =	sadd.s32 $0x1E0, s3;
	[sflag:s5] =	ssyncadd.s32 @!p2 $0xFFFFF600  }
0xdf: {  	[tilespmem:s24], [sflag:$0x7] =	stream.indirect.gather [hbm4b:s4+s15], $0x20, s17, s15, $0xb8;
	[tilespmem:$0x10040] =	vst v63  }
0xe0: {  	_ =	swait.ge [sflag:s28], $0xA00  }
0xe1: {  	s19 =	sadd.s32 $0x2760, s3;
	[sflag:s28] =	ssyncset.done $0x0  }
0xe2: {  	s16 =	simm.s32 $0x5820;
	s5 =	simm.s32 @!p2 $0x12;
	[sflag:s28] =	ssyncadd.s32 $0xFFFFF600  }
0xe3: {  	[spmem:s2] =	stream.indirect.scatter.add.f32 [tilespmem:s16], [sflag:$0xC], $0x20, s19, s15, $0xb8;
	[tilespmem:$0x10040] =	vst v63  }
0xe4: {  	_ =	swait.ge @!p2 [sflag:s5], $0xA00  }
0xe5: {  	[sflag:s5] =	ssyncset.done @!p2 $0x0  }
0xe6: {  	s26 =	simm.s32 $0x9420;
	s21 =	sadd.s32 $0x230, s3;
	[sflag:s5] =	ssyncadd.s32 @!p2 $0xFFFFF600  }
0xe7: {  	[tilespmem:s26], [sflag:$0x8] =	stream.indirect.gather [hbm4b:s4+s15], $0x20, s21, s15, $0xb8;
	[tilespmem:$0x10040] =	vst v63  }
0xe8: {  	_ =	swait.ge [sflag:s30], $0xA00  }
0xe9: {  	s14 =	sadd.s32 $0x27B0, s3;
	[sflag:s30] =	ssyncset.done $0x0  }
0xea: {  	s17 =	simm.s32 $0x6220;
	s5 =	simm.s32 @!p2 $0x13;
	[sflag:s30] =	ssyncadd.s32 $0xFFFFF600  }
0xeb: {  	[spmem:s2] =	stream.indirect.scatter.add.f32 [tilespmem:s17], [sflag:$0xD], $0x20, s14, s15, $0xb8;
	[tilespmem:$0x10040] =	vst v63  }
0xec: {  	_ =	swait.ge @!p2 [sflag:s5], $0xA00  }
0xed: {  	[sflag:s5] =	ssyncset.done @!p2 $0x0  }
0xee: {  	s19 =	sadd.s32 $0x280, s3;
	s14 =	simm.s32 $0x9E20;
	[sflag:s5] =	ssyncadd.s32 @!p2 $0xFFFFF600  }
0xef: {  	[tilespmem:s14], [sflag:$0x9] =	stream.indirect.gather [hbm4b:s4+s15], $0x20, s19, s15, $0xb8;
	[tilespmem:$0x10040] =	vst v63  }
0xf0: {  	_ =	swait.ge [sflag:s0], $0xA00  }
0xf1: {  	s21 =	sadd.s32 $0x2800, s3;
	[sflag:s0] =	ssyncset.done $0x0  }
0xf2: {  	s5 =	simm.s32 @!p2 $0x14;
	s19 =	simm.s32 $0x6C20;
	[sflag:s0] =	ssyncadd.s32 $0xFFFFF600  }
0xf3: {  	[spmem:s2] =	stream.indirect.scatter.add.f32 [tilespmem:s19], [sflag:$0xE], $0x20, s21, s15, $0xb8;
	[tilespmem:$0x10040] =	vst v63  }
0xf4: {  	_ =	swait.ge @!p2 [sflag:s5], $0xA00  }
0xf5: {  	[sflag:s5] =	ssyncset.done @!p2 $0x0  }
0xf6: {  	s21 =	sadd.s32 $0x2D0, s3;
	[sflag:s5] =	ssyncadd.s32 @!p2 $0xFFFFF600  }
0xf7: {  	[tilespmem:s31], [sflag:$0xA] =	stream.indirect.gather [hbm4b:s4+s15], $0x20, s21, s15, $0xb8;
	[tilespmem:$0x10040] =	vst v63  }
0xf8: {  	_ =	swait.ge [sflag:s18], $0xA00  }
0xf9: {  	[sflag:s18] =	ssyncset.done $0x0  }
0xfa: {  	s5 =	sadd.s32 $0x2850, s3;
	s21 =	simm.s32 $0x7620;
	[sflag:s18] =	ssyncadd.s32 $0xFFFFF600  }
0xfb: {  	[spmem:s2] =	stream.indirect.scatter.add.f32 [tilespmem:s21], [sflag:$0xF], $0x20, s5, s15, $0xb8;
	[tilespmem:$0x10040] =	vst v63  }
0xfc: {  	_ =	swait.ge [sflag:s20], $0xA00  }
0xfd: {  	[sflag:s20] =	ssyncset.done $0x0  }
0xfe: {  	s5 =	sadd.s32 $0x320, s3;
	[sflag:s20] =	ssyncadd.s32 $0xFFFFF600  }
0xff: {  	[tilespmem:s13], [sflag:$0x1] =	stream.indirect.gather [hbm4b:s4+s15], $0x20, s5, s15, $0xb8;
	[tilespmem:$0x10040] =	vst v63  }
0x100: {  	_ =	swait.ge [sflag:s22], $0xA00  }
0x101: {  	[sflag:s22] =	ssyncset.done $0x0  }
0x102: {  	s5 =	sadd.s32 $0x28A0, s3;
	[sflag:s22] =	ssyncadd.s32 $0xFFFFF600  }
0x103: {  	[spmem:s2] =	stream.indirect.scatter.add.f32 [tilespmem:s23], [sflag:$0x10], $0x20, s5, s15, $0xb8;
	[tilespmem:$0x10040] =	vst v63  }
0x104: {  	_ =	swait.ge [sflag:s1], $0xA00  }
0x105: {  	[sflag:s1] =	ssyncset.done $0x0  }
0x106: {  	s23 =	sadd.s32 $0x370, s3;
	[sflag:s1] =	ssyncadd.s32 $0xFFFFF600  }
0x107: {  	[tilespmem:s16], [sflag:$0x2] =	stream.indirect.gather [hbm4b:s4+s15], $0x20, s23, s15, $0xb8;
	[tilespmem:$0x10040] =	vst v63  }
0x108: {  	_ =	swait.ge [sflag:s6], $0xA00  }
0x109: {  	[sflag:s6] =	ssyncset.done $0x0  }
0x10a: {  	s23 =	sadd.s32 $0x28F0, s3;
	[sflag:s6] =	ssyncadd.s32 $0xFFFFF600  }
0x10b: {  	[spmem:s2] =	stream.indirect.scatter.add.f32 [tilespmem:s24], [sflag:$0x11], $0x20, s23, s15, $0xb8;
	[tilespmem:$0x10040] =	vst v63  }
0x10c: {  	_ =	swait.ge [sflag:s7], $0xA00  }
0x10d: {  	[sflag:s7] =	ssyncset.done $0x0  }
0x10e: {  	s24 =	sadd.s32 $0x3C0, s3;
	[sflag:s7] =	ssyncadd.s32 $0xFFFFF600  }
0x10f: {  	[tilespmem:s17], [sflag:$0x3] =	stream.indirect.gather [hbm4b:s4+s15], $0x20, s24, s15, $0xb8;
	[tilespmem:$0x10040] =	vst v63  }
0x110: {  	_ =	swait.ge [sflag:s8], $0xA00  }
0x111: {  	[sflag:s8] =	ssyncset.done $0x0  }
0x112: {  	s23 =	sadd.s32 $0x2940, s3;
	[sflag:s8] =	ssyncadd.s32 $0xFFFFF600  }
0x113: {  	[spmem:s2] =	stream.indirect.scatter.add.f32 [tilespmem:s26], [sflag:$0x12], $0x20, s23, s15, $0xb8;
	[tilespmem:$0x10040] =	vst v63  }
0x114: {  	_ =	swait.ge [sflag:s9], $0xA00  }
0x115: {  	[sflag:s9] =	ssyncset.done $0x0  }
0x116: {  	s24 =	sadd.s32 $0x410, s3;
	[sflag:s9] =	ssyncadd.s32 $0xFFFFF600  }
0x117: {  	[tilespmem:s19], [sflag:$0x4] =	stream.indirect.gather [hbm4b:s4+s15], $0x20, s24, s15, $0xb8;
	[tilespmem:$0x10040] =	vst v63  }
0x118: {  	_ =	swait.ge [sflag:s10], $0xA00  }
0x119: {  	[sflag:s10] =	ssyncset.done $0x0  }
0x11a: {  	s26 =	sadd.s32 $0x2990, s3;
	[sflag:s10] =	ssyncadd.s32 $0xFFFFF600  }
0x11b: {  	[spmem:s2] =	stream.indirect.scatter.add.f32 [tilespmem:s14], [sflag:$0x13], $0x20, s26, s15, $0xb8;
	[tilespmem:$0x10040] =	vst v63  }
0x11c: {  	_ =	swait.ge [sflag:s11], $0xA00  }
0x11d: {  	[sflag:s11] =	ssyncset.done $0x0  }
0x11e: {  	s23 =	sadd.s32 $0x460, s3;
	[sflag:s11] =	ssyncadd.s32 $0xFFFFF600  }
0x11f: {  	[tilespmem:s21], [sflag:$0x5] =	stream.indirect.gather [hbm4b:s4+s15], $0x20, s23, s15, $0xb8;
	[tilespmem:$0x10040] =	vst v63  }
0x120: {  	_ =	swait.ge [sflag:s12], $0xA00  }
0x121: {  	[sflag:s12] =	ssyncset.done $0x0  }
0x122: {  	s3 =	sadd.s32 $0x29E0, s3;
	s24 =	simm.s32 $0x10;
	[sflag:s12] =	ssyncadd.s32 $0xFFFFF600  }
0x123: {  	[spmem:s2] =	stream.indirect.scatter.add.f32 [tilespmem:s31], [sflag:$0x14], $0x20, s3, s15, $0xb8;
	[tilespmem:$0x10040] =	vst v63  }
0x124: {  	_ =	swait.ge [sflag:s24], $0xA00  }
0x125: {  	[sflag:s24] =	ssyncset.done $0x0  }
0x126: {  	[sflag:s24] =	ssyncadd.s32 $0xFFFFF600  }
0x127: {  	_ =	swait.ge [sflag:s25], $0xA00  }
0x128: {  	[sflag:s25] =	ssyncset.done $0x0  }
0x129: {  	s26 =	simm.s32 $0x4C90;
	s31 =	simm.s32 $0x11;
	[sflag:s25] =	ssyncadd.s32 $0xFFFFF600  }
0x12a: {  	[spmem:s2] =	stream.indirect.scatter.add.f32 [tilespmem:s13], [sflag:$0xB], $0x20, s26, s15, $0xb8;
	[tilespmem:$0x10040] =	vst v63  }
0x12b: {  	_ =	swait.ge [sflag:s31], $0xA00  }
0x12c: {  	[sflag:s31] =	ssyncset.done $0x0  }
0x12d: {  	[sflag:s31] =	ssyncadd.s32 $0xFFFFF600  }
0x12e: {  	_ =	swait.ge [sflag:s28], $0xA00  }
0x12f: {  	[sflag:s28] =	ssyncset.done $0x0  }
0x130: {  	s5 =	simm.s32 $0x4CE0;
	s13 =	simm.s32 $0x12;
	[sflag:s28] =	ssyncadd.s32 $0xFFFFF600  }
0x131: {  	[spmem:s2] =	stream.indirect.scatter.add.f32 [tilespmem:s16], [sflag:$0xC], $0x20, s5, s15, $0xb8;
	[tilespmem:$0x10040] =	vst v63  }
0x132: {  	_ =	swait.ge [sflag:s13], $0xA00  }
0x133: {  	[sflag:s13] =	ssyncset.done $0x0  }
0x134: {  	[sflag:s13] =	ssyncadd.s32 $0xFFFFF600  }
0x135: {  	_ =	swait.ge [sflag:s30], $0xA00  }
0x136: {  	[sflag:s30] =	ssyncset.done $0x0  }
0x137: {  	s14 =	simm.s32 $0x4D30;
	s16 =	simm.s32 $0x13;
	[sflag:s30] =	ssyncadd.s32 $0xFFFFF600  }
0x138: {  	[spmem:s2] =	stream.indirect.scatter.add.f32 [tilespmem:s17], [sflag:$0xD], $0x20, s14, s15, $0xb8;
	[tilespmem:$0x10040] =	vst v63  }
0x139: {  	_ =	swait.ge [sflag:s16], $0xA00  }
0x13a: {  	[sflag:s16] =	ssyncset.done $0x0  }
0x13b: {  	[sflag:s16] =	ssyncadd.s32 $0xFFFFF600  }
0x13c: {  	_ =	swait.ge [sflag:s0], $0xA00  }
0x13d: {  	[sflag:s0] =	ssyncset.done $0x0  }
0x13e: {  	s17 =	simm.s32 $0x4D80;
	[sflag:s0] =	ssyncadd.s32 $0xFFFFF600  }
0x13f: {  	[spmem:s2] =	stream.indirect.scatter.add.f32 [tilespmem:s19], [sflag:$0xE], $0x20, s17, s15, $0xb8;
	[tilespmem:$0x10040] =	vst v63  }
0x140: {  	s19 =	simm.s32 $0x14  }
0x141: {  	_ =	swait.ge [sflag:s19], $0xA00  }
0x142: {  	[sflag:s19] =	ssyncset.done $0x0  }
0x143: {  	[sflag:s19] =	ssyncadd.s32 $0xFFFFF600  }
0x144: {  	_ =	swait.ge [sflag:s18], $0xA00  }
0x145: {  	[sflag:s18] =	ssyncset.done $0x0  }
0x146: {  	s23 =	simm.s32 $0x4DD0;
	[sflag:s18] =	ssyncadd.s32 $0xFFFFF600  }
0x147: {  	[spmem:s2] =	stream.indirect.scatter.add.f32 [tilespmem:s21], [sflag:$0xF], $0x20, s23, s15, $0xb8;
	[tilespmem:$0x10040] =	vst v63  }
0x148: {  	_ =	swait.ge [sflag:s20], $0xA00  }
0x149: {  	[sflag:s20] =	ssyncset.done $0x0  }
0x14a: {  	[sflag:s20] =	ssyncadd.s32 $0xFFFFF600  }
0x14b: {  	_ =	swait.ge [sflag:s1], $0xA00  }
0x14c: {  	[sflag:s1] =	ssyncset.done $0x0  }
0x14d: {  	[sflag:s1] =	ssyncadd.s32 $0xFFFFF600  }
0x14e: {  	_ =	swait.ge [sflag:s7], $0xA00  }
0x14f: {  	[sflag:s7] =	ssyncset.done $0x0  }
0x150: {  	[sflag:s7] =	ssyncadd.s32 $0xFFFFF600  }
0x151: {  	_ =	swait.ge [sflag:s9], $0xA00  }
0x152: {  	[sflag:s9] =	ssyncset.done $0x0  }
0x153: {  	[sflag:s9] =	ssyncadd.s32 $0xFFFFF600  }
0x154: {  	_ =	swait.ge [sflag:s11], $0xA00  }
0x155: {  	[sflag:s11] =	ssyncset.done $0x0  }
0x156: {  	[sflag:s11] =	ssyncadd.s32 $0xFFFFF600  }
0x157: {  	[bflag:$0x0] =	sbarrier.arrive $0xFFFF  }
0x158: {  	s24 =	rddreg [dreg:$0x8]  }
0x159: {  	s5 =	rddreg [dreg:$0xc]  }
0x15a: {  	s13 =	simm.s32 $0x15;
	s25 =	rddreg [dreg:$0xd]  }
0x15b: {  	[hbm:s24], [sflag:s5] =	dma.local [spmem:s25], $0x9C0  }
0x15c: {  	_ =	swait.ge [sflag:s13], $0x9C0  }
0x15d: {  	[sflag:s13] =	ssyncset.done $0x0;
	s3 =	rddreg [dreg:$0x9]  }
0x15e: {  	s14 =	rddreg [dreg:$0xe];
	[sflag:s13] =	ssyncadd.s32 $0xFFFFF640  }
0x15f: {  	[hbm:s3], [sflag:s5] =	dma.local @!p0 [spmem:s14], $0x40  }
0x160: {  	s3 =	simm.s32 @!p0 $0x15  }
0x161: {  	_ =	swait.ge @!p0 [sflag:s3], $0x40  }
0x162: {  	s26 =	rddreg [dreg:$0xb]  }
0x163: {  	s31 =	rddreg [dreg:$0xa];
	s14 =	sadd.s32 $0x1, s26  }
0x164: {  	p1 =	sne.s32 s14, s31  }
.Ltmp1:
0x165: {  	_ = 	snop;
	(pc) =	sbr.rel @p1 .LBB2_1-.Ltmp1, $3  }
0x166: {  	_ =	sdelay $0x1  }
0x167: {  	[sflag:s3] =	ssyncset.done @!p0 $0x0  }
0x168: {  	s29 =	simm.s32 $0xA820;
	[sflag:s3] =	ssyncadd.s32 @!p0 $0xFFFFFFC0  }
0x169: {  	_ =	sfence.sel $0x180000  }
0x16a: {  	[bflag:$0x0] =	sbarrier.arrive $0xFFFF  }
0x16b: {  	_ =	strace $0x9000004D  }
0x16c: {  	s0 =	stileid.u32;
	[bflag:$0x2] =	sbarrier.arrive $0xFFFF  }
0x16d: {  	p0 =	sne.s32 s0, $0x0;
	s0 =	rddreg [dreg:$0x2]  }
0x16e: {  	s0 =	sadd.s32 @!p0 $0x100000, s0  }
0x16f: {  	[sflag:s0] =	ssyncadd.tile.s32 @!p0 $0x1;
	_ =	shalt  }
.Lfunc_end2:
_tile_overlayer_lowered:
.L_overlay_start_2:
0x170: {  	(tag) =	ssettag $0x2  }
0x171: {  	s0 =	rddreg [dreg:$0x0];
	s2 =	stileid.u32  }
0x172: {  	s1 =	rddreg [dreg:$0x1];
	p0 =	sne.s32 s2, $0x0  }
0x173: {  	s3 =	rddreg [dreg:$0x2];
	[bflag:$0x3] =	sbarrier.arrive $0xFFFF;
	s2 =	simm.s32 @!p0 $0x1C15  }
0x174: {  	[timem:s3], [sflag:s2] =	dma.local @!p0 [hbm:s0], s1  }
0x175: {  	s0 =	simm.s32 @!p0 $0x15  }
0x176: {  	_ =	swait.ge @!p0 [sflag:s0], s1  }
0x177: {  	s1 =	ssub.s32 @!p0 $0x0, s1;
	[sflag:s0] =	ssyncset.done @!p0 $0x0  }
0x178: {  	[sflag:s0] =	ssyncadd.s32 @!p0 s1  }
0x179: {  	[bflag:$0x3] =	sbarrier.arrive $0xFFFF  }
0x17a: {  	_ =	shalt  }

// kernel: kernel.9.cloned.1.call-start
scs
__scs_entry_jumppad:
0x0: {  	(pc) =	sbr.rel $0x88, $3  }
0x1: {  	(tag) =	ssettag $0x0;
	lr =	simm.s32 $0x1  }
0x2: {  	[smem:$0x3F97] =	sst lr;
	_ =	strace $0xD0000000  }
0x3: {  	_ = 	snop  }
0x4: {  	_ = 	snop  }
0x5: {  	_ = 	snop  }
0x6: {  	_ = 	snop  }
0x7: {  	_ = 	snop  }
__scs_overlays_trampoline_lowered:
0x8: {  	[smem:$0x3FA6] =	sst s0  }
0x9: {  	[smem:$0x3FA7] =	sst s1  }
0xa: {  	[smem:$0x3FA8] =	sst s2  }
0xb: {  	[smem:$0x3FA9] =	sst s3  }
0xc: {  	[smem:$0x3FAA] =	sst s4  }
0xd: {  	[smem:$0x3FAB] =	sst s5  }
0xe: {  	[smem:$0x3FAC] =	sst s6  }
0xf: {  	[smem:$0x3FAD] =	sst s7  }
0x10: {  	[smem:$0x3FAE] =	sst s8  }
0x11: {  	[smem:$0x3FAF] =	sst s9;
	s0 =	simm.s32 @!p0 $0x0  }
0x12: {  	s1 =	sld [smem:$0x3F95];
	s0 =	simm.s32 @p0 $0x1  }
0x13: {  	[smem:$0x3FB0] =	sst s0;
	s0 =	simm.s32 @!p1 $0x0  }
0x14: {  	s2 =	sld [smem:$0x3F94];
	s0 =	simm.s32 @p1 $0x1  }
0x15: {  	[smem:$0x3FB1] =	sst s0;
	s0 =	simm.s32 @!p2 $0x0  }
0x16: {  	s3 =	sld [smem:$0x3FDB];
	s0 =	simm.s32 @p2 $0x1  }
0x17: {  	s4 =	simm.s32 $0x1BF5;
	[smem:$0x3FB3] =	sst s0  }
0x18: {  	s0 =	sld [smem:$0x3F96];
	_ =	swait.ge [sflag:s4], $0x0  }
0x19: {  	s7 =	sld [smem:$0x3F97]  }
0x1a: {  	s8 =	sadd.s32 $0xFFFFE003, lr  }
0x1b: {  	s9 =	sadd.s32 $0xFFFFFEF7, lr;
	s5 =	simm.s32 $0xFFFFFFFF;
	p2 =	slt.u32 s8, $0xFFFFF086  }
0x1c: {  	p1 =	slt.u32 s9, $0xF7A;
	s5 =	simm.s32 @!p2 $0x0  }
0x1d: {  	s5 =	simm.s32 @p1 $0x1;
	p0 =	seq.s32 s7, s2  }
0x1e: {  	s7 =	smul.u32 @!p0 $0xF7A, s2;
	p2 =	seq.s32 @!p0 s5, $0x0  }
0x1f: {  	s9 =	smul.u32 $0xF7A, s1;
	s8 =	simm.s32 @!p0 $0x1BF5;
	p2 =	por !p2, p0  }
0x20: {  	[sflag:s8] =	ssyncset.s32 @!p0 $0xFFFFF086;
	s6 =	sadd.s32 @!p0 s3, s7;
	s7 =	simm.s32 @!p0 $0x108  }
0x21: {  	s3 =	sadd.s32 s3, s9;
	s6 =	sadd.s32 @!p0 $0x88, s6;
	s7 =	simm.s32 @p2 $0x1082  }
0x22: {  	[simem:s7], [sflag:s8] =	dma.local @!p0 [hbm:s6], $0xF7A  }
0x23: {  	s9 =	sor.u32 $0xD0000000, s2;
	s6 =	simm.s32 $0x108;
	_ =	swait.ge @!p0 [sflag:s8], $0x0  }
0x24: {  	s3 =	sadd.s32 $0x88, s3;
	s6 =	simm.s32 @!p1 $0x1082;
	[sflag:s4] =	ssyncset.s32 $0xFFFFF086  }
0x25: {  	[simem:s6], [sflag:s4] =	dma.local [hbm:s3], $0xF7A  }
0x26: {  	[smem:$0x3F97] =	sst s1;
	(tag) =	ssettag s2;
	_ =	strace s9  }
0x27: {  	s1 =	sld [smem:$0x3FA7]  }
0x28: {  	s2 =	sld [smem:$0x3FA8]  }
0x29: {  	s4 =	sld [smem:$0x3FAA]  }
0x2a: {  	p0 =	seq.s32 s5, $0x0;
	s5 =	sld [smem:$0x3FAB]  }
0x2b: {  	s6 =	sld [smem:$0x3FAC]  }
0x2c: {  	s7 =	sld [smem:$0x3FAD]  }
0x2d: {  	s3 =	simm.s32 $0x108;
	s8 =	sld [smem:$0x3FAE]  }
0x2e: {  	s3 =	simm.s32 @!p0 $0x1082;
	s9 =	sld [smem:$0x3FAF]  }
0x2f: {  	lr =	sadd.s32 s0, s3;
	s0 =	sld [smem:$0x3FA6]  }
0x30: {  	s3 =	sld [smem:$0x3FA9]  }
0x31: {  	[smem:$0x3FB2] =	sst s10  }
0x32: {  	s10 =	sld [smem:$0x3FB0];
	_ =	sdelay $0x3  }
0x33: {  	p0 =	seq.s32 s10, $0x1;
	s10 =	sld [smem:$0x3FB2];
	_ =	sdelay $0x3  }
0x34: {  	[smem:$0x3FB2] =	sst s10  }
0x35: {  	s10 =	sld [smem:$0x3FB1];
	_ =	sdelay $0x3  }
0x36: {  	p1 =	seq.s32 s10, $0x1;
	s10 =	sld [smem:$0x3FB2];
	_ =	sdelay $0x3  }
0x37: {  	[smem:$0x3FB2] =	sst s10  }
0x38: {  	s10 =	sld [smem:$0x3FB3]  }
0x39: {  	_ = 	snop;
	(pc) =	sbr.ind lr, $3  }
0x3a: {  	_ = 	snop  }
0x3b: {  	_ = 	snop  }
0x3c: {  	p2 =	seq.s32 s10, $0x1;
	s10 =	sld [smem:$0x3FB2]  }
0x3d: {  	_ =	shalt  }
0x3e: {  	_ =	shalt  }
0x3f: {  	_ =	shalt  }
0x40: {  	_ =	shalt  }
0x41: {  	_ =	shalt  }
0x42: {  	_ =	shalt  }
0x43: {  	_ =	shalt  }
0x44: {  	_ =	shalt  }
0x45: {  	_ =	shalt  }
0x46: {  	_ =	shalt  }
0x47: {  	_ =	shalt  }
0x48: {  	_ =	shalt  }
0x49: {  	_ =	shalt  }
0x4a: {  	_ =	shalt  }
0x4b: {  	_ =	shalt  }
0x4c: {  	_ =	shalt  }
0x4d: {  	_ =	shalt  }
0x4e: {  	_ =	shalt  }
0x4f: {  	_ =	shalt  }
0x50: {  	_ =	shalt  }
0x51: {  	_ =	shalt  }
0x52: {  	_ =	shalt  }
0x53: {  	_ =	shalt  }
0x54: {  	_ =	shalt  }
0x55: {  	_ =	shalt  }
0x56: {  	_ =	shalt  }
0x57: {  	_ =	shalt  }
0x58: {  	_ =	shalt  }
0x59: {  	_ =	shalt  }
0x5a: {  	_ =	shalt  }
0x5b: {  	_ =	shalt  }
0x5c: {  	_ =	shalt  }
0x5d: {  	_ =	shalt  }
0x5e: {  	_ =	shalt  }
0x5f: {  	_ =	shalt  }
0x60: {  	_ =	shalt  }
0x61: {  	_ =	shalt  }
0x62: {  	_ =	shalt  }
0x63: {  	_ =	shalt  }
0x64: {  	_ =	shalt  }
0x65: {  	_ =	shalt  }
0x66: {  	_ =	shalt  }
0x67: {  	_ =	shalt  }
0x68: {  	_ =	shalt  }
0x69: {  	_ =	shalt  }
0x6a: {  	_ =	shalt  }
0x6b: {  	_ =	shalt  }
0x6c: {  	_ =	shalt  }
0x6d: {  	_ =	shalt  }
0x6e: {  	_ =	shalt  }
0x6f: {  	_ =	shalt  }
0x70: {  	_ =	shalt  }
0x71: {  	_ =	shalt  }
0x72: {  	_ =	shalt  }
0x73: {  	_ =	shalt  }
0x74: {  	_ =	shalt  }
0x75: {  	_ =	shalt  }
0x76: {  	_ =	shalt  }
0x77: {  	_ =	shalt  }
0x78: {  	_ =	shalt  }
0x79: {  	_ =	shalt  }
0x7a: {  	_ =	shalt  }
0x7b: {  	_ =	shalt  }
0x7c: {  	_ =	shalt  }
0x7d: {  	_ =	shalt  }
0x7e: {  	_ =	shalt  }
0x7f: {  	_ =	shalt  }
0x80: {  	_ =	shalt  }
0x81: {  	_ =	shalt  }
0x82: {  	_ =	shalt  }
0x83: {  	_ =	shalt  }
0x84: {  	_ =	shalt  }
0x85: {  	_ =	shalt  }
0x86: {  	_ =	shalt  }
0x87: {  	_ =	shalt  }
.Lfunc_end0:
.L_simem_size_0:
called_computation_lowered:
.L_overlay_start_0:
0x88: {  	s2 =	sld [smem:$0x3FD9]  }
0x89: {  	s3 =	sld [smem:$0x3FFE];
	_ =	sdelay $0x1  }
0x8a: {  	s1 =	srdreg.scid  }
0x8b: {  	s0 =	sand.u32 $0x1, s1  }
0x8c: {  	s17 =	sshll.u32 s0, $0xA;
	s2 =	sadd.s32 s3, s2  }
0x8d: {  	s2 =	sadd.s32 s2, s17  }
0x8e: {  	[smem:$0x3FBE] =	sst s2  }
0x8f: {  	_ = 	snop  }
0x90: {  	s2 =	sld [smem:$0x3FD0];
	(tm) =	ssettm $0x1  }
0x91: {  	s18 =	sld [smem:$0x3FFB];
	_ =	sdelay $0x3  }
0x92: {  	_ =	strace s18  }
0x93: {  	s3 =	sld [smem:$0x3FFC];
	_ =	sdelay $0x3  }
0x94: {  	_ =	strace s3  }
0x95: {  	s3 =	sld [smem:$0x3FFD];
	_ =	sdelay $0x3  }
0x96: {  	_ =	strace s3  }
0x97: {  	_ =	strace $0x8FFFFFFF  }
0x98: {  	s19 =	sld [smem:$0x3FDB];
	_ =	sdelay $0x1  }
0x99: {  	s4 =	simm.s32 $_scs_section_size  }
0x9a: {  	s5 =	simm.s32 $_size__tile_overlayer_lowered;
	s6 =	simm.s32 $_tile_overlayer_lowered  }
0x9b: {  	s22 =	simm.s32 $0x1BFF;
	s21 =	sshll.u32 s6, $0x1;
	s3 =	sadd.s32 s4, s19  }
0x9c: {  	s7 =	simm.s32 $0x0;
	s20 =	sshll.u32 s5, $0x1;
	s5 =	sadd.s32 s21, s3  }
0x9d: {  	[timem:s7], [sflag:s22] =	dma.local [hbm:s5], s20  }
0x9e: {  	_ =	swait.ge [sflag:s22], s20  }
0x9f: {  	s4 =	ssub.s32 $0x0, s20;
	[sflag:s22] =	ssyncset.done $0x0  }
0xa0: {  	[sflag:s22] =	ssyncadd.s32 s4;
	_ =	sdelay $0x1  }
0xa1: {  	s23 =	simm.s32 $0x1B8B  }
0xa2: {  	_ =	swait.ge [sflag:s23], $0x1  }
0xa3: {  	[sflag:s23] =	ssyncset.done $0x0  }
0xa4: {  	s25 =	simm.s32 $0x1B8E;
	s24 =	sld [smem:$0x3FFE];
	[sflag:s23] =	ssyncadd.s32 $0xFFFFFFFF  }
0xa5: {  	s26 =	simm.s32 $execute0_lowered;
	[smem:$0x3FD2] =	sst s25  }
0xa6: {  	s5 =	sshll.u32 s26, $0x1;
	_ =	strace $0x80000046;
	[dreg:$0x1] =	wrdreg $0xFFFFFFFF  }
0xa7: {  	s28 =	simm.s32 $_size_execute0_lowered;
	s3 =	sadd.s32 s3, s5;
	[dreg:$0x0] =	wrdreg $0x0  }
0xa8: {  	s5 =	sshll.u32 s28, $0x1;
	[dreg:$0x2] =	wrdreg s3  }
0xa9: {  	[dreg:$0x3] =	wrdreg s5  }
0xaa: {  	[dreg:$0x4] =	wrdreg $0xC0  }
0xab: {  	_ =	task [dreg:s7], $0x5FFFF  }
0xac: {  	[dreg:$0x1] =	wrdreg $0xFFFFFFFF  }
0xad: {  	[dreg:$0x0] =	wrdreg $0x60  }
0xae: {  	[dreg:$0x2] =	wrdreg s24  }
0xaf: {  	[dreg:$0x3] =	wrdreg s2  }
0xb0: {  	[dreg:$0x4] =	wrdreg $0x53200  }
0xb1: {  	[dreg:$0x5] =	wrdreg $0x7A300  }
0xb2: {  	[dreg:$0x6] =	wrdreg $0x9  }
0xb3: {  	_ =	task.clear_ibuf [dreg:s7], $0x7FFFF;
	_ =	strace $0x90000046  }
0xb4: {  	s29 =	simm.s32 $0x9;
	_ =	strace $0x80000048  }
0xb5: {  	_ =	swait.ge [sflag:s29], $0x1  }
0xb6: {  	[sflag:s29] =	ssyncadd.s32 $0xFFFFFFFF  }
0xb7: {  	_ =	strace $0x90000048  }
0xb8: {  	_ =	sfence  }
0xb9: {  	s30 =	sld [smem:$0x0];
	_ =	sdelay $0x2  }
0xba: {  	s31 =	sshll.u32 s1, $0xD;
	s1 =	sshrl.u32 s1, $0x2  }
0xbb: {  	s3 =	sand.u32 $0x4000, s31;
	s1 =	sadd.s32 s1, s30  }
0xbc: {  	s0 =	sor.u32 s3, s0;
	s1 =	sshll.u32 s1, $0x11  }
0xbd: {  	s0 =	sor.u32 s1, s0  }
0xbe: {  	s0 =	sadd.s32 $0x8F2B, s0  }
0xbf: {  	[sflag:s0] =	ssyncadd.remote.s32 $0x1  }
0xc0: {  	_ =	sfence.sel $0xFFFF  }
0xc1: {  	[dreg:$0x0] =	wrdreg $0xFFFFFFFF;
	(pc) =	sbr.abs _section_cstart, $3  }
0xc2: {  	[dreg:$0x1] =	wrdreg $0xFFFFFFFF  }
0xc3: {  	_ =	task.clear_ibuf [dreg:s7], $0x2FFFF;
	_ =	strace $0x9FFFFFFF  }
0xc4: {  	(tm) =	ssettm $0x7FFFFFFF  }
0xc5: {  	_ =	shalt  }
tec
execute0_lowered:
.L_overlay_start_1:
0x0: {  	(tag) =	ssettag $0x1  }
0x1: {  	s0 =	srdreg.scid;
	s2 =	rddreg [dreg:$0x0]  }
0x2: {  	s1 =	rddreg [dreg:$0x1];
	s18 =	stileid.u32  }
0x3: {  	s3 =	rddreg [dreg:$0x2];
	s19 =	simm.s32 $0x2710;
	s20 =	simm.s32 $0x4E20  }
0x4: {  	s21 =	simm.s32 $0x50;
	s22 =	simm.s32 $0x1;
	s23 =	simm.s32 $0x0  }
0x5: {  	s0 =	sand.u32 $0x1, s0;
	s31 =	sadd.s32 $0x16A00, s2;
	s15 =	sadd.s32 $0x16C00, s2  }
0x6: {  	s12 =	smul.u32 $0x2700, s18;
	s11 =	sadd.s32 $0x27000, s3;
	p0 =	sne.s32 s18, $0xF  }
0x7: {  	s4 =	sshll.u32 s0, $0x4;
	s7 =	ssub.s32 $0x2, s0;
	s0 =	smul.u32 $0x27100, s0  }
0x8: {  	s5 =	sor.u32 s18, s4;
	s4 =	rddreg [dreg:$0x3];
	s9 =	sshrl.u32 s7, $0x1  }
0x9: {  	s18 =	simm.s32 $0x2;
	s6 =	smul.u32 $0x2710, s5;
	s5 =	simm.s32 $0x0  }
0xa: {  	s17 =	ssub.s32 s7, s9;
	s9 =	sadd.s32 s12, s3;
	s10 =	sadd.s32 s12, s4  }
0xb: {  	s13 =	sadd.s32 s12, s0;
	s0 =	sshrl.u32 s0, $0x3;
	s12 =	sadd.s32 $0x27000, s4  }
0xc: {  	[smem:$0x7FF] =	sst s5;
	s14 =	sshrl.u32 s13, $0x3;
	s0 =	sadd.s32 $0x4E00, s0  }
0xd: {  	s17 =	smax.u32 s17, $0x1;
	s6 =	sshrl.u32 s6, $0x3;
	_ =	strace $0x80000047  }
0xe: {  	[dreg:$0x5] =	wrdreg s31;
	s13 =	sadd.s32 s15, s14;
	s8 =	sadd.s32 s6, s2  }
0xf: {  	s15 =	sadd.s32 s15, s0;
	s2 =	sadd.s32 $0x20A00, s2;
	s7 =	sadd.s32 $0x3000, s8  }
0x10: {  	s8 =	sadd.s32 $0xCC40, s8;
	s14 =	sadd.s32 s2, s14;
	s16 =	sadd.s32 s2, s0  }
.LBB2_1:
0x11: {  	[tilespmem:s5], [sflag:$0x2] =	stream.linear.gather [hbm4b:s7+s5], $0x2710, $0x38;
	[tilespmem:$0xA140] =	vst v63  }
0x12: {  	_ =	swait.ge [sflag:s18], $0x2710  }
0x13: {  	[sflag:s18] =	ssyncset.done $0x0  }
0x14: {  	[sflag:s18] =	ssyncadd.s32 $0xFFFFD8F0  }
0x15: {  	[tilespmem:s19], [sflag:$0x2] =	stream.linear.gather [hbm4b:s8+s5], $0x2710, $0x38;
	[tilespmem:$0xA140] =	vst v63  }
0x16: {  	_ =	swait.ge [sflag:s18], $0x2710  }
0x17: {  	[sflag:s18] =	ssyncset.done $0x0  }
0x18: {  	s0 =	rddreg [dreg:$0x5];
	[sflag:s18] =	ssyncadd.s32 $0xFFFFD8F0  }
0x19: {  	[tilespmem:s20], [sflag:$0x2] =	stream.linear.gather [hbm4b:s0+s5], $0x500, $0x38;
	[tilespmem:$0xA140] =	vst v63  }
0x1a: {  	s26 =	stileid.u32;
	_ =	swait.ge [sflag:s18], $0x500  }
0x1b: {  	s0 =	sshll.u32 s26, $0x6;
	[sflag:s18] =	ssyncset.done $0x0  }
0x1c: {  	s25 =	sshrl.u32 s9, $0x3;
	s24 =	sor.u32 $0x1C02, s0;
	[sflag:s18] =	ssyncadd.s32 $0xFFFFFB00  }
0x1d: {  	[spmem:s25], [sflag:s24] =	dma.local [hbm:s1], $0x4E0  }
0x1e: {  	_ =	swait.ge [sflag:s18], $0x4E0  }
0x1f: {  	[sflag:s18] =	ssyncset.done $0x0  }
0x20: {  	s26 =	sshrl.u32 s10, $0x3;
	[sflag:s18] =	ssyncadd.s32 $0xFFFFFB20  }
0x21: {  	[spmem:s26], [sflag:s24] =	dma.local [hbm:s1], $0x4E0  }
0x22: {  	_ =	swait.ge [sflag:s18], $0x4E0  }
0x23: {  	[sflag:s18] =	ssyncset.done $0x0  }
0x24: {  	s28 =	sshrl.u32 @!p0 s11, $0x3;
	s0 =	simm.s32 @!p0 $0x2;
	[sflag:s18] =	ssyncadd.s32 $0xFFFFFB20  }
0x25: {  	[spmem:s28], [sflag:s24] =	dma.local @!p0 [hbm:s1], $0x20  }
0x26: {  	_ =	swait.ge @!p0 [sflag:s0], $0x20  }
0x27: {  	[sflag:s0] =	ssyncset.done @!p0 $0x0  }
0x28: {  	s29 =	sshrl.u32 @!p0 s12, $0x3;
	[sflag:s0] =	ssyncadd.s32 @!p0 $0xFFFFFFE0  }
0x29: {  	[spmem:s29], [sflag:s24] =	dma.local @!p0 [hbm:s1], $0x20  }
0x2a: {  	_ =	swait.ge @!p0 [sflag:s0], $0x20  }
0x2b: {  	[sflag:s0] =	ssyncset.done @!p0 $0x0  }
0x2c: {  	[sflag:s0] =	ssyncadd.s32 @!p0 $0xFFFFFFE0  }
0x2d: {  	p1 =	por $0x1, $0x1;
	[bflag:$0x0] =	sbarrier.arrive $0xFFFF  }
0x2e: {  	[spmem:s3] =	stream.indirect.scatter.add.f32 [tilespmem:s20], [sflag:$0x1], $0x10, s5, s21, $0xb8;
	[tilespmem:$0xA140] =	vst v63  }
0x2f: {  	s31 =	simm.s32 @!p1 $0x1  }
0x30: {  	[spmem:s4] =	stream.indirect.scatter.add.f32 [tilespmem:s20], [sflag:$0x1], $0x10, s19, s21, $0xb8;
	[tilespmem:$0xA140] =	vst v63  }
0x31: {  	_ =	swait.ge @!p1 [sflag:s31], $0x500  }
0x32: {  	[sflag:s31] =	ssyncset.done @!p1 $0x0  }
0x33: {  	s30 =	simm.s32 $0x1;
	[sflag:s31] =	ssyncadd.s32 @!p1 $0xFFFFFB00  }
0x34: {  	s2 =	simm.s32 $0x50;
	s0 =	simm.s32 $0x2710;
	_ =	swait.ge @!p1 [sflag:s31], $0x500  }
.LBB2_2:
0x35: {  	[sflag:s31] =	ssyncset.done @!p1 $0x0  }
0x36: {  	s0 =	sadd.s32 $0x50, s0;
	s6 =	smov.u32 s30;
	s30 =	sadd.s32 $0x1, s30  }
0x37: {  	p2 =	sne.s32 s30, $0x7D;
	[sflag:s31] =	ssyncadd.s32 @!p1 $0xFFFFFB00  }
0x38: {  	[spmem:s3] =	stream.indirect.scatter.add.f32 [tilespmem:s20], [sflag:$0x1], $0x10, s2, s21, $0xb8;
	[tilespmem:$0xA140] =	vst v63  }
0x39: {  	p1 =	slt.u32 s6, $0x1E  }
0x3a: {  	[spmem:s4] =	stream.indirect.scatter.add.f32 [tilespmem:s20], [sflag:$0x1], $0x10, s0, s21, $0xb8;
	[tilespmem:$0xA140] =	vst v63  }
.Ltmp0:
0x3b: {  	s31 =	simm.s32 @!p1 $0x1;
	(pc) =	sbr.rel @p2 .LBB2_2-.Ltmp0, $4  }
0x3c: {  	_ =	swait.ge @!p1 [sflag:s31], $0x500  }
0x3d: {  	[sflag:s31] =	ssyncset.done @!p1 $0x0  }
0x3e: {  	[sflag:s31] =	ssyncadd.s32 @!p1 $0xFFFFFB00  }
0x3f: {  	s2 =	sadd.s32 $0x50, s2;
	_ =	swait.ge @!p1 [sflag:s31], $0x500  }
0x40: {  	[sflag:s31] =	ssyncset.done @!p1 $0x0  }
0x41: {  	[sflag:s31] =	ssyncadd.s32 @!p1 $0xFFFFFB00  }
0x42: {  	_ =	swait.ge [sflag:s22], $0x500  }
0x43: {  	[sflag:s22] =	ssyncset.done $0x0  }
0x44: {  	[sflag:s22] =	ssyncadd.s32 $0xFFFFFB00  }
0x45: {  	_ =	swait.ge [sflag:s22], $0x500  }
0x46: {  	s0 =	simm.s32 $0x1D;
	[sflag:s22] =	ssyncset.done $0x0  }
.LBB2_4:
0x47: {  	p1 =	sne.s32 s0, $0x1;
	s0 =	sadd.s32 $0xFFFFFFFF, s0;
	[sflag:s22] =	ssyncadd.s32 $0xFFFFFB00  }
.Ltmp1:
0x48: {  	_ =	swait.ge [sflag:s22], $0x500;
	(pc) =	sbr.rel @p1 .LBB2_4-.Ltmp1, $4  }
0x49: {  	[sflag:s22] =	ssyncset.done $0x0  }
0x4a: {  	[sflag:s22] =	ssyncadd.s32 $0xFFFFFB00  }
0x4b: {  	_ =	swait.ge [sflag:s22], $0x500  }
0x4c: {  	[sflag:s22] =	ssyncset.done $0x0  }
0x4d: {  	[sflag:s22] =	ssyncadd.s32 $0xFFFFFB00  }
0x4e: {  	[bflag:$0x0] =	sbarrier.arrive $0xFFFF  }
0x4f: {  	[hbm:s13], [sflag:s24] =	dma.local [spmem:s25], $0x4E0  }
0x50: {  	_ =	swait.ge [sflag:s18], $0x4E0  }
0x51: {  	[sflag:s18] =	ssyncset.done $0x0  }
0x52: {  	[sflag:s18] =	ssyncadd.s32 $0xFFFFFB20  }
0x53: {  	[hbm:s14], [sflag:s24] =	dma.local [spmem:s26], $0x4E0  }
0x54: {  	_ =	swait.ge [sflag:s18], $0x4E0  }
0x55: {  	[sflag:s18] =	ssyncset.done $0x0  }
0x56: {  	s0 =	simm.s32 @!p0 $0x2;
	[sflag:s18] =	ssyncadd.s32 $0xFFFFFB20  }
0x57: {  	[hbm:s15], [sflag:s24] =	dma.local @!p0 [spmem:s28], $0x20  }
0x58: {  	s23 =	sadd.s32 $0x1, s23;
	_ =	swait.ge @!p0 [sflag:s0], $0x20  }
0x59: {  	p1 =	sne.s32 s23, s17;
	[sflag:s0] =	ssyncset.done @!p0 $0x0  }
.Ltmp2:
0x5a: {  	[sflag:s0] =	ssyncadd.s32 @!p0 $0xFFFFFFE0;
	(pc) =	sbr.rel @p1 .LBB2_1-.Ltmp2, $4  }
0x5b: {  	[hbm:s16], [sflag:s24] =	dma.local @!p0 [spmem:s29], $0x20  }
0x5c: {  	_ =	swait.ge @!p0 [sflag:s0], $0x20  }
0x5d: {  	[sflag:s0] =	ssyncset.done @!p0 $0x0  }
0x5e: {  	[sflag:s0] =	ssyncadd.s32 @!p0 $0xFFFFFFE0  }
0x5f: {  	_ =	sfence.sel $0x180000  }
0x60: {  	[bflag:$0x0] =	sbarrier.arrive $0xFFFF  }
0x61: {  	_ =	strace $0x90000047  }
0x62: {  	s0 =	stileid.u32;
	[bflag:$0x2] =	sbarrier.arrive $0xFFFF  }
0x63: {  	p0 =	sne.s32 s0, $0x0;
	s0 =	rddreg [dreg:$0x4]  }
0x64: {  	s0 =	sadd.s32 @!p0 $0x100000, s0  }
0x65: {  	[sflag:s0] =	ssyncadd.tile.s32 @!p0 $0x1;
	_ =	shalt  }
.Lfunc_end2:
_tile_overlayer_lowered:
.L_overlay_start_2:
0x66: {  	(tag) =	ssettag $0x2  }
0x67: {  	s0 =	rddreg [dreg:$0x0];
	s2 =	stileid.u32  }
0x68: {  	s1 =	rddreg [dreg:$0x1];
	p0 =	sne.s32 s2, $0x0  }
0x69: {  	s3 =	rddreg [dreg:$0x2];
	[bflag:$0x3] =	sbarrier.arrive $0xFFFF;
	s2 =	simm.s32 @!p0 $0x1C02  }
0x6a: {  	[timem:s3], [sflag:s2] =	dma.local @!p0 [hbm:s0], s1  }
0x6b: {  	s0 =	simm.s32 @!p0 $0x2  }
0x6c: {  	_ =	swait.ge @!p0 [sflag:s0], s1  }
0x6d: {  	s1 =	ssub.s32 @!p0 $0x0, s1;
	[sflag:s0] =	ssyncset.done @!p0 $0x0  }
0x6e: {  	[sflag:s0] =	ssyncadd.s32 @!p0 s1  }
0x6f: {  	[bflag:$0x3] =	sbarrier.arrive $0xFFFF  }
0x70: {  	_ =	shalt  }

</sc_bundles>
